<compile_context>
chip_gen: v7x
topology: tpu7x:2x2x1
jax: 0.10.2.dev20260603
libtpu: 0.0.44.dev20260713+nightly
codegen_flags: <defaults>
</compile_context>

<pallas_src>
import functools
import math

import jax
import jax.numpy as jnp
from jax import lax
from jax.experimental import pallas as pl
from jax.experimental.pallas import tpu as pltpu
from jax.experimental.pallas import tpu_sc as plsc

N_CRYST = 400
A_PER = 25
N_ATOMS = N_CRYST * A_PER
NAP = 10240
N_EDGES = 320000
HID = 128
LAT = 256
TDIM = 128
MAXZ = 100
NRBF = 16
CUTOFF = 6.0

NCORES = 2
NSUB = 16
NW = NCORES * NSUB
EPT = N_EDGES // NW
CHUNK = 80
NCHUNK = EPT // CHUNK
GRP = CHUNK // 16
ROWS_PER_TILE = NAP // NSUB


def _silu(x):
    return x / (1.0 + jnp.exp(-x))


def _tc_te_lat(t_ref, len_ref, ang_ref, wt1_ref, bt1_ref, wt2_ref, bt2_ref,
               te_ref, lat9_ref):
    t = t_ref[:, 0:1]
    half = TDIM // 2
    k = lax.broadcasted_iota(jnp.int32, (N_CRYST, half), 1).astype(jnp.float32)
    freqs = jnp.exp(-math.log(10000.0) * k / (half - 1))
    args = t * freqs
    temb = jnp.concatenate([jnp.sin(args), jnp.cos(args)], axis=1)
    x = jnp.maximum(jnp.dot(temb, wt1_ref[:, :],
                            preferred_element_type=jnp.float32) + bt1_ref[0:1, :], 0.0)
    te_ref[:, :] = jnp.dot(x, wt2_ref[:, :],
                           preferred_element_type=jnp.float32) + bt2_ref[0:1, :]

    ang = ang_ref[:, 0:3] * (math.pi / 180.0)
    coss = jnp.cos(ang)
    a = len_ref[:, 0:1]
    b = len_ref[:, 1:2]
    c = len_ref[:, 2:3]
    ca = coss[:, 0:1]
    cb = coss[:, 1:2]
    cg = coss[:, 2:3]
    sg = jnp.clip(jnp.sin(ang[:, 2:3]), 1e-6, None)
    zz = jnp.zeros_like(a)
    cx = c * cb
    cy = c * (ca - cb * cg) / sg
    cz = jnp.sqrt(jnp.clip(c * c - cx * cx - cy * cy, 1e-6, None))
    lat9 = jnp.concatenate(
        [a, zz, zz, b * cg, b * sg, zz, cx, cy, cz,
         jnp.zeros((N_CRYST, 7), jnp.float32)], axis=1)
    lat9_ref[:, :] = lat9


def _tc_cart(fx_ref, fy_ref, fz_ref,
             l0_ref, l1_ref, l2_ref, l3_ref, l4_ref, l5_ref,
             l6_ref, l7_ref, l8_ref, cx_ref, cy_ref, cz_ref):
    fx, fy, fz = fx_ref[:, :], fy_ref[:, :], fz_ref[:, :]
    cx_ref[:, :] = fx * l0_ref[:, :] + fy * l3_ref[:, :] + fz * l6_ref[:, :]
    cy_ref[:, :] = fx * l1_ref[:, :] + fy * l4_ref[:, :] + fz * l7_ref[:, :]
    cz_ref[:, :] = fx * l2_ref[:, :] + fy * l5_ref[:, :] + fz * l8_ref[:, :]


def _sc_dvec(cx_hbm, cy_hbm, cz_hbm, src_hbm, dst_hbm,
             dx_hbm, dy_hbm, dz_hbm,
             cxv, cyv, czv, idxs_v, idxd_v, dxb, dyb, dzb):
    cid = lax.axis_index("c")
    sid = lax.axis_index("s")
    wid = sid * NCORES + cid
    pltpu.sync_copy(cx_hbm, cxv)
    pltpu.sync_copy(cy_hbm, cyv)
    pltpu.sync_copy(cz_hbm, czv)

    def chunk_body(ch, _):
        base = wid * EPT + ch * CHUNK
        pltpu.sync_copy(src_hbm.at[pl.ds(base, CHUNK)], idxs_v)
        pltpu.sync_copy(dst_hbm.at[pl.ds(base, CHUNK)], idxd_v)
        for g in range(GRP):
            sl = pl.ds(16 * g, 16)
            sv = idxs_v[sl]
            dv = idxd_v[sl]
            dxb[sl] = plsc.load_gather(cxv, [sv]) - plsc.load_gather(cxv, [dv])
            dyb[sl] = plsc.load_gather(cyv, [sv]) - plsc.load_gather(cyv, [dv])
            dzb[sl] = plsc.load_gather(czv, [sv]) - plsc.load_gather(czv, [dv])
        pltpu.sync_copy(dxb, dx_hbm.at[pl.ds(base, CHUNK)])
        pltpu.sync_copy(dyb, dy_hbm.at[pl.ds(base, CHUNK)])
        pltpu.sync_copy(dzb, dz_hbm.at[pl.ds(base, CHUNK)])
        return 0
    lax.fori_loop(0, NCHUNK, chunk_body, 0)


def _tc_geom_soa(dx_ref, dy_ref, dz_ref, ux_ref, uy_ref, uz_ref, dist_ref):
    dx, dy, dz = dx_ref[:, :], dy_ref[:, :], dz_ref[:, :]
    dist = jnp.sqrt(dx * dx + dy * dy + dz * dz + 1e-8)
    dist_ref[:, :] = dist
    ux_ref[:, :] = dx / dist
    uy_ref[:, :] = dy / dist
    uz_ref[:, :] = dz / dist


def _tc_rterm(dist_ref, wr0_ref, wr1_ref, r0_ref, r1_ref):
    d = dist_ref[0]
    rows = lax.broadcasted_iota(jnp.int32, (512, 512), 0)
    cols = lax.broadcasted_iota(jnp.int32, (512, 512), 1)
    eye = (rows == cols).astype(jnp.float32)
    dcol = lax.dot_general(eye, d, (((1,), (1,)), ((), ())),
                           preferred_element_type=jnp.float32)
    k = lax.broadcasted_iota(jnp.int32, (512, NRBF), 1).astype(jnp.float32)
    centers = k * (CUTOFF / (NRBF - 1))
    rbf = jnp.exp(-((dcol - centers) ** 2) * 2.0)
    r0_ref[:, :] = jnp.dot(rbf, wr0_ref[:, :], preferred_element_type=jnp.float32)
    r1_ref[:, :] = jnp.dot(rbf, wr1_ref[:, :], preferred_element_type=jnp.float32)


def _tc_hinit(types_ref, zb_ref, teb_ref, emb_ref, wh_ref, wz_ref, wte_ref,
              bin_ref, ws_ref, bmsg_ref, wd_ref, h_ref, a_ref, b_ref):
    ids = types_ref[:, 0:1] - 1
    lanes = lax.broadcasted_iota(jnp.int32, (ids.shape[0], 128), 1)
    oh = (ids == lanes).astype(jnp.float32)
    h0 = jnp.dot(oh, emb_ref[:, :], preferred_element_type=jnp.float32)
    x = (jnp.dot(h0, wh_ref[:, :], preferred_element_type=jnp.float32)
         + jnp.dot(zb_ref[:, :], wz_ref[:, :], preferred_element_type=jnp.float32)
         + jnp.dot(teb_ref[:, :], wte_ref[:, :], preferred_element_type=jnp.float32)
         + bin_ref[0:1, :])
    h = _silu(x)
    h_ref[:, :] = h
    a_ref[:, :] = jnp.dot(h, ws_ref[:, :], preferred_element_type=jnp.float32) + bmsg_ref[0:1, :]
    b_ref[:, :] = jnp.dot(h, wd_ref[:, :], preferred_element_type=jnp.float32)


def _sc_msg(a_hbm, b_hbm, r_hbm, ux_hbm, uy_hbm, uz_hbm, src_hbm, dst_hbm,
            wf_hbm, zagg_hbm, zf_hbm,
            agg_out, fx_out, fy_out, fz_out,
            agg_sh, fsh_x, fsh_y, fsh_z,
            idxs_v, idxd_v, av, bv, rv, uxv, uyv, uzv, mbuf,
            fxb, fyb, fzb, wfv):
    cid = lax.axis_index("c")
    sid = lax.axis_index("s")
    wid = sid * NCORES + cid

    @pl.when(sid == 0)
    def _init():
        pltpu.sync_copy(zagg_hbm, agg_sh)
        pltpu.sync_copy(zf_hbm, fsh_x)
        pltpu.sync_copy(zf_hbm, fsh_y)
        pltpu.sync_copy(zf_hbm, fsh_z)

    pltpu.sync_copy(wf_hbm, wfv)
    plsc.subcore_barrier()

    lane = lax.broadcasted_iota(jnp.int32, (16,), 0)

    def chunk_body(ch, _):
        base = wid * EPT + ch * CHUNK
        pltpu.sync_copy(src_hbm.at[pl.ds(base, CHUNK)], idxs_v)
        pltpu.sync_copy(dst_hbm.at[pl.ds(base, CHUNK)], idxd_v)
        pltpu.sync_copy(a_hbm.at[idxs_v], av)
        pltpu.sync_copy(b_hbm.at[idxd_v], bv)
        pltpu.sync_copy(r_hbm.at[pl.ds(base, CHUNK)], rv)
        pltpu.sync_copy(ux_hbm.at[pl.ds(base, CHUNK)], uxv)
        pltpu.sync_copy(uy_hbm.at[pl.ds(base, CHUNK)], uyv)
        pltpu.sync_copy(uz_hbm.at[pl.ds(base, CHUNK)], uzv)

        for g in range(GRP):
            gsl = pl.ds(16 * g, 16)

            def e_body(e, fsv):
                row = 16 * g + e
                acc = jnp.zeros((16,), jnp.float32)
                for j in range(HID // 16):
                    sl = pl.ds(16 * j, 16)
                    x = av[row, sl] + bv[row, sl] + rv[row, sl]
                    m = x / (1.0 + jnp.exp(-x))
                    mbuf[row, sl] = m
                    acc = acc + m * wfv[sl]
                fs = jnp.sum(acc)
                return jnp.where(lane == e, fs, fsv)

            fsv = lax.fori_loop(0, 16, e_body, jnp.zeros((16,), jnp.float32))
            fxb[gsl] = fsv * uxv[gsl]
            fyb[gsl] = fsv * uyv[gsl]
            fzb[gsl] = fsv * uzv[gsl]
        pltpu.sync_copy(mbuf, agg_sh.at[idxd_v], add=True)
        pltpu.sync_copy(fxb, fsh_x.at[idxd_v], add=True)
        pltpu.sync_copy(fyb, fsh_y.at[idxd_v], add=True)
        pltpu.sync_copy(fzb, fsh_z.at[idxd_v], add=True)
        return 0
    lax.fori_loop(0, NCHUNK, chunk_body, 0)

    plsc.subcore_barrier()
    r0 = sid * ROWS_PER_TILE
    out_base = cid * NAP + r0
    pltpu.sync_copy(agg_sh.at[pl.ds(r0, ROWS_PER_TILE)],
                    agg_out.at[pl.ds(out_base, ROWS_PER_TILE)])
    pltpu.sync_copy(fsh_x.at[pl.ds(r0, ROWS_PER_TILE)],
                    fx_out.at[pl.ds(out_base, ROWS_PER_TILE)])
    pltpu.sync_copy(fsh_y.at[pl.ds(r0, ROWS_PER_TILE)],
                    fy_out.at[pl.ds(out_base, ROWS_PER_TILE)])
    pltpu.sync_copy(fsh_z.at[pl.ds(r0, ROWS_PER_TILE)],
                    fz_out.at[pl.ds(out_base, ROWS_PER_TILE)])


def _tc_update(agg0_ref, agg1_ref, h_ref, wu_ref, bu_ref, ws_ref, bmsg_ref,
               wd_ref, h1_ref, a_ref, b_ref):
    agg = agg0_ref[:, :] + agg1_ref[:, :]
    u = _silu(jnp.dot(agg, wu_ref[:, :], preferred_element_type=jnp.float32)
              + bu_ref[0:1, :])
    h1 = h_ref[:, :] + u
    h1_ref[:, :] = h1
    a_ref[:, :] = jnp.dot(h1, ws_ref[:, :], preferred_element_type=jnp.float32) + bmsg_ref[0:1, :]
    b_ref[:, :] = jnp.dot(h1, wd_ref[:, :], preferred_element_type=jnp.float32)


def _tc_final(agg0_ref, agg1_ref, h_ref, wu_ref, bu_ref, wa_ref, ba_ref,
              logits_ref):
    agg = agg0_ref[:, :] + agg1_ref[:, :]
    u = _silu(jnp.dot(agg, wu_ref[:, :], preferred_element_type=jnp.float32)
              + bu_ref[0:1, :])
    h2 = h_ref[:, :] + u
    logits_ref[:, :] = jnp.dot(h2, wa_ref[:, :], preferred_element_type=jnp.float32) + ba_ref[0:1, :]


def _tc_fsum(f0a_ref, f0b_ref, f1a_ref, f1b_ref, out_ref):
    out_ref[:, :] = (f0a_ref[:, :] + f0b_ref[:, :]
                     + f1a_ref[:, :] + f1b_ref[:, :])


_MESH = None


def _sc_mesh():
    global _MESH
    if _MESH is None:
        _MESH = plsc.VectorSubcoreMesh(core_axis_name="c", subcore_axis_name="s")
    return _MESH


@jax.jit
def kernel(z, t, pred_frac_coords, pred_atom_types, num_atoms, lengths, angles,
           edge_index, atom_emb, W_t1, b_t1, W_t2, b_t2, W_in, b_in, W_msg,
           b_msg, W_upd, b_upd, w_force, W_atom, b_atom):
    f32 = jnp.float32
    src = edge_index[0].astype(jnp.int32)
    dst = edge_index[1].astype(jnp.int32)

    t2 = t.reshape(N_CRYST, 1)
    len_p = jnp.pad(lengths, ((0, 0), (0, 13)))
    ang_p = jnp.pad(angles, ((0, 0), (0, 13)))
    bt1 = b_t1.reshape(1, 4 * TDIM)
    bt2 = b_t2.reshape(1, TDIM)

    te, lat9 = pl.pallas_call(
        _tc_te_lat,
        out_shape=(jax.ShapeDtypeStruct((N_CRYST, TDIM), f32),
                   jax.ShapeDtypeStruct((N_CRYST, 16), f32)),
    )(t2, len_p, ang_p, W_t1, bt1, W_t2, bt2)

    def bcast(x):
        n, d = x.shape
        out = jnp.broadcast_to(x[:, None, :], (n, A_PER, d)).reshape(n * A_PER, d)
        return jnp.pad(out, ((0, NAP - N_ATOMS), (0, 0)))

    def plane(v):
        return jnp.pad(v, (0, NAP - N_ATOMS)).reshape(NAP // 128, 128)

    z_b = bcast(z)
    te_b = bcast(te)
    lat9_b = bcast(lat9)
    lplanes = [lat9_b[:, i].reshape(NAP // 128, 128) for i in range(9)]
    fplanes = [plane(pred_frac_coords[:, i]) for i in range(3)]
    types_p = jnp.pad(pred_atom_types.astype(jnp.int32), (0, NAP - N_ATOMS),
                      constant_values=1).reshape(NAP, 1)

    ap_spec = pl.BlockSpec((NAP // 128, 128), lambda: (0, 0))
    cxp, cyp, czp = pl.pallas_call(
        _tc_cart,
        in_specs=[ap_spec] * 12,
        out_specs=[ap_spec] * 3,
        out_shape=(jax.ShapeDtypeStruct((NAP // 128, 128), f32),) * 3,
    )(*fplanes, *lplanes)
    cx1, cy1, cz1 = (cxp.reshape(NAP), cyp.reshape(NAP), czp.reshape(NAP))

    dx, dy, dz = pl.kernel(
        _sc_dvec,
        out_type=(jax.ShapeDtypeStruct((N_EDGES,), f32),) * 3,
        mesh=_sc_mesh(),
        compiler_params=pltpu.CompilerParams(needs_layout_passes=False),
        scratch_types=[
            pltpu.VMEM((NAP,), f32),
            pltpu.VMEM((NAP,), f32),
            pltpu.VMEM((NAP,), f32),
            pltpu.VMEM((CHUNK,), jnp.int32),
            pltpu.VMEM((CHUNK,), jnp.int32),
            pltpu.VMEM((CHUNK,), f32),
            pltpu.VMEM((CHUNK,), f32),
            pltpu.VMEM((CHUNK,), f32),
        ],
    )(cx1, cy1, cz1, src, dst)

    e_plane = (N_EDGES // 128, 128)
    ux, uy, uz, dist = pl.pallas_call(
        _tc_geom_soa,
        out_shape=(jax.ShapeDtypeStruct(e_plane, f32),) * 4,
    )(dx.reshape(e_plane), dy.reshape(e_plane), dz.reshape(e_plane))

    Wr0 = W_msg[0, 2 * HID:, :]
    Wr1 = W_msg[1, 2 * HID:, :]
    grid_e = N_EDGES // 512
    dist_r = dist.reshape(grid_e, 1, 512)
    R0, R1 = pl.pallas_call(
        _tc_rterm,
        grid=(grid_e,),
        in_specs=[pl.BlockSpec((1, 1, 512), lambda i: (i, 0, 0)),
                  pl.BlockSpec((NRBF, HID), lambda i: (0, 0)),
                  pl.BlockSpec((NRBF, HID), lambda i: (0, 0))],
        out_specs=[pl.BlockSpec((512, HID), lambda i: (i, 0)),
                   pl.BlockSpec((512, HID), lambda i: (i, 0))],
        out_shape=(jax.ShapeDtypeStruct((N_EDGES, HID), f32),
                   jax.ShapeDtypeStruct((N_EDGES, HID), f32)),
    )(dist_r, Wr0, Wr1)

    emb_p = jnp.pad(atom_emb, ((0, 128 - MAXZ), (0, 0)))
    Wh = W_in[:HID, :]
    Wz = W_in[HID:HID + LAT, :]
    Wte = W_in[HID + LAT:, :]
    bin2 = b_in.reshape(1, HID)
    bmsg0 = b_msg[0].reshape(1, HID)
    bmsg1 = b_msg[1].reshape(1, HID)
    Ws0, Wd0 = W_msg[0, :HID, :], W_msg[0, HID:2 * HID, :]
    Ws1, Wd1 = W_msg[1, :HID, :], W_msg[1, HID:2 * HID, :]

    full = lambda r, c: pl.BlockSpec((r, c), lambda i: (0, 0))
    grid_a = NAP // 512
    h, A0, B0 = pl.pallas_call(
        _tc_hinit,
        grid=(grid_a,),
        in_specs=[pl.BlockSpec((512, 1), lambda i: (i, 0)),
                  pl.BlockSpec((512, LAT), lambda i: (i, 0)),
                  pl.BlockSpec((512, TDIM), lambda i: (i, 0)),
                  full(128, HID), full(HID, HID), full(LAT, HID),
                  full(TDIM, HID), full(1, HID), full(HID, HID),
                  full(1, HID), full(HID, HID)],
        out_specs=[pl.BlockSpec((512, HID), lambda i: (i, 0))] * 3,
        out_shape=(jax.ShapeDtypeStruct((NAP, HID), f32),) * 3,
    )(types_p, z_b, te_b, emb_p, Wh, Wz, Wte, bin2, Ws0, bmsg0, Wd0)

    zagg = jnp.zeros((NAP, HID), f32)
    zf = jnp.zeros((NAP,), f32)
    wf = w_force.astype(f32)
    ux1, uy1, uz1 = ux.reshape(N_EDGES), uy.reshape(N_EDGES), uz.reshape(N_EDGES)

    def sc_message(A, B, R):
        return pl.kernel(
            _sc_msg,
            out_type=(jax.ShapeDtypeStruct((NCORES * NAP, HID), f32),
                      jax.ShapeDtypeStruct((NCORES * NAP,), f32),
                      jax.ShapeDtypeStruct((NCORES * NAP,), f32),
                      jax.ShapeDtypeStruct((NCORES * NAP,), f32)),
            mesh=_sc_mesh(),
            compiler_params=pltpu.CompilerParams(needs_layout_passes=False),
            scratch_types=[
                pltpu.VMEM_SHARED((NAP, HID), f32),
                pltpu.VMEM_SHARED((NAP,), f32),
                pltpu.VMEM_SHARED((NAP,), f32),
                pltpu.VMEM_SHARED((NAP,), f32),
                pltpu.VMEM((CHUNK,), jnp.int32),
                pltpu.VMEM((CHUNK,), jnp.int32),
                pltpu.VMEM((CHUNK, HID), f32),
                pltpu.VMEM((CHUNK, HID), f32),
                pltpu.VMEM((CHUNK, HID), f32),
                pltpu.VMEM((CHUNK,), f32),
                pltpu.VMEM((CHUNK,), f32),
                pltpu.VMEM((CHUNK,), f32),
                pltpu.VMEM((CHUNK, HID), f32),
                pltpu.VMEM((CHUNK,), f32),
                pltpu.VMEM((CHUNK,), f32),
                pltpu.VMEM((CHUNK,), f32),
                pltpu.VMEM((HID,), f32),
            ],
        )(A, B, R, ux1, uy1, uz1, src, dst, wf, zagg, zf)

    agg0cat, f0x, f0y, f0z = sc_message(A0, B0, R0)

    bu0 = b_upd[0].reshape(1, HID)
    bu1 = b_upd[1].reshape(1, HID)
    h1, A1, B1 = pl.pallas_call(
        _tc_update,
        grid=(grid_a,),
        in_specs=[pl.BlockSpec((512, HID), lambda i: (i, 0))] * 3 + [
            full(HID, HID), full(1, HID), full(HID, HID),
            full(1, HID), full(HID, HID)],
        out_specs=[pl.BlockSpec((512, HID), lambda i: (i, 0))] * 3,
        out_shape=(jax.ShapeDtypeStruct((NAP, HID), f32),) * 3,
    )(agg0cat[:NAP], agg0cat[NAP:], h, W_upd[0], bu0, Ws1, bmsg1, Wd1)

    agg1cat, f1x, f1y, f1z = sc_message(A1, B1, R1)

    Wa_p = jnp.pad(W_atom, ((0, 0), (0, 128 - MAXZ)))
    ba_p = jnp.pad(b_atom, (0, 128 - MAXZ)).reshape(1, 128)
    logits_p = pl.pallas_call(
        _tc_final,
        grid=(grid_a,),
        in_specs=[pl.BlockSpec((512, HID), lambda i: (i, 0))] * 3 + [
            full(HID, HID), full(1, HID), full(HID, 128), full(1, 128)],
        out_specs=pl.BlockSpec((512, 128), lambda i: (i, 0)),
        out_shape=jax.ShapeDtypeStruct((NAP, 128), f32),
    )(agg1cat[:NAP], agg1cat[NAP:], h1, W_upd[1], bu1, Wa_p, ba_p)

    def fsum2(b0, b1):
        shp = (NAP // 128, 128)
        return pl.pallas_call(
            _tc_fsum,
            in_specs=[ap_spec] * 4,
            out_specs=ap_spec,
            out_shape=jax.ShapeDtypeStruct(shp, f32),
        )(b0[:NAP].reshape(shp), b0[NAP:].reshape(shp),
          b1[:NAP].reshape(shp), b1[NAP:].reshape(shp))

    fx = fsum2(f0x, f1x).reshape(NAP)[:N_ATOMS]
    fy = fsum2(f0y, f1y).reshape(NAP)[:N_ATOMS]
    fz = fsum2(f0z, f1z).reshape(NAP)[:N_ATOMS]

    force = jnp.stack([fx, fy, fz], axis=-1)
    logits = logits_p[:N_ATOMS, :MAXZ]
    return (force, logits)

# --- scband reference (transcript-rebuilt; emitter-appended) ---
"""Pipeline reference for scband-gem-net-tdecoder-37168646979742 (READ-ONLY COPY).

The authoritative reference and input builder live on the scoring server;
editing this copy changes nothing except your own understanding.
"""

import jax, jax.numpy as jnp
import numpy as np

N_CRYST = 400
A_PER = 25
N_ATOMS = N_CRYST * A_PER
N_EDGES = 320000
HID = 128
LAT = 256
TDIM = 128
MAXZ = 100
NRBF = 16
NBLOCKS = 2
CUTOFF = 6.0


def _lattice(lengths, angles):
    ang = angles * (np.pi / 180.0)
    coss = jnp.cos(ang)
    a, b, c = lengths[:, 0], lengths[:, 1], lengths[:, 2]
    ca, cb, cg = coss[:, 0], coss[:, 1], coss[:, 2]
    sg = jnp.clip(jnp.sin(ang[:, 2]), 1e-6, None)
    zz = jnp.zeros_like(a)
    va = jnp.stack([a, zz, zz], -1)
    vb = jnp.stack([b * cg, b * sg, zz], -1)
    cx = c * cb
    cy = c * (ca - cb * cg) / sg
    cz = jnp.sqrt(jnp.clip(c * c - cx * cx - cy * cy, 1e-6, None))
    vc = jnp.stack([cx, cy, cz], -1)
    return jnp.stack([va, vb, vc], 1)


def _time_emb(t, dim):
    half = dim // 2
    freqs = jnp.exp(-np.log(10000.0) * jnp.arange(half, dtype=jnp.float32) / (half - 1))
    args = t[:, None] * freqs[None, :]
    return jnp.concatenate([jnp.sin(args), jnp.cos(args)], -1)


def setup_inputs(seed: int = 0):
    key = jax.random.key(seed)
    ks = [jax.random.fold_in(key, i) for i in range(32)]
    s = 0.05
    z = jax.random.normal(ks[0], (N_CRYST, LAT), jnp.float32)
    t = jax.random.uniform(ks[1], (N_CRYST,), jnp.float32, 0.0, 1000.0)
    pred_frac_coords = jax.random.uniform(ks[2], (N_ATOMS, 3), jnp.float32)
    pred_atom_types = jax.random.randint(ks[3], (N_ATOMS,), 1, MAXZ + 1)
    num_atoms = jnp.full((N_CRYST,), A_PER, jnp.int32)
    lengths = jax.random.uniform(ks[4], (N_CRYST, 3), jnp.float32, 3.0, 10.0)
    angles = jax.random.uniform(ks[5], (N_CRYST, 3), jnp.float32, 80.0, 100.0)
    edge_index = jax.random.randint(ks[6], (2, N_EDGES), 0, N_ATOMS)
    atom_emb = jax.random.normal(ks[7], (MAXZ, HID)) * s
    W_t1 = jax.random.normal(ks[8], (TDIM, 4 * TDIM)) * s
    b_t1 = jnp.zeros((4 * TDIM,))
    W_t2 = jax.random.normal(ks[9], (4 * TDIM, TDIM)) * s
    b_t2 = jnp.zeros((TDIM,))
    W_in = jax.random.normal(ks[10], (HID + LAT + TDIM, HID)) * s
    b_in = jnp.zeros((HID,))
    W_msg = jax.random.normal(ks[11], (NBLOCKS, 2 * HID + NRBF, HID)) * s
    b_msg = jnp.zeros((NBLOCKS, HID))
    W_upd = jax.random.normal(ks[12], (NBLOCKS, HID, HID)) * s
    b_upd = jnp.zeros((NBLOCKS, HID))
    w_force = jax.random.normal(ks[13], (HID,)) * s
    W_atom = jax.random.normal(ks[14], (HID, MAXZ)) * s
    b_atom = jnp.zeros((MAXZ,))
    return dict(z=z, t=t, pred_frac_coords=pred_frac_coords, pred_atom_types=pred_atom_types,
                num_atoms=num_atoms, lengths=lengths, angles=angles, edge_index=edge_index,
                atom_emb=atom_emb, W_t1=W_t1, b_t1=b_t1, W_t2=W_t2, b_t2=b_t2, W_in=W_in, b_in=b_in,
                W_msg=W_msg, b_msg=b_msg, W_upd=W_upd, b_upd=b_upd, w_force=w_force,
                W_atom=W_atom, b_atom=b_atom)


def reference(z, t, pred_frac_coords, pred_atom_types, num_atoms, lengths, angles, edge_index,
              atom_emb, W_t1, b_t1, W_t2, b_t2, W_in, b_in, W_msg, b_msg, W_upd, b_upd,
              w_force, W_atom, b_atom):
    batch = jnp.repeat(jnp.arange(N_CRYST), num_atoms, total_repeat_length=N_ATOMS)
    lat = _lattice(lengths, angles)
    cart = jnp.einsum('ni,nij->nj', pred_frac_coords, lat[batch])
    src, dst = edge_index[0], edge_index[1]
    dvec = cart[src] - cart[dst]
    dist = jnp.sqrt(jnp.sum(dvec * dvec, -1) + 1e-8)
    unit = dvec / dist[:, None]
    centers = jnp.linspace(0.0, CUTOFF, NRBF)
    rbf = jnp.exp(-((dist[:, None] - centers[None, :]) ** 2) / 0.5)
    te = _time_emb(t, TDIM)
    te = jax.nn.relu(te @ W_t1 + b_t1) @ W_t2 + b_t2
    h0 = atom_emb[pred_atom_types - 1]
    h = jnp.concatenate([h0, z[batch], te[batch]], -1) @ W_in + b_in
    h = jax.nn.silu(h)
    force = jnp.zeros((N_ATOMS, 3))
    for i in range(NBLOCKS):
        m = jax.nn.silu(jnp.concatenate([h[src], h[dst], rbf], -1) @ W_msg[i] + b_msg[i])
        agg = jax.ops.segment_sum(m, dst, num_segments=N_ATOMS)
        h = h + jax.nn.silu(agg @ W_upd[i] + b_upd[i])
        f_e = (m @ w_force)[:, None] * unit
        force = force + jax.ops.segment_sum(f_e, dst, num_segments=N_ATOMS)
    logits = h @ W_atom + b_atom
    return (force, logits)

if __name__ == "__main__":
    import jax
    _d = setup_inputs()
    print(jax.jit(kernel)(*tuple(_d.values())))

</pallas_src>

<mosaic_0001>
#map = affine_map<(d0, d1) -> (0)>
module attributes {stable_mosaic.version = 14 : i64} {
  func.func @_sc_dvec(%arg0: i32, %arg1: i32, %arg2: memref<10240xf32, #tpu.memory_space<hbm>>, %arg3: memref<10240xf32, #tpu.memory_space<hbm>>, %arg4: memref<10240xf32, #tpu.memory_space<hbm>>, %arg5: memref<320000xi32, #tpu.memory_space<hbm>>, %arg6: memref<320000xi32, #tpu.memory_space<hbm>>, %arg7: memref<320000xf32, #tpu.memory_space<hbm>>, %arg8: memref<320000xf32, #tpu.memory_space<hbm>>, %arg9: memref<320000xf32, #tpu.memory_space<hbm>>, %arg10: memref<10240xf32, #tpu.memory_space<vmem>>, %arg11: memref<10240xf32, #tpu.memory_space<vmem>>, %arg12: memref<10240xf32, #tpu.memory_space<vmem>>, %arg13: memref<80xi32, #tpu.memory_space<vmem>>, %arg14: memref<80xi32, #tpu.memory_space<vmem>>, %arg15: memref<80xf32, #tpu.memory_space<vmem>>, %arg16: memref<80xf32, #tpu.memory_space<vmem>>, %arg17: memref<80xf32, #tpu.memory_space<vmem>>) attributes {dimension_semantics = [#tpu.dimension_semantics<core_parallel>, #tpu.dimension_semantics<subcore_parallel>], iteration_bounds = array<i64: 2, 16>, scalar_prefetch = 0 : i64, scratch_operands = 8 : i64, tpu.core_type = #tpu.core_type<sc_vector_subcore>, window_params = [{transform_indices = #map}, {transform_indices = #map}, {transform_indices = #map}, {transform_indices = #map}, {transform_indices = #map}, {transform_indices = #map}, {transform_indices = #map}, {transform_indices = #map}]} {
    %mul3A = arith.constant 2 : i32
    %mul3A_0 = arith.muli %arg1, %mul3A : i32
    %add3A = arith.addi %mul3A_0, %arg0 : i32
    "tpu.region"() ({
      %run_scoped3A = tpu.sem_alloc : memref<!tpu.dma_semaphore, #tpu.memory_space<semaphore_mem>>
      tpu.enqueue_dma source(%arg2 : memref<10240xf32, #tpu.memory_space<hbm>>) target(%arg10 : memref<10240xf32, #tpu.memory_space<vmem>>) target_semaphore(%run_scoped3A : memref<!tpu.dma_semaphore, #tpu.memory_space<semaphore_mem>>)
      tpu.wait_dma2 semaphore(%run_scoped3A : memref<!tpu.dma_semaphore, #tpu.memory_space<semaphore_mem>>) src(%arg2 : memref<10240xf32, #tpu.memory_space<hbm>>) dst(%arg10 : memref<10240xf32, #tpu.memory_space<vmem>>)
      tpu.yield
    }) : () -> ()
    "tpu.region"() ({
      %run_scoped3A = tpu.sem_alloc : memref<!tpu.dma_semaphore, #tpu.memory_space<semaphore_mem>>
      tpu.enqueue_dma source(%arg3 : memref<10240xf32, #tpu.memory_space<hbm>>) target(%arg11 : memref<10240xf32, #tpu.memory_space<vmem>>) target_semaphore(%run_scoped3A : memref<!tpu.dma_semaphore, #tpu.memory_space<semaphore_mem>>)
      tpu.wait_dma2 semaphore(%run_scoped3A : memref<!tpu.dma_semaphore, #tpu.memory_space<semaphore_mem>>) src(%arg3 : memref<10240xf32, #tpu.memory_space<hbm>>) dst(%arg11 : memref<10240xf32, #tpu.memory_space<vmem>>)
      tpu.yield
    }) : () -> ()
    "tpu.region"() ({
      %run_scoped3A = tpu.sem_alloc : memref<!tpu.dma_semaphore, #tpu.memory_space<semaphore_mem>>
      tpu.enqueue_dma source(%arg4 : memref<10240xf32, #tpu.memory_space<hbm>>) target(%arg12 : memref<10240xf32, #tpu.memory_space<vmem>>) target_semaphore(%run_scoped3A : memref<!tpu.dma_semaphore, #tpu.memory_space<semaphore_mem>>)
      tpu.wait_dma2 semaphore(%run_scoped3A : memref<!tpu.dma_semaphore, #tpu.memory_space<semaphore_mem>>) src(%arg4 : memref<10240xf32, #tpu.memory_space<hbm>>) dst(%arg12 : memref<10240xf32, #tpu.memory_space<vmem>>)
      tpu.yield
    }) : () -> ()
    %scan3A = arith.constant 0 : i32
    %scan3A_1 = arith.constant 0 : i32
    %scan3A_2 = arith.constant 125 : i32
    %scan3A_3 = arith.addi %scan3A_1, %scan3A_2 : i32
    %scan3A_4 = arith.constant 1 : i32
    %scan3A_5 = scf.for %scan3A_7 = %scan3A_1 to %scan3A_3 step %scan3A_4 iter_args(%scan3A_8 = %scan3A) -> (i32)  : i32 {
      %mul3A_9 = arith.constant 10000 : i32
      %mul3A_10 = arith.muli %add3A, %mul3A_9 : i32
      %mul3A_11 = arith.constant 80 : i32
      %mul3A_12 = arith.muli %scan3A_7, %mul3A_11 : i32
      %add3A_13 = arith.addi %mul3A_10, %mul3A_12 : i32
      "tpu.region"() ({
        %run_scoped3A = tpu.sem_alloc : memref<!tpu.dma_semaphore, #tpu.memory_space<semaphore_mem>>
        %dma_start3A = tpu.memref_slice %arg5[%add3A_13] : memref<320000xi32, #tpu.memory_space<hbm>> -> memref<80xi32, #tpu.memory_space<hbm>>
        %dma_start3A_106 = tpu.memref_slice %arg5[%add3A_13] : memref<320000xi32, #tpu.memory_space<hbm>> -> memref<80xi32, #tpu.memory_space<hbm>>
        tpu.enqueue_dma source(%dma_start3A_106 : memref<80xi32, #tpu.memory_space<hbm>>) target(%arg13 : memref<80xi32, #tpu.memory_space<vmem>>) target_semaphore(%run_scoped3A : memref<!tpu.dma_semaphore, #tpu.memory_space<semaphore_mem>>)
        %dma_wait3A = tpu.memref_slice %arg5[%add3A_13] : memref<320000xi32, #tpu.memory_space<hbm>> -> memref<80xi32, #tpu.memory_space<hbm>>
        %dma_wait3A_107 = tpu.memref_slice %arg5[%add3A_13] : memref<320000xi32, #tpu.memory_space<hbm>> -> memref<80xi32, #tpu.memory_space<hbm>>
        tpu.wait_dma2 semaphore(%run_scoped3A : memref<!tpu.dma_semaphore, #tpu.memory_space<semaphore_mem>>) src(%dma_wait3A_107 : memref<80xi32, #tpu.memory_space<hbm>>) dst(%arg13 : memref<80xi32, #tpu.memory_space<vmem>>)
        tpu.yield
      }) : () -> ()
      "tpu.region"() ({
        %run_scoped3A = tpu.sem_alloc : memref<!tpu.dma_semaphore, #tpu.memory_space<semaphore_mem>>
        %dma_start3A = tpu.memref_slice %arg6[%add3A_13] : memref<320000xi32, #tpu.memory_space<hbm>> -> memref<80xi32, #tpu.memory_space<hbm>>
        %dma_start3A_106 = tpu.memref_slice %arg6[%add3A_13] : memref<320000xi32, #tpu.memory_space<hbm>> -> memref<80xi32, #tpu.memory_space<hbm>>
        tpu.enqueue_dma source(%dma_start3A_106 : memref<80xi32, #tpu.memory_space<hbm>>) target(%arg14 : memref<80xi32, #tpu.memory_space<vmem>>) target_semaphore(%run_scoped3A : memref<!tpu.dma_semaphore, #tpu.memory_space<semaphore_mem>>)
        %dma_wait3A = tpu.memref_slice %arg6[%add3A_13] : memref<320000xi32, #tpu.memory_space<hbm>> -> memref<80xi32, #tpu.memory_space<hbm>>
        %dma_wait3A_107 = tpu.memref_slice %arg6[%add3A_13] : memref<320000xi32, #tpu.memory_space<hbm>> -> memref<80xi32, #tpu.memory_space<hbm>>
        tpu.wait_dma2 semaphore(%run_scoped3A : memref<!tpu.dma_semaphore, #tpu.memory_space<semaphore_mem>>) src(%dma_wait3A_107 : memref<80xi32, #tpu.memory_space<hbm>>) dst(%arg14 : memref<80xi32, #tpu.memory_space<vmem>>)
        tpu.yield
      }) : () -> ()
      %get3A = arith.constant 0 : index
      %get3A_14 = tpu.vector_load %arg13[%get3A] {strides = array<i32>} : memref<80xi32, #tpu.memory_space<vmem>>, vector<16xi32>,
      %get3A_15 = arith.constant 0 : index
      %get3A_16 = tpu.vector_load %arg14[%get3A_15] {strides = array<i32>} : memref<80xi32, #tpu.memory_space<vmem>>, vector<16xi32>,
      %gather3A = tpu.vector_load_idx %arg10[%get3A_14] : memref<10240xf32, #tpu.memory_space<vmem>>[vector<16xi32>], vector<16xf32>,
      %gather3A_17 = tpu.vector_load_idx %arg10[%get3A_16] : memref<10240xf32, #tpu.memory_space<vmem>>[vector<16xi32>], vector<16xf32>,
      %sub3A = arith.subf %gather3A, %gather3A_17 : vector<16xf32>
      %swap3A = arith.constant 0 : index
      %swap3A_18 = tpu.vector_load %arg15[%swap3A] {strides = array<i32>} : memref<80xf32, #tpu.memory_space<vmem>>, vector<16xf32>,
      tpu.vector_store %arg15[%swap3A], %sub3A {strides = array<i32>} : memref<80xf32, #tpu.memory_space<vmem>>, vector<16xf32>,
      %gather3A_19 = tpu.vector_load_idx %arg11[%get3A_14] : memref<10240xf32, #tpu.memory_space<vmem>>[vector<16xi32>], vector<16xf32>,
      %gather3A_20 = tpu.vector_load_idx %arg11[%get3A_16] : memref<10240xf32, #tpu.memory_space<vmem>>[vector<16xi32>], vector<16xf32>,
      %sub3A_21 = arith.subf %gather3A_19, %gather3A_20 : vector<16xf32>
      %swap3A_22 = arith.constant 0 : index
      %swap3A_23 = tpu.vector_load %arg16[%swap3A_22] {strides = array<i32>} : memref<80xf32, #tpu.memory_space<vmem>>, vector<16xf32>,
      tpu.vector_store %arg16[%swap3A_22], %sub3A_21 {strides = array<i32>} : memref<80xf32, #tpu.memory_space<vmem>>, vector<16xf32>,
      %gather3A_24 = tpu.vector_load_idx %arg12[%get3A_14] : memref<10240xf32, #tpu.memory_space<vmem>>[vector<16xi32>], vector<16xf32>,
      %gather3A_25 = tpu.vector_load_idx %arg12[%get3A_16] : memref<10240xf32, #tpu.memory_space<vmem>>[vector<16xi32>], vector<16xf32>,
      %sub3A_26 = arith.subf %gather3A_24, %gather3A_25 : vector<16xf32>
      %swap3A_27 = arith.constant 0 : index
      %swap3A_28 = tpu.vector_load %arg17[%swap3A_27] {strides = array<i32>} : memref<80xf32, #tpu.memory_space<vmem>>, vector<16xf32>,
      tpu.vector_store %arg17[%swap3A_27], %sub3A_26 {strides = array<i32>} : memref<80xf32, #tpu.memory_space<vmem>>, vector<16xf32>,
      %get3A_29 = arith.constant 16 : index
      %get3A_30 = tpu.vector_load %arg13[%get3A_29] {strides = array<i32>} : memref<80xi32, #tpu.memory_space<vmem>>, vector<16xi32>,
      %get3A_31 = arith.constant 16 : index
      %get3A_32 = tpu.vector_load %arg14[%get3A_31] {strides = array<i32>} : memref<80xi32, #tpu.memory_space<vmem>>, vector<16xi32>,
      %gather3A_33 = tpu.vector_load_idx %arg10[%get3A_30] : memref<10240xf32, #tpu.memory_space<vmem>>[vector<16xi32>], vector<16xf32>,
      %gather3A_34 = tpu.vector_load_idx %arg10[%get3A_32] : memref<10240xf32, #tpu.memory_space<vmem>>[vector<16xi32>], vector<16xf32>,
      %sub3A_35 = arith.subf %gather3A_33, %gather3A_34 : vector<16xf32>
      %swap3A_36 = arith.constant 16 : index
      %swap3A_37 = tpu.vector_load %arg15[%swap3A_36] {strides = array<i32>} : memref<80xf32, #tpu.memory_space<vmem>>, vector<16xf32>,
      tpu.vector_store %arg15[%swap3A_36], %sub3A_35 {strides = array<i32>} : memref<80xf32, #tpu.memory_space<vmem>>, vector<16xf32>,
      %gather3A_38 = tpu.vector_load_idx %arg11[%get3A_30] : memref<10240xf32, #tpu.memory_space<vmem>>[vector<16xi32>], vector<16xf32>,
      %gather3A_39 = tpu.vector_load_idx %arg11[%get3A_32] : memref<10240xf32, #tpu.memory_space<vmem>>[vector<16xi32>], vector<16xf32>,
      %sub3A_40 = arith.subf %gather3A_38, %gather3A_39 : vector<16xf32>
      %swap3A_41 = arith.constant 16 : index
      %swap3A_42 = tpu.vector_load %arg16[%swap3A_41] {strides = array<i32>} : memref<80xf32, #tpu.memory_space<vmem>>, vector<16xf32>,
      tpu.vector_store %arg16[%swap3A_41], %sub3A_40 {strides = array<i32>} : memref<80xf32, #tpu.memory_space<vmem>>, vector<16xf32>,
      %gather3A_43 = tpu.vector_load_idx %arg12[%get3A_30] : memref<10240xf32, #tpu.memory_space<vmem>>[vector<16xi32>], vector<16xf32>,
      %gather3A_44 = tpu.vector_load_idx %arg12[%get3A_32] : memref<10240xf32, #tpu.memory_space<vmem>>[vector<16xi32>], vector<16xf32>,
      %sub3A_45 = arith.subf %gather3A_43, %gather3A_44 : vector<16xf32>
      %swap3A_46 = arith.constant 16 : index
      %swap3A_47 = tpu.vector_load %arg17[%swap3A_46] {strides = array<i32>} : memref<80xf32, #tpu.memory_space<vmem>>, vector<16xf32>,
      tpu.vector_store %arg17[%swap3A_46], %sub3A_45 {strides = array<i32>} : memref<80xf32, #tpu.memory_space<vmem>>, vector<16xf32>,
      %get3A_48 = arith.constant 32 : index
      %get3A_49 = tpu.vector_load %arg13[%get3A_48] {strides = array<i32>} : memref<80xi32, #tpu.memory_space<vmem>>, vector<16xi32>,
      %get3A_50 = arith.constant 32 : index
      %get3A_51 = tpu.vector_load %arg14[%get3A_50] {strides = array<i32>} : memref<80xi32, #tpu.memory_space<vmem>>, vector<16xi32>,
      %gather3A_52 = tpu.vector_load_idx %arg10[%get3A_49] : memref<10240xf32, #tpu.memory_space<vmem>>[vector<16xi32>], vector<16xf32>,
      %gather3A_53 = tpu.vector_load_idx %arg10[%get3A_51] : memref<10240xf32, #tpu.memory_space<vmem>>[vector<16xi32>], vector<16xf32>,
      %sub3A_54 = arith.subf %gather3A_52, %gather3A_53 : vector<16xf32>
      %swap3A_55 = arith.constant 32 : index
      %swap3A_56 = tpu.vector_load %arg15[%swap3A_55] {strides = array<i32>} : memref<80xf32, #tpu.memory_space<vmem>>, vector<16xf32>,
      tpu.vector_store %arg15[%swap3A_55], %sub3A_54 {strides = array<i32>} : memref<80xf32, #tpu.memory_space<vmem>>, vector<16xf32>,
      %gather3A_57 = tpu.vector_load_idx %arg11[%get3A_49] : memref<10240xf32, #tpu.memory_space<vmem>>[vector<16xi32>], vector<16xf32>,
      %gather3A_58 = tpu.vector_load_idx %arg11[%get3A_51] : memref<10240xf32, #tpu.memory_space<vmem>>[vector<16xi32>], vector<16xf32>,
      %sub3A_59 = arith.subf %gather3A_57, %gather3A_58 : vector<16xf32>
      %swap3A_60 = arith.constant 32 : index
      %swap3A_61 = tpu.vector_load %arg16[%swap3A_60] {strides = array<i32>} : memref<80xf32, #tpu.memory_space<vmem>>, vector<16xf32>,
      tpu.vector_store %arg16[%swap3A_60], %sub3A_59 {strides = array<i32>} : memref<80xf32, #tpu.memory_space<vmem>>, vector<16xf32>,
      %gather3A_62 = tpu.vector_load_idx %arg12[%get3A_49] : memref<10240xf32, #tpu.memory_space<vmem>>[vector<16xi32>], vector<16xf32>,
      %gather3A_63 = tpu.vector_load_idx %arg12[%get3A_51] : memref<10240xf32, #tpu.memory_space<vmem>>[vector<16xi32>], vector<16xf32>,
      %sub3A_64 = arith.subf %gather3A_62, %gather3A_63 : vector<16xf32>
      %swap3A_65 = arith.constant 32 : index
      %swap3A_66 = tpu.vector_load %arg17[%swap3A_65] {strides = array<i32>} : memref<80xf32, #tpu.memory_space<vmem>>, vector<16xf32>,
      tpu.vector_store %arg17[%swap3A_65], %sub3A_64 {strides = array<i32>} : memref<80xf32, #tpu.memory_space<vmem>>, vector<16xf32>,
      %get3A_67 = arith.constant 48 : index
      %get3A_68 = tpu.vector_load %arg13[%get3A_67] {strides = array<i32>} : memref<80xi32, #tpu.memory_space<vmem>>, vector<16xi32>,
      %get3A_69 = arith.constant 48 : index
      %get3A_70 = tpu.vector_load %arg14[%get3A_69] {strides = array<i32>} : memref<80xi32, #tpu.memory_space<vmem>>, vector<16xi32>,
      %gather3A_71 = tpu.vector_load_idx %arg10[%get3A_68] : memref<10240xf32, #tpu.memory_space<vmem>>[vector<16xi32>], vector<16xf32>,
      %gather3A_72 = tpu.vector_load_idx %arg10[%get3A_70] : memref<10240xf32, #tpu.memory_space<vmem>>[vector<16xi32>], vector<16xf32>,
      %sub3A_73 = arith.subf %gather3A_71, %gather3A_72 : vector<16xf32>
      %swap3A_74 = arith.constant 48 : index
      %swap3A_75 = tpu.vector_load %arg15[%swap3A_74] {strides = array<i32>} : memref<80xf32, #tpu.memory_space<vmem>>, vector<16xf32>,
      tpu.vector_store %arg15[%swap3A_74], %sub3A_73 {strides = array<i32>} : memref<80xf32, #tpu.memory_space<vmem>>, vector<16xf32>,
      %gather3A_76 = tpu.vector_load_idx %arg11[%get3A_68] : memref<10240xf32, #tpu.memory_space<vmem>>[vector<16xi32>], vector<16xf32>,
      %gather3A_77 = tpu.vector_load_idx %arg11[%get3A_70] : memref<10240xf32, #tpu.memory_space<vmem>>[vector<16xi32>], vector<16xf32>,
      %sub3A_78 = arith.subf %gather3A_76, %gather3A_77 : vector<16xf32>
      %swap3A_79 = arith.constant 48 : index
      %swap3A_80 = tpu.vector_load %arg16[%swap3A_79] {strides = array<i32>} : memref<80xf32, #tpu.memory_space<vmem>>, vector<16xf32>,
      tpu.vector_store %arg16[%swap3A_79], %sub3A_78 {strides = array<i32>} : memref<80xf32, #tpu.memory_space<vmem>>, vector<16xf32>,
      %gather3A_81 = tpu.vector_load_idx %arg12[%get3A_68] : memref<10240xf32, #tpu.memory_space<vmem>>[vector<16xi32>], vector<16xf32>,
      %gather3A_82 = tpu.vector_load_idx %arg12[%get3A_70] : memref<10240xf32, #tpu.memory_space<vmem>>[vector<16xi32>], vector<16xf32>,
      %sub3A_83 = arith.subf %gather3A_81, %gather3A_82 : vector<16xf32>
      %swap3A_84 = arith.constant 48 : index
      %swap3A_85 = tpu.vector_load %arg17[%swap3A_84] {strides = array<i32>} : memref<80xf32, #tpu.memory_space<vmem>>, vector<16xf32>,
      tpu.vector_store %arg17[%swap3A_84], %sub3A_83 {strides = array<i32>} : memref<80xf32, #tpu.memory_space<vmem>>, vector<16xf32>,
      %get3A_86 = arith.constant 64 : index
      %get3A_87 = tpu.vector_load %arg13[%get3A_86] {strides = array<i32>} : memref<80xi32, #tpu.memory_space<vmem>>, vector<16xi32>,
      %get3A_88 = arith.constant 64 : index
      %get3A_89 = tpu.vector_load %arg14[%get3A_88] {strides = array<i32>} : memref<80xi32, #tpu.memory_space<vmem>>, vector<16xi32>,
      %gather3A_90 = tpu.vector_load_idx %arg10[%get3A_87] : memref<10240xf32, #tpu.memory_space<vmem>>[vector<16xi32>], vector<16xf32>,
      %gather3A_91 = tpu.vector_load_idx %arg10[%get3A_89] : memref<10240xf32, #tpu.memory_space<vmem>>[vector<16xi32>], vector<16xf32>,
      %sub3A_92 = arith.subf %gather3A_90, %gather3A_91 : vector<16xf32>
      %swap3A_93 = arith.constant 64 : index
      %swap3A_94 = tpu.vector_load %arg15[%swap3A_93] {strides = array<i32>} : memref<80xf32, #tpu.memory_space<vmem>>, vector<16xf32>,
      tpu.vector_store %arg15[%swap3A_93], %sub3A_92 {strides = array<i32>} : memref<80xf32, #tpu.memory_space<vmem>>, vector<16xf32>,
      %gather3A_95 = tpu.vector_load_idx %arg11[%get3A_87] : memref<10240xf32, #tpu.memory_space<vmem>>[vector<16xi32>], vector<16xf32>,
      %gather3A_96 = tpu.vector_load_idx %arg11[%get3A_89] : memref<10240xf32, #tpu.memory_space<vmem>>[vector<16xi32>], vector<16xf32>,
      %sub3A_97 = arith.subf %gather3A_95, %gather3A_96 : vector<16xf32>
      %swap3A_98 = arith.constant 64 : index
      %swap3A_99 = tpu.vector_load %arg16[%swap3A_98] {strides = array<i32>} : memref<80xf32, #tpu.memory_space<vmem>>, vector<16xf32>,
      tpu.vector_store %arg16[%swap3A_98], %sub3A_97 {strides = array<i32>} : memref<80xf32, #tpu.memory_space<vmem>>, vector<16xf32>,
      %gather3A_100 = tpu.vector_load_idx %arg12[%get3A_87] : memref<10240xf32, #tpu.memory_space<vmem>>[vector<16xi32>], vector<16xf32>,
      %gather3A_101 = tpu.vector_load_idx %arg12[%get3A_89] : memref<10240xf32, #tpu.memory_space<vmem>>[vector<16xi32>], vector<16xf32>,
      %sub3A_102 = arith.subf %gather3A_100, %gather3A_101 : vector<16xf32>
      %swap3A_103 = arith.constant 64 : index
      %swap3A_104 = tpu.vector_load %arg17[%swap3A_103] {strides = array<i32>} : memref<80xf32, #tpu.memory_space<vmem>>, vector<16xf32>,
      tpu.vector_store %arg17[%swap3A_103], %sub3A_102 {strides = array<i32>} : memref<80xf32, #tpu.memory_space<vmem>>, vector<16xf32>,
      "tpu.region"() ({
        %run_scoped3A = tpu.sem_alloc : memref<!tpu.dma_semaphore, #tpu.memory_space<semaphore_mem>>
        %dma_start3A = tpu.memref_slice %arg7[%add3A_13] : memref<320000xf32, #tpu.memory_space<hbm>> -> memref<80xf32, #tpu.memory_space<hbm>>
        %dma_start3A_106 = tpu.memref_slice %arg7[%add3A_13] : memref<320000xf32, #tpu.memory_space<hbm>> -> memref<80xf32, #tpu.memory_space<hbm>>
        tpu.enqueue_dma source(%arg15 : memref<80xf32, #tpu.memory_space<vmem>>) target(%dma_start3A_106 : memref<80xf32, #tpu.memory_space<hbm>>) target_semaphore(%run_scoped3A : memref<!tpu.dma_semaphore, #tpu.memory_space<semaphore_mem>>)
        %dma_wait3A = tpu.memref_slice %arg7[%add3A_13] : memref<320000xf32, #tpu.memory_space<hbm>> -> memref<80xf32, #tpu.memory_space<hbm>>
        %dma_wait3A_107 = tpu.memref_slice %arg7[%add3A_13] : memref<320000xf32, #tpu.memory_space<hbm>> -> memref<80xf32, #tpu.memory_space<hbm>>
        tpu.wait_dma2 semaphore(%run_scoped3A : memref<!tpu.dma_semaphore, #tpu.memory_space<semaphore_mem>>) src(%arg15 : memref<80xf32, #tpu.memory_space<vmem>>) dst(%dma_wait3A_107 : memref<80xf32, #tpu.memory_space<hbm>>)
        tpu.yield
      }) : () -> ()
      "tpu.region"() ({
        %run_scoped3A = tpu.sem_alloc : memref<!tpu.dma_semaphore, #tpu.memory_space<semaphore_mem>>
        %dma_start3A = tpu.memref_slice %arg8[%add3A_13] : memref<320000xf32, #tpu.memory_space<hbm>> -> memref<80xf32, #tpu.memory_space<hbm>>
        %dma_start3A_106 = tpu.memref_slice %arg8[%add3A_13] : memref<320000xf32, #tpu.memory_space<hbm>> -> memref<80xf32, #tpu.memory_space<hbm>>
        tpu.enqueue_dma source(%arg16 : memref<80xf32, #tpu.memory_space<vmem>>) target(%dma_start3A_106 : memref<80xf32, #tpu.memory_space<hbm>>) target_semaphore(%run_scoped3A : memref<!tpu.dma_semaphore, #tpu.memory_space<semaphore_mem>>)
        %dma_wait3A = tpu.memref_slice %arg8[%add3A_13] : memref<320000xf32, #tpu.memory_space<hbm>> -> memref<80xf32, #tpu.memory_space<hbm>>
        %dma_wait3A_107 = tpu.memref_slice %arg8[%add3A_13] : memref<320000xf32, #tpu.memory_space<hbm>> -> memref<80xf32, #tpu.memory_space<hbm>>
        tpu.wait_dma2 semaphore(%run_scoped3A : memref<!tpu.dma_semaphore, #tpu.memory_space<semaphore_mem>>) src(%arg16 : memref<80xf32, #tpu.memory_space<vmem>>) dst(%dma_wait3A_107 : memref<80xf32, #tpu.memory_space<hbm>>)
        tpu.yield
      }) : () -> ()
      "tpu.region"() ({
        %run_scoped3A = tpu.sem_alloc : memref<!tpu.dma_semaphore, #tpu.memory_space<semaphore_mem>>
        %dma_start3A = tpu.memref_slice %arg9[%add3A_13] : memref<320000xf32, #tpu.memory_space<hbm>> -> memref<80xf32, #tpu.memory_space<hbm>>
        %dma_start3A_106 = tpu.memref_slice %arg9[%add3A_13] : memref<320000xf32, #tpu.memory_space<hbm>> -> memref<80xf32, #tpu.memory_space<hbm>>
        tpu.enqueue_dma source(%arg17 : memref<80xf32, #tpu.memory_space<vmem>>) target(%dma_start3A_106 : memref<80xf32, #tpu.memory_space<hbm>>) target_semaphore(%run_scoped3A : memref<!tpu.dma_semaphore, #tpu.memory_space<semaphore_mem>>)
        %dma_wait3A = tpu.memref_slice %arg9[%add3A_13] : memref<320000xf32, #tpu.memory_space<hbm>> -> memref<80xf32, #tpu.memory_space<hbm>>
        %dma_wait3A_107 = tpu.memref_slice %arg9[%add3A_13] : memref<320000xf32, #tpu.memory_space<hbm>> -> memref<80xf32, #tpu.memory_space<hbm>>
        tpu.wait_dma2 semaphore(%run_scoped3A : memref<!tpu.dma_semaphore, #tpu.memory_space<semaphore_mem>>) src(%arg17 : memref<80xf32, #tpu.memory_space<vmem>>) dst(%dma_wait3A_107 : memref<80xf32, #tpu.memory_space<hbm>>)
        tpu.yield
      }) : () -> ()
      %scan3A_105 = arith.constant 0 : i32
      scf.yield %scan3A_105 : i32
    }
    %scan3A_6 = arith.constant 125 : i32
    return
  }
}

#map = affine_map<(d0, d1) -> (0, 0)>
#map1 = affine_map<(d0, d1) -> (0)>
module attributes {stable_mosaic.version = 14 : i64} {
  func.func @_sc_msg(%arg0: i32, %arg1: i32, %arg2: memref<10240x128xf32, #tpu.memory_space<hbm>>, %arg3: memref<10240x128xf32, #tpu.memory_space<hbm>>, %arg4: memref<320000x128xf32, #tpu.memory_space<hbm>>, %arg5: memref<320000xf32, #tpu.memory_space<hbm>>, %arg6: memref<320000xf32, #tpu.memory_space<hbm>>, %arg7: memref<320000xf32, #tpu.memory_space<hbm>>, %arg8: memref<320000xi32, #tpu.memory_space<hbm>>, %arg9: memref<320000xi32, #tpu.memory_space<hbm>>, %arg10: memref<128xf32, #tpu.memory_space<hbm>>, %arg11: memref<10240x128xf32, #tpu.memory_space<hbm>>, %arg12: memref<10240xf32, #tpu.memory_space<hbm>>, %arg13: memref<20480x128xf32, #tpu.memory_space<hbm>>, %arg14: memref<20480xf32, #tpu.memory_space<hbm>>, %arg15: memref<20480xf32, #tpu.memory_space<hbm>>, %arg16: memref<20480xf32, #tpu.memory_space<hbm>>, %arg17: memref<10240x128xf32, #tpu.memory_space<vmem_shared>>, %arg18: memref<10240xf32, #tpu.memory_space<vmem_shared>>, %arg19: memref<10240xf32, #tpu.memory_space<vmem_shared>>, %arg20: memref<10240xf32, #tpu.memory_space<vmem_shared>>, %arg21: memref<80xi32, #tpu.memory_space<vmem>>, %arg22: memref<80xi32, #tpu.memory_space<vmem>>, %arg23: memref<80x128xf32, #tpu.memory_space<vmem>>, %arg24: memref<80x128xf32, #tpu.memory_space<vmem>>, %arg25: memref<80x128xf32, #tpu.memory_space<vmem>>, %arg26: memref<80xf32, #tpu.memory_space<vmem>>, %arg27: memref<80xf32, #tpu.memory_space<vmem>>, %arg28: memref<80xf32, #tpu.memory_space<vmem>>, %arg29: memref<80x128xf32, #tpu.memory_space<vmem>>, %arg30: memref<80xf32, #tpu.memory_space<vmem>>, %arg31: memref<80xf32, #tpu.memory_space<vmem>>, %arg32: memref<80xf32, #tpu.memory_space<vmem>>, %arg33: memref<128xf32, #tpu.memory_space<vmem>>) attributes {dimension_semantics = [#tpu.dimension_semantics<core_parallel>, #tpu.dimension_semantics<subcore_parallel>], iteration_bounds = array<i64: 2, 16>, scalar_prefetch = 0 : i64, scratch_operands = 17 : i64, tpu.core_type = #tpu.core_type<sc_vector_subcore>, window_params = [{transform_indices = #map}, {transform_indices = #map}, {transform_indices = #map}, {transform_indices = #map1}, {transform_indices = #map1}, {transform_indices = #map1}, {transform_indices = #map1}, {transform_indices = #map1}, {transform_indices = #map1}, {transform_indices = #map}, {transform_indices = #map1}, {transform_indices = #map}, {transform_indices = #map1}, {transform_indices = #map1}, {transform_indices = #map1}]} {
    %mul3A = arith.constant 2 : i32
    %mul3A_0 = arith.muli %arg1, %mul3A : i32
    %add3A = arith.addi %mul3A_0, %arg0 : i32
    %eq3A = arith.constant 0 : i32
    %eq3A_1 = arith.cmpi eq, %arg1, %eq3A : i32
    %convert_element_type3A = arith.extui %eq3A_1 : i1 to i32
    %cond3A = arith.constant 0 : i32
    %cond3A_2 = arith.cmpi ne, %convert_element_type3A, %cond3A : i32
    scf.if %cond3A_2 {
      "tpu.region"() ({
        %run_scoped3A = tpu.sem_alloc : memref<!tpu.dma_semaphore, #tpu.memory_space<semaphore_mem>>
        tpu.enqueue_dma source(%arg11 : memref<10240x128xf32, #tpu.memory_space<hbm>>) target(%arg17 : memref<10240x128xf32, #tpu.memory_space<vmem_shared>>) target_semaphore(%run_scoped3A : memref<!tpu.dma_semaphore, #tpu.memory_space<semaphore_mem>>)
        tpu.wait_dma2 semaphore(%run_scoped3A : memref<!tpu.dma_semaphore, #tpu.memory_space<semaphore_mem>>) src(%arg11 : memref<10240x128xf32, #tpu.memory_space<hbm>>) dst(%arg17 : memref<10240x128xf32, #tpu.memory_space<vmem_shared>>)
        tpu.yield
      }) : () -> ()
      "tpu.region"() ({
        %run_scoped3A = tpu.sem_alloc : memref<!tpu.dma_semaphore, #tpu.memory_space<semaphore_mem>>
        tpu.enqueue_dma source(%arg12 : memref<10240xf32, #tpu.memory_space<hbm>>) target(%arg18 : memref<10240xf32, #tpu.memory_space<vmem_shared>>) target_semaphore(%run_scoped3A : memref<!tpu.dma_semaphore, #tpu.memory_space<semaphore_mem>>)
        tpu.wait_dma2 semaphore(%run_scoped3A : memref<!tpu.dma_semaphore, #tpu.memory_space<semaphore_mem>>) src(%arg12 : memref<10240xf32, #tpu.memory_space<hbm>>) dst(%arg18 : memref<10240xf32, #tpu.memory_space<vmem_shared>>)
        tpu.yield
      }) : () -> ()
      "tpu.region"() ({
        %run_scoped3A = tpu.sem_alloc : memref<!tpu.dma_semaphore, #tpu.memory_space<semaphore_mem>>
        tpu.enqueue_dma source(%arg12 : memref<10240xf32, #tpu.memory_space<hbm>>) target(%arg19 : memref<10240xf32, #tpu.memory_space<vmem_shared>>) target_semaphore(%run_scoped3A : memref<!tpu.dma_semaphore, #tpu.memory_space<semaphore_mem>>)
        tpu.wait_dma2 semaphore(%run_scoped3A : memref<!tpu.dma_semaphore, #tpu.memory_space<semaphore_mem>>) src(%arg12 : memref<10240xf32, #tpu.memory_space<hbm>>) dst(%arg19 : memref<10240xf32, #tpu.memory_space<vmem_shared>>)
        tpu.yield
      }) : () -> ()
      "tpu.region"() ({
        %run_scoped3A = tpu.sem_alloc : memref<!tpu.dma_semaphore, #tpu.memory_space<semaphore_mem>>
        tpu.enqueue_dma source(%arg12 : memref<10240xf32, #tpu.memory_space<hbm>>) target(%arg20 : memref<10240xf32, #tpu.memory_space<vmem_shared>>) target_semaphore(%run_scoped3A : memref<!tpu.dma_semaphore, #tpu.memory_space<semaphore_mem>>)
        tpu.wait_dma2 semaphore(%run_scoped3A : memref<!tpu.dma_semaphore, #tpu.memory_space<semaphore_mem>>) src(%arg12 : memref<10240xf32, #tpu.memory_space<hbm>>) dst(%arg20 : memref<10240xf32, #tpu.memory_space<vmem_shared>>)
        tpu.yield
      }) : () -> ()
    } else {
    }
    "tpu.region"() ({
      %run_scoped3A = tpu.sem_alloc : memref<!tpu.dma_semaphore, #tpu.memory_space<semaphore_mem>>
      tpu.enqueue_dma source(%arg10 : memref<128xf32, #tpu.memory_space<hbm>>) target(%arg33 : memref<128xf32, #tpu.memory_space<vmem>>) target_semaphore(%run_scoped3A : memref<!tpu.dma_semaphore, #tpu.memory_space<semaphore_mem>>)
      tpu.wait_dma2 semaphore(%run_scoped3A : memref<!tpu.dma_semaphore, #tpu.memory_space<semaphore_mem>>) src(%arg10 : memref<128xf32, #tpu.memory_space<hbm>>) dst(%arg33 : memref<128xf32, #tpu.memory_space<vmem>>)
      tpu.yield
    }) : () -> ()
    %barrier3A = arith.constant 0 : index
    tpu.barrier barrier_id(%barrier3A)
    %iota3A = tpu.iota {dimensions = array<i32: 0>} : vector<16xi32>
    %scan3A = arith.constant 0 : i32
    %scan3A_3 = arith.constant 0 : i32
    %scan3A_4 = arith.constant 125 : i32
    %scan3A_5 = arith.addi %scan3A_3, %scan3A_4 : i32
    %scan3A_6 = arith.constant 1 : i32
    %scan3A_7 = scf.for %scan3A_15 = %scan3A_3 to %scan3A_5 step %scan3A_6 iter_args(%scan3A_16 = %scan3A) -> (i32)  : i32 {
      %mul3A_17 = arith.constant 10000 : i32
      %mul3A_18 = arith.muli %add3A, %mul3A_17 : i32
      %mul3A_19 = arith.constant 80 : i32
      %mul3A_20 = arith.muli %scan3A_15, %mul3A_19 : i32
      %add3A_21 = arith.addi %mul3A_18, %mul3A_20 : i32
      "tpu.region"() ({
        %run_scoped3A = tpu.sem_alloc : memref<!tpu.dma_semaphore, #tpu.memory_space<semaphore_mem>>
        %dma_start3A = tpu.memref_slice %arg8[%add3A_21] : memref<320000xi32, #tpu.memory_space<hbm>> -> memref<80xi32, #tpu.memory_space<hbm>>
        %dma_start3A_135 = tpu.memref_slice %arg8[%add3A_21] : memref<320000xi32, #tpu.memory_space<hbm>> -> memref<80xi32, #tpu.memory_space<hbm>>
        tpu.enqueue_dma source(%dma_start3A_135 : memref<80xi32, #tpu.memory_space<hbm>>) target(%arg21 : memref<80xi32, #tpu.memory_space<vmem>>) target_semaphore(%run_scoped3A : memref<!tpu.dma_semaphore, #tpu.memory_space<semaphore_mem>>)
        %dma_wait3A = tpu.memref_slice %arg8[%add3A_21] : memref<320000xi32, #tpu.memory_space<hbm>> -> memref<80xi32, #tpu.memory_space<hbm>>
        %dma_wait3A_136 = tpu.memref_slice %arg8[%add3A_21] : memref<320000xi32, #tpu.memory_space<hbm>> -> memref<80xi32, #tpu.memory_space<hbm>>
        tpu.wait_dma2 semaphore(%run_scoped3A : memref<!tpu.dma_semaphore, #tpu.memory_space<semaphore_mem>>) src(%dma_wait3A_136 : memref<80xi32, #tpu.memory_space<hbm>>) dst(%arg21 : memref<80xi32, #tpu.memory_space<vmem>>)
        tpu.yield
      }) : () -> ()
      "tpu.region"() ({
        %run_scoped3A = tpu.sem_alloc : memref<!tpu.dma_semaphore, #tpu.memory_space<semaphore_mem>>
        %dma_start3A = tpu.memref_slice %arg9[%add3A_21] : memref<320000xi32, #tpu.memory_space<hbm>> -> memref<80xi32, #tpu.memory_space<hbm>>
        %dma_start3A_135 = tpu.memref_slice %arg9[%add3A_21] : memref<320000xi32, #tpu.memory_space<hbm>> -> memref<80xi32, #tpu.memory_space<hbm>>
        tpu.enqueue_dma source(%dma_start3A_135 : memref<80xi32, #tpu.memory_space<hbm>>) target(%arg22 : memref<80xi32, #tpu.memory_space<vmem>>) target_semaphore(%run_scoped3A : memref<!tpu.dma_semaphore, #tpu.memory_space<semaphore_mem>>)
        %dma_wait3A = tpu.memref_slice %arg9[%add3A_21] : memref<320000xi32, #tpu.memory_space<hbm>> -> memref<80xi32, #tpu.memory_space<hbm>>
        %dma_wait3A_136 = tpu.memref_slice %arg9[%add3A_21] : memref<320000xi32, #tpu.memory_space<hbm>> -> memref<80xi32, #tpu.memory_space<hbm>>
        tpu.wait_dma2 semaphore(%run_scoped3A : memref<!tpu.dma_semaphore, #tpu.memory_space<semaphore_mem>>) src(%dma_wait3A_136 : memref<80xi32, #tpu.memory_space<hbm>>) dst(%arg22 : memref<80xi32, #tpu.memory_space<vmem>>)
        tpu.yield
      }) : () -> ()
      "tpu.region"() ({
        %run_scoped3A = tpu.sem_alloc : memref<!tpu.dma_semaphore, #tpu.memory_space<semaphore_mem>>
        %dma_start3A = arith.constant 0 : i32
        %dma_start3A_135 = arith.constant 0 : i32
        %dma_start3A_136 = tpu.memref_slice %arg2[%dma_start3A, %dma_start3A_135] : memref<10240x128xf32, #tpu.memory_space<hbm>> -> memref<10240x128xf32, #tpu.memory_space<hbm>>
        tpu.enqueue_indirect_dma source(%dma_start3A_136 : memref<10240x128xf32, #tpu.memory_space<hbm>>) target(%arg23 : memref<80x128xf32, #tpu.memory_space<vmem>>) offsets(%arg21 : memref<80xi32, #tpu.memory_space<vmem>>) semaphore(%run_scoped3A : memref<!tpu.dma_semaphore, #tpu.memory_space<semaphore_mem>>)
        %dma_wait3A = arith.constant 0 : i32
        %dma_wait3A_137 = arith.constant 0 : i32
        %dma_wait3A_138 = tpu.memref_slice %arg2[%dma_wait3A, %dma_wait3A_137] : memref<10240x128xf32, #tpu.memory_space<hbm>> -> memref<10240x128xf32, #tpu.memory_space<hbm>>
        tpu.wait_indirect_dma semaphore(%run_scoped3A : memref<!tpu.dma_semaphore, #tpu.memory_space<semaphore_mem>>) src(%dma_wait3A_138 : memref<10240x128xf32, #tpu.memory_space<hbm>>) dst(%arg23 : memref<80x128xf32, #tpu.memory_space<vmem>>)
        tpu.yield
      }) : () -> ()
      "tpu.region"() ({
        %run_scoped3A = tpu.sem_alloc : memref<!tpu.dma_semaphore, #tpu.memory_space<semaphore_mem>>
        %dma_start3A = arith.constant 0 : i32
        %dma_start3A_135 = arith.constant 0 : i32
        %dma_start3A_136 = tpu.memref_slice %arg3[%dma_start3A, %dma_start3A_135] : memref<10240x128xf32, #tpu.memory_space<hbm>> -> memref<10240x128xf32, #tpu.memory_space<hbm>>
        tpu.enqueue_indirect_dma source(%dma_start3A_136 : memref<10240x128xf32, #tpu.memory_space<hbm>>) target(%arg24 : memref<80x128xf32, #tpu.memory_space<vmem>>) offsets(%arg22 : memref<80xi32, #tpu.memory_space<vmem>>) semaphore(%run_scoped3A : memref<!tpu.dma_semaphore, #tpu.memory_space<semaphore_mem>>)
        %dma_wait3A = arith.constant 0 : i32
        %dma_wait3A_137 = arith.constant 0 : i32
        %dma_wait3A_138 = tpu.memref_slice %arg3[%dma_wait3A, %dma_wait3A_137] : memref<10240x128xf32, #tpu.memory_space<hbm>> -> memref<10240x128xf32, #tpu.memory_space<hbm>>
        tpu.wait_indirect_dma semaphore(%run_scoped3A : memref<!tpu.dma_semaphore, #tpu.memory_space<semaphore_mem>>) src(%dma_wait3A_138 : memref<10240x128xf32, #tpu.memory_space<hbm>>) dst(%arg24 : memref<80x128xf32, #tpu.memory_space<vmem>>)
        tpu.yield
      }) : () -> ()
      "tpu.region"() ({
        %run_scoped3A = tpu.sem_alloc : memref<!tpu.dma_semaphore, #tpu.memory_space<semaphore_mem>>
        %dma_start3A = arith.constant 0 : i32
        %dma_start3A_135 = tpu.memref_slice %arg4[%add3A_21, %dma_start3A] : memref<320000x128xf32, #tpu.memory_space<hbm>> -> memref<80x128xf32, #tpu.memory_space<hbm>>
        %dma_start3A_136 = arith.constant 0 : i32
        %dma_start3A_137 = tpu.memref_slice %arg4[%add3A_21, %dma_start3A_136] : memref<320000x128xf32, #tpu.memory_space<hbm>> -> memref<80x128xf32, #tpu.memory_space<hbm>>
        tpu.enqueue_dma source(%dma_start3A_137 : memref<80x128xf32, #tpu.memory_space<hbm>>) target(%arg25 : memref<80x128xf32, #tpu.memory_space<vmem>>) target_semaphore(%run_scoped3A : memref<!tpu.dma_semaphore, #tpu.memory_space<semaphore_mem>>)
        %dma_wait3A = arith.constant 0 : i32
        %dma_wait3A_138 = tpu.memref_slice %arg4[%add3A_21, %dma_wait3A] : memref<320000x128xf32, #tpu.memory_space<hbm>> -> memref<80x128xf32, #tpu.memory_space<hbm>>
        %dma_wait3A_139 = arith.constant 0 : i32
        %dma_wait3A_140 = tpu.memref_slice %arg4[%add3A_21, %dma_wait3A_139] : memref<320000x128xf32, #tpu.memory_space<hbm>> -> memref<80x128xf32, #tpu.memory_space<hbm>>
        tpu.wait_dma2 semaphore(%run_scoped3A : memref<!tpu.dma_semaphore, #tpu.memory_space<semaphore_mem>>) src(%dma_wait3A_140 : memref<80x128xf32, #tpu.memory_space<hbm>>) dst(%arg25 : memref<80x128xf32, #tpu.memory_space<vmem>>)
        tpu.yield
      }) : () -> ()
      "tpu.region"() ({
        %run_scoped3A = tpu.sem_alloc : memref<!tpu.dma_semaphore, #tpu.memory_space<semaphore_mem>>
        %dma_start3A = tpu.memref_slice %arg5[%add3A_21] : memref<320000xf32, #tpu.memory_space<hbm>> -> memref<80xf32, #tpu.memory_space<hbm>>
        %dma_start3A_135 = tpu.memref_slice %arg5[%add3A_21] : memref<320000xf32, #tpu.memory_space<hbm>> -> memref<80xf32, #tpu.memory_space<hbm>>
        tpu.enqueue_dma source(%dma_start3A_135 : memref<80xf32, #tpu.memory_space<hbm>>) target(%arg26 : memref<80xf32, #tpu.memory_space<vmem>>) target_semaphore(%run_scoped3A : memref<!tpu.dma_semaphore, #tpu.memory_space<semaphore_mem>>)
        %dma_wait3A = tpu.memref_slice %arg5[%add3A_21] : memref<320000xf32, #tpu.memory_space<hbm>> -> memref<80xf32, #tpu.memory_space<hbm>>
        %dma_wait3A_136 = tpu.memref_slice %arg5[%add3A_21] : memref<320000xf32, #tpu.memory_space<hbm>> -> memref<80xf32, #tpu.memory_space<hbm>>
        tpu.wait_dma2 semaphore(%run_scoped3A : memref<!tpu.dma_semaphore, #tpu.memory_space<semaphore_mem>>) src(%dma_wait3A_136 : memref<80xf32, #tpu.memory_space<hbm>>) dst(%arg26 : memref<80xf32, #tpu.memory_space<vmem>>)
        tpu.yield
      }) : () -> ()
      "tpu.region"() ({
        %run_scoped3A = tpu.sem_alloc : memref<!tpu.dma_semaphore, #tpu.memory_space<semaphore_mem>>
        %dma_start3A = tpu.memref_slice %arg6[%add3A_21] : memref<320000xf32, #tpu.memory_space<hbm>> -> memref<80xf32, #tpu.memory_space<hbm>>
        %dma_start3A_135 = tpu.memref_slice %arg6[%add3A_21] : memref<320000xf32, #tpu.memory_space<hbm>> -> memref<80xf32, #tpu.memory_space<hbm>>
        tpu.enqueue_dma source(%dma_start3A_135 : memref<80xf32, #tpu.memory_space<hbm>>) target(%arg27 : memref<80xf32, #tpu.memory_space<vmem>>) target_semaphore(%run_scoped3A : memref<!tpu.dma_semaphore, #tpu.memory_space<semaphore_mem>>)
        %dma_wait3A = tpu.memref_slice %arg6[%add3A_21] : memref<320000xf32, #tpu.memory_space<hbm>> -> memref<80xf32, #tpu.memory_space<hbm>>
        %dma_wait3A_136 = tpu.memref_slice %arg6[%add3A_21] : memref<320000xf32, #tpu.memory_space<hbm>> -> memref<80xf32, #tpu.memory_space<hbm>>
        tpu.wait_dma2 semaphore(%run_scoped3A : memref<!tpu.dma_semaphore, #tpu.memory_space<semaphore_mem>>) src(%dma_wait3A_136 : memref<80xf32, #tpu.memory_space<hbm>>) dst(%arg27 : memref<80xf32, #tpu.memory_space<vmem>>)
        tpu.yield
      }) : () -> ()
      "tpu.region"() ({
        %run_scoped3A = tpu.sem_alloc : memref<!tpu.dma_semaphore, #tpu.memory_space<semaphore_mem>>
        %dma_start3A = tpu.memref_slice %arg7[%add3A_21] : memref<320000xf32, #tpu.memory_space<hbm>> -> memref<80xf32, #tpu.memory_space<hbm>>
        %dma_start3A_135 = tpu.memref_slice %arg7[%add3A_21] : memref<320000xf32, #tpu.memory_space<hbm>> -> memref<80xf32, #tpu.memory_space<hbm>>
        tpu.enqueue_dma source(%dma_start3A_135 : memref<80xf32, #tpu.memory_space<hbm>>) target(%arg28 : memref<80xf32, #tpu.memory_space<vmem>>) target_semaphore(%run_scoped3A : memref<!tpu.dma_semaphore, #tpu.memory_space<semaphore_mem>>)
        %dma_wait3A = tpu.memref_slice %arg7[%add3A_21] : memref<320000xf32, #tpu.memory_space<hbm>> -> memref<80xf32, #tpu.memory_space<hbm>>
        %dma_wait3A_136 = tpu.memref_slice %arg7[%add3A_21] : memref<320000xf32, #tpu.memory_space<hbm>> -> memref<80xf32, #tpu.memory_space<hbm>>
        tpu.wait_dma2 semaphore(%run_scoped3A : memref<!tpu.dma_semaphore, #tpu.memory_space<semaphore_mem>>) src(%dma_wait3A_136 : memref<80xf32, #tpu.memory_space<hbm>>) dst(%arg28 : memref<80xf32, #tpu.memory_space<vmem>>)
        tpu.yield
      }) : () -> ()
      %broadcast_in_dim3A = arith.constant 0.000000e+00 : f32
      %broadcast_in_dim3A_22 = vector.broadcast %broadcast_in_dim3A : f32 to vector<16xf32>
      %scan3A_23 = arith.constant 0 : i32
      %scan3A_24 = arith.constant 16 : i32
      %scan3A_25 = arith.addi %scan3A_23, %scan3A_24 : i32
      %scan3A_26 = arith.constant 1 : i32
      %scan3A_27 = scf.for %scan3A_135 = %scan3A_23 to %scan3A_25 step %scan3A_26 iter_args(%scan3A_136 = %broadcast_in_dim3A_22) -> (vector<16xf32>)  : i32 {
        %add3A_137 = arith.constant 0 : i32
        %add3A_138 = arith.addi %add3A_137, %scan3A_135 : i32
        %broadcast_in_dim3A_139 = arith.constant 0.000000e+00 : f32
        %broadcast_in_dim3A_140 = vector.broadcast %broadcast_in_dim3A_139 : f32 to vector<16xf32>
        %get3A_141 = arith.index_cast %add3A_138 : i32 to index
        %get3A_142 = arith.constant 0 : index
        %get3A_143 = tpu.vector_load %arg23[%get3A_141, %get3A_142] {strides = array<i32>} : memref<80x128xf32, #tpu.memory_space<vmem>>, vector<16xf32>,
        %get3A_144 = arith.index_cast %add3A_138 : i32 to index
        %get3A_145 = arith.constant 0 : index
        %get3A_146 = tpu.vector_load %arg24[%get3A_144, %get3A_145] {strides = array<i32>} : memref<80x128xf32, #tpu.memory_space<vmem>>, vector<16xf32>,
        %add3A_147 = arith.addf %get3A_143, %get3A_146 : vector<16xf32>
        %get3A_148 = arith.index_cast %add3A_138 : i32 to index
        %get3A_149 = arith.constant 0 : index
        %get3A_150 = tpu.vector_load %arg25[%get3A_148, %get3A_149] {strides = array<i32>} : memref<80x128xf32, #tpu.memory_space<vmem>>, vector<16xf32>,
        %add3A_151 = arith.addf %add3A_147, %get3A_150 : vector<16xf32>
        %neg3A = arith.constant 0.000000e+00 : f32
        %neg3A_152 = vector.broadcast %neg3A : f32 to vector<16xf32>
        %neg3A_153 = arith.subf %neg3A_152, %add3A_151 : vector<16xf32>
        %exp3A = math.exp %neg3A_153 : vector<16xf32>
        %add3A_154 = arith.constant 1.000000e+00 : f32
        %add3A_155 = vector.broadcast %add3A_154 : f32 to vector<16xf32>
        %add3A_156 = arith.addf %add3A_155, %exp3A : vector<16xf32>
        %div3A = arith.divf %add3A_151, %add3A_156 : vector<16xf32>
        %swap3A_157 = arith.index_cast %add3A_138 : i32 to index
        %swap3A_158 = arith.constant 0 : index
        %swap3A_159 = tpu.vector_load %arg29[%swap3A_157, %swap3A_158] {strides = array<i32>} : memref<80x128xf32, #tpu.memory_space<vmem>>, vector<16xf32>,
        tpu.vector_store %arg29[%swap3A_157, %swap3A_158], %div3A {strides = array<i32>} : memref<80x128xf32, #tpu.memory_space<vmem>>, vector<16xf32>,
        %get3A_160 = arith.constant 0 : index
        %get3A_161 = tpu.vector_load %arg33[%get3A_160] {strides = array<i32>} : memref<128xf32, #tpu.memory_space<vmem>>, vector<16xf32>,
        %mul3A_162 = arith.mulf %div3A, %get3A_161 : vector<16xf32>
        %add3A_163 = arith.addf %broadcast_in_dim3A_140, %mul3A_162 : vector<16xf32>
        %get3A_164 = arith.index_cast %add3A_138 : i32 to index
        %get3A_165 = arith.constant 16 : index
        %get3A_166 = tpu.vector_load %arg23[%get3A_164, %get3A_165] {strides = array<i32>} : memref<80x128xf32, #tpu.memory_space<vmem>>, vector<16xf32>,
        %get3A_167 = arith.index_cast %add3A_138 : i32 to index
        %get3A_168 = arith.constant 16 : index
        %get3A_169 = tpu.vector_load %arg24[%get3A_167, %get3A_168] {strides = array<i32>} : memref<80x128xf32, #tpu.memory_space<vmem>>, vector<16xf32>,
        %add3A_170 = arith.addf %get3A_166, %get3A_169 : vector<16xf32>
        %get3A_171 = arith.index_cast %add3A_138 : i32 to index
        %get3A_172 = arith.constant 16 : index
        %get3A_173 = tpu.vector_load %arg25[%get3A_171, %get3A_172] {strides = array<i32>} : memref<80x128xf32, #tpu.memory_space<vmem>>, vector<16xf32>,
        %add3A_174 = arith.addf %add3A_170, %get3A_173 : vector<16xf32>
        %neg3A_175 = arith.constant 0.000000e+00 : f32
        %neg3A_176 = vector.broadcast %neg3A_175 : f32 to vector<16xf32>
        %neg3A_177 = arith.subf %neg3A_176, %add3A_174 : vector<16xf32>
        %exp3A_178 = math.exp %neg3A_177 : vector<16xf32>
        %add3A_179 = arith.constant 1.000000e+00 : f32
        %add3A_180 = vector.broadcast %add3A_179 : f32 to vector<16xf32>
        %add3A_181 = arith.addf %add3A_180, %exp3A_178 : vector<16xf32>
        %div3A_182 = arith.divf %add3A_174, %add3A_181 : vector<16xf32>
        %swap3A_183 = arith.index_cast %add3A_138 : i32 to index
        %swap3A_184 = arith.constant 16 : index
        %swap3A_185 = tpu.vector_load %arg29[%swap3A_183, %swap3A_184] {strides = array<i32>} : memref<80x128xf32, #tpu.memory_space<vmem>>, vector<16xf32>,
        tpu.vector_store %arg29[%swap3A_183, %swap3A_184], %div3A_182 {strides = array<i32>} : memref<80x128xf32, #tpu.memory_space<vmem>>, vector<16xf32>,
        %get3A_186 = arith.constant 16 : index
        %get3A_187 = tpu.vector_load %arg33[%get3A_186] {strides = array<i32>} : memref<128xf32, #tpu.memory_space<vmem>>, vector<16xf32>,
        %mul3A_188 = arith.mulf %div3A_182, %get3A_187 : vector<16xf32>
        %add3A_189 = arith.addf %add3A_163, %mul3A_188 : vector<16xf32>
        %get3A_190 = arith.index_cast %add3A_138 : i32 to index
        %get3A_191 = arith.constant 32 : index
        %get3A_192 = tpu.vector_load %arg23[%get3A_190, %get3A_191] {strides = array<i32>} : memref<80x128xf32, #tpu.memory_space<vmem>>, vector<16xf32>,
        %get3A_193 = arith.index_cast %add3A_138 : i32 to index
        %get3A_194 = arith.constant 32 : index
        %get3A_195 = tpu.vector_load %arg24[%get3A_193, %get3A_194] {strides = array<i32>} : memref<80x128xf32, #tpu.memory_space<vmem>>, vector<16xf32>,
        %add3A_196 = arith.addf %get3A_192, %get3A_195 : vector<16xf32>
        %get3A_197 = arith.index_cast %add3A_138 : i32 to index
        %get3A_198 = arith.constant 32 : index
        %get3A_199 = tpu.vector_load %arg25[%get3A_197, %get3A_198] {strides = array<i32>} : memref<80x128xf32, #tpu.memory_space<vmem>>, vector<16xf32>,
        %add3A_200 = arith.addf %add3A_196, %get3A_199 : vector<16xf32>
        %neg3A_201 = arith.constant 0.000000e+00 : f32
        %neg3A_202 = vector.broadcast %neg3A_201 : f32 to vector<16xf32>
        %neg3A_203 = arith.subf %neg3A_202, %add3A_200 : vector<16xf32>
        %exp3A_204 = math.exp %neg3A_203 : vector<16xf32>
        %add3A_205 = arith.constant 1.000000e+00 : f32
        %add3A_206 = vector.broadcast %add3A_205 : f32 to vector<16xf32>
        %add3A_207 = arith.addf %add3A_206, %exp3A_204 : vector<16xf32>
        %div3A_208 = arith.divf %add3A_200, %add3A_207 : vector<16xf32>
        %swap3A_209 = arith.index_cast %add3A_138 : i32 to index
        %swap3A_210 = arith.constant 32 : index
        %swap3A_211 = tpu.vector_load %arg29[%swap3A_209, %swap3A_210] {strides = array<i32>} : memref<80x128xf32, #tpu.memory_space<vmem>>, vector<16xf32>,
        tpu.vector_store %arg29[%swap3A_209, %swap3A_210], %div3A_208 {strides = array<i32>} : memref<80x128xf32, #tpu.memory_space<vmem>>, vector<16xf32>,
        %get3A_212 = arith.constant 32 : index
        %get3A_213 = tpu.vector_load %arg33[%get3A_212] {strides = array<i32>} : memref<128xf32, #tpu.memory_space<vmem>>, vector<16xf32>,
        %mul3A_214 = arith.mulf %div3A_208, %get3A_213 : vector<16xf32>
        %add3A_215 = arith.addf %add3A_189, %mul3A_214 : vector<16xf32>
        %get3A_216 = arith.index_cast %add3A_138 : i32 to index
        %get3A_217 = arith.constant 48 : index
        %get3A_218 = tpu.vector_load %arg23[%get3A_216, %get3A_217] {strides = array<i32>} : memref<80x128xf32, #tpu.memory_space<vmem>>, vector<16xf32>,
        %get3A_219 = arith.index_cast %add3A_138 : i32 to index
        %get3A_220 = arith.constant 48 : index
        %get3A_221 = tpu.vector_load %arg24[%get3A_219, %get3A_220] {strides = array<i32>} : memref<80x128xf32, #tpu.memory_space<vmem>>, vector<16xf32>,
        %add3A_222 = arith.addf %get3A_218, %get3A_221 : vector<16xf32>
        %get3A_223 = arith.index_cast %add3A_138 : i32 to index
        %get3A_224 = arith.constant 48 : index
        %get3A_225 = tpu.vector_load %arg25[%get3A_223, %get3A_224] {strides = array<i32>} : memref<80x128xf32, #tpu.memory_space<vmem>>, vector<16xf32>,
        %add3A_226 = arith.addf %add3A_222, %get3A_225 : vector<16xf32>
        %neg3A_227 = arith.constant 0.000000e+00 : f32
        %neg3A_228 = vector.broadcast %neg3A_227 : f32 to vector<16xf32>
        %neg3A_229 = arith.subf %neg3A_228, %add3A_226 : vector<16xf32>
        %exp3A_230 = math.exp %neg3A_229 : vector<16xf32>
        %add3A_231 = arith.constant 1.000000e+00 : f32
        %add3A_232 = vector.broadcast %add3A_231 : f32 to vector<16xf32>
        %add3A_233 = arith.addf %add3A_232, %exp3A_230 : vector<16xf32>
        %div3A_234 = arith.divf %add3A_226, %add3A_233 : vector<16xf32>
        %swap3A_235 = arith.index_cast %add3A_138 : i32 to index
        %swap3A_236 = arith.constant 48 : index
        %swap3A_237 = tpu.vector_load %arg29[%swap3A_235, %swap3A_236] {strides = array<i32>} : memref<80x128xf32, #tpu.memory_space<vmem>>, vector<16xf32>,
        tpu.vector_store %arg29[%swap3A_235, %swap3A_236], %div3A_234 {strides = array<i32>} : memref<80x128xf32, #tpu.memory_space<vmem>>, vector<16xf32>,
        %get3A_238 = arith.constant 48 : index
        %get3A_239 = tpu.vector_load %arg33[%get3A_238] {strides = array<i32>} : memref<128xf32, #tpu.memory_space<vmem>>, vector<16xf32>,
        %mul3A_240 = arith.mulf %div3A_234, %get3A_239 : vector<16xf32>
        %add3A_241 = arith.addf %add3A_215, %mul3A_240 : vector<16xf32>
        %get3A_242 = arith.index_cast %add3A_138 : i32 to index
        %get3A_243 = arith.constant 64 : index
        %get3A_244 = tpu.vector_load %arg23[%get3A_242, %get3A_243] {strides = array<i32>} : memref<80x128xf32, #tpu.memory_space<vmem>>, vector<16xf32>,
        %get3A_245 = arith.index_cast %add3A_138 : i32 to index
        %get3A_246 = arith.constant 64 : index
        %get3A_247 = tpu.vector_load %arg24[%get3A_245, %get3A_246] {strides = array<i32>} : memref<80x128xf32, #tpu.memory_space<vmem>>, vector<16xf32>,
        %add3A_248 = arith.addf %get3A_244, %get3A_247 : vector<16xf32>
        %get3A_249 = arith.index_cast %add3A_138 : i32 to index
        %get3A_250 = arith.constant 64 : index
        %get3A_251 = tpu.vector_load %arg25[%get3A_249, %get3A_250] {strides = array<i32>} : memref<80x128xf32, #tpu.memory_space<vmem>>, vector<16xf32>,
        %add3A_252 = arith.addf %add3A_248, %get3A_251 : vector<16xf32>
        %neg3A_253 = arith.constant 0.000000e+00 : f32
        %neg3A_254 = vector.broadcast %neg3A_253 : f32 to vector<16xf32>
        %neg3A_255 = arith.subf %neg3A_254, %add3A_252 : vector<16xf32>
        %exp3A_256 = math.exp %neg3A_255 : vector<16xf32>
        %add3A_257 = arith.constant 1.000000e+00 : f32
        %add3A_258 = vector.broadcast %add3A_257 : f32 to vector<16xf32>
        %add3A_259 = arith.addf %add3A_258, %exp3A_256 : vector<16xf32>
        %div3A_260 = arith.divf %add3A_252, %add3A_259 : vector<16xf32>
        %swap3A_261 = arith.index_cast %add3A_138 : i32 to index
        %swap3A_262 = arith.constant 64 : index
        %swap3A_263 = tpu.vector_load %arg29[%swap3A_261, %swap3A_262] {strides = array<i32>} : memref<80x128xf32, #tpu.memory_space<vmem>>, vector<16xf32>,
        tpu.vector_store %arg29[%swap3A_261, %swap3A_262], %div3A_260 {strides = array<i32>} : memref<80x128xf32, #tpu.memory_space<vmem>>, vector<16xf32>,
        %get3A_264 = arith.constant 64 : index
        %get3A_265 = tpu.vector_load %arg33[%get3A_264] {strides = array<i32>} : memref<128xf32, #tpu.memory_space<vmem>>, vector<16xf32>,
        %mul3A_266 = arith.mulf %div3A_260, %get3A_265 : vector<16xf32>
        %add3A_267 = arith.addf %add3A_241, %mul3A_266 : vector<16xf32>
        %get3A_268 = arith.index_cast %add3A_138 : i32 to index
        %get3A_269 = arith.constant 80 : index
        %get3A_270 = tpu.vector_load %arg23[%get3A_268, %get3A_269] {strides = array<i32>} : memref<80x128xf32, #tpu.memory_space<vmem>>, vector<16xf32>,
        %get3A_271 = arith.index_cast %add3A_138 : i32 to index
        %get3A_272 = arith.constant 80 : index
        %get3A_273 = tpu.vector_load %arg24[%get3A_271, %get3A_272] {strides = array<i32>} : memref<80x128xf32, #tpu.memory_space<vmem>>, vector<16xf32>,
        %add3A_274 = arith.addf %get3A_270, %get3A_273 : vector<16xf32>
        %get3A_275 = arith.index_cast %add3A_138 : i32 to index
        %get3A_276 = arith.constant 80 : index
        %get3A_277 = tpu.vector_load %arg25[%get3A_275, %get3A_276] {strides = array<i32>} : memref<80x128xf32, #tpu.memory_space<vmem>>, vector<16xf32>,
        %add3A_278 = arith.addf %add3A_274, %get3A_277 : vector<16xf32>
        %neg3A_279 = arith.constant 0.000000e+00 : f32
        %neg3A_280 = vector.broadcast %neg3A_279 : f32 to vector<16xf32>
        %neg3A_281 = arith.subf %neg3A_280, %add3A_278 : vector<16xf32>
        %exp3A_282 = math.exp %neg3A_281 : vector<16xf32>
        %add3A_283 = arith.constant 1.000000e+00 : f32
        %add3A_284 = vector.broadcast %add3A_283 : f32 to vector<16xf32>
        %add3A_285 = arith.addf %add3A_284, %exp3A_282 : vector<16xf32>
        %div3A_286 = arith.divf %add3A_278, %add3A_285 : vector<16xf32>
        %swap3A_287 = arith.index_cast %add3A_138 : i32 to index
        %swap3A_288 = arith.constant 80 : index
        %swap3A_289 = tpu.vector_load %arg29[%swap3A_287, %swap3A_288] {strides = array<i32>} : memref<80x128xf32, #tpu.memory_space<vmem>>, vector<16xf32>,
        tpu.vector_store %arg29[%swap3A_287, %swap3A_288], %div3A_286 {strides = array<i32>} : memref<80x128xf32, #tpu.memory_space<vmem>>, vector<16xf32>,
        %get3A_290 = arith.constant 80 : index
        %get3A_291 = tpu.vector_load %arg33[%get3A_290] {strides = array<i32>} : memref<128xf32, #tpu.memory_space<vmem>>, vector<16xf32>,
        %mul3A_292 = arith.mulf %div3A_286, %get3A_291 : vector<16xf32>
        %add3A_293 = arith.addf %add3A_267, %mul3A_292 : vector<16xf32>
        %get3A_294 = arith.index_cast %add3A_138 : i32 to index
        %get3A_295 = arith.constant 96 : index
        %get3A_296 = tpu.vector_load %arg23[%get3A_294, %get3A_295] {strides = array<i32>} : memref<80x128xf32, #tpu.memory_space<vmem>>, vector<16xf32>,
        %get3A_297 = arith.index_cast %add3A_138 : i32 to index
        %get3A_298 = arith.constant 96 : index
        %get3A_299 = tpu.vector_load %arg24[%get3A_297, %get3A_298] {strides = array<i32>} : memref<80x128xf32, #tpu.memory_space<vmem>>, vector<16xf32>,
        %add3A_300 = arith.addf %get3A_296, %get3A_299 : vector<16xf32>
        %get3A_301 = arith.index_cast %add3A_138 : i32 to index
        %get3A_302 = arith.constant 96 : index
        %get3A_303 = tpu.vector_load %arg25[%get3A_301, %get3A_302] {strides = array<i32>} : memref<80x128xf32, #tpu.memory_space<vmem>>, vector<16xf32>,
        %add3A_304 = arith.addf %add3A_300, %get3A_303 : vector<16xf32>
        %neg3A_305 = arith.constant 0.000000e+00 : f32
        %neg3A_306 = vector.broadcast %neg3A_305 : f32 to vector<16xf32>
        %neg3A_307 = arith.subf %neg3A_306, %add3A_304 : vector<16xf32>
        %exp3A_308 = math.exp %neg3A_307 : vector<16xf32>
        %add3A_309 = arith.constant 1.000000e+00 : f32
        %add3A_310 = vector.broadcast %add3A_309 : f32 to vector<16xf32>
        %add3A_311 = arith.addf %add3A_310, %exp3A_308 : vector<16xf32>
        %div3A_312 = arith.divf %add3A_304, %add3A_311 : vector<16xf32>
        %swap3A_313 = arith.index_cast %add3A_138 : i32 to index
        %swap3A_314 = arith.constant 96 : index
        %swap3A_315 = tpu.vector_load %arg29[%swap3A_313, %swap3A_314] {strides = array<i32>} : memref<80x128xf32, #tpu.memory_space<vmem>>, vector<16xf32>,
        tpu.vector_store %arg29[%swap3A_313, %swap3A_314], %div3A_312 {strides = array<i32>} : memref<80x128xf32, #tpu.memory_space<vmem>>, vector<16xf32>,
        %get3A_316 = arith.constant 96 : index
        %get3A_317 = tpu.vector_load %arg33[%get3A_316] {strides = array<i32>} : memref<128xf32, #tpu.memory_space<vmem>>, vector<16xf32>,
        %mul3A_318 = arith.mulf %div3A_312, %get3A_317 : vector<16xf32>
        %add3A_319 = arith.addf %add3A_293, %mul3A_318 : vector<16xf32>
        %get3A_320 = arith.index_cast %add3A_138 : i32 to index
        %get3A_321 = arith.constant 112 : index
        %get3A_322 = tpu.vector_load %arg23[%get3A_320, %get3A_321] {strides = array<i32>} : memref<80x128xf32, #tpu.memory_space<vmem>>, vector<16xf32>,
        %get3A_323 = arith.index_cast %add3A_138 : i32 to index
        %get3A_324 = arith.constant 112 : index
        %get3A_325 = tpu.vector_load %arg24[%get3A_323, %get3A_324] {strides = array<i32>} : memref<80x128xf32, #tpu.memory_space<vmem>>, vector<16xf32>,
        %add3A_326 = arith.addf %get3A_322, %get3A_325 : vector<16xf32>
        %get3A_327 = arith.index_cast %add3A_138 : i32 to index
        %get3A_328 = arith.constant 112 : index
        %get3A_329 = tpu.vector_load %arg25[%get3A_327, %get3A_328] {strides = array<i32>} : memref<80x128xf32, #tpu.memory_space<vmem>>, vector<16xf32>,
        %add3A_330 = arith.addf %add3A_326, %get3A_329 : vector<16xf32>
        %neg3A_331 = arith.constant 0.000000e+00 : f32
        %neg3A_332 = vector.broadcast %neg3A_331 : f32 to vector<16xf32>
        %neg3A_333 = arith.subf %neg3A_332, %add3A_330 : vector<16xf32>
        %exp3A_334 = math.exp %neg3A_333 : vector<16xf32>
        %add3A_335 = arith.constant 1.000000e+00 : f32
        %add3A_336 = vector.broadcast %add3A_335 : f32 to vector<16xf32>
        %add3A_337 = arith.addf %add3A_336, %exp3A_334 : vector<16xf32>
        %div3A_338 = arith.divf %add3A_330, %add3A_337 : vector<16xf32>
        %swap3A_339 = arith.index_cast %add3A_138 : i32 to index
        %swap3A_340 = arith.constant 112 : index
        %swap3A_341 = tpu.vector_load %arg29[%swap3A_339, %swap3A_340] {strides = array<i32>} : memref<80x128xf32, #tpu.memory_space<vmem>>, vector<16xf32>,
        tpu.vector_store %arg29[%swap3A_339, %swap3A_340], %div3A_338 {strides = array<i32>} : memref<80x128xf32, #tpu.memory_space<vmem>>, vector<16xf32>,
        %get3A_342 = arith.constant 112 : index
        %get3A_343 = tpu.vector_load %arg33[%get3A_342] {strides = array<i32>} : memref<128xf32, #tpu.memory_space<vmem>>, vector<16xf32>,
        %mul3A_344 = arith.mulf %div3A_338, %get3A_343 : vector<16xf32>
        %add3A_345 = arith.addf %add3A_319, %mul3A_344 : vector<16xf32>
        %reduce_sum3A = arith.constant true
        %reduce_sum3A_346 = vector.broadcast %reduce_sum3A : i1 to vector<16xi1>
        %reduce_sum3A_347 = tpu.scan <sum>, %add3A_345 masked %reduce_sum3A_346 : vector<16xf32>, vector<16xi1> -> vector<16xf32>
        %reduce_sum3A_348 = vector.extract %reduce_sum3A_347[15] : f32 from vector<16xf32>
        %eq3A_349 = vector.broadcast %scan3A_135 : i32 to vector<16xi32>
        %eq3A_350 = arith.cmpi eq, %iota3A, %eq3A_349 : vector<16xi32>
        %broadcast_in_dim3A_351 = vector.broadcast %reduce_sum3A_348 : f32 to vector<16xf32>
        %select_n3A = arith.select %eq3A_350, %broadcast_in_dim3A_351, %scan3A_136 : vector<16xi1>, vector<16xf32>
        scf.yield %select_n3A : vector<16xf32>
      }
      %scan3A_28 = arith.constant 16 : i32
      %get3A = arith.constant 0 : index
      %get3A_29 = tpu.vector_load %arg26[%get3A] {strides = array<i32>} : memref<80xf32, #tpu.memory_space<vmem>>, vector<16xf32>,
      %mul3A_30 = arith.mulf %scan3A_27, %get3A_29 : vector<16xf32>
      %swap3A = arith.constant 0 : index
      %swap3A_31 = tpu.vector_load %arg30[%swap3A] {strides = array<i32>} : memref<80xf32, #tpu.memory_space<vmem>>, vector<16xf32>,
      tpu.vector_store %arg30[%swap3A], %mul3A_30 {strides = array<i32>} : memref<80xf32, #tpu.memory_space<vmem>>, vector<16xf32>,
      %get3A_32 = arith.constant 0 : index
      %get3A_33 = tpu.vector_load %arg27[%get3A_32] {strides = array<i32>} : memref<80xf32, #tpu.memory_space<vmem>>, vector<16xf32>,
      %mul3A_34 = arith.mulf %scan3A_27, %get3A_33 : vector<16xf32>
      %swap3A_35 = arith.constant 0 : index
      %swap3A_36 = tpu.vector_load %arg31[%swap3A_35] {strides = array<i32>} : memref<80xf32, #tpu.memory_space<vmem>>, vector<16xf32>,
      tpu.vector_store %arg31[%swap3A_35], %mul3A_34 {strides = array<i32>} : memref<80xf32, #tpu.memory_space<vmem>>, vector<16xf32>,
      %get3A_37 = arith.constant 0 : index
      %get3A_38 = tpu.vector_load %arg28[%get3A_37] {strides = array<i32>} : memref<80xf32, #tpu.memory_space<vmem>>, vector<16xf32>,
      %mul3A_39 = arith.mulf %scan3A_27, %get3A_38 : vector<16xf32>
      %swap3A_40 = arith.constant 0 : index
      %swap3A_41 = tpu.vector_load %arg32[%swap3A_40] {strides = array<i32>} : memref<80xf32, #tpu.memory_space<vmem>>, vector<16xf32>,
      tpu.vector_store %arg32[%swap3A_40], %mul3A_39 {strides = array<i32>} : memref<80xf32, #tpu.memory_space<vmem>>, vector<16xf32>,
      %broadcast_in_dim3A_42 = arith.constant 0.000000e+00 : f32
      %broadcast_in_dim3A_43 = vector.broadcast %broadcast_in_dim3A_42 : f32 to vector<16xf32>
      %scan3A_44 = arith.constant 0 : i32
      %scan3A_45 = arith.constant 16 : i32
      %scan3A_46 = arith.addi %scan3A_44, %scan3A_45 : i32
      %scan3A_47 = arith.constant 1 : i32
      %scan3A_48 = scf.for %scan3A_135 = %scan3A_44 to %scan3A_46 step %scan3A_47 iter_args(%scan3A_136 = %broadcast_in_dim3A_43) -> (vector<16xf32>)  : i32 {
        %add3A_137 = arith.constant 16 : i32
        %add3A_138 = arith.addi %add3A_137, %scan3A_135 : i32
        %broadcast_in_dim3A_139 = arith.constant 0.000000e+00 : f32
        %broadcast_in_dim3A_140 = vector.broadcast %broadcast_in_dim3A_139 : f32 to vector<16xf32>
        %get3A_141 = arith.index_cast %add3A_138 : i32 to index
        %get3A_142 = arith.constant 0 : index
        %get3A_143 = tpu.vector_load %arg23[%get3A_141, %get3A_142] {strides = array<i32>} : memref<80x128xf32, #tpu.memory_space<vmem>>, vector<16xf32>,
        %get3A_144 = arith.index_cast %add3A_138 : i32 to index
        %get3A_145 = arith.constant 0 : index
        %get3A_146 = tpu.vector_load %arg24[%get3A_144, %get3A_145] {strides = array<i32>} : memref<80x128xf32, #tpu.memory_space<vmem>>, vector<16xf32>,
        %add3A_147 = arith.addf %get3A_143, %get3A_146 : vector<16xf32>
        %get3A_148 = arith.index_cast %add3A_138 : i32 to index
        %get3A_149 = arith.constant 0 : index
        %get3A_150 = tpu.vector_load %arg25[%get3A_148, %get3A_149] {strides = array<i32>} : memref<80x128xf32, #tpu.memory_space<vmem>>, vector<16xf32>,
        %add3A_151 = arith.addf %add3A_147, %get3A_150 : vector<16xf32>
        %neg3A = arith.constant 0.000000e+00 : f32
        %neg3A_152 = vector.broadcast %neg3A : f32 to vector<16xf32>
        %neg3A_153 = arith.subf %neg3A_152, %add3A_151 : vector<16xf32>
        %exp3A = math.exp %neg3A_153 : vector<16xf32>
        %add3A_154 = arith.constant 1.000000e+00 : f32
        %add3A_155 = vector.broadcast %add3A_154 : f32 to vector<16xf32>
        %add3A_156 = arith.addf %add3A_155, %exp3A : vector<16xf32>
        %div3A = arith.divf %add3A_151, %add3A_156 : vector<16xf32>
        %swap3A_157 = arith.index_cast %add3A_138 : i32 to index
        %swap3A_158 = arith.constant 0 : index
        %swap3A_159 = tpu.vector_load %arg29[%swap3A_157, %swap3A_158] {strides = array<i32>} : memref<80x128xf32, #tpu.memory_space<vmem>>, vector<16xf32>,
        tpu.vector_store %arg29[%swap3A_157, %swap3A_158], %div3A {strides = array<i32>} : memref<80x128xf32, #tpu.memory_space<vmem>>, vector<16xf32>,
        %get3A_160 = arith.constant 0 : index
        %get3A_161 = tpu.vector_load %arg33[%get3A_160] {strides = array<i32>} : memref<128xf32, #tpu.memory_space<vmem>>, vector<16xf32>,
        %mul3A_162 = arith.mulf %div3A, %get3A_161 : vector<16xf32>
        %add3A_163 = arith.addf %broadcast_in_dim3A_140, %mul3A_162 : vector<16xf32>
        %get3A_164 = arith.index_cast %add3A_138 : i32 to index
        %get3A_165 = arith.constant 16 : index
        %get3A_166 = tpu.vector_load %arg23[%get3A_164, %get3A_165] {strides = array<i32>} : memref<80x128xf32, #tpu.memory_space<vmem>>, vector<16xf32>,
        %get3A_167 = arith.index_cast %add3A_138 : i32 to index
        %get3A_168 = arith.constant 16 : index
        %get3A_169 = tpu.vector_load %arg24[%get3A_167, %get3A_168] {strides = array<i32>} : memref<80x128xf32, #tpu.memory_space<vmem>>, vector<16xf32>,
        %add3A_170 = arith.addf %get3A_166, %get3A_169 : vector<16xf32>
        %get3A_171 = arith.index_cast %add3A_138 : i32 to index
        %get3A_172 = arith.constant 16 : index
        %get3A_173 = tpu.vector_load %arg25[%get3A_171, %get3A_172] {strides = array<i32>} : memref<80x128xf32, #tpu.memory_space<vmem>>, vector<16xf32>,
        %add3A_174 = arith.addf %add3A_170, %get3A_173 : vector<16xf32>
        %neg3A_175 = arith.constant 0.000000e+00 : f32
        %neg3A_176 = vector.broadcast %neg3A_175 : f32 to vector<16xf32>
        %neg3A_177 = arith.subf %neg3A_176, %add3A_174 : vector<16xf32>
        %exp3A_178 = math.exp %neg3A_177 : vector<16xf32>
        %add3A_179 = arith.constant 1.000000e+00 : f32
        %add3A_180 = vector.broadcast %add3A_179 : f32 to vector<16xf32>
        %add3A_181 = arith.addf %add3A_180, %exp3A_178 : vector<16xf32>
        %div3A_182 = arith.divf %add3A_174, %add3A_181 : vector<16xf32>
        %swap3A_183 = arith.index_cast %add3A_138 : i32 to index
        %swap3A_184 = arith.constant 16 : index
        %swap3A_185 = tpu.vector_load %arg29[%swap3A_183, %swap3A_184] {strides = array<i32>} : memref<80x128xf32, #tpu.memory_space<vmem>>, vector<16xf32>,
        tpu.vector_store %arg29[%swap3A_183, %swap3A_184], %div3A_182 {strides = array<i32>} : memref<80x128xf32, #tpu.memory_space<vmem>>, vector<16xf32>,
        %get3A_186 = arith.constant 16 : index
        %get3A_187 = tpu.vector_load %arg33[%get3A_186] {strides = array<i32>} : memref<128xf32, #tpu.memory_space<vmem>>, vector<16xf32>,
        %mul3A_188 = arith.mulf %div3A_182, %get3A_187 : vector<16xf32>
        %add3A_189 = arith.addf %add3A_163, %mul3A_188 : vector<16xf32>
        %get3A_190 = arith.index_cast %add3A_138 : i32 to index
        %get3A_191 = arith.constant 32 : index
        %get3A_192 = tpu.vector_load %arg23[%get3A_190, %get3A_191] {strides = array<i32>} : memref<80x128xf32, #tpu.memory_space<vmem>>, vector<16xf32>,
        %get3A_193 = arith.index_cast %add3A_138 : i32 to index
        %get3A_194 = arith.constant 32 : index
        %get3A_195 = tpu.vector_load %arg24[%get3A_193, %get3A_194] {strides = array<i32>} : memref<80x128xf32, #tpu.memory_space<vmem>>, vector<16xf32>,
        %add3A_196 = arith.addf %get3A_192, %get3A_195 : vector<16xf32>
        %get3A_197 = arith.index_cast %add3A_138 : i32 to index
        %get3A_198 = arith.constant 32 : index
        %get3A_199 = tpu.vector_load %arg25[%get3A_197, %get3A_198] {strides = array<i32>} : memref<80x128xf32, #tpu.memory_space<vmem>>, vector<16xf32>,
        %add3A_200 = arith.addf %add3A_196, %get3A_199 : vector<16xf32>
        %neg3A_201 = arith.constant 0.000000e+00 : f32
        %neg3A_202 = vector.broadcast %neg3A_201 : f32 to vector<16xf32>
        %neg3A_203 = arith.subf %neg3A_202, %add3A_200 : vector<16xf32>
        %exp3A_204 = math.exp %neg3A_203 : vector<16xf32>
        %add3A_205 = arith.constant 1.000000e+00 : f32
        %add3A_206 = vector.broadcast %add3A_205 : f32 to vector<16xf32>
        %add3A_207 = arith.addf %add3A_206, %exp3A_204 : vector<16xf32>
        %div3A_208 = arith.divf %add3A_200, %add3A_207 : vector<16xf32>
        %swap3A_209 = arith.index_cast %add3A_138 : i32 to index
        %swap3A_210 = arith.constant 32 : index
        %swap3A_211 = tpu.vector_load %arg29[%swap3A_209, %swap3A_210] {strides = array<i32>} : memref<80x128xf32, #tpu.memory_space<vmem>>, vector<16xf32>,
        tpu.vector_store %arg29[%swap3A_209, %swap3A_210], %div3A_208 {strides = array<i32>} : memref<80x128xf32, #tpu.memory_space<vmem>>, vector<16xf32>,
        %get3A_212 = arith.constant 32 : index
        %get3A_213 = tpu.vector_load %arg33[%get3A_212] {strides = array<i32>} : memref<128xf32, #tpu.memory_space<vmem>>, vector<16xf32>,
        %mul3A_214 = arith.mulf %div3A_208, %get3A_213 : vector<16xf32>
        %add3A_215 = arith.addf %add3A_189, %mul3A_214 : vector<16xf32>
        %get3A_216 = arith.index_cast %add3A_138 : i32 to index
        %get3A_217 = arith.constant 48 : index
        %get3A_218 = tpu.vector_load %arg23[%get3A_216, %get3A_217] {strides = array<i32>} : memref<80x128xf32, #tpu.memory_space<vmem>>, vector<16xf32>,
        %get3A_219 = arith.index_cast %add3A_138 : i32 to index
        %get3A_220 = arith.constant 48 : index
        %get3A_221 = tpu.vector_load %arg24[%get3A_219, %get3A_220] {strides = array<i32>} : memref<80x128xf32, #tpu.memory_space<vmem>>, vector<16xf32>,
        %add3A_222 = arith.addf %get3A_218, %get3A_221 : vector<16xf32>
        %get3A_223 = arith.index_cast %add3A_138 : i32 to index
        %get3A_224 = arith.constant 48 : index
        %get3A_225 = tpu.vector_load %arg25[%get3A_223, %get3A_224] {strides = array<i32>} : memref<80x128xf32, #tpu.memory_space<vmem>>, vector<16xf32>,
        %add3A_226 = arith.addf %add3A_222, %get3A_225 : vector<16xf32>
        %neg3A_227 = arith.constant 0.000000e+00 : f32
        %neg3A_228 = vector.broadcast %neg3A_227 : f32 to vector<16xf32>
        %neg3A_229 = arith.subf %neg3A_228, %add3A_226 : vector<16xf32>
        %exp3A_230 = math.exp %neg3A_229 : vector<16xf32>
        %add3A_231 = arith.constant 1.000000e+00 : f32
        %add3A_232 = vector.broadcast %add3A_231 : f32 to vector<16xf32>
        %add3A_233 = arith.addf %add3A_232, %exp3A_230 : vector<16xf32>
        %div3A_234 = arith.divf %add3A_226, %add3A_233 : vector<16xf32>
        %swap3A_235 = arith.index_cast %add3A_138 : i32 to index
        %swap3A_236 = arith.constant 48 : index
        %swap3A_237 = tpu.vector_load %arg29[%swap3A_235, %swap3A_236] {strides = array<i32>} : memref<80x128xf32, #tpu.memory_space<vmem>>, vector<16xf32>,
        tpu.vector_store %arg29[%swap3A_235, %swap3A_236], %div3A_234 {strides = array<i32>} : memref<80x128xf32, #tpu.memory_space<vmem>>, vector<16xf32>,
        %get3A_238 = arith.constant 48 : index
        %get3A_239 = tpu.vector_load %arg33[%get3A_238] {strides = array<i32>} : memref<128xf32, #tpu.memory_space<vmem>>, vector<16xf32>,
        %mul3A_240 = arith.mulf %div3A_234, %get3A_239 : vector<16xf32>
        %add3A_241 = arith.addf %add3A_215, %mul3A_240 : vector<16xf32>
        %get3A_242 = arith.index_cast %add3A_138 : i32 to index
        %get3A_243 = arith.constant 64 : index
        %get3A_244 = tpu.vector_load %arg23[%get3A_242, %get3A_243] {strides = array<i32>} : memref<80x128xf32, #tpu.memory_space<vmem>>, vector<16xf32>,
        %get3A_245 = arith.index_cast %add3A_138 : i32 to index
        %get3A_246 = arith.constant 64 : index
        %get3A_247 = tpu.vector_load %arg24[%get3A_245, %get3A_246] {strides = array<i32>} : memref<80x128xf32, #tpu.memory_space<vmem>>, vector<16xf32>,
        %add3A_248 = arith.addf %get3A_244, %get3A_247 : vector<16xf32>
        %get3A_249 = arith.index_cast %add3A_138 : i32 to index
        %get3A_250 = arith.constant 64 : index
        %get3A_251 = tpu.vector_load %arg25[%get3A_249, %get3A_250] {strides = array<i32>} : memref<80x128xf32, #tpu.memory_space<vmem>>, vector<16xf32>,
        %add3A_252 = arith.addf %add3A_248, %get3A_251 : vector<16xf32>
        %neg3A_253 = arith.constant 0.000000e+00 : f32
        %neg3A_254 = vector.broadcast %neg3A_253 : f32 to vector<16xf32>
        %neg3A_255 = arith.subf %neg3A_254, %add3A_252 : vector<16xf32>
        %exp3A_256 = math.exp %neg3A_255 : vector<16xf32>
        %add3A_257 = arith.constant 1.000000e+00 : f32
        %add3A_258 = vector.broadcast %add3A_257 : f32 to vector<16xf32>
        %add3A_259 = arith.addf %add3A_258, %exp3A_256 : vector<16xf32>
        %div3A_260 = arith.divf %add3A_252, %add3A_259 : vector<16xf32>
        %swap3A_261 = arith.index_cast %add3A_138 : i32 to index
        %swap3A_262 = arith.constant 64 : index
        %swap3A_263 = tpu.vector_load %arg29[%swap3A_261, %swap3A_262] {strides = array<i32>} : memref<80x128xf32, #tpu.memory_space<vmem>>, vector<16xf32>,
        tpu.vector_store %arg29[%swap3A_261, %swap3A_262], %div3A_260 {strides = array<i32>} : memref<80x128xf32, #tpu.memory_space<vmem>>, vector<16xf32>,
        %get3A_264 = arith.constant 64 : index
        %get3A_265 = tpu.vector_load %arg33[%get3A_264] {strides = array<i32>} : memref<128xf32, #tpu.memory_space<vmem>>, vector<16xf32>,
        %mul3A_266 = arith.mulf %div3A_260, %get3A_265 : vector<16xf32>
        %add3A_267 = arith.addf %add3A_241, %mul3A_266 : vector<16xf32>
        %get3A_268 = arith.index_cast %add3A_138 : i32 to index
        %get3A_269 = arith.constant 80 : index
        %get3A_270 = tpu.vector_load %arg23[%get3A_268, %get3A_269] {strides = array<i32>} : memref<80x128xf32, #tpu.memory_space<vmem>>, vector<16xf32>,
        %get3A_271 = arith.index_cast %add3A_138 : i32 to index
        %get3A_272 = arith.constant 80 : index
        %get3A_273 = tpu.vector_load %arg24[%get3A_271, %get3A_272] {strides = array<i32>} : memref<80x128xf32, #tpu.memory_space<vmem>>, vector<16xf32>,
        %add3A_274 = arith.addf %get3A_270, %get3A_273 : vector<16xf32>
        %get3A_275 = arith.index_cast %add3A_138 : i32 to index
        %get3A_276 = arith.constant 80 : index
        %get3A_277 = tpu.vector_load %arg25[%get3A_275, %get3A_276] {strides = array<i32>} : memref<80x128xf32, #tpu.memory_space<vmem>>, vector<16xf32>,
        %add3A_278 = arith.addf %add3A_274, %get3A_277 : vector<16xf32>
        %neg3A_279 = arith.constant 0.000000e+00 : f32
        %neg3A_280 = vector.broadcast %neg3A_279 : f32 to vector<16xf32>
        %neg3A_281 = arith.subf %neg3A_280, %add3A_278 : vector<16xf32>
        %exp3A_282 = math.exp %neg3A_281 : vector<16xf32>
        %add3A_283 = arith.constant 1.000000e+00 : f32
        %add3A_284 = vector.broadcast %add3A_283 : f32 to vector<16xf32>
        %add3A_285 = arith.addf %add3A_284, %exp3A_282 : vector<16xf32>
        %div3A_286 = arith.divf %add3A_278, %add3A_285 : vector<16xf32>
        %swap3A_287 = arith.index_cast %add3A_138 : i32 to index
        %swap3A_288 = arith.constant 80 : index
        %swap3A_289 = tpu.vector_load %arg29[%swap3A_287, %swap3A_288] {strides = array<i32>} : memref<80x128xf32, #tpu.memory_space<vmem>>, vector<16xf32>,
        tpu.vector_store %arg29[%swap3A_287, %swap3A_288], %div3A_286 {strides = array<i32>} : memref<80x128xf32, #tpu.memory_space<vmem>>, vector<16xf32>,
        %get3A_290 = arith.constant 80 : index
        %get3A_291 = tpu.vector_load %arg33[%get3A_290] {strides = array<i32>} : memref<128xf32, #tpu.memory_space<vmem>>, vector<16xf32>,
        %mul3A_292 = arith.mulf %div3A_286, %get3A_291 : vector<16xf32>
        %add3A_293 = arith.addf %add3A_267, %mul3A_292 : vector<16xf32>
        %get3A_294 = arith.index_cast %add3A_138 : i32 to index
        %get3A_295 = arith.constant 96 : index
        %get3A_296 = tpu.vector_load %arg23[%get3A_294, %get3A_295] {strides = array<i32>} : memref<80x128xf32, #tpu.memory_space<vmem>>, vector<16xf32>,
        %get3A_297 = arith.index_cast %add3A_138 : i32 to index
        %get3A_298 = arith.constant 96 : index
        %get3A_299 = tpu.vector_load %arg24[%get3A_297, %get3A_298] {strides = array<i32>} : memref<80x128xf32, #tpu.memory_space<vmem>>, vector<16xf32>,
        %add3A_300 = arith.addf %get3A_296, %get3A_299 : vector<16xf32>
        %get3A_301 = arith.index_cast %add3A_138 : i32 to index
        %get3A_302 = arith.constant 96 : index
        %get3A_303 = tpu.vector_load %arg25[%get3A_301, %get3A_302] {strides = array<i32>} : memref<80x128xf32, #tpu.memory_space<vmem>>, vector<16xf32>,
        %add3A_304 = arith.addf %add3A_300, %get3A_303 : vector<16xf32>
        %neg3A_305 = arith.constant 0.000000e+00 : f32
        %neg3A_306 = vector.broadcast %neg3A_305 : f32 to vector<16xf32>
        %neg3A_307 = arith.subf %neg3A_306, %add3A_304 : vector<16xf32>
        %exp3A_308 = math.exp %neg3A_307 : vector<16xf32>
        %add3A_309 = arith.constant 1.000000e+00 : f32
        %add3A_310 = vector.broadcast %add3A_309 : f32 to vector<16xf32>
        %add3A_311 = arith.addf %add3A_310, %exp3A_308 : vector<16xf32>
        %div3A_312 = arith.divf %add3A_304, %add3A_311 : vector<16xf32>
        %swap3A_313 = arith.index_cast %add3A_138 : i32 to index
        %swap3A_314 = arith.constant 96 : index
        %swap3A_315 = tpu.vector_load %arg29[%swap3A_313, %swap3A_314] {strides = array<i32>} : memref<80x128xf32, #tpu.memory_space<vmem>>, vector<16xf32>,
        tpu.vector_store %arg29[%swap3A_313, %swap3A_314], %div3A_312 {strides = array<i32>} : memref<80x128xf32, #tpu.memory_space<vmem>>, vector<16xf32>,
        %get3A_316 = arith.constant 96 : index
        %get3A_317 = tpu.vector_load %arg33[%get3A_316] {strides = array<i32>} : memref<128xf32, #tpu.memory_space<vmem>>, vector<16xf32>,
        %mul3A_318 = arith.mulf %div3A_312, %get3A_317 : vector<16xf32>
        %add3A_319 = arith.addf %add3A_293, %mul3A_318 : vector<16xf32>
        %get3A_320 = arith.index_cast %add3A_138 : i32 to index
        %get3A_321 = arith.constant 112 : index
        %get3A_322 = tpu.vector_load %arg23[%get3A_320, %get3A_321] {strides = array<i32>} : memref<80x128xf32, #tpu.memory_space<vmem>>, vector<16xf32>,
        %get3A_323 = arith.index_cast %add3A_138 : i32 to index
        %get3A_324 = arith.constant 112 : index
        %get3A_325 = tpu.vector_load %arg24[%get3A_323, %get3A_324] {strides = array<i32>} : memref<80x128xf32, #tpu.memory_space<vmem>>, vector<16xf32>,
        %add3A_326 = arith.addf %get3A_322, %get3A_325 : vector<16xf32>
        %get3A_327 = arith.index_cast %add3A_138 : i32 to index
        %get3A_328 = arith.constant 112 : index
        %get3A_329 = tpu.vector_load %arg25[%get3A_327, %get3A_328] {strides = array<i32>} : memref<80x128xf32, #tpu.memory_space<vmem>>, vector<16xf32>,
        %add3A_330 = arith.addf %add3A_326, %get3A_329 : vector<16xf32>
        %neg3A_331 = arith.constant 0.000000e+00 : f32
        %neg3A_332 = vector.broadcast %neg3A_331 : f32 to vector<16xf32>
        %neg3A_333 = arith.subf %neg3A_332, %add3A_330 : vector<16xf32>
        %exp3A_334 = math.exp %neg3A_333 : vector<16xf32>
        %add3A_335 = arith.constant 1.000000e+00 : f32
        %add3A_336 = vector.broadcast %add3A_335 : f32 to vector<16xf32>
        %add3A_337 = arith.addf %add3A_336, %exp3A_334 : vector<16xf32>
        %div3A_338 = arith.divf %add3A_330, %add3A_337 : vector<16xf32>
        %swap3A_339 = arith.index_cast %add3A_138 : i32 to index
        %swap3A_340 = arith.constant 112 : index
        %swap3A_341 = tpu.vector_load %arg29[%swap3A_339, %swap3A_340] {strides = array<i32>} : memref<80x128xf32, #tpu.memory_space<vmem>>, vector<16xf32>,
        tpu.vector_store %arg29[%swap3A_339, %swap3A_340], %div3A_338 {strides = array<i32>} : memref<80x128xf32, #tpu.memory_space<vmem>>, vector<16xf32>,
        %get3A_342 = arith.constant 112 : index
        %get3A_343 = tpu.vector_load %arg33[%get3A_342] {strides = array<i32>} : memref<128xf32, #tpu.memory_space<vmem>>, vector<16xf32>,
        %mul3A_344 = arith.mulf %div3A_338, %get3A_343 : vector<16xf32>
        %add3A_345 = arith.addf %add3A_319, %mul3A_344 : vector<16xf32>
        %reduce_sum3A = arith.constant true
        %reduce_sum3A_346 = vector.broadcast %reduce_sum3A : i1 to vector<16xi1>
        %reduce_sum3A_347 = tpu.scan <sum>, %add3A_345 masked %reduce_sum3A_346 : vector<16xf32>, vector<16xi1> -> vector<16xf32>
        %reduce_sum3A_348 = vector.extract %reduce_sum3A_347[15] : f32 from vector<16xf32>
        %eq3A_349 = vector.broadcast %scan3A_135 : i32 to vector<16xi32>
        %eq3A_350 = arith.cmpi eq, %iota3A, %eq3A_349 : vector<16xi32>
        %broadcast_in_dim3A_351 = vector.broadcast %reduce_sum3A_348 : f32 to vector<16xf32>
        %select_n3A = arith.select %eq3A_350, %broadcast_in_dim3A_351, %scan3A_136 : vector<16xi1>, vector<16xf32>
        scf.yield %select_n3A : vector<16xf32>
      }
      %scan3A_49 = arith.constant 16 : i32
      %get3A_50 = arith.constant 16 : index
      %get3A_51 = tpu.vector_load %arg26[%get3A_50] {strides = array<i32>} : memref<80xf32, #tpu.memory_space<vmem>>, vector<16xf32>,
      %mul3A_52 = arith.mulf %scan3A_48, %get3A_51 : vector<16xf32>
      %swap3A_53 = arith.constant 16 : index
      %swap3A_54 = tpu.vector_load %arg30[%swap3A_53] {strides = array<i32>} : memref<80xf32, #tpu.memory_space<vmem>>, vector<16xf32>,
      tpu.vector_store %arg30[%swap3A_53], %mul3A_52 {strides = array<i32>} : memref<80xf32, #tpu.memory_space<vmem>>, vector<16xf32>,
      %get3A_55 = arith.constant 16 : index
      %get3A_56 = tpu.vector_load %arg27[%get3A_55] {strides = array<i32>} : memref<80xf32, #tpu.memory_space<vmem>>, vector<16xf32>,
      %mul3A_57 = arith.mulf %scan3A_48, %get3A_56 : vector<16xf32>
      %swap3A_58 = arith.constant 16 : index
      %swap3A_59 = tpu.vector_load %arg31[%swap3A_58] {strides = array<i32>} : memref<80xf32, #tpu.memory_space<vmem>>, vector<16xf32>,
      tpu.vector_store %arg31[%swap3A_58], %mul3A_57 {strides = array<i32>} : memref<80xf32, #tpu.memory_space<vmem>>, vector<16xf32>,
      %get3A_60 = arith.constant 16 : index
      %get3A_61 = tpu.vector_load %arg28[%get3A_60] {strides = array<i32>} : memref<80xf32, #tpu.memory_space<vmem>>, vector<16xf32>,
      %mul3A_62 = arith.mulf %scan3A_48, %get3A_61 : vector<16xf32>
      %swap3A_63 = arith.constant 16 : index
      %swap3A_64 = tpu.vector_load %arg32[%swap3A_63] {strides = array<i32>} : memref<80xf32, #tpu.memory_space<vmem>>, vector<16xf32>,
      tpu.vector_store %arg32[%swap3A_63], %mul3A_62 {strides = array<i32>} : memref<80xf32, #tpu.memory_space<vmem>>, vector<16xf32>,
      %broadcast_in_dim3A_65 = arith.constant 0.000000e+00 : f32
      %broadcast_in_dim3A_66 = vector.broadcast %broadcast_in_dim3A_65 : f32 to vector<16xf32>
      %scan3A_67 = arith.constant 0 : i32
      %scan3A_68 = arith.constant 16 : i32
      %scan3A_69 = arith.addi %scan3A_67, %scan3A_68 : i32
      %scan3A_70 = arith.constant 1 : i32
      %scan3A_71 = scf.for %scan3A_135 = %scan3A_67 to %scan3A_69 step %scan3A_70 iter_args(%scan3A_136 = %broadcast_in_dim3A_66) -> (vector<16xf32>)  : i32 {
        %add3A_137 = arith.constant 32 : i32
        %add3A_138 = arith.addi %add3A_137, %scan3A_135 : i32
        %broadcast_in_dim3A_139 = arith.constant 0.000000e+00 : f32
        %broadcast_in_dim3A_140 = vector.broadcast %broadcast_in_dim3A_139 : f32 to vector<16xf32>
        %get3A_141 = arith.index_cast %add3A_138 : i32 to index
        %get3A_142 = arith.constant 0 : index
        %get3A_143 = tpu.vector_load %arg23[%get3A_141, %get3A_142] {strides = array<i32>} : memref<80x128xf32, #tpu.memory_space<vmem>>, vector<16xf32>,
        %get3A_144 = arith.index_cast %add3A_138 : i32 to index
        %get3A_145 = arith.constant 0 : index
        %get3A_146 = tpu.vector_load %arg24[%get3A_144, %get3A_145] {strides = array<i32>} : memref<80x128xf32, #tpu.memory_space<vmem>>, vector<16xf32>,
        %add3A_147 = arith.addf %get3A_143, %get3A_146 : vector<16xf32>
        %get3A_148 = arith.index_cast %add3A_138 : i32 to index
        %get3A_149 = arith.constant 0 : index
        %get3A_150 = tpu.vector_load %arg25[%get3A_148, %get3A_149] {strides = array<i32>} : memref<80x128xf32, #tpu.memory_space<vmem>>, vector<16xf32>,
        %add3A_151 = arith.addf %add3A_147, %get3A_150 : vector<16xf32>
        %neg3A = arith.constant 0.000000e+00 : f32
        %neg3A_152 = vector.broadcast %neg3A : f32 to vector<16xf32>
        %neg3A_153 = arith.subf %neg3A_152, %add3A_151 : vector<16xf32>
        %exp3A = math.exp %neg3A_153 : vector<16xf32>
        %add3A_154 = arith.constant 1.000000e+00 : f32
        %add3A_155 = vector.broadcast %add3A_154 : f32 to vector<16xf32>
        %add3A_156 = arith.addf %add3A_155, %exp3A : vector<16xf32>
        %div3A = arith.divf %add3A_151, %add3A_156 : vector<16xf32>
        %swap3A_157 = arith.index_cast %add3A_138 : i32 to index
        %swap3A_158 = arith.constant 0 : index
        %swap3A_159 = tpu.vector_load %arg29[%swap3A_157, %swap3A_158] {strides = array<i32>} : memref<80x128xf32, #tpu.memory_space<vmem>>, vector<16xf32>,
        tpu.vector_store %arg29[%swap3A_157, %swap3A_158], %div3A {strides = array<i32>} : memref<80x128xf32, #tpu.memory_space<vmem>>, vector<16xf32>,
        %get3A_160 = arith.constant 0 : index
        %get3A_161 = tpu.vector_load %arg33[%get3A_160] {strides = array<i32>} : memref<128xf32, #tpu.memory_space<vmem>>, vector<16xf32>,
        %mul3A_162 = arith.mulf %div3A, %get3A_161 : vector<16xf32>
        %add3A_163 = arith.addf %broadcast_in_dim3A_140, %mul3A_162 : vector<16xf32>
        %get3A_164 = arith.index_cast %add3A_138 : i32 to index
        %get3A_165 = arith.constant 16 : index
        %get3A_166 = tpu.vector_load %arg23[%get3A_164, %get3A_165] {strides = array<i32>} : memref<80x128xf32, #tpu.memory_space<vmem>>, vector<16xf32>,
        %get3A_167 = arith.index_cast %add3A_138 : i32 to index
        %get3A_168 = arith.constant 16 : index
        %get3A_169 = tpu.vector_load %arg24[%get3A_167, %get3A_168] {strides = array<i32>} : memref<80x128xf32, #tpu.memory_space<vmem>>, vector<16xf32>,
        %add3A_170 = arith.addf %get3A_166, %get3A_169 : vector<16xf32>
        %get3A_171 = arith.index_cast %add3A_138 : i32 to index
        %get3A_172 = arith.constant 16 : index
        %get3A_173 = tpu.vector_load %arg25[%get3A_171, %get3A_172] {strides = array<i32>} : memref<80x128xf32, #tpu.memory_space<vmem>>, vector<16xf32>,
        %add3A_174 = arith.addf %add3A_170, %get3A_173 : vector<16xf32>
        %neg3A_175 = arith.constant 0.000000e+00 : f32
        %neg3A_176 = vector.broadcast %neg3A_175 : f32 to vector<16xf32>
        %neg3A_177 = arith.subf %neg3A_176, %add3A_174 : vector<16xf32>
        %exp3A_178 = math.exp %neg3A_177 : vector<16xf32>
        %add3A_179 = arith.constant 1.000000e+00 : f32
        %add3A_180 = vector.broadcast %add3A_179 : f32 to vector<16xf32>
        %add3A_181 = arith.addf %add3A_180, %exp3A_178 : vector<16xf32>
        %div3A_182 = arith.divf %add3A_174, %add3A_181 : vector<16xf32>
        %swap3A_183 = arith.index_cast %add3A_138 : i32 to index
        %swap3A_184 = arith.constant 16 : index
        %swap3A_185 = tpu.vector_load %arg29[%swap3A_183, %swap3A_184] {strides = array<i32>} : memref<80x128xf32, #tpu.memory_space<vmem>>, vector<16xf32>,
        tpu.vector_store %arg29[%swap3A_183, %swap3A_184], %div3A_182 {strides = array<i32>} : memref<80x128xf32, #tpu.memory_space<vmem>>, vector<16xf32>,
        %get3A_186 = arith.constant 16 : index
        %get3A_187 = tpu.vector_load %arg33[%get3A_186] {strides = array<i32>} : memref<128xf32, #tpu.memory_space<vmem>>, vector<16xf32>,
        %mul3A_188 = arith.mulf %div3A_182, %get3A_187 : vector<16xf32>
        %add3A_189 = arith.addf %add3A_163, %mul3A_188 : vector<16xf32>
        %get3A_190 = arith.index_cast %add3A_138 : i32 to index
        %get3A_191 = arith.constant 32 : index
        %get3A_192 = tpu.vector_load %arg23[%get3A_190, %get3A_191] {strides = array<i32>} : memref<80x128xf32, #tpu.memory_space<vmem>>, vector<16xf32>,
        %get3A_193 = arith.index_cast %add3A_138 : i32 to index
        %get3A_194 = arith.constant 32 : index
        %get3A_195 = tpu.vector_load %arg24[%get3A_193, %get3A_194] {strides = array<i32>} : memref<80x128xf32, #tpu.memory_space<vmem>>, vector<16xf32>,
        %add3A_196 = arith.addf %get3A_192, %get3A_195 : vector<16xf32>
        %get3A_197 = arith.index_cast %add3A_138 : i32 to index
        %get3A_198 = arith.constant 32 : index
        %get3A_199 = tpu.vector_load %arg25[%get3A_197, %get3A_198] {strides = array<i32>} : memref<80x128xf32, #tpu.memory_space<vmem>>, vector<16xf32>,
        %add3A_200 = arith.addf %add3A_196, %get3A_199 : vector<16xf32>
        %neg3A_201 = arith.constant 0.000000e+00 : f32
        %neg3A_202 = vector.broadcast %neg3A_201 : f32 to vector<16xf32>
        %neg3A_203 = arith.subf %neg3A_202, %add3A_200 : vector<16xf32>
        %exp3A_204 = math.exp %neg3A_203 : vector<16xf32>
        %add3A_205 = arith.constant 1.000000e+00 : f32
        %add3A_206 = vector.broadcast %add3A_205 : f32 to vector<16xf32>
        %add3A_207 = arith.addf %add3A_206, %exp3A_204 : vector<16xf32>
        %div3A_208 = arith.divf %add3A_200, %add3A_207 : vector<16xf32>
        %swap3A_209 = arith.index_cast %add3A_138 : i32 to index
        %swap3A_210 = arith.constant 32 : index
        %swap3A_211 = tpu.vector_load %arg29[%swap3A_209, %swap3A_210] {strides = array<i32>} : memref<80x128xf32, #tpu.memory_space<vmem>>, vector<16xf32>,
        tpu.vector_store %arg29[%swap3A_209, %swap3A_210], %div3A_208 {strides = array<i32>} : memref<80x128xf32, #tpu.memory_space<vmem>>, vector<16xf32>,
        %get3A_212 = arith.constant 32 : index
        %get3A_213 = tpu.vector_load %arg33[%get3A_212] {strides = array<i32>} : memref<128xf32, #tpu.memory_space<vmem>>, vector<16xf32>,
        %mul3A_214 = arith.mulf %div3A_208, %get3A_213 : vector<16xf32>
        %add3A_215 = arith.addf %add3A_189, %mul3A_214 : vector<16xf32>
        %get3A_216 = arith.index_cast %add3A_138 : i32 to index
        %get3A_217 = arith.constant 48 : index
        %get3A_218 = tpu.vector_load %arg23[%get3A_216, %get3A_217] {strides = array<i32>} : memref<80x128xf32, #tpu.memory_space<vmem>>, vector<16xf32>,
        %get3A_219 = arith.index_cast %add3A_138 : i32 to index
        %get3A_220 = arith.constant 48 : index
        %get3A_221 = tpu.vector_load %arg24[%get3A_219, %get3A_220] {strides = array<i32>} : memref<80x128xf32, #tpu.memory_space<vmem>>, vector<16xf32>,
        %add3A_222 = arith.addf %get3A_218, %get3A_221 : vector<16xf32>
        %get3A_223 = arith.index_cast %add3A_138 : i32 to index
        %get3A_224 = arith.constant 48 : index
        %get3A_225 = tpu.vector_load %arg25[%get3A_223, %get3A_224] {strides = array<i32>} : memref<80x128xf32, #tpu.memory_space<vmem>>, vector<16xf32>,
        %add3A_226 = arith.addf %add3A_222, %get3A_225 : vector<16xf32>
        %neg3A_227 = arith.constant 0.000000e+00 : f32
        %neg3A_228 = vector.broadcast %neg3A_227 : f32 to vector<16xf32>
        %neg3A_229 = arith.subf %neg3A_228, %add3A_226 : vector<16xf32>
        %exp3A_230 = math.exp %neg3A_229 : vector<16xf32>
        %add3A_231 = arith.constant 1.000000e+00 : f32
        %add3A_232 = vector.broadcast %add3A_231 : f32 to vector<16xf32>
        %add3A_233 = arith.addf %add3A_232, %exp3A_230 : vector<16xf32>
        %div3A_234 = arith.divf %add3A_226, %add3A_233 : vector<16xf32>
        %swap3A_235 = arith.index_cast %add3A_138 : i32 to index
        %swap3A_236 = arith.constant 48 : index
        %swap3A_237 = tpu.vector_load %arg29[%swap3A_235, %swap3A_236] {strides = array<i32>} : memref<80x128xf32, #tpu.memory_space<vmem>>, vector<16xf32>,
        tpu.vector_store %arg29[%swap3A_235, %swap3A_236], %div3A_234 {strides = array<i32>} : memref<80x128xf32, #tpu.memory_space<vmem>>, vector<16xf32>,
        %get3A_238 = arith.constant 48 : index
        %get3A_239 = tpu.vector_load %arg33[%get3A_238] {strides = array<i32>} : memref<128xf32, #tpu.memory_space<vmem>>, vector<16xf32>,
        %mul3A_240 = arith.mulf %div3A_234, %get3A_239 : vector<16xf32>
        %add3A_241 = arith.addf %add3A_215, %mul3A_240 : vector<16xf32>
        %get3A_242 = arith.index_cast %add3A_138 : i32 to index
        %get3A_243 = arith.constant 64 : index
        %get3A_244 = tpu.vector_load %arg23[%get3A_242, %get3A_243] {strides = array<i32>} : memref<80x128xf32, #tpu.memory_space<vmem>>, vector<16xf32>,
        %get3A_245 = arith.index_cast %add3A_138 : i32 to index
        %get3A_246 = arith.constant 64 : index
        %get3A_247 = tpu.vector_load %arg24[%get3A_245, %get3A_246] {strides = array<i32>} : memref<80x128xf32, #tpu.memory_space<vmem>>, vector<16xf32>,
        %add3A_248 = arith.addf %get3A_244, %get3A_247 : vector<16xf32>
        %get3A_249 = arith.index_cast %add3A_138 : i32 to index
        %get3A_250 = arith.constant 64 : index
        %get3A_251 = tpu.vector_load %arg25[%get3A_249, %get3A_250] {strides = array<i32>} : memref<80x128xf32, #tpu.memory_space<vmem>>, vector<16xf32>,
        %add3A_252 = arith.addf %add3A_248, %get3A_251 : vector<16xf32>
        %neg3A_253 = arith.constant 0.000000e+00 : f32
        %neg3A_254 = vector.broadcast %neg3A_253 : f32 to vector<16xf32>
        %neg3A_255 = arith.subf %neg3A_254, %add3A_252 : vector<16xf32>
        %exp3A_256 = math.exp %neg3A_255 : vector<16xf32>
        %add3A_257 = arith.constant 1.000000e+00 : f32
        %add3A_258 = vector.broadcast %add3A_257 : f32 to vector<16xf32>
        %add3A_259 = arith.addf %add3A_258, %exp3A_256 : vector<16xf32>
        %div3A_260 = arith.divf %add3A_252, %add3A_259 : vector<16xf32>
        %swap3A_261 = arith.index_cast %add3A_138 : i32 to index
        %swap3A_262 = arith.constant 64 : index
        %swap3A_263 = tpu.vector_load %arg29[%swap3A_261, %swap3A_262] {strides = array<i32>} : memref<80x128xf32, #tpu.memory_space<vmem>>, vector<16xf32>,
        tpu.vector_store %arg29[%swap3A_261, %swap3A_262], %div3A_260 {strides = array<i32>} : memref<80x128xf32, #tpu.memory_space<vmem>>, vector<16xf32>,
        %get3A_264 = arith.constant 64 : index
        %get3A_265 = tpu.vector_load %arg33[%get3A_264] {strides = array<i32>} : memref<128xf32, #tpu.memory_space<vmem>>, vector<16xf32>,
        %mul3A_266 = arith.mulf %div3A_260, %get3A_265 : vector<16xf32>
        %add3A_267 = arith.addf %add3A_241, %mul3A_266 : vector<16xf32>
        %get3A_268 = arith.index_cast %add3A_138 : i32 to index
        %get3A_269 = arith.constant 80 : index
        %get3A_270 = tpu.vector_load %arg23[%get3A_268, %get3A_269] {strides = array<i32>} : memref<80x128xf32, #tpu.memory_space<vmem>>, vector<16xf32>,
        %get3A_271 = arith.index_cast %add3A_138 : i32 to index
        %get3A_272 = arith.constant 80 : index
        %get3A_273 = tpu.vector_load %arg24[%get3A_271, %get3A_272] {strides = array<i32>} : memref<80x128xf32, #tpu.memory_space<vmem>>, vector<16xf32>,
        %add3A_274 = arith.addf %get3A_270, %get3A_273 : vector<16xf32>
        %get3A_275 = arith.index_cast %add3A_138 : i32 to index
        %get3A_276 = arith.constant 80 : index
        %get3A_277 = tpu.vector_load %arg25[%get3A_275, %get3A_276] {strides = array<i32>} : memref<80x128xf32, #tpu.memory_space<vmem>>, vector<16xf32>,
        %add3A_278 = arith.addf %add3A_274, %get3A_277 : vector<16xf32>
        %neg3A_279 = arith.constant 0.000000e+00 : f32
        %neg3A_280 = vector.broadcast %neg3A_279 : f32 to vector<16xf32>
        %neg3A_281 = arith.subf %neg3A_280, %add3A_278 : vector<16xf32>
        %exp3A_282 = math.exp %neg3A_281 : vector<16xf32>
        %add3A_283 = arith.constant 1.000000e+00 : f32
        %add3A_284 = vector.broadcast %add3A_283 : f32 to vector<16xf32>
        %add3A_285 = arith.addf %add3A_284, %exp3A_282 : vector<16xf32>
        %div3A_286 = arith.divf %add3A_278, %add3A_285 : vector<16xf32>
        %swap3A_287 = arith.index_cast %add3A_138 : i32 to index
        %swap3A_288 = arith.constant 80 : index
        %swap3A_289 = tpu.vector_load %arg29[%swap3A_287, %swap3A_288] {strides = array<i32>} : memref<80x128xf32, #tpu.memory_space<vmem>>, vector<16xf32>,
        tpu.vector_store %arg29[%swap3A_287, %swap3A_288], %div3A_286 {strides = array<i32>} : memref<80x128xf32, #tpu.memory_space<vmem>>, vector<16xf32>,
        %get3A_290 = arith.constant 80 : index
        %get3A_291 = tpu.vector_load %arg33[%get3A_290] {strides = array<i32>} : memref<128xf32, #tpu.memory_space<vmem>>, vector<16xf32>,
        %mul3A_292 = arith.mulf %div3A_286, %get3A_291 : vector<16xf32>
        %add3A_293 = arith.addf %add3A_267, %mul3A_292 : vector<16xf32>
        %get3A_294 = arith.index_cast %add3A_138 : i32 to index
        %get3A_295 = arith.constant 96 : index
        %get3A_296 = tpu.vector_load %arg23[%get3A_294, %get3A_295] {strides = array<i32>} : memref<80x128xf32, #tpu.memory_space<vmem>>, vector<16xf32>,
        %get3A_297 = arith.index_cast %add3A_138 : i32 to index
        %get3A_298 = arith.constant 96 : index
        %get3A_299 = tpu.vector_load %arg24[%get3A_297, %get3A_298] {strides = array<i32>} : memref<80x128xf32, #tpu.memory_space<vmem>>, vector<16xf32>,
        %add3A_300 = arith.addf %get3A_296, %get3A_299 : vector<16xf32>
        %get3A_301 = arith.index_cast %add3A_138 : i32 to index
        %get3A_302 = arith.constant 96 : index
        %get3A_303 = tpu.vector_load %arg25[%get3A_301, %get3A_302] {strides = array<i32>} : memref<80x128xf32, #tpu.memory_space<vmem>>, vector<16xf32>,
        %add3A_304 = arith.addf %add3A_300, %get3A_303 : vector<16xf32>
        %neg3A_305 = arith.constant 0.000000e+00 : f32
        %neg3A_306 = vector.broadcast %neg3A_305 : f32 to vector<16xf32>
        %neg3A_307 = arith.subf %neg3A_306, %add3A_304 : vector<16xf32>
        %exp3A_308 = math.exp %neg3A_307 : vector<16xf32>
        %add3A_309 = arith.constant 1.000000e+00 : f32
        %add3A_310 = vector.broadcast %add3A_309 : f32 to vector<16xf32>
        %add3A_311 = arith.addf %add3A_310, %exp3A_308 : vector<16xf32>
        %div3A_312 = arith.divf %add3A_304, %add3A_311 : vector<16xf32>
        %swap3A_313 = arith.index_cast %add3A_138 : i32 to index
        %swap3A_314 = arith.constant 96 : index
        %swap3A_315 = tpu.vector_load %arg29[%swap3A_313, %swap3A_314] {strides = array<i32>} : memref<80x128xf32, #tpu.memory_space<vmem>>, vector<16xf32>,
        tpu.vector_store %arg29[%swap3A_313, %swap3A_314], %div3A_312 {strides = array<i32>} : memref<80x128xf32, #tpu.memory_space<vmem>>, vector<16xf32>,
        %get3A_316 = arith.constant 96 : index
        %get3A_317 = tpu.vector_load %arg33[%get3A_316] {strides = array<i32>} : memref<128xf32, #tpu.memory_space<vmem>>, vector<16xf32>,
        %mul3A_318 = arith.mulf %div3A_312, %get3A_317 : vector<16xf32>
        %add3A_319 = arith.addf %add3A_293, %mul3A_318 : vector<16xf32>
        %get3A_320 = arith.index_cast %add3A_138 : i32 to index
        %get3A_321 = arith.constant 112 : index
        %get3A_322 = tpu.vector_load %arg23[%get3A_320, %get3A_321] {strides = array<i32>} : memref<80x128xf32, #tpu.memory_space<vmem>>, vector<16xf32>,
        %get3A_323 = arith.index_cast %add3A_138 : i32 to index
        %get3A_324 = arith.constant 112 : index
        %get3A_325 = tpu.vector_load %arg24[%get3A_323, %get3A_324] {strides = array<i32>} : memref<80x128xf32, #tpu.memory_space<vmem>>, vector<16xf32>,
        %add3A_326 = arith.addf %get3A_322, %get3A_325 : vector<16xf32>
        %get3A_327 = arith.index_cast %add3A_138 : i32 to index
        %get3A_328 = arith.constant 112 : index
        %get3A_329 = tpu.vector_load %arg25[%get3A_327, %get3A_328] {strides = array<i32>} : memref<80x128xf32, #tpu.memory_space<vmem>>, vector<16xf32>,
        %add3A_330 = arith.addf %add3A_326, %get3A_329 : vector<16xf32>
        %neg3A_331 = arith.constant 0.000000e+00 : f32
        %neg3A_332 = vector.broadcast %neg3A_331 : f32 to vector<16xf32>
        %neg3A_333 = arith.subf %neg3A_332, %add3A_330 : vector<16xf32>
        %exp3A_334 = math.exp %neg3A_333 : vector<16xf32>
        %add3A_335 = arith.constant 1.000000e+00 : f32
        %add3A_336 = vector.broadcast %add3A_335 : f32 to vector<16xf32>
        %add3A_337 = arith.addf %add3A_336, %exp3A_334 : vector<16xf32>
        %div3A_338 = arith.divf %add3A_330, %add3A_337 : vector<16xf32>
        %swap3A_339 = arith.index_cast %add3A_138 : i32 to index
        %swap3A_340 = arith.constant 112 : index
        %swap3A_341 = tpu.vector_load %arg29[%swap3A_339, %swap3A_340] {strides = array<i32>} : memref<80x128xf32, #tpu.memory_space<vmem>>, vector<16xf32>,
        tpu.vector_store %arg29[%swap3A_339, %swap3A_340], %div3A_338 {strides = array<i32>} : memref<80x128xf32, #tpu.memory_space<vmem>>, vector<16xf32>,
        %get3A_342 = arith.constant 112 : index
        %get3A_343 = tpu.vector_load %arg33[%get3A_342] {strides = array<i32>} : memref<128xf32, #tpu.memory_space<vmem>>, vector<16xf32>,
        %mul3A_344 = arith.mulf %div3A_338, %get3A_343 : vector<16xf32>
        %add3A_345 = arith.addf %add3A_319, %mul3A_344 : vector<16xf32>
        %reduce_sum3A = arith.constant true
        %reduce_sum3A_346 = vector.broadcast %reduce_sum3A : i1 to vector<16xi1>
        %reduce_sum3A_347 = tpu.scan <sum>, %add3A_345 masked %reduce_sum3A_346 : vector<16xf32>, vector<16xi1> -> vector<16xf32>
        %reduce_sum3A_348 = vector.extract %reduce_sum3A_347[15] : f32 from vector<16xf32>
        %eq3A_349 = vector.broadcast %scan3A_135 : i32 to vector<16xi32>
        %eq3A_350 = arith.cmpi eq, %iota3A, %eq3A_349 : vector<16xi32>
        %broadcast_in_dim3A_351 = vector.broadcast %reduce_sum3A_348 : f32 to vector<16xf32>
        %select_n3A = arith.select %eq3A_350, %broadcast_in_dim3A_351, %scan3A_136 : vector<16xi1>, vector<16xf32>
        scf.yield %select_n3A : vector<16xf32>
      }
      %scan3A_72 = arith.constant 16 : i32
      %get3A_73 = arith.constant 32 : index
      %get3A_74 = tpu.vector_load %arg26[%get3A_73] {strides = array<i32>} : memref<80xf32, #tpu.memory_space<vmem>>, vector<16xf32>,
      %mul3A_75 = arith.mulf %scan3A_71, %get3A_74 : vector<16xf32>
      %swap3A_76 = arith.constant 32 : index
      %swap3A_77 = tpu.vector_load %arg30[%swap3A_76] {strides = array<i32>} : memref<80xf32, #tpu.memory_space<vmem>>, vector<16xf32>,
      tpu.vector_store %arg30[%swap3A_76], %mul3A_75 {strides = array<i32>} : memref<80xf32, #tpu.memory_space<vmem>>, vector<16xf32>,
      %get3A_78 = arith.constant 32 : index
      %get3A_79 = tpu.vector_load %arg27[%get3A_78] {strides = array<i32>} : memref<80xf32, #tpu.memory_space<vmem>>, vector<16xf32>,
      %mul3A_80 = arith.mulf %scan3A_71, %get3A_79 : vector<16xf32>
      %swap3A_81 = arith.constant 32 : index
      %swap3A_82 = tpu.vector_load %arg31[%swap3A_81] {strides = array<i32>} : memref<80xf32, #tpu.memory_space<vmem>>, vector<16xf32>,
      tpu.vector_store %arg31[%swap3A_81], %mul3A_80 {strides = array<i32>} : memref<80xf32, #tpu.memory_space<vmem>>, vector<16xf32>,
      %get3A_83 = arith.constant 32 : index
      %get3A_84 = tpu.vector_load %arg28[%get3A_83] {strides = array<i32>} : memref<80xf32, #tpu.memory_space<vmem>>, vector<16xf32>,
      %mul3A_85 = arith.mulf %scan3A_71, %get3A_84 : vector<16xf32>
      %swap3A_86 = arith.constant 32 : index
      %swap3A_87 = tpu.vector_load %arg32[%swap3A_86] {strides = array<i32>} : memref<80xf32, #tpu.memory_space<vmem>>, vector<16xf32>,
      tpu.vector_store %arg32[%swap3A_86], %mul3A_85 {strides = array<i32>} : memref<80xf32, #tpu.memory_space<vmem>>, vector<16xf32>,
      %broadcast_in_dim3A_88 = arith.constant 0.000000e+00 : f32
      %broadcast_in_dim3A_89 = vector.broadcast %broadcast_in_dim3A_88 : f32 to vector<16xf32>
      %scan3A_90 = arith.constant 0 : i32
      %scan3A_91 = arith.constant 16 : i32
      %scan3A_92 = arith.addi %scan3A_90, %scan3A_91 : i32
      %scan3A_93 = arith.constant 1 : i32
      %scan3A_94 = scf.for %scan3A_135 = %scan3A_90 to %scan3A_92 step %scan3A_93 iter_args(%scan3A_136 = %broadcast_in_dim3A_89) -> (vector<16xf32>)  : i32 {
        %add3A_137 = arith.constant 48 : i32
        %add3A_138 = arith.addi %add3A_137, %scan3A_135 : i32
        %broadcast_in_dim3A_139 = arith.constant 0.000000e+00 : f32
        %broadcast_in_dim3A_140 = vector.broadcast %broadcast_in_dim3A_139 : f32 to vector<16xf32>
        %get3A_141 = arith.index_cast %add3A_138 : i32 to index
        %get3A_142 = arith.constant 0 : index
        %get3A_143 = tpu.vector_load %arg23[%get3A_141, %get3A_142] {strides = array<i32>} : memref<80x128xf32, #tpu.memory_space<vmem>>, vector<16xf32>,
        %get3A_144 = arith.index_cast %add3A_138 : i32 to index
        %get3A_145 = arith.constant 0 : index
        %get3A_146 = tpu.vector_load %arg24[%get3A_144, %get3A_145] {strides = array<i32>} : memref<80x128xf32, #tpu.memory_space<vmem>>, vector<16xf32>,
        %add3A_147 = arith.addf %get3A_143, %get3A_146 : vector<16xf32>
        %get3A_148 = arith.index_cast %add3A_138 : i32 to index
        %get3A_149 = arith.constant 0 : index
        %get3A_150 = tpu.vector_load %arg25[%get3A_148, %get3A_149] {strides = array<i32>} : memref<80x128xf32, #tpu.memory_space<vmem>>, vector<16xf32>,
        %add3A_151 = arith.addf %add3A_147, %get3A_150 : vector<16xf32>
        %neg3A = arith.constant 0.000000e+00 : f32
        %neg3A_152 = vector.broadcast %neg3A : f32 to vector<16xf32>
        %neg3A_153 = arith.subf %neg3A_152, %add3A_151 : vector<16xf32>
        %exp3A = math.exp %neg3A_153 : vector<16xf32>
        %add3A_154 = arith.constant 1.000000e+00 : f32
        %add3A_155 = vector.broadcast %add3A_154 : f32 to vector<16xf32>
        %add3A_156 = arith.addf %add3A_155, %exp3A : vector<16xf32>
        %div3A = arith.divf %add3A_151, %add3A_156 : vector<16xf32>
        %swap3A_157 = arith.index_cast %add3A_138 : i32 to index
        %swap3A_158 = arith.constant 0 : index
        %swap3A_159 = tpu.vector_load %arg29[%swap3A_157, %swap3A_158] {strides = array<i32>} : memref<80x128xf32, #tpu.memory_space<vmem>>, vector<16xf32>,
        tpu.vector_store %arg29[%swap3A_157, %swap3A_158], %div3A {strides = array<i32>} : memref<80x128xf32, #tpu.memory_space<vmem>>, vector<16xf32>,
        %get3A_160 = arith.constant 0 : index
        %get3A_161 = tpu.vector_load %arg33[%get3A_160] {strides = array<i32>} : memref<128xf32, #tpu.memory_space<vmem>>, vector<16xf32>,
        %mul3A_162 = arith.mulf %div3A, %get3A_161 : vector<16xf32>
        %add3A_163 = arith.addf %broadcast_in_dim3A_140, %mul3A_162 : vector<16xf32>
        %get3A_164 = arith.index_cast %add3A_138 : i32 to index
        %get3A_165 = arith.constant 16 : index
        %get3A_166 = tpu.vector_load %arg23[%get3A_164, %get3A_165] {strides = array<i32>} : memref<80x128xf32, #tpu.memory_space<vmem>>, vector<16xf32>,
        %get3A_167 = arith.index_cast %add3A_138 : i32 to index
        %get3A_168 = arith.constant 16 : index
        %get3A_169 = tpu.vector_load %arg24[%get3A_167, %get3A_168] {strides = array<i32>} : memref<80x128xf32, #tpu.memory_space<vmem>>, vector<16xf32>,
        %add3A_170 = arith.addf %get3A_166, %get3A_169 : vector<16xf32>
        %get3A_171 = arith.index_cast %add3A_138 : i32 to index
        %get3A_172 = arith.constant 16 : index
        %get3A_173 = tpu.vector_load %arg25[%get3A_171, %get3A_172] {strides = array<i32>} : memref<80x128xf32, #tpu.memory_space<vmem>>, vector<16xf32>,
        %add3A_174 = arith.addf %add3A_170, %get3A_173 : vector<16xf32>
        %neg3A_175 = arith.constant 0.000000e+00 : f32
        %neg3A_176 = vector.broadcast %neg3A_175 : f32 to vector<16xf32>
        %neg3A_177 = arith.subf %neg3A_176, %add3A_174 : vector<16xf32>
        %exp3A_178 = math.exp %neg3A_177 : vector<16xf32>
        %add3A_179 = arith.constant 1.000000e+00 : f32
        %add3A_180 = vector.broadcast %add3A_179 : f32 to vector<16xf32>
        %add3A_181 = arith.addf %add3A_180, %exp3A_178 : vector<16xf32>
        %div3A_182 = arith.divf %add3A_174, %add3A_181 : vector<16xf32>
        %swap3A_183 = arith.index_cast %add3A_138 : i32 to index
        %swap3A_184 = arith.constant 16 : index
        %swap3A_185 = tpu.vector_load %arg29[%swap3A_183, %swap3A_184] {strides = array<i32>} : memref<80x128xf32, #tpu.memory_space<vmem>>, vector<16xf32>,
        tpu.vector_store %arg29[%swap3A_183, %swap3A_184], %div3A_182 {strides = array<i32>} : memref<80x128xf32, #tpu.memory_space<vmem>>, vector<16xf32>,
        %get3A_186 = arith.constant 16 : index
        %get3A_187 = tpu.vector_load %arg33[%get3A_186] {strides = array<i32>} : memref<128xf32, #tpu.memory_space<vmem>>, vector<16xf32>,
        %mul3A_188 = arith.mulf %div3A_182, %get3A_187 : vector<16xf32>
        %add3A_189 = arith.addf %add3A_163, %mul3A_188 : vector<16xf32>
        %get3A_190 = arith.index_cast %add3A_138 : i32 to index
        %get3A_191 = arith.constant 32 : index
        %get3A_192 = tpu.vector_load %arg23[%get3A_190, %get3A_191] {strides = array<i32>} : memref<80x128xf32, #tpu.memory_space<vmem>>, vector<16xf32>,
        %get3A_193 = arith.index_cast %add3A_138 : i32 to index
        %get3A_194 = arith.constant 32 : index
        %get3A_195 = tpu.vector_load %arg24[%get3A_193, %get3A_194] {strides = array<i32>} : memref<80x128xf32, #tpu.memory_space<vmem>>, vector<16xf32>,
        %add3A_196 = arith.addf %get3A_192, %get3A_195 : vector<16xf32>
        %get3A_197 = arith.index_cast %add3A_138 : i32 to index
        %get3A_198 = arith.constant 32 : index
        %get3A_199 = tpu.vector_load %arg25[%get3A_197, %get3A_198] {strides = array<i32>} : memref<80x128xf32, #tpu.memory_space<vmem>>, vector<16xf32>,
        %add3A_200 = arith.addf %add3A_196, %get3A_199 : vector<16xf32>
        %neg3A_201 = arith.constant 0.000000e+00 : f32
        %neg3A_202 = vector.broadcast %neg3A_201 : f32 to vector<16xf32>
        %neg3A_203 = arith.subf %neg3A_202, %add3A_200 : vector<16xf32>
        %exp3A_204 = math.exp %neg3A_203 : vector<16xf32>
        %add3A_205 = arith.constant 1.000000e+00 : f32
        %add3A_206 = vector.broadcast %add3A_205 : f32 to vector<16xf32>
        %add3A_207 = arith.addf %add3A_206, %exp3A_204 : vector<16xf32>
        %div3A_208 = arith.divf %add3A_200, %add3A_207 : vector<16xf32>
        %swap3A_209 = arith.index_cast %add3A_138 : i32 to index
        %swap3A_210 = arith.constant 32 : index
        %swap3A_211 = tpu.vector_load %arg29[%swap3A_209, %swap3A_210] {strides = array<i32>} : memref<80x128xf32, #tpu.memory_space<vmem>>, vector<16xf32>,
        tpu.vector_store %arg29[%swap3A_209, %swap3A_210], %div3A_208 {strides = array<i32>} : memref<80x128xf32, #tpu.memory_space<vmem>>, vector<16xf32>,
        %get3A_212 = arith.constant 32 : index
        %get3A_213 = tpu.vector_load %arg33[%get3A_212] {strides = array<i32>} : memref<128xf32, #tpu.memory_space<vmem>>, vector<16xf32>,
        %mul3A_214 = arith.mulf %div3A_208, %get3A_213 : vector<16xf32>
        %add3A_215 = arith.addf %add3A_189, %mul3A_214 : vector<16xf32>
        %get3A_216 = arith.index_cast %add3A_138 : i32 to index
        %get3A_217 = arith.constant 48 : index
        %get3A_218 = tpu.vector_load %arg23[%get3A_216, %get3A_217] {strides = array<i32>} : memref<80x128xf32, #tpu.memory_space<vmem>>, vector<16xf32>,
        %get3A_219 = arith.index_cast %add3A_138 : i32 to index
        %get3A_220 = arith.constant 48 : index
        %get3A_221 = tpu.vector_load %arg24[%get3A_219, %get3A_220] {strides = array<i32>} : memref<80x128xf32, #tpu.memory_space<vmem>>, vector<16xf32>,
        %add3A_222 = arith.addf %get3A_218, %get3A_221 : vector<16xf32>
        %get3A_223 = arith.index_cast %add3A_138 : i32 to index
        %get3A_224 = arith.constant 48 : index
        %get3A_225 = tpu.vector_load %arg25[%get3A_223, %get3A_224] {strides = array<i32>} : memref<80x128xf32, #tpu.memory_space<vmem>>, vector<16xf32>,
        %add3A_226 = arith.addf %add3A_222, %get3A_225 : vector<16xf32>
        %neg3A_227 = arith.constant 0.000000e+00 : f32
        %neg3A_228 = vector.broadcast %neg3A_227 : f32 to vector<16xf32>
        %neg3A_229 = arith.subf %neg3A_228, %add3A_226 : vector<16xf32>
        %exp3A_230 = math.exp %neg3A_229 : vector<16xf32>
        %add3A_231 = arith.constant 1.000000e+00 : f32
        %add3A_232 = vector.broadcast %add3A_231 : f32 to vector<16xf32>
        %add3A_233 = arith.addf %add3A_232, %exp3A_230 : vector<16xf32>
        %div3A_234 = arith.divf %add3A_226, %add3A_233 : vector<16xf32>
        %swap3A_235 = arith.index_cast %add3A_138 : i32 to index
        %swap3A_236 = arith.constant 48 : index
        %swap3A_237 = tpu.vector_load %arg29[%swap3A_235, %swap3A_236] {strides = array<i32>} : memref<80x128xf32, #tpu.memory_space<vmem>>, vector<16xf32>,
        tpu.vector_store %arg29[%swap3A_235, %swap3A_236], %div3A_234 {strides = array<i32>} : memref<80x128xf32, #tpu.memory_space<vmem>>, vector<16xf32>,
        %get3A_238 = arith.constant 48 : index
        %get3A_239 = tpu.vector_load %arg33[%get3A_238] {strides = array<i32>} : memref<128xf32, #tpu.memory_space<vmem>>, vector<16xf32>,
        %mul3A_240 = arith.mulf %div3A_234, %get3A_239 : vector<16xf32>
        %add3A_241 = arith.addf %add3A_215, %mul3A_240 : vector<16xf32>
        %get3A_242 = arith.index_cast %add3A_138 : i32 to index
        %get3A_243 = arith.constant 64 : index
        %get3A_244 = tpu.vector_load %arg23[%get3A_242, %get3A_243] {strides = array<i32>} : memref<80x128xf32, #tpu.memory_space<vmem>>, vector<16xf32>,
        %get3A_245 = arith.index_cast %add3A_138 : i32 to index
        %get3A_246 = arith.constant 64 : index
        %get3A_247 = tpu.vector_load %arg24[%get3A_245, %get3A_246] {strides = array<i32>} : memref<80x128xf32, #tpu.memory_space<vmem>>, vector<16xf32>,
        %add3A_248 = arith.addf %get3A_244, %get3A_247 : vector<16xf32>
        %get3A_249 = arith.index_cast %add3A_138 : i32 to index
        %get3A_250 = arith.constant 64 : index
        %get3A_251 = tpu.vector_load %arg25[%get3A_249, %get3A_250] {strides = array<i32>} : memref<80x128xf32, #tpu.memory_space<vmem>>, vector<16xf32>,
        %add3A_252 = arith.addf %add3A_248, %get3A_251 : vector<16xf32>
        %neg3A_253 = arith.constant 0.000000e+00 : f32
        %neg3A_254 = vector.broadcast %neg3A_253 : f32 to vector<16xf32>
        %neg3A_255 = arith.subf %neg3A_254, %add3A_252 : vector<16xf32>
        %exp3A_256 = math.exp %neg3A_255 : vector<16xf32>
        %add3A_257 = arith.constant 1.000000e+00 : f32
        %add3A_258 = vector.broadcast %add3A_257 : f32 to vector<16xf32>
        %add3A_259 = arith.addf %add3A_258, %exp3A_256 : vector<16xf32>
        %div3A_260 = arith.divf %add3A_252, %add3A_259 : vector<16xf32>
        %swap3A_261 = arith.index_cast %add3A_138 : i32 to index
        %swap3A_262 = arith.constant 64 : index
        %swap3A_263 = tpu.vector_load %arg29[%swap3A_261, %swap3A_262] {strides = array<i32>} : memref<80x128xf32, #tpu.memory_space<vmem>>, vector<16xf32>,
        tpu.vector_store %arg29[%swap3A_261, %swap3A_262], %div3A_260 {strides = array<i32>} : memref<80x128xf32, #tpu.memory_space<vmem>>, vector<16xf32>,
        %get3A_264 = arith.constant 64 : index
        %get3A_265 = tpu.vector_load %arg33[%get3A_264] {strides = array<i32>} : memref<128xf32, #tpu.memory_space<vmem>>, vector<16xf32>,
        %mul3A_266 = arith.mulf %div3A_260, %get3A_265 : vector<16xf32>
        %add3A_267 = arith.addf %add3A_241, %mul3A_266 : vector<16xf32>
        %get3A_268 = arith.index_cast %add3A_138 : i32 to index
        %get3A_269 = arith.constant 80 : index
        %get3A_270 = tpu.vector_load %arg23[%get3A_268, %get3A_269] {strides = array<i32>} : memref<80x128xf32, #tpu.memory_space<vmem>>, vector<16xf32>,
        %get3A_271 = arith.index_cast %add3A_138 : i32 to index
        %get3A_272 = arith.constant 80 : index
        %get3A_273 = tpu.vector_load %arg24[%get3A_271, %get3A_272] {strides = array<i32>} : memref<80x128xf32, #tpu.memory_space<vmem>>, vector<16xf32>,
        %add3A_274 = arith.addf %get3A_270, %get3A_273 : vector<16xf32>
        %get3A_275 = arith.index_cast %add3A_138 : i32 to index
        %get3A_276 = arith.constant 80 : index
        %get3A_277 = tpu.vector_load %arg25[%get3A_275, %get3A_276] {strides = array<i32>} : memref<80x128xf32, #tpu.memory_space<vmem>>, vector<16xf32>,
        %add3A_278 = arith.addf %add3A_274, %get3A_277 : vector<16xf32>
        %neg3A_279 = arith.constant 0.000000e+00 : f32
        %neg3A_280 = vector.broadcast %neg3A_279 : f32 to vector<16xf32>
        %neg3A_281 = arith.subf %neg3A_280, %add3A_278 : vector<16xf32>
        %exp3A_282 = math.exp %neg3A_281 : vector<16xf32>
        %add3A_283 = arith.constant 1.000000e+00 : f32
        %add3A_284 = vector.broadcast %add3A_283 : f32 to vector<16xf32>
        %add3A_285 = arith.addf %add3A_284, %exp3A_282 : vector<16xf32>
        %div3A_286 = arith.divf %add3A_278, %add3A_285 : vector<16xf32>
        %swap3A_287 = arith.index_cast %add3A_138 : i32 to index
        %swap3A_288 = arith.constant 80 : index
        %swap3A_289 = tpu.vector_load %arg29[%swap3A_287, %swap3A_288] {strides = array<i32>} : memref<80x128xf32, #tpu.memory_space<vmem>>, vector<16xf32>,
        tpu.vector_store %arg29[%swap3A_287, %swap3A_288], %div3A_286 {strides = array<i32>} : memref<80x128xf32, #tpu.memory_space<vmem>>, vector<16xf32>,
        %get3A_290 = arith.constant 80 : index
        %get3A_291 = tpu.vector_load %arg33[%get3A_290] {strides = array<i32>} : memref<128xf32, #tpu.memory_space<vmem>>, vector<16xf32>,
        %mul3A_292 = arith.mulf %div3A_286, %get3A_291 : vector<16xf32>
        %add3A_293 = arith.addf %add3A_267, %mul3A_292 : vector<16xf32>
        %get3A_294 = arith.index_cast %add3A_138 : i32 to index
        %get3A_295 = arith.constant 96 : index
        %get3A_296 = tpu.vector_load %arg23[%get3A_294, %get3A_295] {strides = array<i32>} : memref<80x128xf32, #tpu.memory_space<vmem>>, vector<16xf32>,
        %get3A_297 = arith.index_cast %add3A_138 : i32 to index
        %get3A_298 = arith.constant 96 : index
        %get3A_299 = tpu.vector_load %arg24[%get3A_297, %get3A_298] {strides = array<i32>} : memref<80x128xf32, #tpu.memory_space<vmem>>, vector<16xf32>,
        %add3A_300 = arith.addf %get3A_296, %get3A_299 : vector<16xf32>
        %get3A_301 = arith.index_cast %add3A_138 : i32 to index
        %get3A_302 = arith.constant 96 : index
        %get3A_303 = tpu.vector_load %arg25[%get3A_301, %get3A_302] {strides = array<i32>} : memref<80x128xf32, #tpu.memory_space<vmem>>, vector<16xf32>,
        %add3A_304 = arith.addf %add3A_300, %get3A_303 : vector<16xf32>
        %neg3A_305 = arith.constant 0.000000e+00 : f32
        %neg3A_306 = vector.broadcast %neg3A_305 : f32 to vector<16xf32>
        %neg3A_307 = arith.subf %neg3A_306, %add3A_304 : vector<16xf32>
        %exp3A_308 = math.exp %neg3A_307 : vector<16xf32>
        %add3A_309 = arith.constant 1.000000e+00 : f32
        %add3A_310 = vector.broadcast %add3A_309 : f32 to vector<16xf32>
        %add3A_311 = arith.addf %add3A_310, %exp3A_308 : vector<16xf32>
        %div3A_312 = arith.divf %add3A_304, %add3A_311 : vector<16xf32>
        %swap3A_313 = arith.index_cast %add3A_138 : i32 to index
        %swap3A_314 = arith.constant 96 : index
        %swap3A_315 = tpu.vector_load %arg29[%swap3A_313, %swap3A_314] {strides = array<i32>} : memref<80x128xf32, #tpu.memory_space<vmem>>, vector<16xf32>,
        tpu.vector_store %arg29[%swap3A_313, %swap3A_314], %div3A_312 {strides = array<i32>} : memref<80x128xf32, #tpu.memory_space<vmem>>, vector<16xf32>,
        %get3A_316 = arith.constant 96 : index
        %get3A_317 = tpu.vector_load %arg33[%get3A_316] {strides = array<i32>} : memref<128xf32, #tpu.memory_space<vmem>>, vector<16xf32>,
        %mul3A_318 = arith.mulf %div3A_312, %get3A_317 : vector<16xf32>
        %add3A_319 = arith.addf %add3A_293, %mul3A_318 : vector<16xf32>
        %get3A_320 = arith.index_cast %add3A_138 : i32 to index
        %get3A_321 = arith.constant 112 : index
        %get3A_322 = tpu.vector_load %arg23[%get3A_320, %get3A_321] {strides = array<i32>} : memref<80x128xf32, #tpu.memory_space<vmem>>, vector<16xf32>,
        %get3A_323 = arith.index_cast %add3A_138 : i32 to index
        %get3A_324 = arith.constant 112 : index
        %get3A_325 = tpu.vector_load %arg24[%get3A_323, %get3A_324] {strides = array<i32>} : memref<80x128xf32, #tpu.memory_space<vmem>>, vector<16xf32>,
        %add3A_326 = arith.addf %get3A_322, %get3A_325 : vector<16xf32>
        %get3A_327 = arith.index_cast %add3A_138 : i32 to index
        %get3A_328 = arith.constant 112 : index
        %get3A_329 = tpu.vector_load %arg25[%get3A_327, %get3A_328] {strides = array<i32>} : memref<80x128xf32, #tpu.memory_space<vmem>>, vector<16xf32>,
        %add3A_330 = arith.addf %add3A_326, %get3A_329 : vector<16xf32>
        %neg3A_331 = arith.constant 0.000000e+00 : f32
        %neg3A_332 = vector.broadcast %neg3A_331 : f32 to vector<16xf32>
        %neg3A_333 = arith.subf %neg3A_332, %add3A_330 : vector<16xf32>
        %exp3A_334 = math.exp %neg3A_333 : vector<16xf32>
        %add3A_335 = arith.constant 1.000000e+00 : f32
        %add3A_336 = vector.broadcast %add3A_335 : f32 to vector<16xf32>
        %add3A_337 = arith.addf %add3A_336, %exp3A_334 : vector<16xf32>
        %div3A_338 = arith.divf %add3A_330, %add3A_337 : vector<16xf32>
        %swap3A_339 = arith.index_cast %add3A_138 : i32 to index
        %swap3A_340 = arith.constant 112 : index
        %swap3A_341 = tpu.vector_load %arg29[%swap3A_339, %swap3A_340] {strides = array<i32>} : memref<80x128xf32, #tpu.memory_space<vmem>>, vector<16xf32>,
        tpu.vector_store %arg29[%swap3A_339, %swap3A_340], %div3A_338 {strides = array<i32>} : memref<80x128xf32, #tpu.memory_space<vmem>>, vector<16xf32>,
        %get3A_342 = arith.constant 112 : index
        %get3A_343 = tpu.vector_load %arg33[%get3A_342] {strides = array<i32>} : memref<128xf32, #tpu.memory_space<vmem>>, vector<16xf32>,
        %mul3A_344 = arith.mulf %div3A_338, %get3A_343 : vector<16xf32>
        %add3A_345 = arith.addf %add3A_319, %mul3A_344 : vector<16xf32>
        %reduce_sum3A = arith.constant true
        %reduce_sum3A_346 = vector.broadcast %reduce_sum3A : i1 to vector<16xi1>
        %reduce_sum3A_347 = tpu.scan <sum>, %add3A_345 masked %reduce_sum3A_346 : vector<16xf32>, vector<16xi1> -> vector<16xf32>
        %reduce_sum3A_348 = vector.extract %reduce_sum3A_347[15] : f32 from vector<16xf32>
        %eq3A_349 = vector.broadcast %scan3A_135 : i32 to vector<16xi32>
        %eq3A_350 = arith.cmpi eq, %iota3A, %eq3A_349 : vector<16xi32>
        %broadcast_in_dim3A_351 = vector.broadcast %reduce_sum3A_348 : f32 to vector<16xf32>
        %select_n3A = arith.select %eq3A_350, %broadcast_in_dim3A_351, %scan3A_136 : vector<16xi1>, vector<16xf32>
        scf.yield %select_n3A : vector<16xf32>
      }
      %scan3A_95 = arith.constant 16 : i32
      %get3A_96 = arith.constant 48 : index
      %get3A_97 = tpu.vector_load %arg26[%get3A_96] {strides = array<i32>} : memref<80xf32, #tpu.memory_space<vmem>>, vector<16xf32>,
      %mul3A_98 = arith.mulf %scan3A_94, %get3A_97 : vector<16xf32>
      %swap3A_99 = arith.constant 48 : index
      %swap3A_100 = tpu.vector_load %arg30[%swap3A_99] {strides = array<i32>} : memref<80xf32, #tpu.memory_space<vmem>>, vector<16xf32>,
      tpu.vector_store %arg30[%swap3A_99], %mul3A_98 {strides = array<i32>} : memref<80xf32, #tpu.memory_space<vmem>>, vector<16xf32>,
      %get3A_101 = arith.constant 48 : index
      %get3A_102 = tpu.vector_load %arg27[%get3A_101] {strides = array<i32>} : memref<80xf32, #tpu.memory_space<vmem>>, vector<16xf32>,
      %mul3A_103 = arith.mulf %scan3A_94, %get3A_102 : vector<16xf32>
      %swap3A_104 = arith.constant 48 : index
      %swap3A_105 = tpu.vector_load %arg31[%swap3A_104] {strides = array<i32>} : memref<80xf32, #tpu.memory_space<vmem>>, vector<16xf32>,
      tpu.vector_store %arg31[%swap3A_104], %mul3A_103 {strides = array<i32>} : memref<80xf32, #tpu.memory_space<vmem>>, vector<16xf32>,
      %get3A_106 = arith.constant 48 : index
      %get3A_107 = tpu.vector_load %arg28[%get3A_106] {strides = array<i32>} : memref<80xf32, #tpu.memory_space<vmem>>, vector<16xf32>,
      %mul3A_108 = arith.mulf %scan3A_94, %get3A_107 : vector<16xf32>
      %swap3A_109 = arith.constant 48 : index
      %swap3A_110 = tpu.vector_load %arg32[%swap3A_109] {strides = array<i32>} : memref<80xf32, #tpu.memory_space<vmem>>, vector<16xf32>,
      tpu.vector_store %arg32[%swap3A_109], %mul3A_108 {strides = array<i32>} : memref<80xf32, #tpu.memory_space<vmem>>, vector<16xf32>,
      %broadcast_in_dim3A_111 = arith.constant 0.000000e+00 : f32
      %broadcast_in_dim3A_112 = vector.broadcast %broadcast_in_dim3A_111 : f32 to vector<16xf32>
      %scan3A_113 = arith.constant 0 : i32
      %scan3A_114 = arith.constant 16 : i32
      %scan3A_115 = arith.addi %scan3A_113, %scan3A_114 : i32
      %scan3A_116 = arith.constant 1 : i32
      %scan3A_117 = scf.for %scan3A_135 = %scan3A_113 to %scan3A_115 step %scan3A_116 iter_args(%scan3A_136 = %broadcast_in_dim3A_112) -> (vector<16xf32>)  : i32 {
        %add3A_137 = arith.constant 64 : i32
        %add3A_138 = arith.addi %add3A_137, %scan3A_135 : i32
        %broadcast_in_dim3A_139 = arith.constant 0.000000e+00 : f32
        %broadcast_in_dim3A_140 = vector.broadcast %broadcast_in_dim3A_139 : f32 to vector<16xf32>
        %get3A_141 = arith.index_cast %add3A_138 : i32 to index
        %get3A_142 = arith.constant 0 : index
        %get3A_143 = tpu.vector_load %arg23[%get3A_141, %get3A_142] {strides = array<i32>} : memref<80x128xf32, #tpu.memory_space<vmem>>, vector<16xf32>,
        %get3A_144 = arith.index_cast %add3A_138 : i32 to index
        %get3A_145 = arith.constant 0 : index
        %get3A_146 = tpu.vector_load %arg24[%get3A_144, %get3A_145] {strides = array<i32>} : memref<80x128xf32, #tpu.memory_space<vmem>>, vector<16xf32>,
        %add3A_147 = arith.addf %get3A_143, %get3A_146 : vector<16xf32>
        %get3A_148 = arith.index_cast %add3A_138 : i32 to index
        %get3A_149 = arith.constant 0 : index
        %get3A_150 = tpu.vector_load %arg25[%get3A_148, %get3A_149] {strides = array<i32>} : memref<80x128xf32, #tpu.memory_space<vmem>>, vector<16xf32>,
        %add3A_151 = arith.addf %add3A_147, %get3A_150 : vector<16xf32>
        %neg3A = arith.constant 0.000000e+00 : f32
        %neg3A_152 = vector.broadcast %neg3A : f32 to vector<16xf32>
        %neg3A_153 = arith.subf %neg3A_152, %add3A_151 : vector<16xf32>
        %exp3A = math.exp %neg3A_153 : vector<16xf32>
        %add3A_154 = arith.constant 1.000000e+00 : f32
        %add3A_155 = vector.broadcast %add3A_154 : f32 to vector<16xf32>
        %add3A_156 = arith.addf %add3A_155, %exp3A : vector<16xf32>
        %div3A = arith.divf %add3A_151, %add3A_156 : vector<16xf32>
        %swap3A_157 = arith.index_cast %add3A_138 : i32 to index
        %swap3A_158 = arith.constant 0 : index
        %swap3A_159 = tpu.vector_load %arg29[%swap3A_157, %swap3A_158] {strides = array<i32>} : memref<80x128xf32, #tpu.memory_space<vmem>>, vector<16xf32>,
        tpu.vector_store %arg29[%swap3A_157, %swap3A_158], %div3A {strides = array<i32>} : memref<80x128xf32, #tpu.memory_space<vmem>>, vector<16xf32>,
        %get3A_160 = arith.constant 0 : index
        %get3A_161 = tpu.vector_load %arg33[%get3A_160] {strides = array<i32>} : memref<128xf32, #tpu.memory_space<vmem>>, vector<16xf32>,
        %mul3A_162 = arith.mulf %div3A, %get3A_161 : vector<16xf32>
        %add3A_163 = arith.addf %broadcast_in_dim3A_140, %mul3A_162 : vector<16xf32>
        %get3A_164 = arith.index_cast %add3A_138 : i32 to index
        %get3A_165 = arith.constant 16 : index
        %get3A_166 = tpu.vector_load %arg23[%get3A_164, %get3A_165] {strides = array<i32>} : memref<80x128xf32, #tpu.memory_space<vmem>>, vector<16xf32>,
        %get3A_167 = arith.index_cast %add3A_138 : i32 to index
        %get3A_168 = arith.constant 16 : index
        %get3A_169 = tpu.vector_load %arg24[%get3A_167, %get3A_168] {strides = array<i32>} : memref<80x128xf32, #tpu.memory_space<vmem>>, vector<16xf32>,
        %add3A_170 = arith.addf %get3A_166, %get3A_169 : vector<16xf32>
        %get3A_171 = arith.index_cast %add3A_138 : i32 to index
        %get3A_172 = arith.constant 16 : index
        %get3A_173 = tpu.vector_load %arg25[%get3A_171, %get3A_172] {strides = array<i32>} : memref<80x128xf32, #tpu.memory_space<vmem>>, vector<16xf32>,
        %add3A_174 = arith.addf %add3A_170, %get3A_173 : vector<16xf32>
        %neg3A_175 = arith.constant 0.000000e+00 : f32
        %neg3A_176 = vector.broadcast %neg3A_175 : f32 to vector<16xf32>
        %neg3A_177 = arith.subf %neg3A_176, %add3A_174 : vector<16xf32>
        %exp3A_178 = math.exp %neg3A_177 : vector<16xf32>
        %add3A_179 = arith.constant 1.000000e+00 : f32
        %add3A_180 = vector.broadcast %add3A_179 : f32 to vector<16xf32>
        %add3A_181 = arith.addf %add3A_180, %exp3A_178 : vector<16xf32>
        %div3A_182 = arith.divf %add3A_174, %add3A_181 : vector<16xf32>
        %swap3A_183 = arith.index_cast %add3A_138 : i32 to index
        %swap3A_184 = arith.constant 16 : index
        %swap3A_185 = tpu.vector_load %arg29[%swap3A_183, %swap3A_184] {strides = array<i32>} : memref<80x128xf32, #tpu.memory_space<vmem>>, vector<16xf32>,
        tpu.vector_store %arg29[%swap3A_183, %swap3A_184], %div3A_182 {strides = array<i32>} : memref<80x128xf32, #tpu.memory_space<vmem>>, vector<16xf32>,
        %get3A_186 = arith.constant 16 : index
        %get3A_187 = tpu.vector_load %arg33[%get3A_186] {strides = array<i32>} : memref<128xf32, #tpu.memory_space<vmem>>, vector<16xf32>,
        %mul3A_188 = arith.mulf %div3A_182, %get3A_187 : vector<16xf32>
        %add3A_189 = arith.addf %add3A_163, %mul3A_188 : vector<16xf32>
        %get3A_190 = arith.index_cast %add3A_138 : i32 to index
        %get3A_191 = arith.constant 32 : index
        %get3A_192 = tpu.vector_load %arg23[%get3A_190, %get3A_191] {strides = array<i32>} : memref<80x128xf32, #tpu.memory_space<vmem>>, vector<16xf32>,
        %get3A_193 = arith.index_cast %add3A_138 : i32 to index
        %get3A_194 = arith.constant 32 : index
        %get3A_195 = tpu.vector_load %arg24[%get3A_193, %get3A_194] {strides = array<i32>} : memref<80x128xf32, #tpu.memory_space<vmem>>, vector<16xf32>,
        %add3A_196 = arith.addf %get3A_192, %get3A_195 : vector<16xf32>
        %get3A_197 = arith.index_cast %add3A_138 : i32 to index
        %get3A_198 = arith.constant 32 : index
        %get3A_199 = tpu.vector_load %arg25[%get3A_197, %get3A_198] {strides = array<i32>} : memref<80x128xf32, #tpu.memory_space<vmem>>, vector<16xf32>,
        %add3A_200 = arith.addf %add3A_196, %get3A_199 : vector<16xf32>
        %neg3A_201 = arith.constant 0.000000e+00 : f32
        %neg3A_202 = vector.broadcast %neg3A_201 : f32 to vector<16xf32>
        %neg3A_203 = arith.subf %neg3A_202, %add3A_200 : vector<16xf32>
        %exp3A_204 = math.exp %neg3A_203 : vector<16xf32>
        %add3A_205 = arith.constant 1.000000e+00 : f32
        %add3A_206 = vector.broadcast %add3A_205 : f32 to vector<16xf32>
        %add3A_207 = arith.addf %add3A_206, %exp3A_204 : vector<16xf32>
        %div3A_208 = arith.divf %add3A_200, %add3A_207 : vector<16xf32>
        %swap3A_209 = arith.index_cast %add3A_138 : i32 to index
        %swap3A_210 = arith.constant 32 : index
        %swap3A_211 = tpu.vector_load %arg29[%swap3A_209, %swap3A_210] {strides = array<i32>} : memref<80x128xf32, #tpu.memory_space<vmem>>, vector<16xf32>,
        tpu.vector_store %arg29[%swap3A_209, %swap3A_210], %div3A_208 {strides = array<i32>} : memref<80x128xf32, #tpu.memory_space<vmem>>, vector<16xf32>,
        %get3A_212 = arith.constant 32 : index
        %get3A_213 = tpu.vector_load %arg33[%get3A_212] {strides = array<i32>} : memref<128xf32, #tpu.memory_space<vmem>>, vector<16xf32>,
        %mul3A_214 = arith.mulf %div3A_208, %get3A_213 : vector<16xf32>
        %add3A_215 = arith.addf %add3A_189, %mul3A_214 : vector<16xf32>
        %get3A_216 = arith.index_cast %add3A_138 : i32 to index
        %get3A_217 = arith.constant 48 : index
        %get3A_218 = tpu.vector_load %arg23[%get3A_216, %get3A_217] {strides = array<i32>} : memref<80x128xf32, #tpu.memory_space<vmem>>, vector<16xf32>,
        %get3A_219 = arith.index_cast %add3A_138 : i32 to index
        %get3A_220 = arith.constant 48 : index
        %get3A_221 = tpu.vector_load %arg24[%get3A_219, %get3A_220] {strides = array<i32>} : memref<80x128xf32, #tpu.memory_space<vmem>>, vector<16xf32>,
        %add3A_222 = arith.addf %get3A_218, %get3A_221 : vector<16xf32>
        %get3A_223 = arith.index_cast %add3A_138 : i32 to index
        %get3A_224 = arith.constant 48 : index
        %get3A_225 = tpu.vector_load %arg25[%get3A_223, %get3A_224] {strides = array<i32>} : memref<80x128xf32, #tpu.memory_space<vmem>>, vector<16xf32>,
        %add3A_226 = arith.addf %add3A_222, %get3A_225 : vector<16xf32>
        %neg3A_227 = arith.constant 0.000000e+00 : f32
        %neg3A_228 = vector.broadcast %neg3A_227 : f32 to vector<16xf32>
        %neg3A_229 = arith.subf %neg3A_228, %add3A_226 : vector<16xf32>
        %exp3A_230 = math.exp %neg3A_229 : vector<16xf32>
        %add3A_231 = arith.constant 1.000000e+00 : f32
        %add3A_232 = vector.broadcast %add3A_231 : f32 to vector<16xf32>
        %add3A_233 = arith.addf %add3A_232, %exp3A_230 : vector<16xf32>
        %div3A_234 = arith.divf %add3A_226, %add3A_233 : vector<16xf32>
        %swap3A_235 = arith.index_cast %add3A_138 : i32 to index
        %swap3A_236 = arith.constant 48 : index
        %swap3A_237 = tpu.vector_load %arg29[%swap3A_235, %swap3A_236] {strides = array<i32>} : memref<80x128xf32, #tpu.memory_space<vmem>>, vector<16xf32>,
        tpu.vector_store %arg29[%swap3A_235, %swap3A_236], %div3A_234 {strides = array<i32>} : memref<80x128xf32, #tpu.memory_space<vmem>>, vector<16xf32>,
        %get3A_238 = arith.constant 48 : index
        %get3A_239 = tpu.vector_load %arg33[%get3A_238] {strides = array<i32>} : memref<128xf32, #tpu.memory_space<vmem>>, vector<16xf32>,
        %mul3A_240 = arith.mulf %div3A_234, %get3A_239 : vector<16xf32>
        %add3A_241 = arith.addf %add3A_215, %mul3A_240 : vector<16xf32>
        %get3A_242 = arith.index_cast %add3A_138 : i32 to index
        %get3A_243 = arith.constant 64 : index
        %get3A_244 = tpu.vector_load %arg23[%get3A_242, %get3A_243] {strides = array<i32>} : memref<80x128xf32, #tpu.memory_space<vmem>>, vector<16xf32>,
        %get3A_245 = arith.index_cast %add3A_138 : i32 to index
        %get3A_246 = arith.constant 64 : index
        %get3A_247 = tpu.vector_load %arg24[%get3A_245, %get3A_246] {strides = array<i32>} : memref<80x128xf32, #tpu.memory_space<vmem>>, vector<16xf32>,
        %add3A_248 = arith.addf %get3A_244, %get3A_247 : vector<16xf32>
        %get3A_249 = arith.index_cast %add3A_138 : i32 to index
        %get3A_250 = arith.constant 64 : index
        %get3A_251 = tpu.vector_load %arg25[%get3A_249, %get3A_250] {strides = array<i32>} : memref<80x128xf32, #tpu.memory_space<vmem>>, vector<16xf32>,
        %add3A_252 = arith.addf %add3A_248, %get3A_251 : vector<16xf32>
        %neg3A_253 = arith.constant 0.000000e+00 : f32
        %neg3A_254 = vector.broadcast %neg3A_253 : f32 to vector<16xf32>
        %neg3A_255 = arith.subf %neg3A_254, %add3A_252 : vector<16xf32>
        %exp3A_256 = math.exp %neg3A_255 : vector<16xf32>
        %add3A_257 = arith.constant 1.000000e+00 : f32
        %add3A_258 = vector.broadcast %add3A_257 : f32 to vector<16xf32>
        %add3A_259 = arith.addf %add3A_258, %exp3A_256 : vector<16xf32>
        %div3A_260 = arith.divf %add3A_252, %add3A_259 : vector<16xf32>
        %swap3A_261 = arith.index_cast %add3A_138 : i32 to index
        %swap3A_262 = arith.constant 64 : index
        %swap3A_263 = tpu.vector_load %arg29[%swap3A_261, %swap3A_262] {strides = array<i32>} : memref<80x128xf32, #tpu.memory_space<vmem>>, vector<16xf32>,
        tpu.vector_store %arg29[%swap3A_261, %swap3A_262], %div3A_260 {strides = array<i32>} : memref<80x128xf32, #tpu.memory_space<vmem>>, vector<16xf32>,
        %get3A_264 = arith.constant 64 : index
        %get3A_265 = tpu.vector_load %arg33[%get3A_264] {strides = array<i32>} : memref<128xf32, #tpu.memory_space<vmem>>, vector<16xf32>,
        %mul3A_266 = arith.mulf %div3A_260, %get3A_265 : vector<16xf32>
        %add3A_267 = arith.addf %add3A_241, %mul3A_266 : vector<16xf32>
        %get3A_268 = arith.index_cast %add3A_138 : i32 to index
        %get3A_269 = arith.constant 80 : index
        %get3A_270 = tpu.vector_load %arg23[%get3A_268, %get3A_269] {strides = array<i32>} : memref<80x128xf32, #tpu.memory_space<vmem>>, vector<16xf32>,
        %get3A_271 = arith.index_cast %add3A_138 : i32 to index
        %get3A_272 = arith.constant 80 : index
        %get3A_273 = tpu.vector_load %arg24[%get3A_271, %get3A_272] {strides = array<i32>} : memref<80x128xf32, #tpu.memory_space<vmem>>, vector<16xf32>,
        %add3A_274 = arith.addf %get3A_270, %get3A_273 : vector<16xf32>
        %get3A_275 = arith.index_cast %add3A_138 : i32 to index
        %get3A_276 = arith.constant 80 : index
        %get3A_277 = tpu.vector_load %arg25[%get3A_275, %get3A_276] {strides = array<i32>} : memref<80x128xf32, #tpu.memory_space<vmem>>, vector<16xf32>,
        %add3A_278 = arith.addf %add3A_274, %get3A_277 : vector<16xf32>
        %neg3A_279 = arith.constant 0.000000e+00 : f32
        %neg3A_280 = vector.broadcast %neg3A_279 : f32 to vector<16xf32>
        %neg3A_281 = arith.subf %neg3A_280, %add3A_278 : vector<16xf32>
        %exp3A_282 = math.exp %neg3A_281 : vector<16xf32>
        %add3A_283 = arith.constant 1.000000e+00 : f32
        %add3A_284 = vector.broadcast %add3A_283 : f32 to vector<16xf32>
        %add3A_285 = arith.addf %add3A_284, %exp3A_282 : vector<16xf32>
        %div3A_286 = arith.divf %add3A_278, %add3A_285 : vector<16xf32>
        %swap3A_287 = arith.index_cast %add3A_138 : i32 to index
        %swap3A_288 = arith.constant 80 : index
        %swap3A_289 = tpu.vector_load %arg29[%swap3A_287, %swap3A_288] {strides = array<i32>} : memref<80x128xf32, #tpu.memory_space<vmem>>, vector<16xf32>,
        tpu.vector_store %arg29[%swap3A_287, %swap3A_288], %div3A_286 {strides = array<i32>} : memref<80x128xf32, #tpu.memory_space<vmem>>, vector<16xf32>,
        %get3A_290 = arith.constant 80 : index
        %get3A_291 = tpu.vector_load %arg33[%get3A_290] {strides = array<i32>} : memref<128xf32, #tpu.memory_space<vmem>>, vector<16xf32>,
        %mul3A_292 = arith.mulf %div3A_286, %get3A_291 : vector<16xf32>
        %add3A_293 = arith.addf %add3A_267, %mul3A_292 : vector<16xf32>
        %get3A_294 = arith.index_cast %add3A_138 : i32 to index
        %get3A_295 = arith.constant 96 : index
        %get3A_296 = tpu.vector_load %arg23[%get3A_294, %get3A_295] {strides = array<i32>} : memref<80x128xf32, #tpu.memory_space<vmem>>, vector<16xf32>,
        %get3A_297 = arith.index_cast %add3A_138 : i32 to index
        %get3A_298 = arith.constant 96 : index
        %get3A_299 = tpu.vector_load %arg24[%get3A_297, %get3A_298] {strides = array<i32>} : memref<80x128xf32, #tpu.memory_space<vmem>>, vector<16xf32>,
        %add3A_300 = arith.addf %get3A_296, %get3A_299 : vector<16xf32>
        %get3A_301 = arith.index_cast %add3A_138 : i32 to index
        %get3A_302 = arith.constant 96 : index
        %get3A_303 = tpu.vector_load %arg25[%get3A_301, %get3A_302] {strides = array<i32>} : memref<80x128xf32, #tpu.memory_space<vmem>>, vector<16xf32>,
        %add3A_304 = arith.addf %add3A_300, %get3A_303 : vector<16xf32>
        %neg3A_305 = arith.constant 0.000000e+00 : f32
        %neg3A_306 = vector.broadcast %neg3A_305 : f32 to vector<16xf32>
        %neg3A_307 = arith.subf %neg3A_306, %add3A_304 : vector<16xf32>
        %exp3A_308 = math.exp %neg3A_307 : vector<16xf32>
        %add3A_309 = arith.constant 1.000000e+00 : f32
        %add3A_310 = vector.broadcast %add3A_309 : f32 to vector<16xf32>
        %add3A_311 = arith.addf %add3A_310, %exp3A_308 : vector<16xf32>
        %div3A_312 = arith.divf %add3A_304, %add3A_311 : vector<16xf32>
        %swap3A_313 = arith.index_cast %add3A_138 : i32 to index
        %swap3A_314 = arith.constant 96 : index
        %swap3A_315 = tpu.vector_load %arg29[%swap3A_313, %swap3A_314] {strides = array<i32>} : memref<80x128xf32, #tpu.memory_space<vmem>>, vector<16xf32>,
        tpu.vector_store %arg29[%swap3A_313, %swap3A_314], %div3A_312 {strides = array<i32>} : memref<80x128xf32, #tpu.memory_space<vmem>>, vector<16xf32>,
        %get3A_316 = arith.constant 96 : index
        %get3A_317 = tpu.vector_load %arg33[%get3A_316] {strides = array<i32>} : memref<128xf32, #tpu.memory_space<vmem>>, vector<16xf32>,
        %mul3A_318 = arith.mulf %div3A_312, %get3A_317 : vector<16xf32>
        %add3A_319 = arith.addf %add3A_293, %mul3A_318 : vector<16xf32>
        %get3A_320 = arith.index_cast %add3A_138 : i32 to index
        %get3A_321 = arith.constant 112 : index
        %get3A_322 = tpu.vector_load %arg23[%get3A_320, %get3A_321] {strides = array<i32>} : memref<80x128xf32, #tpu.memory_space<vmem>>, vector<16xf32>,
        %get3A_323 = arith.index_cast %add3A_138 : i32 to index
        %get3A_324 = arith.constant 112 : index
        %get3A_325 = tpu.vector_load %arg24[%get3A_323, %get3A_324] {strides = array<i32>} : memref<80x128xf32, #tpu.memory_space<vmem>>, vector<16xf32>,
        %add3A_326 = arith.addf %get3A_322, %get3A_325 : vector<16xf32>
        %get3A_327 = arith.index_cast %add3A_138 : i32 to index
        %get3A_328 = arith.constant 112 : index
        %get3A_329 = tpu.vector_load %arg25[%get3A_327, %get3A_328] {strides = array<i32>} : memref<80x128xf32, #tpu.memory_space<vmem>>, vector<16xf32>,
        %add3A_330 = arith.addf %add3A_326, %get3A_329 : vector<16xf32>
        %neg3A_331 = arith.constant 0.000000e+00 : f32
        %neg3A_332 = vector.broadcast %neg3A_331 : f32 to vector<16xf32>
        %neg3A_333 = arith.subf %neg3A_332, %add3A_330 : vector<16xf32>
        %exp3A_334 = math.exp %neg3A_333 : vector<16xf32>
        %add3A_335 = arith.constant 1.000000e+00 : f32
        %add3A_336 = vector.broadcast %add3A_335 : f32 to vector<16xf32>
        %add3A_337 = arith.addf %add3A_336, %exp3A_334 : vector<16xf32>
        %div3A_338 = arith.divf %add3A_330, %add3A_337 : vector<16xf32>
        %swap3A_339 = arith.index_cast %add3A_138 : i32 to index
        %swap3A_340 = arith.constant 112 : index
        %swap3A_341 = tpu.vector_load %arg29[%swap3A_339, %swap3A_340] {strides = array<i32>} : memref<80x128xf32, #tpu.memory_space<vmem>>, vector<16xf32>,
        tpu.vector_store %arg29[%swap3A_339, %swap3A_340], %div3A_338 {strides = array<i32>} : memref<80x128xf32, #tpu.memory_space<vmem>>, vector<16xf32>,
        %get3A_342 = arith.constant 112 : index
        %get3A_343 = tpu.vector_load %arg33[%get3A_342] {strides = array<i32>} : memref<128xf32, #tpu.memory_space<vmem>>, vector<16xf32>,
        %mul3A_344 = arith.mulf %div3A_338, %get3A_343 : vector<16xf32>
        %add3A_345 = arith.addf %add3A_319, %mul3A_344 : vector<16xf32>
        %reduce_sum3A = arith.constant true
        %reduce_sum3A_346 = vector.broadcast %reduce_sum3A : i1 to vector<16xi1>
        %reduce_sum3A_347 = tpu.scan <sum>, %add3A_345 masked %reduce_sum3A_346 : vector<16xf32>, vector<16xi1> -> vector<16xf32>
        %reduce_sum3A_348 = vector.extract %reduce_sum3A_347[15] : f32 from vector<16xf32>
        %eq3A_349 = vector.broadcast %scan3A_135 : i32 to vector<16xi32>
        %eq3A_350 = arith.cmpi eq, %iota3A, %eq3A_349 : vector<16xi32>
        %broadcast_in_dim3A_351 = vector.broadcast %reduce_sum3A_348 : f32 to vector<16xf32>
        %select_n3A = arith.select %eq3A_350, %broadcast_in_dim3A_351, %scan3A_136 : vector<16xi1>, vector<16xf32>
        scf.yield %select_n3A : vector<16xf32>
      }
      %scan3A_118 = arith.constant 16 : i32
      %get3A_119 = arith.constant 64 : index
      %get3A_120 = tpu.vector_load %arg26[%get3A_119] {strides = array<i32>} : memref<80xf32, #tpu.memory_space<vmem>>, vector<16xf32>,
      %mul3A_121 = arith.mulf %scan3A_117, %get3A_120 : vector<16xf32>
      %swap3A_122 = arith.constant 64 : index
      %swap3A_123 = tpu.vector_load %arg30[%swap3A_122] {strides = array<i32>} : memref<80xf32, #tpu.memory_space<vmem>>, vector<16xf32>,
      tpu.vector_store %arg30[%swap3A_122], %mul3A_121 {strides = array<i32>} : memref<80xf32, #tpu.memory_space<vmem>>, vector<16xf32>,
      %get3A_124 = arith.constant 64 : index
      %get3A_125 = tpu.vector_load %arg27[%get3A_124] {strides = array<i32>} : memref<80xf32, #tpu.memory_space<vmem>>, vector<16xf32>,
      %mul3A_126 = arith.mulf %scan3A_117, %get3A_125 : vector<16xf32>
      %swap3A_127 = arith.constant 64 : index
      %swap3A_128 = tpu.vector_load %arg31[%swap3A_127] {strides = array<i32>} : memref<80xf32, #tpu.memory_space<vmem>>, vector<16xf32>,
      tpu.vector_store %arg31[%swap3A_127], %mul3A_126 {strides = array<i32>} : memref<80xf32, #tpu.memory_space<vmem>>, vector<16xf32>,
      %get3A_129 = arith.constant 64 : index
      %get3A_130 = tpu.vector_load %arg28[%get3A_129] {strides = array<i32>} : memref<80xf32, #tpu.memory_space<vmem>>, vector<16xf32>,
      %mul3A_131 = arith.mulf %scan3A_117, %get3A_130 : vector<16xf32>
      %swap3A_132 = arith.constant 64 : index
      %swap3A_133 = tpu.vector_load %arg32[%swap3A_132] {strides = array<i32>} : memref<80xf32, #tpu.memory_space<vmem>>, vector<16xf32>,
      tpu.vector_store %arg32[%swap3A_132], %mul3A_131 {strides = array<i32>} : memref<80xf32, #tpu.memory_space<vmem>>, vector<16xf32>,
      "tpu.region"() ({
        %run_scoped3A = tpu.sem_alloc : memref<!tpu.dma_semaphore, #tpu.memory_space<semaphore_mem>>
        %dma_start3A = arith.constant 0 : i32
        %dma_start3A_135 = arith.constant 0 : i32
        %dma_start3A_136 = tpu.memref_slice %arg17[%dma_start3A, %dma_start3A_135] : memref<10240x128xf32, #tpu.memory_space<vmem_shared>> -> memref<10240x128xf32, #tpu.memory_space<vmem_shared>>
        tpu.enqueue_indirect_dma source(%arg29 : memref<80x128xf32, #tpu.memory_space<vmem>>) target(%dma_start3A_136 : memref<10240x128xf32, #tpu.memory_space<vmem_shared>>) offsets(%arg22 : memref<80xi32, #tpu.memory_space<vmem>>) semaphore(%run_scoped3A : memref<!tpu.dma_semaphore, #tpu.memory_space<semaphore_mem>>) {add = true}
        %dma_wait3A = arith.constant 0 : i32
        %dma_wait3A_137 = arith.constant 0 : i32
        %dma_wait3A_138 = tpu.memref_slice %arg17[%dma_wait3A, %dma_wait3A_137] : memref<10240x128xf32, #tpu.memory_space<vmem_shared>> -> memref<10240x128xf32, #tpu.memory_space<vmem_shared>>
        tpu.wait_indirect_dma semaphore(%run_scoped3A : memref<!tpu.dma_semaphore, #tpu.memory_space<semaphore_mem>>) src(%arg29 : memref<80x128xf32, #tpu.memory_space<vmem>>) dst(%dma_wait3A_138 : memref<10240x128xf32, #tpu.memory_space<vmem_shared>>)
        tpu.yield
      }) : () -> ()
      "tpu.region"() ({
        %run_scoped3A = tpu.sem_alloc : memref<!tpu.dma_semaphore, #tpu.memory_space<semaphore_mem>>
        %dma_start3A = arith.constant 0 : i32
        %dma_start3A_135 = tpu.memref_slice %arg18[%dma_start3A] : memref<10240xf32, #tpu.memory_space<vmem_shared>> -> memref<10240xf32, #tpu.memory_space<vmem_shared>>
        tpu.enqueue_indirect_dma source(%arg30 : memref<80xf32, #tpu.memory_space<vmem>>) target(%dma_start3A_135 : memref<10240xf32, #tpu.memory_space<vmem_shared>>) offsets(%arg22 : memref<80xi32, #tpu.memory_space<vmem>>) semaphore(%run_scoped3A : memref<!tpu.dma_semaphore, #tpu.memory_space<semaphore_mem>>) {add = true}
        %dma_wait3A = arith.constant 0 : i32
        %dma_wait3A_136 = tpu.memref_slice %arg18[%dma_wait3A] : memref<10240xf32, #tpu.memory_space<vmem_shared>> -> memref<10240xf32, #tpu.memory_space<vmem_shared>>
        tpu.wait_indirect_dma semaphore(%run_scoped3A : memref<!tpu.dma_semaphore, #tpu.memory_space<semaphore_mem>>) src(%arg30 : memref<80xf32, #tpu.memory_space<vmem>>) dst(%dma_wait3A_136 : memref<10240xf32, #tpu.memory_space<vmem_shared>>)
        tpu.yield
      }) : () -> ()
      "tpu.region"() ({
        %run_scoped3A = tpu.sem_alloc : memref<!tpu.dma_semaphore, #tpu.memory_space<semaphore_mem>>
        %dma_start3A = arith.constant 0 : i32
        %dma_start3A_135 = tpu.memref_slice %arg19[%dma_start3A] : memref<10240xf32, #tpu.memory_space<vmem_shared>> -> memref<10240xf32, #tpu.memory_space<vmem_shared>>
        tpu.enqueue_indirect_dma source(%arg31 : memref<80xf32, #tpu.memory_space<vmem>>) target(%dma_start3A_135 : memref<10240xf32, #tpu.memory_space<vmem_shared>>) offsets(%arg22 : memref<80xi32, #tpu.memory_space<vmem>>) semaphore(%run_scoped3A : memref<!tpu.dma_semaphore, #tpu.memory_space<semaphore_mem>>) {add = true}
        %dma_wait3A = arith.constant 0 : i32
        %dma_wait3A_136 = tpu.memref_slice %arg19[%dma_wait3A] : memref<10240xf32, #tpu.memory_space<vmem_shared>> -> memref<10240xf32, #tpu.memory_space<vmem_shared>>
        tpu.wait_indirect_dma semaphore(%run_scoped3A : memref<!tpu.dma_semaphore, #tpu.memory_space<semaphore_mem>>) src(%arg31 : memref<80xf32, #tpu.memory_space<vmem>>) dst(%dma_wait3A_136 : memref<10240xf32, #tpu.memory_space<vmem_shared>>)
        tpu.yield
      }) : () -> ()
      "tpu.region"() ({
        %run_scoped3A = tpu.sem_alloc : memref<!tpu.dma_semaphore, #tpu.memory_space<semaphore_mem>>
        %dma_start3A = arith.constant 0 : i32
        %dma_start3A_135 = tpu.memref_slice %arg20[%dma_start3A] : memref<10240xf32, #tpu.memory_space<vmem_shared>> -> memref<10240xf32, #tpu.memory_space<vmem_shared>>
        tpu.enqueue_indirect_dma source(%arg32 : memref<80xf32, #tpu.memory_space<vmem>>) target(%dma_start3A_135 : memref<10240xf32, #tpu.memory_space<vmem_shared>>) offsets(%arg22 : memref<80xi32, #tpu.memory_space<vmem>>) semaphore(%run_scoped3A : memref<!tpu.dma_semaphore, #tpu.memory_space<semaphore_mem>>) {add = true}
        %dma_wait3A = arith.constant 0 : i32
        %dma_wait3A_136 = tpu.memref_slice %arg20[%dma_wait3A] : memref<10240xf32, #tpu.memory_space<vmem_shared>> -> memref<10240xf32, #tpu.memory_space<vmem_shared>>
        tpu.wait_indirect_dma semaphore(%run_scoped3A : memref<!tpu.dma_semaphore, #tpu.memory_space<semaphore_mem>>) src(%arg32 : memref<80xf32, #tpu.memory_space<vmem>>) dst(%dma_wait3A_136 : memref<10240xf32, #tpu.memory_space<vmem_shared>>)
        tpu.yield
      }) : () -> ()
      %scan3A_134 = arith.constant 0 : i32
      scf.yield %scan3A_134 : i32
    }
    %scan3A_8 = arith.constant 125 : i32
    %barrier3A_9 = arith.constant 0 : index
    tpu.barrier barrier_id(%barrier3A_9)
    %mul3A_10 = arith.constant 640 : i32
    %mul3A_11 = arith.muli %arg1, %mul3A_10 : i32
    %mul3A_12 = arith.constant 10240 : i32
    %mul3A_13 = arith.muli %arg0, %mul3A_12 : i32
    %add3A_14 = arith.addi %mul3A_13, %mul3A_11 : i32
    "tpu.region"() ({
      %run_scoped3A = tpu.sem_alloc : memref<!tpu.dma_semaphore, #tpu.memory_space<semaphore_mem>>
      %dma_start3A = arith.constant 0 : i32
      %dma_start3A_15 = tpu.memref_slice %arg13[%add3A_14, %dma_start3A] : memref<20480x128xf32, #tpu.memory_space<hbm>> -> memref<640x128xf32, #tpu.memory_space<hbm>>
      %dma_start3A_16 = arith.constant 0 : i32
      %dma_start3A_17 = tpu.memref_slice %arg17[%mul3A_11, %dma_start3A_16] : memref<10240x128xf32, #tpu.memory_space<vmem_shared>> -> memref<640x128xf32, #tpu.memory_space<vmem_shared>>
      tpu.enqueue_dma source(%dma_start3A_17 : memref<640x128xf32, #tpu.memory_space<vmem_shared>>) target(%dma_start3A_15 : memref<640x128xf32, #tpu.memory_space<hbm>>) target_semaphore(%run_scoped3A : memref<!tpu.dma_semaphore, #tpu.memory_space<semaphore_mem>>)
      %dma_wait3A = arith.constant 0 : i32
      %dma_wait3A_18 = tpu.memref_slice %arg13[%add3A_14, %dma_wait3A] : memref<20480x128xf32, #tpu.memory_space<hbm>> -> memref<640x128xf32, #tpu.memory_space<hbm>>
      %dma_wait3A_19 = arith.constant 0 : i32
      %dma_wait3A_20 = tpu.memref_slice %arg17[%mul3A_11, %dma_wait3A_19] : memref<10240x128xf32, #tpu.memory_space<vmem_shared>> -> memref<640x128xf32, #tpu.memory_space<vmem_shared>>
      tpu.wait_dma2 semaphore(%run_scoped3A : memref<!tpu.dma_semaphore, #tpu.memory_space<semaphore_mem>>) src(%dma_wait3A_20 : memref<640x128xf32, #tpu.memory_space<vmem_shared>>) dst(%dma_wait3A_18 : memref<640x128xf32, #tpu.memory_space<hbm>>)
      tpu.yield
    }) : () -> ()
    "tpu.region"() ({
      %run_scoped3A = tpu.sem_alloc : memref<!tpu.dma_semaphore, #tpu.memory_space<semaphore_mem>>
      %dma_start3A = tpu.memref_slice %arg14[%add3A_14] : memref<20480xf32, #tpu.memory_space<hbm>> -> memref<640xf32, #tpu.memory_space<hbm>>
      %dma_start3A_15 = tpu.memref_slice %arg18[%mul3A_11] : memref<10240xf32, #tpu.memory_space<vmem_shared>> -> memref<640xf32, #tpu.memory_space<vmem_shared>>
      tpu.enqueue_dma source(%dma_start3A_15 : memref<640xf32, #tpu.memory_space<vmem_shared>>) target(%dma_start3A : memref<640xf32, #tpu.memory_space<hbm>>) target_semaphore(%run_scoped3A : memref<!tpu.dma_semaphore, #tpu.memory_space<semaphore_mem>>)
      %dma_wait3A = tpu.memref_slice %arg14[%add3A_14] : memref<20480xf32, #tpu.memory_space<hbm>> -> memref<640xf32, #tpu.memory_space<hbm>>
      %dma_wait3A_16 = tpu.memref_slice %arg18[%mul3A_11] : memref<10240xf32, #tpu.memory_space<vmem_shared>> -> memref<640xf32, #tpu.memory_space<vmem_shared>>
      tpu.wait_dma2 semaphore(%run_scoped3A : memref<!tpu.dma_semaphore, #tpu.memory_space<semaphore_mem>>) src(%dma_wait3A_16 : memref<640xf32, #tpu.memory_space<vmem_shared>>) dst(%dma_wait3A : memref<640xf32, #tpu.memory_space<hbm>>)
      tpu.yield
    }) : () -> ()
    "tpu.region"() ({
      %run_scoped3A = tpu.sem_alloc : memref<!tpu.dma_semaphore, #tpu.memory_space<semaphore_mem>>
      %dma_start3A = tpu.memref_slice %arg15[%add3A_14] : memref<20480xf32, #tpu.memory_space<hbm>> -> memref<640xf32, #tpu.memory_space<hbm>>
      %dma_start3A_15 = tpu.memref_slice %arg19[%mul3A_11] : memref<10240xf32, #tpu.memory_space<vmem_shared>> -> memref<640xf32, #tpu.memory_space<vmem_shared>>
      tpu.enqueue_dma source(%dma_start3A_15 : memref<640xf32, #tpu.memory_space<vmem_shared>>) target(%dma_start3A : memref<640xf32, #tpu.memory_space<hbm>>) target_semaphore(%run_scoped3A : memref<!tpu.dma_semaphore, #tpu.memory_space<semaphore_mem>>)
      %dma_wait3A = tpu.memref_slice %arg15[%add3A_14] : memref<20480xf32, #tpu.memory_space<hbm>> -> memref<640xf32, #tpu.memory_space<hbm>>
      %dma_wait3A_16 = tpu.memref_slice %arg19[%mul3A_11] : memref<10240xf32, #tpu.memory_space<vmem_shared>> -> memref<640xf32, #tpu.memory_space<vmem_shared>>
      tpu.wait_dma2 semaphore(%run_scoped3A : memref<!tpu.dma_semaphore, #tpu.memory_space<semaphore_mem>>) src(%dma_wait3A_16 : memref<640xf32, #tpu.memory_space<vmem_shared>>) dst(%dma_wait3A : memref<640xf32, #tpu.memory_space<hbm>>)
      tpu.yield
    }) : () -> ()
    "tpu.region"() ({
      %run_scoped3A = tpu.sem_alloc : memref<!tpu.dma_semaphore, #tpu.memory_space<semaphore_mem>>
      %dma_start3A = tpu.memref_slice %arg16[%add3A_14] : memref<20480xf32, #tpu.memory_space<hbm>> -> memref<640xf32, #tpu.memory_space<hbm>>
      %dma_start3A_15 = tpu.memref_slice %arg20[%mul3A_11] : memref<10240xf32, #tpu.memory_space<vmem_shared>> -> memref<640xf32, #tpu.memory_space<vmem_shared>>
      tpu.enqueue_dma source(%dma_start3A_15 : memref<640xf32, #tpu.memory_space<vmem_shared>>) target(%dma_start3A : memref<640xf32, #tpu.memory_space<hbm>>) target_semaphore(%run_scoped3A : memref<!tpu.dma_semaphore, #tpu.memory_space<semaphore_mem>>)
      %dma_wait3A = tpu.memref_slice %arg16[%add3A_14] : memref<20480xf32, #tpu.memory_space<hbm>> -> memref<640xf32, #tpu.memory_space<hbm>>
      %dma_wait3A_16 = tpu.memref_slice %arg20[%mul3A_11] : memref<10240xf32, #tpu.memory_space<vmem_shared>> -> memref<640xf32, #tpu.memory_space<vmem_shared>>
      tpu.wait_dma2 semaphore(%run_scoped3A : memref<!tpu.dma_semaphore, #tpu.memory_space<semaphore_mem>>) src(%dma_wait3A_16 : memref<640xf32, #tpu.memory_space<vmem_shared>>) dst(%dma_wait3A : memref<640xf32, #tpu.memory_space<hbm>>)
      tpu.yield
    }) : () -> ()
    return
  }
}

#map = affine_map<(d0, d1) -> (0, 0)>
#map1 = affine_map<(d0, d1) -> (0)>
module attributes {stable_mosaic.version = 14 : i64} {
  func.func @_sc_msg(%arg0: i32, %arg1: i32, %arg2: memref<10240x128xf32, #tpu.memory_space<hbm>>, %arg3: memref<10240x128xf32, #tpu.memory_space<hbm>>, %arg4: memref<320000x128xf32, #tpu.memory_space<hbm>>, %arg5: memref<320000xf32, #tpu.memory_space<hbm>>, %arg6: memref<320000xf32, #tpu.memory_space<hbm>>, %arg7: memref<320000xf32, #tpu.memory_space<hbm>>, %arg8: memref<320000xi32, #tpu.memory_space<hbm>>, %arg9: memref<320000xi32, #tpu.memory_space<hbm>>, %arg10: memref<128xf32, #tpu.memory_space<hbm>>, %arg11: memref<10240x128xf32, #tpu.memory_space<hbm>>, %arg12: memref<10240xf32, #tpu.memory_space<hbm>>, %arg13: memref<20480x128xf32, #tpu.memory_space<hbm>>, %arg14: memref<20480xf32, #tpu.memory_space<hbm>>, %arg15: memref<20480xf32, #tpu.memory_space<hbm>>, %arg16: memref<20480xf32, #tpu.memory_space<hbm>>, %arg17: memref<10240x128xf32, #tpu.memory_space<vmem_shared>>, %arg18: memref<10240xf32, #tpu.memory_space<vmem_shared>>, %arg19: memref<10240xf32, #tpu.memory_space<vmem_shared>>, %arg20: memref<10240xf32, #tpu.memory_space<vmem_shared>>, %arg21: memref<80xi32, #tpu.memory_space<vmem>>, %arg22: memref<80xi32, #tpu.memory_space<vmem>>, %arg23: memref<80x128xf32, #tpu.memory_space<vmem>>, %arg24: memref<80x128xf32, #tpu.memory_space<vmem>>, %arg25: memref<80x128xf32, #tpu.memory_space<vmem>>, %arg26: memref<80xf32, #tpu.memory_space<vmem>>, %arg27: memref<80xf32, #tpu.memory_space<vmem>>, %arg28: memref<80xf32, #tpu.memory_space<vmem>>, %arg29: memref<80x128xf32, #tpu.memory_space<vmem>>, %arg30: memref<80xf32, #tpu.memory_space<vmem>>, %arg31: memref<80xf32, #tpu.memory_space<vmem>>, %arg32: memref<80xf32, #tpu.memory_space<vmem>>, %arg33: memref<128xf32, #tpu.memory_space<vmem>>) attributes {dimension_semantics = [#tpu.dimension_semantics<core_parallel>, #tpu.dimension_semantics<subcore_parallel>], iteration_bounds = array<i64: 2, 16>, scalar_prefetch = 0 : i64, scratch_operands = 17 : i64, tpu.core_type = #tpu.core_type<sc_vector_subcore>, window_params = [{transform_indices = #map}, {transform_indices = #map}, {transform_indices = #map}, {transform_indices = #map1}, {transform_indices = #map1}, {transform_indices = #map1}, {transform_indices = #map1}, {transform_indices = #map1}, {transform_indices = #map1}, {transform_indices = #map}, {transform_indices = #map1}, {transform_indices = #map}, {transform_indices = #map1}, {transform_indices = #map1}, {transform_indices = #map1}]} {
    %mul3A = arith.constant 2 : i32
    %mul3A_0 = arith.muli %arg1, %mul3A : i32
    %add3A = arith.addi %mul3A_0, %arg0 : i32
    %eq3A = arith.constant 0 : i32
    %eq3A_1 = arith.cmpi eq, %arg1, %eq3A : i32
    %convert_element_type3A = arith.extui %eq3A_1 : i1 to i32
    %cond3A = arith.constant 0 : i32
    %cond3A_2 = arith.cmpi ne, %convert_element_type3A, %cond3A : i32
    scf.if %cond3A_2 {
      "tpu.region"() ({
        %run_scoped3A = tpu.sem_alloc : memref<!tpu.dma_semaphore, #tpu.memory_space<semaphore_mem>>
        tpu.enqueue_dma source(%arg11 : memref<10240x128xf32, #tpu.memory_space<hbm>>) target(%arg17 : memref<10240x128xf32, #tpu.memory_space<vmem_shared>>) target_semaphore(%run_scoped3A : memref<!tpu.dma_semaphore, #tpu.memory_space<semaphore_mem>>)
        tpu.wait_dma2 semaphore(%run_scoped3A : memref<!tpu.dma_semaphore, #tpu.memory_space<semaphore_mem>>) src(%arg11 : memref<10240x128xf32, #tpu.memory_space<hbm>>) dst(%arg17 : memref<10240x128xf32, #tpu.memory_space<vmem_shared>>)
        tpu.yield
      }) : () -> ()
      "tpu.region"() ({
        %run_scoped3A = tpu.sem_alloc : memref<!tpu.dma_semaphore, #tpu.memory_space<semaphore_mem>>
        tpu.enqueue_dma source(%arg12 : memref<10240xf32, #tpu.memory_space<hbm>>) target(%arg18 : memref<10240xf32, #tpu.memory_space<vmem_shared>>) target_semaphore(%run_scoped3A : memref<!tpu.dma_semaphore, #tpu.memory_space<semaphore_mem>>)
        tpu.wait_dma2 semaphore(%run_scoped3A : memref<!tpu.dma_semaphore, #tpu.memory_space<semaphore_mem>>) src(%arg12 : memref<10240xf32, #tpu.memory_space<hbm>>) dst(%arg18 : memref<10240xf32, #tpu.memory_space<vmem_shared>>)
        tpu.yield
      }) : () -> ()
      "tpu.region"() ({
        %run_scoped3A = tpu.sem_alloc : memref<!tpu.dma_semaphore, #tpu.memory_space<semaphore_mem>>
        tpu.enqueue_dma source(%arg12 : memref<10240xf32, #tpu.memory_space<hbm>>) target(%arg19 : memref<10240xf32, #tpu.memory_space<vmem_shared>>) target_semaphore(%run_scoped3A : memref<!tpu.dma_semaphore, #tpu.memory_space<semaphore_mem>>)
        tpu.wait_dma2 semaphore(%run_scoped3A : memref<!tpu.dma_semaphore, #tpu.memory_space<semaphore_mem>>) src(%arg12 : memref<10240xf32, #tpu.memory_space<hbm>>) dst(%arg19 : memref<10240xf32, #tpu.memory_space<vmem_shared>>)
        tpu.yield
      }) : () -> ()
      "tpu.region"() ({
        %run_scoped3A = tpu.sem_alloc : memref<!tpu.dma_semaphore, #tpu.memory_space<semaphore_mem>>
        tpu.enqueue_dma source(%arg12 : memref<10240xf32, #tpu.memory_space<hbm>>) target(%arg20 : memref<10240xf32, #tpu.memory_space<vmem_shared>>) target_semaphore(%run_scoped3A : memref<!tpu.dma_semaphore, #tpu.memory_space<semaphore_mem>>)
        tpu.wait_dma2 semaphore(%run_scoped3A : memref<!tpu.dma_semaphore, #tpu.memory_space<semaphore_mem>>) src(%arg12 : memref<10240xf32, #tpu.memory_space<hbm>>) dst(%arg20 : memref<10240xf32, #tpu.memory_space<vmem_shared>>)
        tpu.yield
      }) : () -> ()
    } else {
    }
    "tpu.region"() ({
      %run_scoped3A = tpu.sem_alloc : memref<!tpu.dma_semaphore, #tpu.memory_space<semaphore_mem>>
      tpu.enqueue_dma source(%arg10 : memref<128xf32, #tpu.memory_space<hbm>>) target(%arg33 : memref<128xf32, #tpu.memory_space<vmem>>) target_semaphore(%run_scoped3A : memref<!tpu.dma_semaphore, #tpu.memory_space<semaphore_mem>>)
      tpu.wait_dma2 semaphore(%run_scoped3A : memref<!tpu.dma_semaphore, #tpu.memory_space<semaphore_mem>>) src(%arg10 : memref<128xf32, #tpu.memory_space<hbm>>) dst(%arg33 : memref<128xf32, #tpu.memory_space<vmem>>)
      tpu.yield
    }) : () -> ()
    %barrier3A = arith.constant 0 : index
    tpu.barrier barrier_id(%barrier3A)
    %iota3A = tpu.iota {dimensions = array<i32: 0>} : vector<16xi32>
    %scan3A = arith.constant 0 : i32
    %scan3A_3 = arith.constant 0 : i32
    %scan3A_4 = arith.constant 125 : i32
    %scan3A_5 = arith.addi %scan3A_3, %scan3A_4 : i32
    %scan3A_6 = arith.constant 1 : i32
    %scan3A_7 = scf.for %scan3A_15 = %scan3A_3 to %scan3A_5 step %scan3A_6 iter_args(%scan3A_16 = %scan3A) -> (i32)  : i32 {
      %mul3A_17 = arith.constant 10000 : i32
      %mul3A_18 = arith.muli %add3A, %mul3A_17 : i32
      %mul3A_19 = arith.constant 80 : i32
      %mul3A_20 = arith.muli %scan3A_15, %mul3A_19 : i32
      %add3A_21 = arith.addi %mul3A_18, %mul3A_20 : i32
      "tpu.region"() ({
        %run_scoped3A = tpu.sem_alloc : memref<!tpu.dma_semaphore, #tpu.memory_space<semaphore_mem>>
        %dma_start3A = tpu.memref_slice %arg8[%add3A_21] : memref<320000xi32, #tpu.memory_space<hbm>> -> memref<80xi32, #tpu.memory_space<hbm>>
        %dma_start3A_135 = tpu.memref_slice %arg8[%add3A_21] : memref<320000xi32, #tpu.memory_space<hbm>> -> memref<80xi32, #tpu.memory_space<hbm>>
        tpu.enqueue_dma source(%dma_start3A_135 : memref<80xi32, #tpu.memory_space<hbm>>) target(%arg21 : memref<80xi32, #tpu.memory_space<vmem>>) target_semaphore(%run_scoped3A : memref<!tpu.dma_semaphore, #tpu.memory_space<semaphore_mem>>)
        %dma_wait3A = tpu.memref_slice %arg8[%add3A_21] : memref<320000xi32, #tpu.memory_space<hbm>> -> memref<80xi32, #tpu.memory_space<hbm>>
        %dma_wait3A_136 = tpu.memref_slice %arg8[%add3A_21] : memref<320000xi32, #tpu.memory_space<hbm>> -> memref<80xi32, #tpu.memory_space<hbm>>
        tpu.wait_dma2 semaphore(%run_scoped3A : memref<!tpu.dma_semaphore, #tpu.memory_space<semaphore_mem>>) src(%dma_wait3A_136 : memref<80xi32, #tpu.memory_space<hbm>>) dst(%arg21 : memref<80xi32, #tpu.memory_space<vmem>>)
        tpu.yield
      }) : () -> ()
      "tpu.region"() ({
        %run_scoped3A = tpu.sem_alloc : memref<!tpu.dma_semaphore, #tpu.memory_space<semaphore_mem>>
        %dma_start3A = tpu.memref_slice %arg9[%add3A_21] : memref<320000xi32, #tpu.memory_space<hbm>> -> memref<80xi32, #tpu.memory_space<hbm>>
        %dma_start3A_135 = tpu.memref_slice %arg9[%add3A_21] : memref<320000xi32, #tpu.memory_space<hbm>> -> memref<80xi32, #tpu.memory_space<hbm>>
        tpu.enqueue_dma source(%dma_start3A_135 : memref<80xi32, #tpu.memory_space<hbm>>) target(%arg22 : memref<80xi32, #tpu.memory_space<vmem>>) target_semaphore(%run_scoped3A : memref<!tpu.dma_semaphore, #tpu.memory_space<semaphore_mem>>)
        %dma_wait3A = tpu.memref_slice %arg9[%add3A_21] : memref<320000xi32, #tpu.memory_space<hbm>> -> memref<80xi32, #tpu.memory_space<hbm>>
        %dma_wait3A_136 = tpu.memref_slice %arg9[%add3A_21] : memref<320000xi32, #tpu.memory_space<hbm>> -> memref<80xi32, #tpu.memory_space<hbm>>
        tpu.wait_dma2 semaphore(%run_scoped3A : memref<!tpu.dma_semaphore, #tpu.memory_space<semaphore_mem>>) src(%dma_wait3A_136 : memref<80xi32, #tpu.memory_space<hbm>>) dst(%arg22 : memref<80xi32, #tpu.memory_space<vmem>>)
        tpu.yield
      }) : () -> ()
      "tpu.region"() ({
        %run_scoped3A = tpu.sem_alloc : memref<!tpu.dma_semaphore, #tpu.memory_space<semaphore_mem>>
        %dma_start3A = arith.constant 0 : i32
        %dma_start3A_135 = arith.constant 0 : i32
        %dma_start3A_136 = tpu.memref_slice %arg2[%dma_start3A, %dma_start3A_135] : memref<10240x128xf32, #tpu.memory_space<hbm>> -> memref<10240x128xf32, #tpu.memory_space<hbm>>
        tpu.enqueue_indirect_dma source(%dma_start3A_136 : memref<10240x128xf32, #tpu.memory_space<hbm>>) target(%arg23 : memref<80x128xf32, #tpu.memory_space<vmem>>) offsets(%arg21 : memref<80xi32, #tpu.memory_space<vmem>>) semaphore(%run_scoped3A : memref<!tpu.dma_semaphore, #tpu.memory_space<semaphore_mem>>)
        %dma_wait3A = arith.constant 0 : i32
        %dma_wait3A_137 = arith.constant 0 : i32
        %dma_wait3A_138 = tpu.memref_slice %arg2[%dma_wait3A, %dma_wait3A_137] : memref<10240x128xf32, #tpu.memory_space<hbm>> -> memref<10240x128xf32, #tpu.memory_space<hbm>>
        tpu.wait_indirect_dma semaphore(%run_scoped3A : memref<!tpu.dma_semaphore, #tpu.memory_space<semaphore_mem>>) src(%dma_wait3A_138 : memref<10240x128xf32, #tpu.memory_space<hbm>>) dst(%arg23 : memref<80x128xf32, #tpu.memory_space<vmem>>)
        tpu.yield
      }) : () -> ()
      "tpu.region"() ({
        %run_scoped3A = tpu.sem_alloc : memref<!tpu.dma_semaphore, #tpu.memory_space<semaphore_mem>>
        %dma_start3A = arith.constant 0 : i32
        %dma_start3A_135 = arith.constant 0 : i32
        %dma_start3A_136 = tpu.memref_slice %arg3[%dma_start3A, %dma_start3A_135] : memref<10240x128xf32, #tpu.memory_space<hbm>> -> memref<10240x128xf32, #tpu.memory_space<hbm>>
        tpu.enqueue_indirect_dma source(%dma_start3A_136 : memref<10240x128xf32, #tpu.memory_space<hbm>>) target(%arg24 : memref<80x128xf32, #tpu.memory_space<vmem>>) offsets(%arg22 : memref<80xi32, #tpu.memory_space<vmem>>) semaphore(%run_scoped3A : memref<!tpu.dma_semaphore, #tpu.memory_space<semaphore_mem>>)
        %dma_wait3A = arith.constant 0 : i32
        %dma_wait3A_137 = arith.constant 0 : i32
        %dma_wait3A_138 = tpu.memref_slice %arg3[%dma_wait3A, %dma_wait3A_137] : memref<10240x128xf32, #tpu.memory_space<hbm>> -> memref<10240x128xf32, #tpu.memory_space<hbm>>
        tpu.wait_indirect_dma semaphore(%run_scoped3A : memref<!tpu.dma_semaphore, #tpu.memory_space<semaphore_mem>>) src(%dma_wait3A_138 : memref<10240x128xf32, #tpu.memory_space<hbm>>) dst(%arg24 : memref<80x128xf32, #tpu.memory_space<vmem>>)
        tpu.yield
      }) : () -> ()
      "tpu.region"() ({
        %run_scoped3A = tpu.sem_alloc : memref<!tpu.dma_semaphore, #tpu.memory_space<semaphore_mem>>
        %dma_start3A = arith.constant 0 : i32
        %dma_start3A_135 = tpu.memref_slice %arg4[%add3A_21, %dma_start3A] : memref<320000x128xf32, #tpu.memory_space<hbm>> -> memref<80x128xf32, #tpu.memory_space<hbm>>
        %dma_start3A_136 = arith.constant 0 : i32
        %dma_start3A_137 = tpu.memref_slice %arg4[%add3A_21, %dma_start3A_136] : memref<320000x128xf32, #tpu.memory_space<hbm>> -> memref<80x128xf32, #tpu.memory_space<hbm>>
        tpu.enqueue_dma source(%dma_start3A_137 : memref<80x128xf32, #tpu.memory_space<hbm>>) target(%arg25 : memref<80x128xf32, #tpu.memory_space<vmem>>) target_semaphore(%run_scoped3A : memref<!tpu.dma_semaphore, #tpu.memory_space<semaphore_mem>>)
        %dma_wait3A = arith.constant 0 : i32
        %dma_wait3A_138 = tpu.memref_slice %arg4[%add3A_21, %dma_wait3A] : memref<320000x128xf32, #tpu.memory_space<hbm>> -> memref<80x128xf32, #tpu.memory_space<hbm>>
        %dma_wait3A_139 = arith.constant 0 : i32
        %dma_wait3A_140 = tpu.memref_slice %arg4[%add3A_21, %dma_wait3A_139] : memref<320000x128xf32, #tpu.memory_space<hbm>> -> memref<80x128xf32, #tpu.memory_space<hbm>>
        tpu.wait_dma2 semaphore(%run_scoped3A : memref<!tpu.dma_semaphore, #tpu.memory_space<semaphore_mem>>) src(%dma_wait3A_140 : memref<80x128xf32, #tpu.memory_space<hbm>>) dst(%arg25 : memref<80x128xf32, #tpu.memory_space<vmem>>)
        tpu.yield
      }) : () -> ()
      "tpu.region"() ({
        %run_scoped3A = tpu.sem_alloc : memref<!tpu.dma_semaphore, #tpu.memory_space<semaphore_mem>>
        %dma_start3A = tpu.memref_slice %arg5[%add3A_21] : memref<320000xf32, #tpu.memory_space<hbm>> -> memref<80xf32, #tpu.memory_space<hbm>>
        %dma_start3A_135 = tpu.memref_slice %arg5[%add3A_21] : memref<320000xf32, #tpu.memory_space<hbm>> -> memref<80xf32, #tpu.memory_space<hbm>>
        tpu.enqueue_dma source(%dma_start3A_135 : memref<80xf32, #tpu.memory_space<hbm>>) target(%arg26 : memref<80xf32, #tpu.memory_space<vmem>>) target_semaphore(%run_scoped3A : memref<!tpu.dma_semaphore, #tpu.memory_space<semaphore_mem>>)
        %dma_wait3A = tpu.memref_slice %arg5[%add3A_21] : memref<320000xf32, #tpu.memory_space<hbm>> -> memref<80xf32, #tpu.memory_space<hbm>>
        %dma_wait3A_136 = tpu.memref_slice %arg5[%add3A_21] : memref<320000xf32, #tpu.memory_space<hbm>> -> memref<80xf32, #tpu.memory_space<hbm>>
        tpu.wait_dma2 semaphore(%run_scoped3A : memref<!tpu.dma_semaphore, #tpu.memory_space<semaphore_mem>>) src(%dma_wait3A_136 : memref<80xf32, #tpu.memory_space<hbm>>) dst(%arg26 : memref<80xf32, #tpu.memory_space<vmem>>)
        tpu.yield
      }) : () -> ()
      "tpu.region"() ({
        %run_scoped3A = tpu.sem_alloc : memref<!tpu.dma_semaphore, #tpu.memory_space<semaphore_mem>>
        %dma_start3A = tpu.memref_slice %arg6[%add3A_21] : memref<320000xf32, #tpu.memory_space<hbm>> -> memref<80xf32, #tpu.memory_space<hbm>>
        %dma_start3A_135 = tpu.memref_slice %arg6[%add3A_21] : memref<320000xf32, #tpu.memory_space<hbm>> -> memref<80xf32, #tpu.memory_space<hbm>>
        tpu.enqueue_dma source(%dma_start3A_135 : memref<80xf32, #tpu.memory_space<hbm>>) target(%arg27 : memref<80xf32, #tpu.memory_space<vmem>>) target_semaphore(%run_scoped3A : memref<!tpu.dma_semaphore, #tpu.memory_space<semaphore_mem>>)
        %dma_wait3A = tpu.memref_slice %arg6[%add3A_21] : memref<320000xf32, #tpu.memory_space<hbm>> -> memref<80xf32, #tpu.memory_space<hbm>>
        %dma_wait3A_136 = tpu.memref_slice %arg6[%add3A_21] : memref<320000xf32, #tpu.memory_space<hbm>> -> memref<80xf32, #tpu.memory_space<hbm>>
        tpu.wait_dma2 semaphore(%run_scoped3A : memref<!tpu.dma_semaphore, #tpu.memory_space<semaphore_mem>>) src(%dma_wait3A_136 : memref<80xf32, #tpu.memory_space<hbm>>) dst(%arg27 : memref<80xf32, #tpu.memory_space<vmem>>)
        tpu.yield
      }) : () -> ()
      "tpu.region"() ({
        %run_scoped3A = tpu.sem_alloc : memref<!tpu.dma_semaphore, #tpu.memory_space<semaphore_mem>>
        %dma_start3A = tpu.memref_slice %arg7[%add3A_21] : memref<320000xf32, #tpu.memory_space<hbm>> -> memref<80xf32, #tpu.memory_space<hbm>>
        %dma_start3A_135 = tpu.memref_slice %arg7[%add3A_21] : memref<320000xf32, #tpu.memory_space<hbm>> -> memref<80xf32, #tpu.memory_space<hbm>>
        tpu.enqueue_dma source(%dma_start3A_135 : memref<80xf32, #tpu.memory_space<hbm>>) target(%arg28 : memref<80xf32, #tpu.memory_space<vmem>>) target_semaphore(%run_scoped3A : memref<!tpu.dma_semaphore, #tpu.memory_space<semaphore_mem>>)
        %dma_wait3A = tpu.memref_slice %arg7[%add3A_21] : memref<320000xf32, #tpu.memory_space<hbm>> -> memref<80xf32, #tpu.memory_space<hbm>>
        %dma_wait3A_136 = tpu.memref_slice %arg7[%add3A_21] : memref<320000xf32, #tpu.memory_space<hbm>> -> memref<80xf32, #tpu.memory_space<hbm>>
        tpu.wait_dma2 semaphore(%run_scoped3A : memref<!tpu.dma_semaphore, #tpu.memory_space<semaphore_mem>>) src(%dma_wait3A_136 : memref<80xf32, #tpu.memory_space<hbm>>) dst(%arg28 : memref<80xf32, #tpu.memory_space<vmem>>)
        tpu.yield
      }) : () -> ()
      %broadcast_in_dim3A = arith.constant 0.000000e+00 : f32
      %broadcast_in_dim3A_22 = vector.broadcast %broadcast_in_dim3A : f32 to vector<16xf32>
      %scan3A_23 = arith.constant 0 : i32
      %scan3A_24 = arith.constant 16 : i32
      %scan3A_25 = arith.addi %scan3A_23, %scan3A_24 : i32
      %scan3A_26 = arith.constant 1 : i32
      %scan3A_27 = scf.for %scan3A_135 = %scan3A_23 to %scan3A_25 step %scan3A_26 iter_args(%scan3A_136 = %broadcast_in_dim3A_22) -> (vector<16xf32>)  : i32 {
        %add3A_137 = arith.constant 0 : i32
        %add3A_138 = arith.addi %add3A_137, %scan3A_135 : i32
        %broadcast_in_dim3A_139 = arith.constant 0.000000e+00 : f32
        %broadcast_in_dim3A_140 = vector.broadcast %broadcast_in_dim3A_139 : f32 to vector<16xf32>
        %get3A_141 = arith.index_cast %add3A_138 : i32 to index
        %get3A_142 = arith.constant 0 : index
        %get3A_143 = tpu.vector_load %arg23[%get3A_141, %get3A_142] {strides = array<i32>} : memref<80x128xf32, #tpu.memory_space<vmem>>, vector<16xf32>,
        %get3A_144 = arith.index_cast %add3A_138 : i32 to index
        %get3A_145 = arith.constant 0 : index
        %get3A_146 = tpu.vector_load %arg24[%get3A_144, %get3A_145] {strides = array<i32>} : memref<80x128xf32, #tpu.memory_space<vmem>>, vector<16xf32>,
        %add3A_147 = arith.addf %get3A_143, %get3A_146 : vector<16xf32>
        %get3A_148 = arith.index_cast %add3A_138 : i32 to index
        %get3A_149 = arith.constant 0 : index
        %get3A_150 = tpu.vector_load %arg25[%get3A_148, %get3A_149] {strides = array<i32>} : memref<80x128xf32, #tpu.memory_space<vmem>>, vector<16xf32>,
        %add3A_151 = arith.addf %add3A_147, %get3A_150 : vector<16xf32>
        %neg3A = arith.constant 0.000000e+00 : f32
        %neg3A_152 = vector.broadcast %neg3A : f32 to vector<16xf32>
        %neg3A_153 = arith.subf %neg3A_152, %add3A_151 : vector<16xf32>
        %exp3A = math.exp %neg3A_153 : vector<16xf32>
        %add3A_154 = arith.constant 1.000000e+00 : f32
        %add3A_155 = vector.broadcast %add3A_154 : f32 to vector<16xf32>
        %add3A_156 = arith.addf %add3A_155, %exp3A : vector<16xf32>
        %div3A = arith.divf %add3A_151, %add3A_156 : vector<16xf32>
        %swap3A_157 = arith.index_cast %add3A_138 : i32 to index
        %swap3A_158 = arith.constant 0 : index
        %swap3A_159 = tpu.vector_load %arg29[%swap3A_157, %swap3A_158] {strides = array<i32>} : memref<80x128xf32, #tpu.memory_space<vmem>>, vector<16xf32>,
        tpu.vector_store %arg29[%swap3A_157, %swap3A_158], %div3A {strides = array<i32>} : memref<80x128xf32, #tpu.memory_space<vmem>>, vector<16xf32>,
        %get3A_160 = arith.constant 0 : index
        %get3A_161 = tpu.vector_load %arg33[%get3A_160] {strides = array<i32>} : memref<128xf32, #tpu.memory_space<vmem>>, vector<16xf32>,
        %mul3A_162 = arith.mulf %div3A, %get3A_161 : vector<16xf32>
        %add3A_163 = arith.addf %broadcast_in_dim3A_140, %mul3A_162 : vector<16xf32>
        %get3A_164 = arith.index_cast %add3A_138 : i32 to index
        %get3A_165 = arith.constant 16 : index
        %get3A_166 = tpu.vector_load %arg23[%get3A_164, %get3A_165] {strides = array<i32>} : memref<80x128xf32, #tpu.memory_space<vmem>>, vector<16xf32>,
        %get3A_167 = arith.index_cast %add3A_138 : i32 to index
        %get3A_168 = arith.constant 16 : index
        %get3A_169 = tpu.vector_load %arg24[%get3A_167, %get3A_168] {strides = array<i32>} : memref<80x128xf32, #tpu.memory_space<vmem>>, vector<16xf32>,
        %add3A_170 = arith.addf %get3A_166, %get3A_169 : vector<16xf32>
        %get3A_171 = arith.index_cast %add3A_138 : i32 to index
        %get3A_172 = arith.constant 16 : index
        %get3A_173 = tpu.vector_load %arg25[%get3A_171, %get3A_172] {strides = array<i32>} : memref<80x128xf32, #tpu.memory_space<vmem>>, vector<16xf32>,
        %add3A_174 = arith.addf %add3A_170, %get3A_173 : vector<16xf32>
        %neg3A_175 = arith.constant 0.000000e+00 : f32
        %neg3A_176 = vector.broadcast %neg3A_175 : f32 to vector<16xf32>
        %neg3A_177 = arith.subf %neg3A_176, %add3A_174 : vector<16xf32>
        %exp3A_178 = math.exp %neg3A_177 : vector<16xf32>
        %add3A_179 = arith.constant 1.000000e+00 : f32
        %add3A_180 = vector.broadcast %add3A_179 : f32 to vector<16xf32>
        %add3A_181 = arith.addf %add3A_180, %exp3A_178 : vector<16xf32>
        %div3A_182 = arith.divf %add3A_174, %add3A_181 : vector<16xf32>
        %swap3A_183 = arith.index_cast %add3A_138 : i32 to index
        %swap3A_184 = arith.constant 16 : index
        %swap3A_185 = tpu.vector_load %arg29[%swap3A_183, %swap3A_184] {strides = array<i32>} : memref<80x128xf32, #tpu.memory_space<vmem>>, vector<16xf32>,
        tpu.vector_store %arg29[%swap3A_183, %swap3A_184], %div3A_182 {strides = array<i32>} : memref<80x128xf32, #tpu.memory_space<vmem>>, vector<16xf32>,
        %get3A_186 = arith.constant 16 : index
        %get3A_187 = tpu.vector_load %arg33[%get3A_186] {strides = array<i32>} : memref<128xf32, #tpu.memory_space<vmem>>, vector<16xf32>,
        %mul3A_188 = arith.mulf %div3A_182, %get3A_187 : vector<16xf32>
        %add3A_189 = arith.addf %add3A_163, %mul3A_188 : vector<16xf32>
        %get3A_190 = arith.index_cast %add3A_138 : i32 to index
        %get3A_191 = arith.constant 32 : index
        %get3A_192 = tpu.vector_load %arg23[%get3A_190, %get3A_191] {strides = array<i32>} : memref<80x128xf32, #tpu.memory_space<vmem>>, vector<16xf32>,
        %get3A_193 = arith.index_cast %add3A_138 : i32 to index
        %get3A_194 = arith.constant 32 : index
        %get3A_195 = tpu.vector_load %arg24[%get3A_193, %get3A_194] {strides = array<i32>} : memref<80x128xf32, #tpu.memory_space<vmem>>, vector<16xf32>,
        %add3A_196 = arith.addf %get3A_192, %get3A_195 : vector<16xf32>
        %get3A_197 = arith.index_cast %add3A_138 : i32 to index
        %get3A_198 = arith.constant 32 : index
        %get3A_199 = tpu.vector_load %arg25[%get3A_197, %get3A_198] {strides = array<i32>} : memref<80x128xf32, #tpu.memory_space<vmem>>, vector<16xf32>,
        %add3A_200 = arith.addf %add3A_196, %get3A_199 : vector<16xf32>
        %neg3A_201 = arith.constant 0.000000e+00 : f32
        %neg3A_202 = vector.broadcast %neg3A_201 : f32 to vector<16xf32>
        %neg3A_203 = arith.subf %neg3A_202, %add3A_200 : vector<16xf32>
        %exp3A_204 = math.exp %neg3A_203 : vector<16xf32>
        %add3A_205 = arith.constant 1.000000e+00 : f32
        %add3A_206 = vector.broadcast %add3A_205 : f32 to vector<16xf32>
        %add3A_207 = arith.addf %add3A_206, %exp3A_204 : vector<16xf32>
        %div3A_208 = arith.divf %add3A_200, %add3A_207 : vector<16xf32>
        %swap3A_209 = arith.index_cast %add3A_138 : i32 to index
        %swap3A_210 = arith.constant 32 : index
        %swap3A_211 = tpu.vector_load %arg29[%swap3A_209, %swap3A_210] {strides = array<i32>} : memref<80x128xf32, #tpu.memory_space<vmem>>, vector<16xf32>,
        tpu.vector_store %arg29[%swap3A_209, %swap3A_210], %div3A_208 {strides = array<i32>} : memref<80x128xf32, #tpu.memory_space<vmem>>, vector<16xf32>,
        %get3A_212 = arith.constant 32 : index
        %get3A_213 = tpu.vector_load %arg33[%get3A_212] {strides = array<i32>} : memref<128xf32, #tpu.memory_space<vmem>>, vector<16xf32>,
        %mul3A_214 = arith.mulf %div3A_208, %get3A_213 : vector<16xf32>
        %add3A_215 = arith.addf %add3A_189, %mul3A_214 : vector<16xf32>
        %get3A_216 = arith.index_cast %add3A_138 : i32 to index
        %get3A_217 = arith.constant 48 : index
        %get3A_218 = tpu.vector_load %arg23[%get3A_216, %get3A_217] {strides = array<i32>} : memref<80x128xf32, #tpu.memory_space<vmem>>, vector<16xf32>,
        %get3A_219 = arith.index_cast %add3A_138 : i32 to index
        %get3A_220 = arith.constant 48 : index
        %get3A_221 = tpu.vector_load %arg24[%get3A_219, %get3A_220] {strides = array<i32>} : memref<80x128xf32, #tpu.memory_space<vmem>>, vector<16xf32>,
        %add3A_222 = arith.addf %get3A_218, %get3A_221 : vector<16xf32>
        %get3A_223 = arith.index_cast %add3A_138 : i32 to index
        %get3A_224 = arith.constant 48 : index
        %get3A_225 = tpu.vector_load %arg25[%get3A_223, %get3A_224] {strides = array<i32>} : memref<80x128xf32, #tpu.memory_space<vmem>>, vector<16xf32>,
        %add3A_226 = arith.addf %add3A_222, %get3A_225 : vector<16xf32>
        %neg3A_227 = arith.constant 0.000000e+00 : f32
        %neg3A_228 = vector.broadcast %neg3A_227 : f32 to vector<16xf32>
        %neg3A_229 = arith.subf %neg3A_228, %add3A_226 : vector<16xf32>
        %exp3A_230 = math.exp %neg3A_229 : vector<16xf32>
        %add3A_231 = arith.constant 1.000000e+00 : f32
        %add3A_232 = vector.broadcast %add3A_231 : f32 to vector<16xf32>
        %add3A_233 = arith.addf %add3A_232, %exp3A_230 : vector<16xf32>
        %div3A_234 = arith.divf %add3A_226, %add3A_233 : vector<16xf32>
        %swap3A_235 = arith.index_cast %add3A_138 : i32 to index
        %swap3A_236 = arith.constant 48 : index
        %swap3A_237 = tpu.vector_load %arg29[%swap3A_235, %swap3A_236] {strides = array<i32>} : memref<80x128xf32, #tpu.memory_space<vmem>>, vector<16xf32>,
        tpu.vector_store %arg29[%swap3A_235, %swap3A_236], %div3A_234 {strides = array<i32>} : memref<80x128xf32, #tpu.memory_space<vmem>>, vector<16xf32>,
        %get3A_238 = arith.constant 48 : index
        %get3A_239 = tpu.vector_load %arg33[%get3A_238] {strides = array<i32>} : memref<128xf32, #tpu.memory_space<vmem>>, vector<16xf32>,
        %mul3A_240 = arith.mulf %div3A_234, %get3A_239 : vector<16xf32>
        %add3A_241 = arith.addf %add3A_215, %mul3A_240 : vector<16xf32>
        %get3A_242 = arith.index_cast %add3A_138 : i32 to index
        %get3A_243 = arith.constant 64 : index
        %get3A_244 = tpu.vector_load %arg23[%get3A_242, %get3A_243] {strides = array<i32>} : memref<80x128xf32, #tpu.memory_space<vmem>>, vector<16xf32>,
        %get3A_245 = arith.index_cast %add3A_138 : i32 to index
        %get3A_246 = arith.constant 64 : index
        %get3A_247 = tpu.vector_load %arg24[%get3A_245, %get3A_246] {strides = array<i32>} : memref<80x128xf32, #tpu.memory_space<vmem>>, vector<16xf32>,
        %add3A_248 = arith.addf %get3A_244, %get3A_247 : vector<16xf32>
        %get3A_249 = arith.index_cast %add3A_138 : i32 to index
        %get3A_250 = arith.constant 64 : index
        %get3A_251 = tpu.vector_load %arg25[%get3A_249, %get3A_250] {strides = array<i32>} : memref<80x128xf32, #tpu.memory_space<vmem>>, vector<16xf32>,
        %add3A_252 = arith.addf %add3A_248, %get3A_251 : vector<16xf32>
        %neg3A_253 = arith.constant 0.000000e+00 : f32
        %neg3A_254 = vector.broadcast %neg3A_253 : f32 to vector<16xf32>
        %neg3A_255 = arith.subf %neg3A_254, %add3A_252 : vector<16xf32>
        %exp3A_256 = math.exp %neg3A_255 : vector<16xf32>
        %add3A_257 = arith.constant 1.000000e+00 : f32
        %add3A_258 = vector.broadcast %add3A_257 : f32 to vector<16xf32>
        %add3A_259 = arith.addf %add3A_258, %exp3A_256 : vector<16xf32>
        %div3A_260 = arith.divf %add3A_252, %add3A_259 : vector<16xf32>
        %swap3A_261 = arith.index_cast %add3A_138 : i32 to index
        %swap3A_262 = arith.constant 64 : index
        %swap3A_263 = tpu.vector_load %arg29[%swap3A_261, %swap3A_262] {strides = array<i32>} : memref<80x128xf32, #tpu.memory_space<vmem>>, vector<16xf32>,
        tpu.vector_store %arg29[%swap3A_261, %swap3A_262], %div3A_260 {strides = array<i32>} : memref<80x128xf32, #tpu.memory_space<vmem>>, vector<16xf32>,
        %get3A_264 = arith.constant 64 : index
        %get3A_265 = tpu.vector_load %arg33[%get3A_264] {strides = array<i32>} : memref<128xf32, #tpu.memory_space<vmem>>, vector<16xf32>,
        %mul3A_266 = arith.mulf %div3A_260, %get3A_265 : vector<16xf32>
        %add3A_267 = arith.addf %add3A_241, %mul3A_266 : vector<16xf32>
        %get3A_268 = arith.index_cast %add3A_138 : i32 to index
        %get3A_269 = arith.constant 80 : index
        %get3A_270 = tpu.vector_load %arg23[%get3A_268, %get3A_269] {strides = array<i32>} : memref<80x128xf32, #tpu.memory_space<vmem>>, vector<16xf32>,
        %get3A_271 = arith.index_cast %add3A_138 : i32 to index
        %get3A_272 = arith.constant 80 : index
        %get3A_273 = tpu.vector_load %arg24[%get3A_271, %get3A_272] {strides = array<i32>} : memref<80x128xf32, #tpu.memory_space<vmem>>, vector<16xf32>,
        %add3A_274 = arith.addf %get3A_270, %get3A_273 : vector<16xf32>
        %get3A_275 = arith.index_cast %add3A_138 : i32 to index
        %get3A_276 = arith.constant 80 : index
        %get3A_277 = tpu.vector_load %arg25[%get3A_275, %get3A_276] {strides = array<i32>} : memref<80x128xf32, #tpu.memory_space<vmem>>, vector<16xf32>,
        %add3A_278 = arith.addf %add3A_274, %get3A_277 : vector<16xf32>
        %neg3A_279 = arith.constant 0.000000e+00 : f32
        %neg3A_280 = vector.broadcast %neg3A_279 : f32 to vector<16xf32>
        %neg3A_281 = arith.subf %neg3A_280, %add3A_278 : vector<16xf32>
        %exp3A_282 = math.exp %neg3A_281 : vector<16xf32>
        %add3A_283 = arith.constant 1.000000e+00 : f32
        %add3A_284 = vector.broadcast %add3A_283 : f32 to vector<16xf32>
        %add3A_285 = arith.addf %add3A_284, %exp3A_282 : vector<16xf32>
        %div3A_286 = arith.divf %add3A_278, %add3A_285 : vector<16xf32>
        %swap3A_287 = arith.index_cast %add3A_138 : i32 to index
        %swap3A_288 = arith.constant 80 : index
        %swap3A_289 = tpu.vector_load %arg29[%swap3A_287, %swap3A_288] {strides = array<i32>} : memref<80x128xf32, #tpu.memory_space<vmem>>, vector<16xf32>,
        tpu.vector_store %arg29[%swap3A_287, %swap3A_288], %div3A_286 {strides = array<i32>} : memref<80x128xf32, #tpu.memory_space<vmem>>, vector<16xf32>,
        %get3A_290 = arith.constant 80 : index
        %get3A_291 = tpu.vector_load %arg33[%get3A_290] {strides = array<i32>} : memref<128xf32, #tpu.memory_space<vmem>>, vector<16xf32>,
        %mul3A_292 = arith.mulf %div3A_286, %get3A_291 : vector<16xf32>
        %add3A_293 = arith.addf %add3A_267, %mul3A_292 : vector<16xf32>
        %get3A_294 = arith.index_cast %add3A_138 : i32 to index
        %get3A_295 = arith.constant 96 : index
        %get3A_296 = tpu.vector_load %arg23[%get3A_294, %get3A_295] {strides = array<i32>} : memref<80x128xf32, #tpu.memory_space<vmem>>, vector<16xf32>,
        %get3A_297 = arith.index_cast %add3A_138 : i32 to index
        %get3A_298 = arith.constant 96 : index
        %get3A_299 = tpu.vector_load %arg24[%get3A_297, %get3A_298] {strides = array<i32>} : memref<80x128xf32, #tpu.memory_space<vmem>>, vector<16xf32>,
        %add3A_300 = arith.addf %get3A_296, %get3A_299 : vector<16xf32>
        %get3A_301 = arith.index_cast %add3A_138 : i32 to index
        %get3A_302 = arith.constant 96 : index
        %get3A_303 = tpu.vector_load %arg25[%get3A_301, %get3A_302] {strides = array<i32>} : memref<80x128xf32, #tpu.memory_space<vmem>>, vector<16xf32>,
        %add3A_304 = arith.addf %add3A_300, %get3A_303 : vector<16xf32>
        %neg3A_305 = arith.constant 0.000000e+00 : f32
        %neg3A_306 = vector.broadcast %neg3A_305 : f32 to vector<16xf32>
        %neg3A_307 = arith.subf %neg3A_306, %add3A_304 : vector<16xf32>
        %exp3A_308 = math.exp %neg3A_307 : vector<16xf32>
        %add3A_309 = arith.constant 1.000000e+00 : f32
        %add3A_310 = vector.broadcast %add3A_309 : f32 to vector<16xf32>
        %add3A_311 = arith.addf %add3A_310, %exp3A_308 : vector<16xf32>
        %div3A_312 = arith.divf %add3A_304, %add3A_311 : vector<16xf32>
        %swap3A_313 = arith.index_cast %add3A_138 : i32 to index
        %swap3A_314 = arith.constant 96 : index
        %swap3A_315 = tpu.vector_load %arg29[%swap3A_313, %swap3A_314] {strides = array<i32>} : memref<80x128xf32, #tpu.memory_space<vmem>>, vector<16xf32>,
        tpu.vector_store %arg29[%swap3A_313, %swap3A_314], %div3A_312 {strides = array<i32>} : memref<80x128xf32, #tpu.memory_space<vmem>>, vector<16xf32>,
        %get3A_316 = arith.constant 96 : index
        %get3A_317 = tpu.vector_load %arg33[%get3A_316] {strides = array<i32>} : memref<128xf32, #tpu.memory_space<vmem>>, vector<16xf32>,
        %mul3A_318 = arith.mulf %div3A_312, %get3A_317 : vector<16xf32>
        %add3A_319 = arith.addf %add3A_293, %mul3A_318 : vector<16xf32>
        %get3A_320 = arith.index_cast %add3A_138 : i32 to index
        %get3A_321 = arith.constant 112 : index
        %get3A_322 = tpu.vector_load %arg23[%get3A_320, %get3A_321] {strides = array<i32>} : memref<80x128xf32, #tpu.memory_space<vmem>>, vector<16xf32>,
        %get3A_323 = arith.index_cast %add3A_138 : i32 to index
        %get3A_324 = arith.constant 112 : index
        %get3A_325 = tpu.vector_load %arg24[%get3A_323, %get3A_324] {strides = array<i32>} : memref<80x128xf32, #tpu.memory_space<vmem>>, vector<16xf32>,
        %add3A_326 = arith.addf %get3A_322, %get3A_325 : vector<16xf32>
        %get3A_327 = arith.index_cast %add3A_138 : i32 to index
        %get3A_328 = arith.constant 112 : index
        %get3A_329 = tpu.vector_load %arg25[%get3A_327, %get3A_328] {strides = array<i32>} : memref<80x128xf32, #tpu.memory_space<vmem>>, vector<16xf32>,
        %add3A_330 = arith.addf %add3A_326, %get3A_329 : vector<16xf32>
        %neg3A_331 = arith.constant 0.000000e+00 : f32
        %neg3A_332 = vector.broadcast %neg3A_331 : f32 to vector<16xf32>
        %neg3A_333 = arith.subf %neg3A_332, %add3A_330 : vector<16xf32>
        %exp3A_334 = math.exp %neg3A_333 : vector<16xf32>
        %add3A_335 = arith.constant 1.000000e+00 : f32
        %add3A_336 = vector.broadcast %add3A_335 : f32 to vector<16xf32>
        %add3A_337 = arith.addf %add3A_336, %exp3A_334 : vector<16xf32>
        %div3A_338 = arith.divf %add3A_330, %add3A_337 : vector<16xf32>
        %swap3A_339 = arith.index_cast %add3A_138 : i32 to index
        %swap3A_340 = arith.constant 112 : index
        %swap3A_341 = tpu.vector_load %arg29[%swap3A_339, %swap3A_340] {strides = array<i32>} : memref<80x128xf32, #tpu.memory_space<vmem>>, vector<16xf32>,
        tpu.vector_store %arg29[%swap3A_339, %swap3A_340], %div3A_338 {strides = array<i32>} : memref<80x128xf32, #tpu.memory_space<vmem>>, vector<16xf32>,
        %get3A_342 = arith.constant 112 : index
        %get3A_343 = tpu.vector_load %arg33[%get3A_342] {strides = array<i32>} : memref<128xf32, #tpu.memory_space<vmem>>, vector<16xf32>,
        %mul3A_344 = arith.mulf %div3A_338, %get3A_343 : vector<16xf32>
        %add3A_345 = arith.addf %add3A_319, %mul3A_344 : vector<16xf32>
        %reduce_sum3A = arith.constant true
        %reduce_sum3A_346 = vector.broadcast %reduce_sum3A : i1 to vector<16xi1>
        %reduce_sum3A_347 = tpu.scan <sum>, %add3A_345 masked %reduce_sum3A_346 : vector<16xf32>, vector<16xi1> -> vector<16xf32>
        %reduce_sum3A_348 = vector.extract %reduce_sum3A_347[15] : f32 from vector<16xf32>
        %eq3A_349 = vector.broadcast %scan3A_135 : i32 to vector<16xi32>
        %eq3A_350 = arith.cmpi eq, %iota3A, %eq3A_349 : vector<16xi32>
        %broadcast_in_dim3A_351 = vector.broadcast %reduce_sum3A_348 : f32 to vector<16xf32>
        %select_n3A = arith.select %eq3A_350, %broadcast_in_dim3A_351, %scan3A_136 : vector<16xi1>, vector<16xf32>
        scf.yield %select_n3A : vector<16xf32>
      }
      %scan3A_28 = arith.constant 16 : i32
      %get3A = arith.constant 0 : index
      %get3A_29 = tpu.vector_load %arg26[%get3A] {strides = array<i32>} : memref<80xf32, #tpu.memory_space<vmem>>, vector<16xf32>,
      %mul3A_30 = arith.mulf %scan3A_27, %get3A_29 : vector<16xf32>
      %swap3A = arith.constant 0 : index
      %swap3A_31 = tpu.vector_load %arg30[%swap3A] {strides = array<i32>} : memref<80xf32, #tpu.memory_space<vmem>>, vector<16xf32>,
      tpu.vector_store %arg30[%swap3A], %mul3A_30 {strides = array<i32>} : memref<80xf32, #tpu.memory_space<vmem>>, vector<16xf32>,
      %get3A_32 = arith.constant 0 : index
      %get3A_33 = tpu.vector_load %arg27[%get3A_32] {strides = array<i32>} : memref<80xf32, #tpu.memory_space<vmem>>, vector<16xf32>,
      %mul3A_34 = arith.mulf %scan3A_27, %get3A_33 : vector<16xf32>
      %swap3A_35 = arith.constant 0 : index
      %swap3A_36 = tpu.vector_load %arg31[%swap3A_35] {strides = array<i32>} : memref<80xf32, #tpu.memory_space<vmem>>, vector<16xf32>,
      tpu.vector_store %arg31[%swap3A_35], %mul3A_34 {strides = array<i32>} : memref<80xf32, #tpu.memory_space<vmem>>, vector<16xf32>,
      %get3A_37 = arith.constant 0 : index
      %get3A_38 = tpu.vector_load %arg28[%get3A_37] {strides = array<i32>} : memref<80xf32, #tpu.memory_space<vmem>>, vector<16xf32>,
      %mul3A_39 = arith.mulf %scan3A_27, %get3A_38 : vector<16xf32>
      %swap3A_40 = arith.constant 0 : index
      %swap3A_41 = tpu.vector_load %arg32[%swap3A_40] {strides = array<i32>} : memref<80xf32, #tpu.memory_space<vmem>>, vector<16xf32>,
      tpu.vector_store %arg32[%swap3A_40], %mul3A_39 {strides = array<i32>} : memref<80xf32, #tpu.memory_space<vmem>>, vector<16xf32>,
      %broadcast_in_dim3A_42 = arith.constant 0.000000e+00 : f32
      %broadcast_in_dim3A_43 = vector.broadcast %broadcast_in_dim3A_42 : f32 to vector<16xf32>
      %scan3A_44 = arith.constant 0 : i32
      %scan3A_45 = arith.constant 16 : i32
      %scan3A_46 = arith.addi %scan3A_44, %scan3A_45 : i32
      %scan3A_47 = arith.constant 1 : i32
      %scan3A_48 = scf.for %scan3A_135 = %scan3A_44 to %scan3A_46 step %scan3A_47 iter_args(%scan3A_136 = %broadcast_in_dim3A_43) -> (vector<16xf32>)  : i32 {
        %add3A_137 = arith.constant 16 : i32
        %add3A_138 = arith.addi %add3A_137, %scan3A_135 : i32
        %broadcast_in_dim3A_139 = arith.constant 0.000000e+00 : f32
        %broadcast_in_dim3A_140 = vector.broadcast %broadcast_in_dim3A_139 : f32 to vector<16xf32>
        %get3A_141 = arith.index_cast %add3A_138 : i32 to index
        %get3A_142 = arith.constant 0 : index
        %get3A_143 = tpu.vector_load %arg23[%get3A_141, %get3A_142] {strides = array<i32>} : memref<80x128xf32, #tpu.memory_space<vmem>>, vector<16xf32>,
        %get3A_144 = arith.index_cast %add3A_138 : i32 to index
        %get3A_145 = arith.constant 0 : index
        %get3A_146 = tpu.vector_load %arg24[%get3A_144, %get3A_145] {strides = array<i32>} : memref<80x128xf32, #tpu.memory_space<vmem>>, vector<16xf32>,
        %add3A_147 = arith.addf %get3A_143, %get3A_146 : vector<16xf32>
        %get3A_148 = arith.index_cast %add3A_138 : i32 to index
        %get3A_149 = arith.constant 0 : index
        %get3A_150 = tpu.vector_load %arg25[%get3A_148, %get3A_149] {strides = array<i32>} : memref<80x128xf32, #tpu.memory_space<vmem>>, vector<16xf32>,
        %add3A_151 = arith.addf %add3A_147, %get3A_150 : vector<16xf32>
        %neg3A = arith.constant 0.000000e+00 : f32
        %neg3A_152 = vector.broadcast %neg3A : f32 to vector<16xf32>
        %neg3A_153 = arith.subf %neg3A_152, %add3A_151 : vector<16xf32>
        %exp3A = math.exp %neg3A_153 : vector<16xf32>
        %add3A_154 = arith.constant 1.000000e+00 : f32
        %add3A_155 = vector.broadcast %add3A_154 : f32 to vector<16xf32>
        %add3A_156 = arith.addf %add3A_155, %exp3A : vector<16xf32>
        %div3A = arith.divf %add3A_151, %add3A_156 : vector<16xf32>
        %swap3A_157 = arith.index_cast %add3A_138 : i32 to index
        %swap3A_158 = arith.constant 0 : index
        %swap3A_159 = tpu.vector_load %arg29[%swap3A_157, %swap3A_158] {strides = array<i32>} : memref<80x128xf32, #tpu.memory_space<vmem>>, vector<16xf32>,
        tpu.vector_store %arg29[%swap3A_157, %swap3A_158], %div3A {strides = array<i32>} : memref<80x128xf32, #tpu.memory_space<vmem>>, vector<16xf32>,
        %get3A_160 = arith.constant 0 : index
        %get3A_161 = tpu.vector_load %arg33[%get3A_160] {strides = array<i32>} : memref<128xf32, #tpu.memory_space<vmem>>, vector<16xf32>,
        %mul3A_162 = arith.mulf %div3A, %get3A_161 : vector<16xf32>
        %add3A_163 = arith.addf %broadcast_in_dim3A_140, %mul3A_162 : vector<16xf32>
        %get3A_164 = arith.index_cast %add3A_138 : i32 to index
        %get3A_165 = arith.constant 16 : index
        %get3A_166 = tpu.vector_load %arg23[%get3A_164, %get3A_165] {strides = array<i32>} : memref<80x128xf32, #tpu.memory_space<vmem>>, vector<16xf32>,
        %get3A_167 = arith.index_cast %add3A_138 : i32 to index
        %get3A_168 = arith.constant 16 : index
        %get3A_169 = tpu.vector_load %arg24[%get3A_167, %get3A_168] {strides = array<i32>} : memref<80x128xf32, #tpu.memory_space<vmem>>, vector<16xf32>,
        %add3A_170 = arith.addf %get3A_166, %get3A_169 : vector<16xf32>
        %get3A_171 = arith.index_cast %add3A_138 : i32 to index
        %get3A_172 = arith.constant 16 : index
        %get3A_173 = tpu.vector_load %arg25[%get3A_171, %get3A_172] {strides = array<i32>} : memref<80x128xf32, #tpu.memory_space<vmem>>, vector<16xf32>,
        %add3A_174 = arith.addf %add3A_170, %get3A_173 : vector<16xf32>
        %neg3A_175 = arith.constant 0.000000e+00 : f32
        %neg3A_176 = vector.broadcast %neg3A_175 : f32 to vector<16xf32>
        %neg3A_177 = arith.subf %neg3A_176, %add3A_174 : vector<16xf32>
        %exp3A_178 = math.exp %neg3A_177 : vector<16xf32>
        %add3A_179 = arith.constant 1.000000e+00 : f32
        %add3A_180 = vector.broadcast %add3A_179 : f32 to vector<16xf32>
        %add3A_181 = arith.addf %add3A_180, %exp3A_178 : vector<16xf32>
        %div3A_182 = arith.divf %add3A_174, %add3A_181 : vector<16xf32>
        %swap3A_183 = arith.index_cast %add3A_138 : i32 to index
        %swap3A_184 = arith.constant 16 : index
        %swap3A_185 = tpu.vector_load %arg29[%swap3A_183, %swap3A_184] {strides = array<i32>} : memref<80x128xf32, #tpu.memory_space<vmem>>, vector<16xf32>,
        tpu.vector_store %arg29[%swap3A_183, %swap3A_184], %div3A_182 {strides = array<i32>} : memref<80x128xf32, #tpu.memory_space<vmem>>, vector<16xf32>,
        %get3A_186 = arith.constant 16 : index
        %get3A_187 = tpu.vector_load %arg33[%get3A_186] {strides = array<i32>} : memref<128xf32, #tpu.memory_space<vmem>>, vector<16xf32>,
        %mul3A_188 = arith.mulf %div3A_182, %get3A_187 : vector<16xf32>
        %add3A_189 = arith.addf %add3A_163, %mul3A_188 : vector<16xf32>
        %get3A_190 = arith.index_cast %add3A_138 : i32 to index
        %get3A_191 = arith.constant 32 : index
        %get3A_192 = tpu.vector_load %arg23[%get3A_190, %get3A_191] {strides = array<i32>} : memref<80x128xf32, #tpu.memory_space<vmem>>, vector<16xf32>,
        %get3A_193 = arith.index_cast %add3A_138 : i32 to index
        %get3A_194 = arith.constant 32 : index
        %get3A_195 = tpu.vector_load %arg24[%get3A_193, %get3A_194] {strides = array<i32>} : memref<80x128xf32, #tpu.memory_space<vmem>>, vector<16xf32>,
        %add3A_196 = arith.addf %get3A_192, %get3A_195 : vector<16xf32>
        %get3A_197 = arith.index_cast %add3A_138 : i32 to index
        %get3A_198 = arith.constant 32 : index
        %get3A_199 = tpu.vector_load %arg25[%get3A_197, %get3A_198] {strides = array<i32>} : memref<80x128xf32, #tpu.memory_space<vmem>>, vector<16xf32>,
        %add3A_200 = arith.addf %add3A_196, %get3A_199 : vector<16xf32>
        %neg3A_201 = arith.constant 0.000000e+00 : f32
        %neg3A_202 = vector.broadcast %neg3A_201 : f32 to vector<16xf32>
        %neg3A_203 = arith.subf %neg3A_202, %add3A_200 : vector<16xf32>
        %exp3A_204 = math.exp %neg3A_203 : vector<16xf32>
        %add3A_205 = arith.constant 1.000000e+00 : f32
        %add3A_206 = vector.broadcast %add3A_205 : f32 to vector<16xf32>
        %add3A_207 = arith.addf %add3A_206, %exp3A_204 : vector<16xf32>
        %div3A_208 = arith.divf %add3A_200, %add3A_207 : vector<16xf32>
        %swap3A_209 = arith.index_cast %add3A_138 : i32 to index
        %swap3A_210 = arith.constant 32 : index
        %swap3A_211 = tpu.vector_load %arg29[%swap3A_209, %swap3A_210] {strides = array<i32>} : memref<80x128xf32, #tpu.memory_space<vmem>>, vector<16xf32>,
        tpu.vector_store %arg29[%swap3A_209, %swap3A_210], %div3A_208 {strides = array<i32>} : memref<80x128xf32, #tpu.memory_space<vmem>>, vector<16xf32>,
        %get3A_212 = arith.constant 32 : index
        %get3A_213 = tpu.vector_load %arg33[%get3A_212] {strides = array<i32>} : memref<128xf32, #tpu.memory_space<vmem>>, vector<16xf32>,
        %mul3A_214 = arith.mulf %div3A_208, %get3A_213 : vector<16xf32>
        %add3A_215 = arith.addf %add3A_189, %mul3A_214 : vector<16xf32>
        %get3A_216 = arith.index_cast %add3A_138 : i32 to index
        %get3A_217 = arith.constant 48 : index
        %get3A_218 = tpu.vector_load %arg23[%get3A_216, %get3A_217] {strides = array<i32>} : memref<80x128xf32, #tpu.memory_space<vmem>>, vector<16xf32>,
        %get3A_219 = arith.index_cast %add3A_138 : i32 to index
        %get3A_220 = arith.constant 48 : index
        %get3A_221 = tpu.vector_load %arg24[%get3A_219, %get3A_220] {strides = array<i32>} : memref<80x128xf32, #tpu.memory_space<vmem>>, vector<16xf32>,
        %add3A_222 = arith.addf %get3A_218, %get3A_221 : vector<16xf32>
        %get3A_223 = arith.index_cast %add3A_138 : i32 to index
        %get3A_224 = arith.constant 48 : index
        %get3A_225 = tpu.vector_load %arg25[%get3A_223, %get3A_224] {strides = array<i32>} : memref<80x128xf32, #tpu.memory_space<vmem>>, vector<16xf32>,
        %add3A_226 = arith.addf %add3A_222, %get3A_225 : vector<16xf32>
        %neg3A_227 = arith.constant 0.000000e+00 : f32
        %neg3A_228 = vector.broadcast %neg3A_227 : f32 to vector<16xf32>
        %neg3A_229 = arith.subf %neg3A_228, %add3A_226 : vector<16xf32>
        %exp3A_230 = math.exp %neg3A_229 : vector<16xf32>
        %add3A_231 = arith.constant 1.000000e+00 : f32
        %add3A_232 = vector.broadcast %add3A_231 : f32 to vector<16xf32>
        %add3A_233 = arith.addf %add3A_232, %exp3A_230 : vector<16xf32>
        %div3A_234 = arith.divf %add3A_226, %add3A_233 : vector<16xf32>
        %swap3A_235 = arith.index_cast %add3A_138 : i32 to index
        %swap3A_236 = arith.constant 48 : index
        %swap3A_237 = tpu.vector_load %arg29[%swap3A_235, %swap3A_236] {strides = array<i32>} : memref<80x128xf32, #tpu.memory_space<vmem>>, vector<16xf32>,
        tpu.vector_store %arg29[%swap3A_235, %swap3A_236], %div3A_234 {strides = array<i32>} : memref<80x128xf32, #tpu.memory_space<vmem>>, vector<16xf32>,
        %get3A_238 = arith.constant 48 : index
        %get3A_239 = tpu.vector_load %arg33[%get3A_238] {strides = array<i32>} : memref<128xf32, #tpu.memory_space<vmem>>, vector<16xf32>,
        %mul3A_240 = arith.mulf %div3A_234, %get3A_239 : vector<16xf32>
        %add3A_241 = arith.addf %add3A_215, %mul3A_240 : vector<16xf32>
        %get3A_242 = arith.index_cast %add3A_138 : i32 to index
        %get3A_243 = arith.constant 64 : index
        %get3A_244 = tpu.vector_load %arg23[%get3A_242, %get3A_243] {strides = array<i32>} : memref<80x128xf32, #tpu.memory_space<vmem>>, vector<16xf32>,
        %get3A_245 = arith.index_cast %add3A_138 : i32 to index
        %get3A_246 = arith.constant 64 : index
        %get3A_247 = tpu.vector_load %arg24[%get3A_245, %get3A_246] {strides = array<i32>} : memref<80x128xf32, #tpu.memory_space<vmem>>, vector<16xf32>,
        %add3A_248 = arith.addf %get3A_244, %get3A_247 : vector<16xf32>
        %get3A_249 = arith.index_cast %add3A_138 : i32 to index
        %get3A_250 = arith.constant 64 : index
        %get3A_251 = tpu.vector_load %arg25[%get3A_249, %get3A_250] {strides = array<i32>} : memref<80x128xf32, #tpu.memory_space<vmem>>, vector<16xf32>,
        %add3A_252 = arith.addf %add3A_248, %get3A_251 : vector<16xf32>
        %neg3A_253 = arith.constant 0.000000e+00 : f32
        %neg3A_254 = vector.broadcast %neg3A_253 : f32 to vector<16xf32>
        %neg3A_255 = arith.subf %neg3A_254, %add3A_252 : vector<16xf32>
        %exp3A_256 = math.exp %neg3A_255 : vector<16xf32>
        %add3A_257 = arith.constant 1.000000e+00 : f32
        %add3A_258 = vector.broadcast %add3A_257 : f32 to vector<16xf32>
        %add3A_259 = arith.addf %add3A_258, %exp3A_256 : vector<16xf32>
        %div3A_260 = arith.divf %add3A_252, %add3A_259 : vector<16xf32>
        %swap3A_261 = arith.index_cast %add3A_138 : i32 to index
        %swap3A_262 = arith.constant 64 : index
        %swap3A_263 = tpu.vector_load %arg29[%swap3A_261, %swap3A_262] {strides = array<i32>} : memref<80x128xf32, #tpu.memory_space<vmem>>, vector<16xf32>,
        tpu.vector_store %arg29[%swap3A_261, %swap3A_262], %div3A_260 {strides = array<i32>} : memref<80x128xf32, #tpu.memory_space<vmem>>, vector<16xf32>,
        %get3A_264 = arith.constant 64 : index
        %get3A_265 = tpu.vector_load %arg33[%get3A_264] {strides = array<i32>} : memref<128xf32, #tpu.memory_space<vmem>>, vector<16xf32>,
        %mul3A_266 = arith.mulf %div3A_260, %get3A_265 : vector<16xf32>
        %add3A_267 = arith.addf %add3A_241, %mul3A_266 : vector<16xf32>
        %get3A_268 = arith.index_cast %add3A_138 : i32 to index
        %get3A_269 = arith.constant 80 : index
        %get3A_270 = tpu.vector_load %arg23[%get3A_268, %get3A_269] {strides = array<i32>} : memref<80x128xf32, #tpu.memory_space<vmem>>, vector<16xf32>,
        %get3A_271 = arith.index_cast %add3A_138 : i32 to index
        %get3A_272 = arith.constant 80 : index
        %get3A_273 = tpu.vector_load %arg24[%get3A_271, %get3A_272] {strides = array<i32>} : memref<80x128xf32, #tpu.memory_space<vmem>>, vector<16xf32>,
        %add3A_274 = arith.addf %get3A_270, %get3A_273 : vector<16xf32>
        %get3A_275 = arith.index_cast %add3A_138 : i32 to index
        %get3A_276 = arith.constant 80 : index
        %get3A_277 = tpu.vector_load %arg25[%get3A_275, %get3A_276] {strides = array<i32>} : memref<80x128xf32, #tpu.memory_space<vmem>>, vector<16xf32>,
        %add3A_278 = arith.addf %add3A_274, %get3A_277 : vector<16xf32>
        %neg3A_279 = arith.constant 0.000000e+00 : f32
        %neg3A_280 = vector.broadcast %neg3A_279 : f32 to vector<16xf32>
        %neg3A_281 = arith.subf %neg3A_280, %add3A_278 : vector<16xf32>
        %exp3A_282 = math.exp %neg3A_281 : vector<16xf32>
        %add3A_283 = arith.constant 1.000000e+00 : f32
        %add3A_284 = vector.broadcast %add3A_283 : f32 to vector<16xf32>
        %add3A_285 = arith.addf %add3A_284, %exp3A_282 : vector<16xf32>
        %div3A_286 = arith.divf %add3A_278, %add3A_285 : vector<16xf32>
        %swap3A_287 = arith.index_cast %add3A_138 : i32 to index
        %swap3A_288 = arith.constant 80 : index
        %swap3A_289 = tpu.vector_load %arg29[%swap3A_287, %swap3A_288] {strides = array<i32>} : memref<80x128xf32, #tpu.memory_space<vmem>>, vector<16xf32>,
        tpu.vector_store %arg29[%swap3A_287, %swap3A_288], %div3A_286 {strides = array<i32>} : memref<80x128xf32, #tpu.memory_space<vmem>>, vector<16xf32>,
        %get3A_290 = arith.constant 80 : index
        %get3A_291 = tpu.vector_load %arg33[%get3A_290] {strides = array<i32>} : memref<128xf32, #tpu.memory_space<vmem>>, vector<16xf32>,
        %mul3A_292 = arith.mulf %div3A_286, %get3A_291 : vector<16xf32>
        %add3A_293 = arith.addf %add3A_267, %mul3A_292 : vector<16xf32>
        %get3A_294 = arith.index_cast %add3A_138 : i32 to index
        %get3A_295 = arith.constant 96 : index
        %get3A_296 = tpu.vector_load %arg23[%get3A_294, %get3A_295] {strides = array<i32>} : memref<80x128xf32, #tpu.memory_space<vmem>>, vector<16xf32>,
        %get3A_297 = arith.index_cast %add3A_138 : i32 to index
        %get3A_298 = arith.constant 96 : index
        %get3A_299 = tpu.vector_load %arg24[%get3A_297, %get3A_298] {strides = array<i32>} : memref<80x128xf32, #tpu.memory_space<vmem>>, vector<16xf32>,
        %add3A_300 = arith.addf %get3A_296, %get3A_299 : vector<16xf32>
        %get3A_301 = arith.index_cast %add3A_138 : i32 to index
        %get3A_302 = arith.constant 96 : index
        %get3A_303 = tpu.vector_load %arg25[%get3A_301, %get3A_302] {strides = array<i32>} : memref<80x128xf32, #tpu.memory_space<vmem>>, vector<16xf32>,
        %add3A_304 = arith.addf %add3A_300, %get3A_303 : vector<16xf32>
        %neg3A_305 = arith.constant 0.000000e+00 : f32
        %neg3A_306 = vector.broadcast %neg3A_305 : f32 to vector<16xf32>
        %neg3A_307 = arith.subf %neg3A_306, %add3A_304 : vector<16xf32>
        %exp3A_308 = math.exp %neg3A_307 : vector<16xf32>
        %add3A_309 = arith.constant 1.000000e+00 : f32
        %add3A_310 = vector.broadcast %add3A_309 : f32 to vector<16xf32>
        %add3A_311 = arith.addf %add3A_310, %exp3A_308 : vector<16xf32>
        %div3A_312 = arith.divf %add3A_304, %add3A_311 : vector<16xf32>
        %swap3A_313 = arith.index_cast %add3A_138 : i32 to index
        %swap3A_314 = arith.constant 96 : index
        %swap3A_315 = tpu.vector_load %arg29[%swap3A_313, %swap3A_314] {strides = array<i32>} : memref<80x128xf32, #tpu.memory_space<vmem>>, vector<16xf32>,
        tpu.vector_store %arg29[%swap3A_313, %swap3A_314], %div3A_312 {strides = array<i32>} : memref<80x128xf32, #tpu.memory_space<vmem>>, vector<16xf32>,
        %get3A_316 = arith.constant 96 : index
        %get3A_317 = tpu.vector_load %arg33[%get3A_316] {strides = array<i32>} : memref<128xf32, #tpu.memory_space<vmem>>, vector<16xf32>,
        %mul3A_318 = arith.mulf %div3A_312, %get3A_317 : vector<16xf32>
        %add3A_319 = arith.addf %add3A_293, %mul3A_318 : vector<16xf32>
        %get3A_320 = arith.index_cast %add3A_138 : i32 to index
        %get3A_321 = arith.constant 112 : index
        %get3A_322 = tpu.vector_load %arg23[%get3A_320, %get3A_321] {strides = array<i32>} : memref<80x128xf32, #tpu.memory_space<vmem>>, vector<16xf32>,
        %get3A_323 = arith.index_cast %add3A_138 : i32 to index
        %get3A_324 = arith.constant 112 : index
        %get3A_325 = tpu.vector_load %arg24[%get3A_323, %get3A_324] {strides = array<i32>} : memref<80x128xf32, #tpu.memory_space<vmem>>, vector<16xf32>,
        %add3A_326 = arith.addf %get3A_322, %get3A_325 : vector<16xf32>
        %get3A_327 = arith.index_cast %add3A_138 : i32 to index
        %get3A_328 = arith.constant 112 : index
        %get3A_329 = tpu.vector_load %arg25[%get3A_327, %get3A_328] {strides = array<i32>} : memref<80x128xf32, #tpu.memory_space<vmem>>, vector<16xf32>,
        %add3A_330 = arith.addf %add3A_326, %get3A_329 : vector<16xf32>
        %neg3A_331 = arith.constant 0.000000e+00 : f32
        %neg3A_332 = vector.broadcast %neg3A_331 : f32 to vector<16xf32>
        %neg3A_333 = arith.subf %neg3A_332, %add3A_330 : vector<16xf32>
        %exp3A_334 = math.exp %neg3A_333 : vector<16xf32>
        %add3A_335 = arith.constant 1.000000e+00 : f32
        %add3A_336 = vector.broadcast %add3A_335 : f32 to vector<16xf32>
        %add3A_337 = arith.addf %add3A_336, %exp3A_334 : vector<16xf32>
        %div3A_338 = arith.divf %add3A_330, %add3A_337 : vector<16xf32>
        %swap3A_339 = arith.index_cast %add3A_138 : i32 to index
        %swap3A_340 = arith.constant 112 : index
        %swap3A_341 = tpu.vector_load %arg29[%swap3A_339, %swap3A_340] {strides = array<i32>} : memref<80x128xf32, #tpu.memory_space<vmem>>, vector<16xf32>,
        tpu.vector_store %arg29[%swap3A_339, %swap3A_340], %div3A_338 {strides = array<i32>} : memref<80x128xf32, #tpu.memory_space<vmem>>, vector<16xf32>,
        %get3A_342 = arith.constant 112 : index
        %get3A_343 = tpu.vector_load %arg33[%get3A_342] {strides = array<i32>} : memref<128xf32, #tpu.memory_space<vmem>>, vector<16xf32>,
        %mul3A_344 = arith.mulf %div3A_338, %get3A_343 : vector<16xf32>
        %add3A_345 = arith.addf %add3A_319, %mul3A_344 : vector<16xf32>
        %reduce_sum3A = arith.constant true
        %reduce_sum3A_346 = vector.broadcast %reduce_sum3A : i1 to vector<16xi1>
        %reduce_sum3A_347 = tpu.scan <sum>, %add3A_345 masked %reduce_sum3A_346 : vector<16xf32>, vector<16xi1> -> vector<16xf32>
        %reduce_sum3A_348 = vector.extract %reduce_sum3A_347[15] : f32 from vector<16xf32>
        %eq3A_349 = vector.broadcast %scan3A_135 : i32 to vector<16xi32>
        %eq3A_350 = arith.cmpi eq, %iota3A, %eq3A_349 : vector<16xi32>
        %broadcast_in_dim3A_351 = vector.broadcast %reduce_sum3A_348 : f32 to vector<16xf32>
        %select_n3A = arith.select %eq3A_350, %broadcast_in_dim3A_351, %scan3A_136 : vector<16xi1>, vector<16xf32>
        scf.yield %select_n3A : vector<16xf32>
      }
      %scan3A_49 = arith.constant 16 : i32
      %get3A_50 = arith.constant 16 : index
      %get3A_51 = tpu.vector_load %arg26[%get3A_50] {strides = array<i32>} : memref<80xf32, #tpu.memory_space<vmem>>, vector<16xf32>,
      %mul3A_52 = arith.mulf %scan3A_48, %get3A_51 : vector<16xf32>
      %swap3A_53 = arith.constant 16 : index
      %swap3A_54 = tpu.vector_load %arg30[%swap3A_53] {strides = array<i32>} : memref<80xf32, #tpu.memory_space<vmem>>, vector<16xf32>,
      tpu.vector_store %arg30[%swap3A_53], %mul3A_52 {strides = array<i32>} : memref<80xf32, #tpu.memory_space<vmem>>, vector<16xf32>,
      %get3A_55 = arith.constant 16 : index
      %get3A_56 = tpu.vector_load %arg27[%get3A_55] {strides = array<i32>} : memref<80xf32, #tpu.memory_space<vmem>>, vector<16xf32>,
      %mul3A_57 = arith.mulf %scan3A_48, %get3A_56 : vector<16xf32>
      %swap3A_58 = arith.constant 16 : index
      %swap3A_59 = tpu.vector_load %arg31[%swap3A_58] {strides = array<i32>} : memref<80xf32, #tpu.memory_space<vmem>>, vector<16xf32>,
      tpu.vector_store %arg31[%swap3A_58], %mul3A_57 {strides = array<i32>} : memref<80xf32, #tpu.memory_space<vmem>>, vector<16xf32>,
      %get3A_60 = arith.constant 16 : index
      %get3A_61 = tpu.vector_load %arg28[%get3A_60] {strides = array<i32>} : memref<80xf32, #tpu.memory_space<vmem>>, vector<16xf32>,
      %mul3A_62 = arith.mulf %scan3A_48, %get3A_61 : vector<16xf32>
      %swap3A_63 = arith.constant 16 : index
      %swap3A_64 = tpu.vector_load %arg32[%swap3A_63] {strides = array<i32>} : memref<80xf32, #tpu.memory_space<vmem>>, vector<16xf32>,
      tpu.vector_store %arg32[%swap3A_63], %mul3A_62 {strides = array<i32>} : memref<80xf32, #tpu.memory_space<vmem>>, vector<16xf32>,
      %broadcast_in_dim3A_65 = arith.constant 0.000000e+00 : f32
      %broadcast_in_dim3A_66 = vector.broadcast %broadcast_in_dim3A_65 : f32 to vector<16xf32>
      %scan3A_67 = arith.constant 0 : i32
      %scan3A_68 = arith.constant 16 : i32
      %scan3A_69 = arith.addi %scan3A_67, %scan3A_68 : i32
      %scan3A_70 = arith.constant 1 : i32
      %scan3A_71 = scf.for %scan3A_135 = %scan3A_67 to %scan3A_69 step %scan3A_70 iter_args(%scan3A_136 = %broadcast_in_dim3A_66) -> (vector<16xf32>)  : i32 {
        %add3A_137 = arith.constant 32 : i32
        %add3A_138 = arith.addi %add3A_137, %scan3A_135 : i32
        %broadcast_in_dim3A_139 = arith.constant 0.000000e+00 : f32
        %broadcast_in_dim3A_140 = vector.broadcast %broadcast_in_dim3A_139 : f32 to vector<16xf32>
        %get3A_141 = arith.index_cast %add3A_138 : i32 to index
        %get3A_142 = arith.constant 0 : index
        %get3A_143 = tpu.vector_load %arg23[%get3A_141, %get3A_142] {strides = array<i32>} : memref<80x128xf32, #tpu.memory_space<vmem>>, vector<16xf32>,
        %get3A_144 = arith.index_cast %add3A_138 : i32 to index
        %get3A_145 = arith.constant 0 : index
        %get3A_146 = tpu.vector_load %arg24[%get3A_144, %get3A_145] {strides = array<i32>} : memref<80x128xf32, #tpu.memory_space<vmem>>, vector<16xf32>,
        %add3A_147 = arith.addf %get3A_143, %get3A_146 : vector<16xf32>
        %get3A_148 = arith.index_cast %add3A_138 : i32 to index
        %get3A_149 = arith.constant 0 : index
        %get3A_150 = tpu.vector_load %arg25[%get3A_148, %get3A_149] {strides = array<i32>} : memref<80x128xf32, #tpu.memory_space<vmem>>, vector<16xf32>,
        %add3A_151 = arith.addf %add3A_147, %get3A_150 : vector<16xf32>
        %neg3A = arith.constant 0.000000e+00 : f32
        %neg3A_152 = vector.broadcast %neg3A : f32 to vector<16xf32>
        %neg3A_153 = arith.subf %neg3A_152, %add3A_151 : vector<16xf32>
        %exp3A = math.exp %neg3A_153 : vector<16xf32>
        %add3A_154 = arith.constant 1.000000e+00 : f32
        %add3A_155 = vector.broadcast %add3A_154 : f32 to vector<16xf32>
        %add3A_156 = arith.addf %add3A_155, %exp3A : vector<16xf32>
        %div3A = arith.divf %add3A_151, %add3A_156 : vector<16xf32>
        %swap3A_157 = arith.index_cast %add3A_138 : i32 to index
        %swap3A_158 = arith.constant 0 : index
        %swap3A_159 = tpu.vector_load %arg29[%swap3A_157, %swap3A_158] {strides = array<i32>} : memref<80x128xf32, #tpu.memory_space<vmem>>, vector<16xf32>,
        tpu.vector_store %arg29[%swap3A_157, %swap3A_158], %div3A {strides = array<i32>} : memref<80x128xf32, #tpu.memory_space<vmem>>, vector<16xf32>,
        %get3A_160 = arith.constant 0 : index
        %get3A_161 = tpu.vector_load %arg33[%get3A_160] {strides = array<i32>} : memref<128xf32, #tpu.memory_space<vmem>>, vector<16xf32>,
        %mul3A_162 = arith.mulf %div3A, %get3A_161 : vector<16xf32>
        %add3A_163 = arith.addf %broadcast_in_dim3A_140, %mul3A_162 : vector<16xf32>
        %get3A_164 = arith.index_cast %add3A_138 : i32 to index
        %get3A_165 = arith.constant 16 : index
        %get3A_166 = tpu.vector_load %arg23[%get3A_164, %get3A_165] {strides = array<i32>} : memref<80x128xf32, #tpu.memory_space<vmem>>, vector<16xf32>,
        %get3A_167 = arith.index_cast %add3A_138 : i32 to index
        %get3A_168 = arith.constant 16 : index
        %get3A_169 = tpu.vector_load %arg24[%get3A_167, %get3A_168] {strides = array<i32>} : memref<80x128xf32, #tpu.memory_space<vmem>>, vector<16xf32>,
        %add3A_170 = arith.addf %get3A_166, %get3A_169 : vector<16xf32>
        %get3A_171 = arith.index_cast %add3A_138 : i32 to index
        %get3A_172 = arith.constant 16 : index
        %get3A_173 = tpu.vector_load %arg25[%get3A_171, %get3A_172] {strides = array<i32>} : memref<80x128xf32, #tpu.memory_space<vmem>>, vector<16xf32>,
        %add3A_174 = arith.addf %add3A_170, %get3A_173 : vector<16xf32>
        %neg3A_175 = arith.constant 0.000000e+00 : f32
        %neg3A_176 = vector.broadcast %neg3A_175 : f32 to vector<16xf32>
        %neg3A_177 = arith.subf %neg3A_176, %add3A_174 : vector<16xf32>
        %exp3A_178 = math.exp %neg3A_177 : vector<16xf32>
        %add3A_179 = arith.constant 1.000000e+00 : f32
        %add3A_180 = vector.broadcast %add3A_179 : f32 to vector<16xf32>
        %add3A_181 = arith.addf %add3A_180, %exp3A_178 : vector<16xf32>
        %div3A_182 = arith.divf %add3A_174, %add3A_181 : vector<16xf32>
        %swap3A_183 = arith.index_cast %add3A_138 : i32 to index
        %swap3A_184 = arith.constant 16 : index
        %swap3A_185 = tpu.vector_load %arg29[%swap3A_183, %swap3A_184] {strides = array<i32>} : memref<80x128xf32, #tpu.memory_space<vmem>>, vector<16xf32>,
        tpu.vector_store %arg29[%swap3A_183, %swap3A_184], %div3A_182 {strides = array<i32>} : memref<80x128xf32, #tpu.memory_space<vmem>>, vector<16xf32>,
        %get3A_186 = arith.constant 16 : index
        %get3A_187 = tpu.vector_load %arg33[%get3A_186] {strides = array<i32>} : memref<128xf32, #tpu.memory_space<vmem>>, vector<16xf32>,
        %mul3A_188 = arith.mulf %div3A_182, %get3A_187 : vector<16xf32>
        %add3A_189 = arith.addf %add3A_163, %mul3A_188 : vector<16xf32>
        %get3A_190 = arith.index_cast %add3A_138 : i32 to index
        %get3A_191 = arith.constant 32 : index
        %get3A_192 = tpu.vector_load %arg23[%get3A_190, %get3A_191] {strides = array<i32>} : memref<80x128xf32, #tpu.memory_space<vmem>>, vector<16xf32>,
        %get3A_193 = arith.index_cast %add3A_138 : i32 to index
        %get3A_194 = arith.constant 32 : index
        %get3A_195 = tpu.vector_load %arg24[%get3A_193, %get3A_194] {strides = array<i32>} : memref<80x128xf32, #tpu.memory_space<vmem>>, vector<16xf32>,
        %add3A_196 = arith.addf %get3A_192, %get3A_195 : vector<16xf32>
        %get3A_197 = arith.index_cast %add3A_138 : i32 to index
        %get3A_198 = arith.constant 32 : index
        %get3A_199 = tpu.vector_load %arg25[%get3A_197, %get3A_198] {strides = array<i32>} : memref<80x128xf32, #tpu.memory_space<vmem>>, vector<16xf32>,
        %add3A_200 = arith.addf %add3A_196, %get3A_199 : vector<16xf32>
        %neg3A_201 = arith.constant 0.000000e+00 : f32
        %neg3A_202 = vector.broadcast %neg3A_201 : f32 to vector<16xf32>
        %neg3A_203 = arith.subf %neg3A_202, %add3A_200 : vector<16xf32>
        %exp3A_204 = math.exp %neg3A_203 : vector<16xf32>
        %add3A_205 = arith.constant 1.000000e+00 : f32
        %add3A_206 = vector.broadcast %add3A_205 : f32 to vector<16xf32>
        %add3A_207 = arith.addf %add3A_206, %exp3A_204 : vector<16xf32>
        %div3A_208 = arith.divf %add3A_200, %add3A_207 : vector<16xf32>
        %swap3A_209 = arith.index_cast %add3A_138 : i32 to index
        %swap3A_210 = arith.constant 32 : index
        %swap3A_211 = tpu.vector_load %arg29[%swap3A_209, %swap3A_210] {strides = array<i32>} : memref<80x128xf32, #tpu.memory_space<vmem>>, vector<16xf32>,
        tpu.vector_store %arg29[%swap3A_209, %swap3A_210], %div3A_208 {strides = array<i32>} : memref<80x128xf32, #tpu.memory_space<vmem>>, vector<16xf32>,
        %get3A_212 = arith.constant 32 : index
        %get3A_213 = tpu.vector_load %arg33[%get3A_212] {strides = array<i32>} : memref<128xf32, #tpu.memory_space<vmem>>, vector<16xf32>,
        %mul3A_214 = arith.mulf %div3A_208, %get3A_213 : vector<16xf32>
        %add3A_215 = arith.addf %add3A_189, %mul3A_214 : vector<16xf32>
        %get3A_216 = arith.index_cast %add3A_138 : i32 to index
        %get3A_217 = arith.constant 48 : index
        %get3A_218 = tpu.vector_load %arg23[%get3A_216, %get3A_217] {strides = array<i32>} : memref<80x128xf32, #tpu.memory_space<vmem>>, vector<16xf32>,
        %get3A_219 = arith.index_cast %add3A_138 : i32 to index
        %get3A_220 = arith.constant 48 : index
        %get3A_221 = tpu.vector_load %arg24[%get3A_219, %get3A_220] {strides = array<i32>} : memref<80x128xf32, #tpu.memory_space<vmem>>, vector<16xf32>,
        %add3A_222 = arith.addf %get3A_218, %get3A_221 : vector<16xf32>
        %get3A_223 = arith.index_cast %add3A_138 : i32 to index
        %get3A_224 = arith.constant 48 : index
        %get3A_225 = tpu.vector_load %arg25[%get3A_223, %get3A_224] {strides = array<i32>} : memref<80x128xf32, #tpu.memory_space<vmem>>, vector<16xf32>,
        %add3A_226 = arith.addf %add3A_222, %get3A_225 : vector<16xf32>
        %neg3A_227 = arith.constant 0.000000e+00 : f32
        %neg3A_228 = vector.broadcast %neg3A_227 : f32 to vector<16xf32>
        %neg3A_229 = arith.subf %neg3A_228, %add3A_226 : vector<16xf32>
        %exp3A_230 = math.exp %neg3A_229 : vector<16xf32>
        %add3A_231 = arith.constant 1.000000e+00 : f32
        %add3A_232 = vector.broadcast %add3A_231 : f32 to vector<16xf32>
        %add3A_233 = arith.addf %add3A_232, %exp3A_230 : vector<16xf32>
        %div3A_234 = arith.divf %add3A_226, %add3A_233 : vector<16xf32>
        %swap3A_235 = arith.index_cast %add3A_138 : i32 to index
        %swap3A_236 = arith.constant 48 : index
        %swap3A_237 = tpu.vector_load %arg29[%swap3A_235, %swap3A_236] {strides = array<i32>} : memref<80x128xf32, #tpu.memory_space<vmem>>, vector<16xf32>,
        tpu.vector_store %arg29[%swap3A_235, %swap3A_236], %div3A_234 {strides = array<i32>} : memref<80x128xf32, #tpu.memory_space<vmem>>, vector<16xf32>,
        %get3A_238 = arith.constant 48 : index
        %get3A_239 = tpu.vector_load %arg33[%get3A_238] {strides = array<i32>} : memref<128xf32, #tpu.memory_space<vmem>>, vector<16xf32>,
        %mul3A_240 = arith.mulf %div3A_234, %get3A_239 : vector<16xf32>
        %add3A_241 = arith.addf %add3A_215, %mul3A_240 : vector<16xf32>
        %get3A_242 = arith.index_cast %add3A_138 : i32 to index
        %get3A_243 = arith.constant 64 : index
        %get3A_244 = tpu.vector_load %arg23[%get3A_242, %get3A_243] {strides = array<i32>} : memref<80x128xf32, #tpu.memory_space<vmem>>, vector<16xf32>,
        %get3A_245 = arith.index_cast %add3A_138 : i32 to index
        %get3A_246 = arith.constant 64 : index
        %get3A_247 = tpu.vector_load %arg24[%get3A_245, %get3A_246] {strides = array<i32>} : memref<80x128xf32, #tpu.memory_space<vmem>>, vector<16xf32>,
        %add3A_248 = arith.addf %get3A_244, %get3A_247 : vector<16xf32>
        %get3A_249 = arith.index_cast %add3A_138 : i32 to index
        %get3A_250 = arith.constant 64 : index
        %get3A_251 = tpu.vector_load %arg25[%get3A_249, %get3A_250] {strides = array<i32>} : memref<80x128xf32, #tpu.memory_space<vmem>>, vector<16xf32>,
        %add3A_252 = arith.addf %add3A_248, %get3A_251 : vector<16xf32>
        %neg3A_253 = arith.constant 0.000000e+00 : f32
        %neg3A_254 = vector.broadcast %neg3A_253 : f32 to vector<16xf32>
        %neg3A_255 = arith.subf %neg3A_254, %add3A_252 : vector<16xf32>
        %exp3A_256 = math.exp %neg3A_255 : vector<16xf32>
        %add3A_257 = arith.constant 1.000000e+00 : f32
        %add3A_258 = vector.broadcast %add3A_257 : f32 to vector<16xf32>
        %add3A_259 = arith.addf %add3A_258, %exp3A_256 : vector<16xf32>
        %div3A_260 = arith.divf %add3A_252, %add3A_259 : vector<16xf32>
        %swap3A_261 = arith.index_cast %add3A_138 : i32 to index
        %swap3A_262 = arith.constant 64 : index
        %swap3A_263 = tpu.vector_load %arg29[%swap3A_261, %swap3A_262] {strides = array<i32>} : memref<80x128xf32, #tpu.memory_space<vmem>>, vector<16xf32>,
        tpu.vector_store %arg29[%swap3A_261, %swap3A_262], %div3A_260 {strides = array<i32>} : memref<80x128xf32, #tpu.memory_space<vmem>>, vector<16xf32>,
        %get3A_264 = arith.constant 64 : index
        %get3A_265 = tpu.vector_load %arg33[%get3A_264] {strides = array<i32>} : memref<128xf32, #tpu.memory_space<vmem>>, vector<16xf32>,
        %mul3A_266 = arith.mulf %div3A_260, %get3A_265 : vector<16xf32>
        %add3A_267 = arith.addf %add3A_241, %mul3A_266 : vector<16xf32>
        %get3A_268 = arith.index_cast %add3A_138 : i32 to index
        %get3A_269 = arith.constant 80 : index
        %get3A_270 = tpu.vector_load %arg23[%get3A_268, %get3A_269] {strides = array<i32>} : memref<80x128xf32, #tpu.memory_space<vmem>>, vector<16xf32>,
        %get3A_271 = arith.index_cast %add3A_138 : i32 to index
        %get3A_272 = arith.constant 80 : index
        %get3A_273 = tpu.vector_load %arg24[%get3A_271, %get3A_272] {strides = array<i32>} : memref<80x128xf32, #tpu.memory_space<vmem>>, vector<16xf32>,
        %add3A_274 = arith.addf %get3A_270, %get3A_273 : vector<16xf32>
        %get3A_275 = arith.index_cast %add3A_138 : i32 to index
        %get3A_276 = arith.constant 80 : index
        %get3A_277 = tpu.vector_load %arg25[%get3A_275, %get3A_276] {strides = array<i32>} : memref<80x128xf32, #tpu.memory_space<vmem>>, vector<16xf32>,
        %add3A_278 = arith.addf %add3A_274, %get3A_277 : vector<16xf32>
        %neg3A_279 = arith.constant 0.000000e+00 : f32
        %neg3A_280 = vector.broadcast %neg3A_279 : f32 to vector<16xf32>
        %neg3A_281 = arith.subf %neg3A_280, %add3A_278 : vector<16xf32>
        %exp3A_282 = math.exp %neg3A_281 : vector<16xf32>
        %add3A_283 = arith.constant 1.000000e+00 : f32
        %add3A_284 = vector.broadcast %add3A_283 : f32 to vector<16xf32>
        %add3A_285 = arith.addf %add3A_284, %exp3A_282 : vector<16xf32>
        %div3A_286 = arith.divf %add3A_278, %add3A_285 : vector<16xf32>
        %swap3A_287 = arith.index_cast %add3A_138 : i32 to index
        %swap3A_288 = arith.constant 80 : index
        %swap3A_289 = tpu.vector_load %arg29[%swap3A_287, %swap3A_288] {strides = array<i32>} : memref<80x128xf32, #tpu.memory_space<vmem>>, vector<16xf32>,
        tpu.vector_store %arg29[%swap3A_287, %swap3A_288], %div3A_286 {strides = array<i32>} : memref<80x128xf32, #tpu.memory_space<vmem>>, vector<16xf32>,
        %get3A_290 = arith.constant 80 : index
        %get3A_291 = tpu.vector_load %arg33[%get3A_290] {strides = array<i32>} : memref<128xf32, #tpu.memory_space<vmem>>, vector<16xf32>,
        %mul3A_292 = arith.mulf %div3A_286, %get3A_291 : vector<16xf32>
        %add3A_293 = arith.addf %add3A_267, %mul3A_292 : vector<16xf32>
        %get3A_294 = arith.index_cast %add3A_138 : i32 to index
        %get3A_295 = arith.constant 96 : index
        %get3A_296 = tpu.vector_load %arg23[%get3A_294, %get3A_295] {strides = array<i32>} : memref<80x128xf32, #tpu.memory_space<vmem>>, vector<16xf32>,
        %get3A_297 = arith.index_cast %add3A_138 : i32 to index
        %get3A_298 = arith.constant 96 : index
        %get3A_299 = tpu.vector_load %arg24[%get3A_297, %get3A_298] {strides = array<i32>} : memref<80x128xf32, #tpu.memory_space<vmem>>, vector<16xf32>,
        %add3A_300 = arith.addf %get3A_296, %get3A_299 : vector<16xf32>
        %get3A_301 = arith.index_cast %add3A_138 : i32 to index
        %get3A_302 = arith.constant 96 : index
        %get3A_303 = tpu.vector_load %arg25[%get3A_301, %get3A_302] {strides = array<i32>} : memref<80x128xf32, #tpu.memory_space<vmem>>, vector<16xf32>,
        %add3A_304 = arith.addf %add3A_300, %get3A_303 : vector<16xf32>
        %neg3A_305 = arith.constant 0.000000e+00 : f32
        %neg3A_306 = vector.broadcast %neg3A_305 : f32 to vector<16xf32>
        %neg3A_307 = arith.subf %neg3A_306, %add3A_304 : vector<16xf32>
        %exp3A_308 = math.exp %neg3A_307 : vector<16xf32>
        %add3A_309 = arith.constant 1.000000e+00 : f32
        %add3A_310 = vector.broadcast %add3A_309 : f32 to vector<16xf32>
        %add3A_311 = arith.addf %add3A_310, %exp3A_308 : vector<16xf32>
        %div3A_312 = arith.divf %add3A_304, %add3A_311 : vector<16xf32>
        %swap3A_313 = arith.index_cast %add3A_138 : i32 to index
        %swap3A_314 = arith.constant 96 : index
        %swap3A_315 = tpu.vector_load %arg29[%swap3A_313, %swap3A_314] {strides = array<i32>} : memref<80x128xf32, #tpu.memory_space<vmem>>, vector<16xf32>,
        tpu.vector_store %arg29[%swap3A_313, %swap3A_314], %div3A_312 {strides = array<i32>} : memref<80x128xf32, #tpu.memory_space<vmem>>, vector<16xf32>,
        %get3A_316 = arith.constant 96 : index
        %get3A_317 = tpu.vector_load %arg33[%get3A_316] {strides = array<i32>} : memref<128xf32, #tpu.memory_space<vmem>>, vector<16xf32>,
        %mul3A_318 = arith.mulf %div3A_312, %get3A_317 : vector<16xf32>
        %add3A_319 = arith.addf %add3A_293, %mul3A_318 : vector<16xf32>
        %get3A_320 = arith.index_cast %add3A_138 : i32 to index
        %get3A_321 = arith.constant 112 : index
        %get3A_322 = tpu.vector_load %arg23[%get3A_320, %get3A_321] {strides = array<i32>} : memref<80x128xf32, #tpu.memory_space<vmem>>, vector<16xf32>,
        %get3A_323 = arith.index_cast %add3A_138 : i32 to index
        %get3A_324 = arith.constant 112 : index
        %get3A_325 = tpu.vector_load %arg24[%get3A_323, %get3A_324] {strides = array<i32>} : memref<80x128xf32, #tpu.memory_space<vmem>>, vector<16xf32>,
        %add3A_326 = arith.addf %get3A_322, %get3A_325 : vector<16xf32>
        %get3A_327 = arith.index_cast %add3A_138 : i32 to index
        %get3A_328 = arith.constant 112 : index
        %get3A_329 = tpu.vector_load %arg25[%get3A_327, %get3A_328] {strides = array<i32>} : memref<80x128xf32, #tpu.memory_space<vmem>>, vector<16xf32>,
        %add3A_330 = arith.addf %add3A_326, %get3A_329 : vector<16xf32>
        %neg3A_331 = arith.constant 0.000000e+00 : f32
        %neg3A_332 = vector.broadcast %neg3A_331 : f32 to vector<16xf32>
        %neg3A_333 = arith.subf %neg3A_332, %add3A_330 : vector<16xf32>
        %exp3A_334 = math.exp %neg3A_333 : vector<16xf32>
        %add3A_335 = arith.constant 1.000000e+00 : f32
        %add3A_336 = vector.broadcast %add3A_335 : f32 to vector<16xf32>
        %add3A_337 = arith.addf %add3A_336, %exp3A_334 : vector<16xf32>
        %div3A_338 = arith.divf %add3A_330, %add3A_337 : vector<16xf32>
        %swap3A_339 = arith.index_cast %add3A_138 : i32 to index
        %swap3A_340 = arith.constant 112 : index
        %swap3A_341 = tpu.vector_load %arg29[%swap3A_339, %swap3A_340] {strides = array<i32>} : memref<80x128xf32, #tpu.memory_space<vmem>>, vector<16xf32>,
        tpu.vector_store %arg29[%swap3A_339, %swap3A_340], %div3A_338 {strides = array<i32>} : memref<80x128xf32, #tpu.memory_space<vmem>>, vector<16xf32>,
        %get3A_342 = arith.constant 112 : index
        %get3A_343 = tpu.vector_load %arg33[%get3A_342] {strides = array<i32>} : memref<128xf32, #tpu.memory_space<vmem>>, vector<16xf32>,
        %mul3A_344 = arith.mulf %div3A_338, %get3A_343 : vector<16xf32>
        %add3A_345 = arith.addf %add3A_319, %mul3A_344 : vector<16xf32>
        %reduce_sum3A = arith.constant true
        %reduce_sum3A_346 = vector.broadcast %reduce_sum3A : i1 to vector<16xi1>
        %reduce_sum3A_347 = tpu.scan <sum>, %add3A_345 masked %reduce_sum3A_346 : vector<16xf32>, vector<16xi1> -> vector<16xf32>
        %reduce_sum3A_348 = vector.extract %reduce_sum3A_347[15] : f32 from vector<16xf32>
        %eq3A_349 = vector.broadcast %scan3A_135 : i32 to vector<16xi32>
        %eq3A_350 = arith.cmpi eq, %iota3A, %eq3A_349 : vector<16xi32>
        %broadcast_in_dim3A_351 = vector.broadcast %reduce_sum3A_348 : f32 to vector<16xf32>
        %select_n3A = arith.select %eq3A_350, %broadcast_in_dim3A_351, %scan3A_136 : vector<16xi1>, vector<16xf32>
        scf.yield %select_n3A : vector<16xf32>
      }
      %scan3A_72 = arith.constant 16 : i32
      %get3A_73 = arith.constant 32 : index
      %get3A_74 = tpu.vector_load %arg26[%get3A_73] {strides = array<i32>} : memref<80xf32, #tpu.memory_space<vmem>>, vector<16xf32>,
      %mul3A_75 = arith.mulf %scan3A_71, %get3A_74 : vector<16xf32>
      %swap3A_76 = arith.constant 32 : index
      %swap3A_77 = tpu.vector_load %arg30[%swap3A_76] {strides = array<i32>} : memref<80xf32, #tpu.memory_space<vmem>>, vector<16xf32>,
      tpu.vector_store %arg30[%swap3A_76], %mul3A_75 {strides = array<i32>} : memref<80xf32, #tpu.memory_space<vmem>>, vector<16xf32>,
      %get3A_78 = arith.constant 32 : index
      %get3A_79 = tpu.vector_load %arg27[%get3A_78] {strides = array<i32>} : memref<80xf32, #tpu.memory_space<vmem>>, vector<16xf32>,
      %mul3A_80 = arith.mulf %scan3A_71, %get3A_79 : vector<16xf32>
      %swap3A_81 = arith.constant 32 : index
      %swap3A_82 = tpu.vector_load %arg31[%swap3A_81] {strides = array<i32>} : memref<80xf32, #tpu.memory_space<vmem>>, vector<16xf32>,
      tpu.vector_store %arg31[%swap3A_81], %mul3A_80 {strides = array<i32>} : memref<80xf32, #tpu.memory_space<vmem>>, vector<16xf32>,
      %get3A_83 = arith.constant 32 : index
      %get3A_84 = tpu.vector_load %arg28[%get3A_83] {strides = array<i32>} : memref<80xf32, #tpu.memory_space<vmem>>, vector<16xf32>,
      %mul3A_85 = arith.mulf %scan3A_71, %get3A_84 : vector<16xf32>
      %swap3A_86 = arith.constant 32 : index
      %swap3A_87 = tpu.vector_load %arg32[%swap3A_86] {strides = array<i32>} : memref<80xf32, #tpu.memory_space<vmem>>, vector<16xf32>,
      tpu.vector_store %arg32[%swap3A_86], %mul3A_85 {strides = array<i32>} : memref<80xf32, #tpu.memory_space<vmem>>, vector<16xf32>,
      %broadcast_in_dim3A_88 = arith.constant 0.000000e+00 : f32
      %broadcast_in_dim3A_89 = vector.broadcast %broadcast_in_dim3A_88 : f32 to vector<16xf32>
      %scan3A_90 = arith.constant 0 : i32
      %scan3A_91 = arith.constant 16 : i32
      %scan3A_92 = arith.addi %scan3A_90, %scan3A_91 : i32
      %scan3A_93 = arith.constant 1 : i32
      %scan3A_94 = scf.for %scan3A_135 = %scan3A_90 to %scan3A_92 step %scan3A_93 iter_args(%scan3A_136 = %broadcast_in_dim3A_89) -> (vector<16xf32>)  : i32 {
        %add3A_137 = arith.constant 48 : i32
        %add3A_138 = arith.addi %add3A_137, %scan3A_135 : i32
        %broadcast_in_dim3A_139 = arith.constant 0.000000e+00 : f32
        %broadcast_in_dim3A_140 = vector.broadcast %broadcast_in_dim3A_139 : f32 to vector<16xf32>
        %get3A_141 = arith.index_cast %add3A_138 : i32 to index
        %get3A_142 = arith.constant 0 : index
        %get3A_143 = tpu.vector_load %arg23[%get3A_141, %get3A_142] {strides = array<i32>} : memref<80x128xf32, #tpu.memory_space<vmem>>, vector<16xf32>,
        %get3A_144 = arith.index_cast %add3A_138 : i32 to index
        %get3A_145 = arith.constant 0 : index
        %get3A_146 = tpu.vector_load %arg24[%get3A_144, %get3A_145] {strides = array<i32>} : memref<80x128xf32, #tpu.memory_space<vmem>>, vector<16xf32>,
        %add3A_147 = arith.addf %get3A_143, %get3A_146 : vector<16xf32>
        %get3A_148 = arith.index_cast %add3A_138 : i32 to index
        %get3A_149 = arith.constant 0 : index
        %get3A_150 = tpu.vector_load %arg25[%get3A_148, %get3A_149] {strides = array<i32>} : memref<80x128xf32, #tpu.memory_space<vmem>>, vector<16xf32>,
        %add3A_151 = arith.addf %add3A_147, %get3A_150 : vector<16xf32>
        %neg3A = arith.constant 0.000000e+00 : f32
        %neg3A_152 = vector.broadcast %neg3A : f32 to vector<16xf32>
        %neg3A_153 = arith.subf %neg3A_152, %add3A_151 : vector<16xf32>
        %exp3A = math.exp %neg3A_153 : vector<16xf32>
        %add3A_154 = arith.constant 1.000000e+00 : f32
        %add3A_155 = vector.broadcast %add3A_154 : f32 to vector<16xf32>
        %add3A_156 = arith.addf %add3A_155, %exp3A : vector<16xf32>
        %div3A = arith.divf %add3A_151, %add3A_156 : vector<16xf32>
        %swap3A_157 = arith.index_cast %add3A_138 : i32 to index
        %swap3A_158 = arith.constant 0 : index
        %swap3A_159 = tpu.vector_load %arg29[%swap3A_157, %swap3A_158] {strides = array<i32>} : memref<80x128xf32, #tpu.memory_space<vmem>>, vector<16xf32>,
        tpu.vector_store %arg29[%swap3A_157, %swap3A_158], %div3A {strides = array<i32>} : memref<80x128xf32, #tpu.memory_space<vmem>>, vector<16xf32>,
        %get3A_160 = arith.constant 0 : index
        %get3A_161 = tpu.vector_load %arg33[%get3A_160] {strides = array<i32>} : memref<128xf32, #tpu.memory_space<vmem>>, vector<16xf32>,
        %mul3A_162 = arith.mulf %div3A, %get3A_161 : vector<16xf32>
        %add3A_163 = arith.addf %broadcast_in_dim3A_140, %mul3A_162 : vector<16xf32>
        %get3A_164 = arith.index_cast %add3A_138 : i32 to index
        %get3A_165 = arith.constant 16 : index
        %get3A_166 = tpu.vector_load %arg23[%get3A_164, %get3A_165] {strides = array<i32>} : memref<80x128xf32, #tpu.memory_space<vmem>>, vector<16xf32>,
        %get3A_167 = arith.index_cast %add3A_138 : i32 to index
        %get3A_168 = arith.constant 16 : index
        %get3A_169 = tpu.vector_load %arg24[%get3A_167, %get3A_168] {strides = array<i32>} : memref<80x128xf32, #tpu.memory_space<vmem>>, vector<16xf32>,
        %add3A_170 = arith.addf %get3A_166, %get3A_169 : vector<16xf32>
        %get3A_171 = arith.index_cast %add3A_138 : i32 to index
        %get3A_172 = arith.constant 16 : index
        %get3A_173 = tpu.vector_load %arg25[%get3A_171, %get3A_172] {strides = array<i32>} : memref<80x128xf32, #tpu.memory_space<vmem>>, vector<16xf32>,
        %add3A_174 = arith.addf %add3A_170, %get3A_173 : vector<16xf32>
        %neg3A_175 = arith.constant 0.000000e+00 : f32
        %neg3A_176 = vector.broadcast %neg3A_175 : f32 to vector<16xf32>
        %neg3A_177 = arith.subf %neg3A_176, %add3A_174 : vector<16xf32>
        %exp3A_178 = math.exp %neg3A_177 : vector<16xf32>
        %add3A_179 = arith.constant 1.000000e+00 : f32
        %add3A_180 = vector.broadcast %add3A_179 : f32 to vector<16xf32>
        %add3A_181 = arith.addf %add3A_180, %exp3A_178 : vector<16xf32>
        %div3A_182 = arith.divf %add3A_174, %add3A_181 : vector<16xf32>
        %swap3A_183 = arith.index_cast %add3A_138 : i32 to index
        %swap3A_184 = arith.constant 16 : index
        %swap3A_185 = tpu.vector_load %arg29[%swap3A_183, %swap3A_184] {strides = array<i32>} : memref<80x128xf32, #tpu.memory_space<vmem>>, vector<16xf32>,
        tpu.vector_store %arg29[%swap3A_183, %swap3A_184], %div3A_182 {strides = array<i32>} : memref<80x128xf32, #tpu.memory_space<vmem>>, vector<16xf32>,
        %get3A_186 = arith.constant 16 : index
        %get3A_187 = tpu.vector_load %arg33[%get3A_186] {strides = array<i32>} : memref<128xf32, #tpu.memory_space<vmem>>, vector<16xf32>,
        %mul3A_188 = arith.mulf %div3A_182, %get3A_187 : vector<16xf32>
        %add3A_189 = arith.addf %add3A_163, %mul3A_188 : vector<16xf32>
        %get3A_190 = arith.index_cast %add3A_138 : i32 to index
        %get3A_191 = arith.constant 32 : index
        %get3A_192 = tpu.vector_load %arg23[%get3A_190, %get3A_191] {strides = array<i32>} : memref<80x128xf32, #tpu.memory_space<vmem>>, vector<16xf32>,
        %get3A_193 = arith.index_cast %add3A_138 : i32 to index
        %get3A_194 = arith.constant 32 : index
        %get3A_195 = tpu.vector_load %arg24[%get3A_193, %get3A_194] {strides = array<i32>} : memref<80x128xf32, #tpu.memory_space<vmem>>, vector<16xf32>,
        %add3A_196 = arith.addf %get3A_192, %get3A_195 : vector<16xf32>
        %get3A_197 = arith.index_cast %add3A_138 : i32 to index
        %get3A_198 = arith.constant 32 : index
        %get3A_199 = tpu.vector_load %arg25[%get3A_197, %get3A_198] {strides = array<i32>} : memref<80x128xf32, #tpu.memory_space<vmem>>, vector<16xf32>,
        %add3A_200 = arith.addf %add3A_196, %get3A_199 : vector<16xf32>
        %neg3A_201 = arith.constant 0.000000e+00 : f32
        %neg3A_202 = vector.broadcast %neg3A_201 : f32 to vector<16xf32>
        %neg3A_203 = arith.subf %neg3A_202, %add3A_200 : vector<16xf32>
        %exp3A_204 = math.exp %neg3A_203 : vector<16xf32>
        %add3A_205 = arith.constant 1.000000e+00 : f32
        %add3A_206 = vector.broadcast %add3A_205 : f32 to vector<16xf32>
        %add3A_207 = arith.addf %add3A_206, %exp3A_204 : vector<16xf32>
        %div3A_208 = arith.divf %add3A_200, %add3A_207 : vector<16xf32>
        %swap3A_209 = arith.index_cast %add3A_138 : i32 to index
        %swap3A_210 = arith.constant 32 : index
        %swap3A_211 = tpu.vector_load %arg29[%swap3A_209, %swap3A_210] {strides = array<i32>} : memref<80x128xf32, #tpu.memory_space<vmem>>, vector<16xf32>,
        tpu.vector_store %arg29[%swap3A_209, %swap3A_210], %div3A_208 {strides = array<i32>} : memref<80x128xf32, #tpu.memory_space<vmem>>, vector<16xf32>,
        %get3A_212 = arith.constant 32 : index
        %get3A_213 = tpu.vector_load %arg33[%get3A_212] {strides = array<i32>} : memref<128xf32, #tpu.memory_space<vmem>>, vector<16xf32>,
        %mul3A_214 = arith.mulf %div3A_208, %get3A_213 : vector<16xf32>
        %add3A_215 = arith.addf %add3A_189, %mul3A_214 : vector<16xf32>
        %get3A_216 = arith.index_cast %add3A_138 : i32 to index
        %get3A_217 = arith.constant 48 : index
        %get3A_218 = tpu.vector_load %arg23[%get3A_216, %get3A_217] {strides = array<i32>} : memref<80x128xf32, #tpu.memory_space<vmem>>, vector<16xf32>,
        %get3A_219 = arith.index_cast %add3A_138 : i32 to index
        %get3A_220 = arith.constant 48 : index
        %get3A_221 = tpu.vector_load %arg24[%get3A_219, %get3A_220] {strides = array<i32>} : memref<80x128xf32, #tpu.memory_space<vmem>>, vector<16xf32>,
        %add3A_222 = arith.addf %get3A_218, %get3A_221 : vector<16xf32>
        %get3A_223 = arith.index_cast %add3A_138 : i32 to index
        %get3A_224 = arith.constant 48 : index
        %get3A_225 = tpu.vector_load %arg25[%get3A_223, %get3A_224] {strides = array<i32>} : memref<80x128xf32, #tpu.memory_space<vmem>>, vector<16xf32>,
        %add3A_226 = arith.addf %add3A_222, %get3A_225 : vector<16xf32>
        %neg3A_227 = arith.constant 0.000000e+00 : f32
        %neg3A_228 = vector.broadcast %neg3A_227 : f32 to vector<16xf32>
        %neg3A_229 = arith.subf %neg3A_228, %add3A_226 : vector<16xf32>
        %exp3A_230 = math.exp %neg3A_229 : vector<16xf32>
        %add3A_231 = arith.constant 1.000000e+00 : f32
        %add3A_232 = vector.broadcast %add3A_231 : f32 to vector<16xf32>
        %add3A_233 = arith.addf %add3A_232, %exp3A_230 : vector<16xf32>
        %div3A_234 = arith.divf %add3A_226, %add3A_233 : vector<16xf32>
        %swap3A_235 = arith.index_cast %add3A_138 : i32 to index
        %swap3A_236 = arith.constant 48 : index
        %swap3A_237 = tpu.vector_load %arg29[%swap3A_235, %swap3A_236] {strides = array<i32>} : memref<80x128xf32, #tpu.memory_space<vmem>>, vector<16xf32>,
        tpu.vector_store %arg29[%swap3A_235, %swap3A_236], %div3A_234 {strides = array<i32>} : memref<80x128xf32, #tpu.memory_space<vmem>>, vector<16xf32>,
        %get3A_238 = arith.constant 48 : index
        %get3A_239 = tpu.vector_load %arg33[%get3A_238] {strides = array<i32>} : memref<128xf32, #tpu.memory_space<vmem>>, vector<16xf32>,
        %mul3A_240 = arith.mulf %div3A_234, %get3A_239 : vector<16xf32>
        %add3A_241 = arith.addf %add3A_215, %mul3A_240 : vector<16xf32>
        %get3A_242 = arith.index_cast %add3A_138 : i32 to index
        %get3A_243 = arith.constant 64 : index
        %get3A_244 = tpu.vector_load %arg23[%get3A_242, %get3A_243] {strides = array<i32>} : memref<80x128xf32, #tpu.memory_space<vmem>>, vector<16xf32>,
        %get3A_245 = arith.index_cast %add3A_138 : i32 to index
        %get3A_246 = arith.constant 64 : index
        %get3A_247 = tpu.vector_load %arg24[%get3A_245, %get3A_246] {strides = array<i32>} : memref<80x128xf32, #tpu.memory_space<vmem>>, vector<16xf32>,
        %add3A_248 = arith.addf %get3A_244, %get3A_247 : vector<16xf32>
        %get3A_249 = arith.index_cast %add3A_138 : i32 to index
        %get3A_250 = arith.constant 64 : index
        %get3A_251 = tpu.vector_load %arg25[%get3A_249, %get3A_250] {strides = array<i32>} : memref<80x128xf32, #tpu.memory_space<vmem>>, vector<16xf32>,
        %add3A_252 = arith.addf %add3A_248, %get3A_251 : vector<16xf32>
        %neg3A_253 = arith.constant 0.000000e+00 : f32
        %neg3A_254 = vector.broadcast %neg3A_253 : f32 to vector<16xf32>
        %neg3A_255 = arith.subf %neg3A_254, %add3A_252 : vector<16xf32>
        %exp3A_256 = math.exp %neg3A_255 : vector<16xf32>
        %add3A_257 = arith.constant 1.000000e+00 : f32
        %add3A_258 = vector.broadcast %add3A_257 : f32 to vector<16xf32>
        %add3A_259 = arith.addf %add3A_258, %exp3A_256 : vector<16xf32>
        %div3A_260 = arith.divf %add3A_252, %add3A_259 : vector<16xf32>
        %swap3A_261 = arith.index_cast %add3A_138 : i32 to index
        %swap3A_262 = arith.constant 64 : index
        %swap3A_263 = tpu.vector_load %arg29[%swap3A_261, %swap3A_262] {strides = array<i32>} : memref<80x128xf32, #tpu.memory_space<vmem>>, vector<16xf32>,
        tpu.vector_store %arg29[%swap3A_261, %swap3A_262], %div3A_260 {strides = array<i32>} : memref<80x128xf32, #tpu.memory_space<vmem>>, vector<16xf32>,
        %get3A_264 = arith.constant 64 : index
        %get3A_265 = tpu.vector_load %arg33[%get3A_264] {strides = array<i32>} : memref<128xf32, #tpu.memory_space<vmem>>, vector<16xf32>,
        %mul3A_266 = arith.mulf %div3A_260, %get3A_265 : vector<16xf32>
        %add3A_267 = arith.addf %add3A_241, %mul3A_266 : vector<16xf32>
        %get3A_268 = arith.index_cast %add3A_138 : i32 to index
        %get3A_269 = arith.constant 80 : index
        %get3A_270 = tpu.vector_load %arg23[%get3A_268, %get3A_269] {strides = array<i32>} : memref<80x128xf32, #tpu.memory_space<vmem>>, vector<16xf32>,
        %get3A_271 = arith.index_cast %add3A_138 : i32 to index
        %get3A_272 = arith.constant 80 : index
        %get3A_273 = tpu.vector_load %arg24[%get3A_271, %get3A_272] {strides = array<i32>} : memref<80x128xf32, #tpu.memory_space<vmem>>, vector<16xf32>,
        %add3A_274 = arith.addf %get3A_270, %get3A_273 : vector<16xf32>
        %get3A_275 = arith.index_cast %add3A_138 : i32 to index
        %get3A_276 = arith.constant 80 : index
        %get3A_277 = tpu.vector_load %arg25[%get3A_275, %get3A_276] {strides = array<i32>} : memref<80x128xf32, #tpu.memory_space<vmem>>, vector<16xf32>,
        %add3A_278 = arith.addf %add3A_274, %get3A_277 : vector<16xf32>
        %neg3A_279 = arith.constant 0.000000e+00 : f32
        %neg3A_280 = vector.broadcast %neg3A_279 : f32 to vector<16xf32>
        %neg3A_281 = arith.subf %neg3A_280, %add3A_278 : vector<16xf32>
        %exp3A_282 = math.exp %neg3A_281 : vector<16xf32>
        %add3A_283 = arith.constant 1.000000e+00 : f32
        %add3A_284 = vector.broadcast %add3A_283 : f32 to vector<16xf32>
        %add3A_285 = arith.addf %add3A_284, %exp3A_282 : vector<16xf32>
        %div3A_286 = arith.divf %add3A_278, %add3A_285 : vector<16xf32>
        %swap3A_287 = arith.index_cast %add3A_138 : i32 to index
        %swap3A_288 = arith.constant 80 : index
        %swap3A_289 = tpu.vector_load %arg29[%swap3A_287, %swap3A_288] {strides = array<i32>} : memref<80x128xf32, #tpu.memory_space<vmem>>, vector<16xf32>,
        tpu.vector_store %arg29[%swap3A_287, %swap3A_288], %div3A_286 {strides = array<i32>} : memref<80x128xf32, #tpu.memory_space<vmem>>, vector<16xf32>,
        %get3A_290 = arith.constant 80 : index
        %get3A_291 = tpu.vector_load %arg33[%get3A_290] {strides = array<i32>} : memref<128xf32, #tpu.memory_space<vmem>>, vector<16xf32>,
        %mul3A_292 = arith.mulf %div3A_286, %get3A_291 : vector<16xf32>
        %add3A_293 = arith.addf %add3A_267, %mul3A_292 : vector<16xf32>
        %get3A_294 = arith.index_cast %add3A_138 : i32 to index
        %get3A_295 = arith.constant 96 : index
        %get3A_296 = tpu.vector_load %arg23[%get3A_294, %get3A_295] {strides = array<i32>} : memref<80x128xf32, #tpu.memory_space<vmem>>, vector<16xf32>,
        %get3A_297 = arith.index_cast %add3A_138 : i32 to index
        %get3A_298 = arith.constant 96 : index
        %get3A_299 = tpu.vector_load %arg24[%get3A_297, %get3A_298] {strides = array<i32>} : memref<80x128xf32, #tpu.memory_space<vmem>>, vector<16xf32>,
        %add3A_300 = arith.addf %get3A_296, %get3A_299 : vector<16xf32>
        %get3A_301 = arith.index_cast %add3A_138 : i32 to index
        %get3A_302 = arith.constant 96 : index
        %get3A_303 = tpu.vector_load %arg25[%get3A_301, %get3A_302] {strides = array<i32>} : memref<80x128xf32, #tpu.memory_space<vmem>>, vector<16xf32>,
        %add3A_304 = arith.addf %add3A_300, %get3A_303 : vector<16xf32>
        %neg3A_305 = arith.constant 0.000000e+00 : f32
        %neg3A_306 = vector.broadcast %neg3A_305 : f32 to vector<16xf32>
        %neg3A_307 = arith.subf %neg3A_306, %add3A_304 : vector<16xf32>
        %exp3A_308 = math.exp %neg3A_307 : vector<16xf32>
        %add3A_309 = arith.constant 1.000000e+00 : f32
        %add3A_310 = vector.broadcast %add3A_309 : f32 to vector<16xf32>
        %add3A_311 = arith.addf %add3A_310, %exp3A_308 : vector<16xf32>
        %div3A_312 = arith.divf %add3A_304, %add3A_311 : vector<16xf32>
        %swap3A_313 = arith.index_cast %add3A_138 : i32 to index
        %swap3A_314 = arith.constant 96 : index
        %swap3A_315 = tpu.vector_load %arg29[%swap3A_313, %swap3A_314] {strides = array<i32>} : memref<80x128xf32, #tpu.memory_space<vmem>>, vector<16xf32>,
        tpu.vector_store %arg29[%swap3A_313, %swap3A_314], %div3A_312 {strides = array<i32>} : memref<80x128xf32, #tpu.memory_space<vmem>>, vector<16xf32>,
        %get3A_316 = arith.constant 96 : index
        %get3A_317 = tpu.vector_load %arg33[%get3A_316] {strides = array<i32>} : memref<128xf32, #tpu.memory_space<vmem>>, vector<16xf32>,
        %mul3A_318 = arith.mulf %div3A_312, %get3A_317 : vector<16xf32>
        %add3A_319 = arith.addf %add3A_293, %mul3A_318 : vector<16xf32>
        %get3A_320 = arith.index_cast %add3A_138 : i32 to index
        %get3A_321 = arith.constant 112 : index
        %get3A_322 = tpu.vector_load %arg23[%get3A_320, %get3A_321] {strides = array<i32>} : memref<80x128xf32, #tpu.memory_space<vmem>>, vector<16xf32>,
        %get3A_323 = arith.index_cast %add3A_138 : i32 to index
        %get3A_324 = arith.constant 112 : index
        %get3A_325 = tpu.vector_load %arg24[%get3A_323, %get3A_324] {strides = array<i32>} : memref<80x128xf32, #tpu.memory_space<vmem>>, vector<16xf32>,
        %add3A_326 = arith.addf %get3A_322, %get3A_325 : vector<16xf32>
        %get3A_327 = arith.index_cast %add3A_138 : i32 to index
        %get3A_328 = arith.constant 112 : index
        %get3A_329 = tpu.vector_load %arg25[%get3A_327, %get3A_328] {strides = array<i32>} : memref<80x128xf32, #tpu.memory_space<vmem>>, vector<16xf32>,
        %add3A_330 = arith.addf %add3A_326, %get3A_329 : vector<16xf32>
        %neg3A_331 = arith.constant 0.000000e+00 : f32
        %neg3A_332 = vector.broadcast %neg3A_331 : f32 to vector<16xf32>
        %neg3A_333 = arith.subf %neg3A_332, %add3A_330 : vector<16xf32>
        %exp3A_334 = math.exp %neg3A_333 : vector<16xf32>
        %add3A_335 = arith.constant 1.000000e+00 : f32
        %add3A_336 = vector.broadcast %add3A_335 : f32 to vector<16xf32>
        %add3A_337 = arith.addf %add3A_336, %exp3A_334 : vector<16xf32>
        %div3A_338 = arith.divf %add3A_330, %add3A_337 : vector<16xf32>
        %swap3A_339 = arith.index_cast %add3A_138 : i32 to index
        %swap3A_340 = arith.constant 112 : index
        %swap3A_341 = tpu.vector_load %arg29[%swap3A_339, %swap3A_340] {strides = array<i32>} : memref<80x128xf32, #tpu.memory_space<vmem>>, vector<16xf32>,
        tpu.vector_store %arg29[%swap3A_339, %swap3A_340], %div3A_338 {strides = array<i32>} : memref<80x128xf32, #tpu.memory_space<vmem>>, vector<16xf32>,
        %get3A_342 = arith.constant 112 : index
        %get3A_343 = tpu.vector_load %arg33[%get3A_342] {strides = array<i32>} : memref<128xf32, #tpu.memory_space<vmem>>, vector<16xf32>,
        %mul3A_344 = arith.mulf %div3A_338, %get3A_343 : vector<16xf32>
        %add3A_345 = arith.addf %add3A_319, %mul3A_344 : vector<16xf32>
        %reduce_sum3A = arith.constant true
        %reduce_sum3A_346 = vector.broadcast %reduce_sum3A : i1 to vector<16xi1>
        %reduce_sum3A_347 = tpu.scan <sum>, %add3A_345 masked %reduce_sum3A_346 : vector<16xf32>, vector<16xi1> -> vector<16xf32>
        %reduce_sum3A_348 = vector.extract %reduce_sum3A_347[15] : f32 from vector<16xf32>
        %eq3A_349 = vector.broadcast %scan3A_135 : i32 to vector<16xi32>
        %eq3A_350 = arith.cmpi eq, %iota3A, %eq3A_349 : vector<16xi32>
        %broadcast_in_dim3A_351 = vector.broadcast %reduce_sum3A_348 : f32 to vector<16xf32>
        %select_n3A = arith.select %eq3A_350, %broadcast_in_dim3A_351, %scan3A_136 : vector<16xi1>, vector<16xf32>
        scf.yield %select_n3A : vector<16xf32>
      }
      %scan3A_95 = arith.constant 16 : i32
      %get3A_96 = arith.constant 48 : index
      %get3A_97 = tpu.vector_load %arg26[%get3A_96] {strides = array<i32>} : memref<80xf32, #tpu.memory_space<vmem>>, vector<16xf32>,
      %mul3A_98 = arith.mulf %scan3A_94, %get3A_97 : vector<16xf32>
      %swap3A_99 = arith.constant 48 : index
      %swap3A_100 = tpu.vector_load %arg30[%swap3A_99] {strides = array<i32>} : memref<80xf32, #tpu.memory_space<vmem>>, vector<16xf32>,
      tpu.vector_store %arg30[%swap3A_99], %mul3A_98 {strides = array<i32>} : memref<80xf32, #tpu.memory_space<vmem>>, vector<16xf32>,
      %get3A_101 = arith.constant 48 : index
      %get3A_102 = tpu.vector_load %arg27[%get3A_101] {strides = array<i32>} : memref<80xf32, #tpu.memory_space<vmem>>, vector<16xf32>,
      %mul3A_103 = arith.mulf %scan3A_94, %get3A_102 : vector<16xf32>
      %swap3A_104 = arith.constant 48 : index
      %swap3A_105 = tpu.vector_load %arg31[%swap3A_104] {strides = array<i32>} : memref<80xf32, #tpu.memory_space<vmem>>, vector<16xf32>,
      tpu.vector_store %arg31[%swap3A_104], %mul3A_103 {strides = array<i32>} : memref<80xf32, #tpu.memory_space<vmem>>, vector<16xf32>,
      %get3A_106 = arith.constant 48 : index
      %get3A_107 = tpu.vector_load %arg28[%get3A_106] {strides = array<i32>} : memref<80xf32, #tpu.memory_space<vmem>>, vector<16xf32>,
      %mul3A_108 = arith.mulf %scan3A_94, %get3A_107 : vector<16xf32>
      %swap3A_109 = arith.constant 48 : index
      %swap3A_110 = tpu.vector_load %arg32[%swap3A_109] {strides = array<i32>} : memref<80xf32, #tpu.memory_space<vmem>>, vector<16xf32>,
      tpu.vector_store %arg32[%swap3A_109], %mul3A_108 {strides = array<i32>} : memref<80xf32, #tpu.memory_space<vmem>>, vector<16xf32>,
      %broadcast_in_dim3A_111 = arith.constant 0.000000e+00 : f32
      %broadcast_in_dim3A_112 = vector.broadcast %broadcast_in_dim3A_111 : f32 to vector<16xf32>
      %scan3A_113 = arith.constant 0 : i32
      %scan3A_114 = arith.constant 16 : i32
      %scan3A_115 = arith.addi %scan3A_113, %scan3A_114 : i32
      %scan3A_116 = arith.constant 1 : i32
      %scan3A_117 = scf.for %scan3A_135 = %scan3A_113 to %scan3A_115 step %scan3A_116 iter_args(%scan3A_136 = %broadcast_in_dim3A_112) -> (vector<16xf32>)  : i32 {
        %add3A_137 = arith.constant 64 : i32
        %add3A_138 = arith.addi %add3A_137, %scan3A_135 : i32
        %broadcast_in_dim3A_139 = arith.constant 0.000000e+00 : f32
        %broadcast_in_dim3A_140 = vector.broadcast %broadcast_in_dim3A_139 : f32 to vector<16xf32>
        %get3A_141 = arith.index_cast %add3A_138 : i32 to index
        %get3A_142 = arith.constant 0 : index
        %get3A_143 = tpu.vector_load %arg23[%get3A_141, %get3A_142] {strides = array<i32>} : memref<80x128xf32, #tpu.memory_space<vmem>>, vector<16xf32>,
        %get3A_144 = arith.index_cast %add3A_138 : i32 to index
        %get3A_145 = arith.constant 0 : index
        %get3A_146 = tpu.vector_load %arg24[%get3A_144, %get3A_145] {strides = array<i32>} : memref<80x128xf32, #tpu.memory_space<vmem>>, vector<16xf32>,
        %add3A_147 = arith.addf %get3A_143, %get3A_146 : vector<16xf32>
        %get3A_148 = arith.index_cast %add3A_138 : i32 to index
        %get3A_149 = arith.constant 0 : index
        %get3A_150 = tpu.vector_load %arg25[%get3A_148, %get3A_149] {strides = array<i32>} : memref<80x128xf32, #tpu.memory_space<vmem>>, vector<16xf32>,
        %add3A_151 = arith.addf %add3A_147, %get3A_150 : vector<16xf32>
        %neg3A = arith.constant 0.000000e+00 : f32
        %neg3A_152 = vector.broadcast %neg3A : f32 to vector<16xf32>
        %neg3A_153 = arith.subf %neg3A_152, %add3A_151 : vector<16xf32>
        %exp3A = math.exp %neg3A_153 : vector<16xf32>
        %add3A_154 = arith.constant 1.000000e+00 : f32
        %add3A_155 = vector.broadcast %add3A_154 : f32 to vector<16xf32>
        %add3A_156 = arith.addf %add3A_155, %exp3A : vector<16xf32>
        %div3A = arith.divf %add3A_151, %add3A_156 : vector<16xf32>
        %swap3A_157 = arith.index_cast %add3A_138 : i32 to index
        %swap3A_158 = arith.constant 0 : index
        %swap3A_159 = tpu.vector_load %arg29[%swap3A_157, %swap3A_158] {strides = array<i32>} : memref<80x128xf32, #tpu.memory_space<vmem>>, vector<16xf32>,
        tpu.vector_store %arg29[%swap3A_157, %swap3A_158], %div3A {strides = array<i32>} : memref<80x128xf32, #tpu.memory_space<vmem>>, vector<16xf32>,
        %get3A_160 = arith.constant 0 : index
        %get3A_161 = tpu.vector_load %arg33[%get3A_160] {strides = array<i32>} : memref<128xf32, #tpu.memory_space<vmem>>, vector<16xf32>,
        %mul3A_162 = arith.mulf %div3A, %get3A_161 : vector<16xf32>
        %add3A_163 = arith.addf %broadcast_in_dim3A_140, %mul3A_162 : vector<16xf32>
        %get3A_164 = arith.index_cast %add3A_138 : i32 to index
        %get3A_165 = arith.constant 16 : index
        %get3A_166 = tpu.vector_load %arg23[%get3A_164, %get3A_165] {strides = array<i32>} : memref<80x128xf32, #tpu.memory_space<vmem>>, vector<16xf32>,
        %get3A_167 = arith.index_cast %add3A_138 : i32 to index
        %get3A_168 = arith.constant 16 : index
        %get3A_169 = tpu.vector_load %arg24[%get3A_167, %get3A_168] {strides = array<i32>} : memref<80x128xf32, #tpu.memory_space<vmem>>, vector<16xf32>,
        %add3A_170 = arith.addf %get3A_166, %get3A_169 : vector<16xf32>
        %get3A_171 = arith.index_cast %add3A_138 : i32 to index
        %get3A_172 = arith.constant 16 : index
        %get3A_173 = tpu.vector_load %arg25[%get3A_171, %get3A_172] {strides = array<i32>} : memref<80x128xf32, #tpu.memory_space<vmem>>, vector<16xf32>,
        %add3A_174 = arith.addf %add3A_170, %get3A_173 : vector<16xf32>
        %neg3A_175 = arith.constant 0.000000e+00 : f32
        %neg3A_176 = vector.broadcast %neg3A_175 : f32 to vector<16xf32>
        %neg3A_177 = arith.subf %neg3A_176, %add3A_174 : vector<16xf32>
        %exp3A_178 = math.exp %neg3A_177 : vector<16xf32>
        %add3A_179 = arith.constant 1.000000e+00 : f32
        %add3A_180 = vector.broadcast %add3A_179 : f32 to vector<16xf32>
        %add3A_181 = arith.addf %add3A_180, %exp3A_178 : vector<16xf32>
        %div3A_182 = arith.divf %add3A_174, %add3A_181 : vector<16xf32>
        %swap3A_183 = arith.index_cast %add3A_138 : i32 to index
        %swap3A_184 = arith.constant 16 : index
        %swap3A_185 = tpu.vector_load %arg29[%swap3A_183, %swap3A_184] {strides = array<i32>} : memref<80x128xf32, #tpu.memory_space<vmem>>, vector<16xf32>,
        tpu.vector_store %arg29[%swap3A_183, %swap3A_184], %div3A_182 {strides = array<i32>} : memref<80x128xf32, #tpu.memory_space<vmem>>, vector<16xf32>,
        %get3A_186 = arith.constant 16 : index
        %get3A_187 = tpu.vector_load %arg33[%get3A_186] {strides = array<i32>} : memref<128xf32, #tpu.memory_space<vmem>>, vector<16xf32>,
        %mul3A_188 = arith.mulf %div3A_182, %get3A_187 : vector<16xf32>
        %add3A_189 = arith.addf %add3A_163, %mul3A_188 : vector<16xf32>
        %get3A_190 = arith.index_cast %add3A_138 : i32 to index
        %get3A_191 = arith.constant 32 : index
        %get3A_192 = tpu.vector_load %arg23[%get3A_190, %get3A_191] {strides = array<i32>} : memref<80x128xf32, #tpu.memory_space<vmem>>, vector<16xf32>,
        %get3A_193 = arith.index_cast %add3A_138 : i32 to index
        %get3A_194 = arith.constant 32 : index
        %get3A_195 = tpu.vector_load %arg24[%get3A_193, %get3A_194] {strides = array<i32>} : memref<80x128xf32, #tpu.memory_space<vmem>>, vector<16xf32>,
        %add3A_196 = arith.addf %get3A_192, %get3A_195 : vector<16xf32>
        %get3A_197 = arith.index_cast %add3A_138 : i32 to index
        %get3A_198 = arith.constant 32 : index
        %get3A_199 = tpu.vector_load %arg25[%get3A_197, %get3A_198] {strides = array<i32>} : memref<80x128xf32, #tpu.memory_space<vmem>>, vector<16xf32>,
        %add3A_200 = arith.addf %add3A_196, %get3A_199 : vector<16xf32>
        %neg3A_201 = arith.constant 0.000000e+00 : f32
        %neg3A_202 = vector.broadcast %neg3A_201 : f32 to vector<16xf32>
        %neg3A_203 = arith.subf %neg3A_202, %add3A_200 : vector<16xf32>
        %exp3A_204 = math.exp %neg3A_203 : vector<16xf32>
        %add3A_205 = arith.constant 1.000000e+00 : f32
        %add3A_206 = vector.broadcast %add3A_205 : f32 to vector<16xf32>
        %add3A_207 = arith.addf %add3A_206, %exp3A_204 : vector<16xf32>
        %div3A_208 = arith.divf %add3A_200, %add3A_207 : vector<16xf32>
        %swap3A_209 = arith.index_cast %add3A_138 : i32 to index
        %swap3A_210 = arith.constant 32 : index
        %swap3A_211 = tpu.vector_load %arg29[%swap3A_209, %swap3A_210] {strides = array<i32>} : memref<80x128xf32, #tpu.memory_space<vmem>>, vector<16xf32>,
        tpu.vector_store %arg29[%swap3A_209, %swap3A_210], %div3A_208 {strides = array<i32>} : memref<80x128xf32, #tpu.memory_space<vmem>>, vector<16xf32>,
        %get3A_212 = arith.constant 32 : index
        %get3A_213 = tpu.vector_load %arg33[%get3A_212] {strides = array<i32>} : memref<128xf32, #tpu.memory_space<vmem>>, vector<16xf32>,
        %mul3A_214 = arith.mulf %div3A_208, %get3A_213 : vector<16xf32>
        %add3A_215 = arith.addf %add3A_189, %mul3A_214 : vector<16xf32>
        %get3A_216 = arith.index_cast %add3A_138 : i32 to index
        %get3A_217 = arith.constant 48 : index
        %get3A_218 = tpu.vector_load %arg23[%get3A_216, %get3A_217] {strides = array<i32>} : memref<80x128xf32, #tpu.memory_space<vmem>>, vector<16xf32>,
        %get3A_219 = arith.index_cast %add3A_138 : i32 to index
        %get3A_220 = arith.constant 48 : index
        %get3A_221 = tpu.vector_load %arg24[%get3A_219, %get3A_220] {strides = array<i32>} : memref<80x128xf32, #tpu.memory_space<vmem>>, vector<16xf32>,
        %add3A_222 = arith.addf %get3A_218, %get3A_221 : vector<16xf32>
        %get3A_223 = arith.index_cast %add3A_138 : i32 to index
        %get3A_224 = arith.constant 48 : index
        %get3A_225 = tpu.vector_load %arg25[%get3A_223, %get3A_224] {strides = array<i32>} : memref<80x128xf32, #tpu.memory_space<vmem>>, vector<16xf32>,
        %add3A_226 = arith.addf %add3A_222, %get3A_225 : vector<16xf32>
        %neg3A_227 = arith.constant 0.000000e+00 : f32
        %neg3A_228 = vector.broadcast %neg3A_227 : f32 to vector<16xf32>
        %neg3A_229 = arith.subf %neg3A_228, %add3A_226 : vector<16xf32>
        %exp3A_230 = math.exp %neg3A_229 : vector<16xf32>
        %add3A_231 = arith.constant 1.000000e+00 : f32
        %add3A_232 = vector.broadcast %add3A_231 : f32 to vector<16xf32>
        %add3A_233 = arith.addf %add3A_232, %exp3A_230 : vector<16xf32>
        %div3A_234 = arith.divf %add3A_226, %add3A_233 : vector<16xf32>
        %swap3A_235 = arith.index_cast %add3A_138 : i32 to index
        %swap3A_236 = arith.constant 48 : index
        %swap3A_237 = tpu.vector_load %arg29[%swap3A_235, %swap3A_236] {strides = array<i32>} : memref<80x128xf32, #tpu.memory_space<vmem>>, vector<16xf32>,
        tpu.vector_store %arg29[%swap3A_235, %swap3A_236], %div3A_234 {strides = array<i32>} : memref<80x128xf32, #tpu.memory_space<vmem>>, vector<16xf32>,
        %get3A_238 = arith.constant 48 : index
        %get3A_239 = tpu.vector_load %arg33[%get3A_238] {strides = array<i32>} : memref<128xf32, #tpu.memory_space<vmem>>, vector<16xf32>,
        %mul3A_240 = arith.mulf %div3A_234, %get3A_239 : vector<16xf32>
        %add3A_241 = arith.addf %add3A_215, %mul3A_240 : vector<16xf32>
        %get3A_242 = arith.index_cast %add3A_138 : i32 to index
        %get3A_243 = arith.constant 64 : index
        %get3A_244 = tpu.vector_load %arg23[%get3A_242, %get3A_243] {strides = array<i32>} : memref<80x128xf32, #tpu.memory_space<vmem>>, vector<16xf32>,
        %get3A_245 = arith.index_cast %add3A_138 : i32 to index
        %get3A_246 = arith.constant 64 : index
        %get3A_247 = tpu.vector_load %arg24[%get3A_245, %get3A_246] {strides = array<i32>} : memref<80x128xf32, #tpu.memory_space<vmem>>, vector<16xf32>,
        %add3A_248 = arith.addf %get3A_244, %get3A_247 : vector<16xf32>
        %get3A_249 = arith.index_cast %add3A_138 : i32 to index
        %get3A_250 = arith.constant 64 : index
        %get3A_251 = tpu.vector_load %arg25[%get3A_249, %get3A_250] {strides = array<i32>} : memref<80x128xf32, #tpu.memory_space<vmem>>, vector<16xf32>,
        %add3A_252 = arith.addf %add3A_248, %get3A_251 : vector<16xf32>
        %neg3A_253 = arith.constant 0.000000e+00 : f32
        %neg3A_254 = vector.broadcast %neg3A_253 : f32 to vector<16xf32>
        %neg3A_255 = arith.subf %neg3A_254, %add3A_252 : vector<16xf32>
        %exp3A_256 = math.exp %neg3A_255 : vector<16xf32>
        %add3A_257 = arith.constant 1.000000e+00 : f32
        %add3A_258 = vector.broadcast %add3A_257 : f32 to vector<16xf32>
        %add3A_259 = arith.addf %add3A_258, %exp3A_256 : vector<16xf32>
        %div3A_260 = arith.divf %add3A_252, %add3A_259 : vector<16xf32>
        %swap3A_261 = arith.index_cast %add3A_138 : i32 to index
        %swap3A_262 = arith.constant 64 : index
        %swap3A_263 = tpu.vector_load %arg29[%swap3A_261, %swap3A_262] {strides = array<i32>} : memref<80x128xf32, #tpu.memory_space<vmem>>, vector<16xf32>,
        tpu.vector_store %arg29[%swap3A_261, %swap3A_262], %div3A_260 {strides = array<i32>} : memref<80x128xf32, #tpu.memory_space<vmem>>, vector<16xf32>,
        %get3A_264 = arith.constant 64 : index
        %get3A_265 = tpu.vector_load %arg33[%get3A_264] {strides = array<i32>} : memref<128xf32, #tpu.memory_space<vmem>>, vector<16xf32>,
        %mul3A_266 = arith.mulf %div3A_260, %get3A_265 : vector<16xf32>
        %add3A_267 = arith.addf %add3A_241, %mul3A_266 : vector<16xf32>
        %get3A_268 = arith.index_cast %add3A_138 : i32 to index
        %get3A_269 = arith.constant 80 : index
        %get3A_270 = tpu.vector_load %arg23[%get3A_268, %get3A_269] {strides = array<i32>} : memref<80x128xf32, #tpu.memory_space<vmem>>, vector<16xf32>,
        %get3A_271 = arith.index_cast %add3A_138 : i32 to index
        %get3A_272 = arith.constant 80 : index
        %get3A_273 = tpu.vector_load %arg24[%get3A_271, %get3A_272] {strides = array<i32>} : memref<80x128xf32, #tpu.memory_space<vmem>>, vector<16xf32>,
        %add3A_274 = arith.addf %get3A_270, %get3A_273 : vector<16xf32>
        %get3A_275 = arith.index_cast %add3A_138 : i32 to index
        %get3A_276 = arith.constant 80 : index
        %get3A_277 = tpu.vector_load %arg25[%get3A_275, %get3A_276] {strides = array<i32>} : memref<80x128xf32, #tpu.memory_space<vmem>>, vector<16xf32>,
        %add3A_278 = arith.addf %add3A_274, %get3A_277 : vector<16xf32>
        %neg3A_279 = arith.constant 0.000000e+00 : f32
        %neg3A_280 = vector.broadcast %neg3A_279 : f32 to vector<16xf32>
        %neg3A_281 = arith.subf %neg3A_280, %add3A_278 : vector<16xf32>
        %exp3A_282 = math.exp %neg3A_281 : vector<16xf32>
        %add3A_283 = arith.constant 1.000000e+00 : f32
        %add3A_284 = vector.broadcast %add3A_283 : f32 to vector<16xf32>
        %add3A_285 = arith.addf %add3A_284, %exp3A_282 : vector<16xf32>
        %div3A_286 = arith.divf %add3A_278, %add3A_285 : vector<16xf32>
        %swap3A_287 = arith.index_cast %add3A_138 : i32 to index
        %swap3A_288 = arith.constant 80 : index
        %swap3A_289 = tpu.vector_load %arg29[%swap3A_287, %swap3A_288] {strides = array<i32>} : memref<80x128xf32, #tpu.memory_space<vmem>>, vector<16xf32>,
        tpu.vector_store %arg29[%swap3A_287, %swap3A_288], %div3A_286 {strides = array<i32>} : memref<80x128xf32, #tpu.memory_space<vmem>>, vector<16xf32>,
        %get3A_290 = arith.constant 80 : index
        %get3A_291 = tpu.vector_load %arg33[%get3A_290] {strides = array<i32>} : memref<128xf32, #tpu.memory_space<vmem>>, vector<16xf32>,
        %mul3A_292 = arith.mulf %div3A_286, %get3A_291 : vector<16xf32>
        %add3A_293 = arith.addf %add3A_267, %mul3A_292 : vector<16xf32>
        %get3A_294 = arith.index_cast %add3A_138 : i32 to index
        %get3A_295 = arith.constant 96 : index
        %get3A_296 = tpu.vector_load %arg23[%get3A_294, %get3A_295] {strides = array<i32>} : memref<80x128xf32, #tpu.memory_space<vmem>>, vector<16xf32>,
        %get3A_297 = arith.index_cast %add3A_138 : i32 to index
        %get3A_298 = arith.constant 96 : index
        %get3A_299 = tpu.vector_load %arg24[%get3A_297, %get3A_298] {strides = array<i32>} : memref<80x128xf32, #tpu.memory_space<vmem>>, vector<16xf32>,
        %add3A_300 = arith.addf %get3A_296, %get3A_299 : vector<16xf32>
        %get3A_301 = arith.index_cast %add3A_138 : i32 to index
        %get3A_302 = arith.constant 96 : index
        %get3A_303 = tpu.vector_load %arg25[%get3A_301, %get3A_302] {strides = array<i32>} : memref<80x128xf32, #tpu.memory_space<vmem>>, vector<16xf32>,
        %add3A_304 = arith.addf %add3A_300, %get3A_303 : vector<16xf32>
        %neg3A_305 = arith.constant 0.000000e+00 : f32
        %neg3A_306 = vector.broadcast %neg3A_305 : f32 to vector<16xf32>
        %neg3A_307 = arith.subf %neg3A_306, %add3A_304 : vector<16xf32>
        %exp3A_308 = math.exp %neg3A_307 : vector<16xf32>
        %add3A_309 = arith.constant 1.000000e+00 : f32
        %add3A_310 = vector.broadcast %add3A_309 : f32 to vector<16xf32>
        %add3A_311 = arith.addf %add3A_310, %exp3A_308 : vector<16xf32>
        %div3A_312 = arith.divf %add3A_304, %add3A_311 : vector<16xf32>
        %swap3A_313 = arith.index_cast %add3A_138 : i32 to index
        %swap3A_314 = arith.constant 96 : index
        %swap3A_315 = tpu.vector_load %arg29[%swap3A_313, %swap3A_314] {strides = array<i32>} : memref<80x128xf32, #tpu.memory_space<vmem>>, vector<16xf32>,
        tpu.vector_store %arg29[%swap3A_313, %swap3A_314], %div3A_312 {strides = array<i32>} : memref<80x128xf32, #tpu.memory_space<vmem>>, vector<16xf32>,
        %get3A_316 = arith.constant 96 : index
        %get3A_317 = tpu.vector_load %arg33[%get3A_316] {strides = array<i32>} : memref<128xf32, #tpu.memory_space<vmem>>, vector<16xf32>,
        %mul3A_318 = arith.mulf %div3A_312, %get3A_317 : vector<16xf32>
        %add3A_319 = arith.addf %add3A_293, %mul3A_318 : vector<16xf32>
        %get3A_320 = arith.index_cast %add3A_138 : i32 to index
        %get3A_321 = arith.constant 112 : index
        %get3A_322 = tpu.vector_load %arg23[%get3A_320, %get3A_321] {strides = array<i32>} : memref<80x128xf32, #tpu.memory_space<vmem>>, vector<16xf32>,
        %get3A_323 = arith.index_cast %add3A_138 : i32 to index
        %get3A_324 = arith.constant 112 : index
        %get3A_325 = tpu.vector_load %arg24[%get3A_323, %get3A_324] {strides = array<i32>} : memref<80x128xf32, #tpu.memory_space<vmem>>, vector<16xf32>,
        %add3A_326 = arith.addf %get3A_322, %get3A_325 : vector<16xf32>
        %get3A_327 = arith.index_cast %add3A_138 : i32 to index
        %get3A_328 = arith.constant 112 : index
        %get3A_329 = tpu.vector_load %arg25[%get3A_327, %get3A_328] {strides = array<i32>} : memref<80x128xf32, #tpu.memory_space<vmem>>, vector<16xf32>,
        %add3A_330 = arith.addf %add3A_326, %get3A_329 : vector<16xf32>
        %neg3A_331 = arith.constant 0.000000e+00 : f32
        %neg3A_332 = vector.broadcast %neg3A_331 : f32 to vector<16xf32>
        %neg3A_333 = arith.subf %neg3A_332, %add3A_330 : vector<16xf32>
        %exp3A_334 = math.exp %neg3A_333 : vector<16xf32>
        %add3A_335 = arith.constant 1.000000e+00 : f32
        %add3A_336 = vector.broadcast %add3A_335 : f32 to vector<16xf32>
        %add3A_337 = arith.addf %add3A_336, %exp3A_334 : vector<16xf32>
        %div3A_338 = arith.divf %add3A_330, %add3A_337 : vector<16xf32>
        %swap3A_339 = arith.index_cast %add3A_138 : i32 to index
        %swap3A_340 = arith.constant 112 : index
        %swap3A_341 = tpu.vector_load %arg29[%swap3A_339, %swap3A_340] {strides = array<i32>} : memref<80x128xf32, #tpu.memory_space<vmem>>, vector<16xf32>,
        tpu.vector_store %arg29[%swap3A_339, %swap3A_340], %div3A_338 {strides = array<i32>} : memref<80x128xf32, #tpu.memory_space<vmem>>, vector<16xf32>,
        %get3A_342 = arith.constant 112 : index
        %get3A_343 = tpu.vector_load %arg33[%get3A_342] {strides = array<i32>} : memref<128xf32, #tpu.memory_space<vmem>>, vector<16xf32>,
        %mul3A_344 = arith.mulf %div3A_338, %get3A_343 : vector<16xf32>
        %add3A_345 = arith.addf %add3A_319, %mul3A_344 : vector<16xf32>
        %reduce_sum3A = arith.constant true
        %reduce_sum3A_346 = vector.broadcast %reduce_sum3A : i1 to vector<16xi1>
        %reduce_sum3A_347 = tpu.scan <sum>, %add3A_345 masked %reduce_sum3A_346 : vector<16xf32>, vector<16xi1> -> vector<16xf32>
        %reduce_sum3A_348 = vector.extract %reduce_sum3A_347[15] : f32 from vector<16xf32>
        %eq3A_349 = vector.broadcast %scan3A_135 : i32 to vector<16xi32>
        %eq3A_350 = arith.cmpi eq, %iota3A, %eq3A_349 : vector<16xi32>
        %broadcast_in_dim3A_351 = vector.broadcast %reduce_sum3A_348 : f32 to vector<16xf32>
        %select_n3A = arith.select %eq3A_350, %broadcast_in_dim3A_351, %scan3A_136 : vector<16xi1>, vector<16xf32>
        scf.yield %select_n3A : vector<16xf32>
      }
      %scan3A_118 = arith.constant 16 : i32
      %get3A_119 = arith.constant 64 : index
      %get3A_120 = tpu.vector_load %arg26[%get3A_119] {strides = array<i32>} : memref<80xf32, #tpu.memory_space<vmem>>, vector<16xf32>,
      %mul3A_121 = arith.mulf %scan3A_117, %get3A_120 : vector<16xf32>
      %swap3A_122 = arith.constant 64 : index
      %swap3A_123 = tpu.vector_load %arg30[%swap3A_122] {strides = array<i32>} : memref<80xf32, #tpu.memory_space<vmem>>, vector<16xf32>,
      tpu.vector_store %arg30[%swap3A_122], %mul3A_121 {strides = array<i32>} : memref<80xf32, #tpu.memory_space<vmem>>, vector<16xf32>,
      %get3A_124 = arith.constant 64 : index
      %get3A_125 = tpu.vector_load %arg27[%get3A_124] {strides = array<i32>} : memref<80xf32, #tpu.memory_space<vmem>>, vector<16xf32>,
      %mul3A_126 = arith.mulf %scan3A_117, %get3A_125 : vector<16xf32>
      %swap3A_127 = arith.constant 64 : index
      %swap3A_128 = tpu.vector_load %arg31[%swap3A_127] {strides = array<i32>} : memref<80xf32, #tpu.memory_space<vmem>>, vector<16xf32>,
      tpu.vector_store %arg31[%swap3A_127], %mul3A_126 {strides = array<i32>} : memref<80xf32, #tpu.memory_space<vmem>>, vector<16xf32>,
      %get3A_129 = arith.constant 64 : index
      %get3A_130 = tpu.vector_load %arg28[%get3A_129] {strides = array<i32>} : memref<80xf32, #tpu.memory_space<vmem>>, vector<16xf32>,
      %mul3A_131 = arith.mulf %scan3A_117, %get3A_130 : vector<16xf32>
      %swap3A_132 = arith.constant 64 : index
      %swap3A_133 = tpu.vector_load %arg32[%swap3A_132] {strides = array<i32>} : memref<80xf32, #tpu.memory_space<vmem>>, vector<16xf32>,
      tpu.vector_store %arg32[%swap3A_132], %mul3A_131 {strides = array<i32>} : memref<80xf32, #tpu.memory_space<vmem>>, vector<16xf32>,
      "tpu.region"() ({
        %run_scoped3A = tpu.sem_alloc : memref<!tpu.dma_semaphore, #tpu.memory_space<semaphore_mem>>
        %dma_start3A = arith.constant 0 : i32
        %dma_start3A_135 = arith.constant 0 : i32
        %dma_start3A_136 = tpu.memref_slice %arg17[%dma_start3A, %dma_start3A_135] : memref<10240x128xf32, #tpu.memory_space<vmem_shared>> -> memref<10240x128xf32, #tpu.memory_space<vmem_shared>>
        tpu.enqueue_indirect_dma source(%arg29 : memref<80x128xf32, #tpu.memory_space<vmem>>) target(%dma_start3A_136 : memref<10240x128xf32, #tpu.memory_space<vmem_shared>>) offsets(%arg22 : memref<80xi32, #tpu.memory_space<vmem>>) semaphore(%run_scoped3A : memref<!tpu.dma_semaphore, #tpu.memory_space<semaphore_mem>>) {add = true}
        %dma_wait3A = arith.constant 0 : i32
        %dma_wait3A_137 = arith.constant 0 : i32
        %dma_wait3A_138 = tpu.memref_slice %arg17[%dma_wait3A, %dma_wait3A_137] : memref<10240x128xf32, #tpu.memory_space<vmem_shared>> -> memref<10240x128xf32, #tpu.memory_space<vmem_shared>>
        tpu.wait_indirect_dma semaphore(%run_scoped3A : memref<!tpu.dma_semaphore, #tpu.memory_space<semaphore_mem>>) src(%arg29 : memref<80x128xf32, #tpu.memory_space<vmem>>) dst(%dma_wait3A_138 : memref<10240x128xf32, #tpu.memory_space<vmem_shared>>)
        tpu.yield
      }) : () -> ()
      "tpu.region"() ({
        %run_scoped3A = tpu.sem_alloc : memref<!tpu.dma_semaphore, #tpu.memory_space<semaphore_mem>>
        %dma_start3A = arith.constant 0 : i32
        %dma_start3A_135 = tpu.memref_slice %arg18[%dma_start3A] : memref<10240xf32, #tpu.memory_space<vmem_shared>> -> memref<10240xf32, #tpu.memory_space<vmem_shared>>
        tpu.enqueue_indirect_dma source(%arg30 : memref<80xf32, #tpu.memory_space<vmem>>) target(%dma_start3A_135 : memref<10240xf32, #tpu.memory_space<vmem_shared>>) offsets(%arg22 : memref<80xi32, #tpu.memory_space<vmem>>) semaphore(%run_scoped3A : memref<!tpu.dma_semaphore, #tpu.memory_space<semaphore_mem>>) {add = true}
        %dma_wait3A = arith.constant 0 : i32
        %dma_wait3A_136 = tpu.memref_slice %arg18[%dma_wait3A] : memref<10240xf32, #tpu.memory_space<vmem_shared>> -> memref<10240xf32, #tpu.memory_space<vmem_shared>>
        tpu.wait_indirect_dma semaphore(%run_scoped3A : memref<!tpu.dma_semaphore, #tpu.memory_space<semaphore_mem>>) src(%arg30 : memref<80xf32, #tpu.memory_space<vmem>>) dst(%dma_wait3A_136 : memref<10240xf32, #tpu.memory_space<vmem_shared>>)
        tpu.yield
      }) : () -> ()
      "tpu.region"() ({
        %run_scoped3A = tpu.sem_alloc : memref<!tpu.dma_semaphore, #tpu.memory_space<semaphore_mem>>
        %dma_start3A = arith.constant 0 : i32
        %dma_start3A_135 = tpu.memref_slice %arg19[%dma_start3A] : memref<10240xf32, #tpu.memory_space<vmem_shared>> -> memref<10240xf32, #tpu.memory_space<vmem_shared>>
        tpu.enqueue_indirect_dma source(%arg31 : memref<80xf32, #tpu.memory_space<vmem>>) target(%dma_start3A_135 : memref<10240xf32, #tpu.memory_space<vmem_shared>>) offsets(%arg22 : memref<80xi32, #tpu.memory_space<vmem>>) semaphore(%run_scoped3A : memref<!tpu.dma_semaphore, #tpu.memory_space<semaphore_mem>>) {add = true}
        %dma_wait3A = arith.constant 0 : i32
        %dma_wait3A_136 = tpu.memref_slice %arg19[%dma_wait3A] : memref<10240xf32, #tpu.memory_space<vmem_shared>> -> memref<10240xf32, #tpu.memory_space<vmem_shared>>
        tpu.wait_indirect_dma semaphore(%run_scoped3A : memref<!tpu.dma_semaphore, #tpu.memory_space<semaphore_mem>>) src(%arg31 : memref<80xf32, #tpu.memory_space<vmem>>) dst(%dma_wait3A_136 : memref<10240xf32, #tpu.memory_space<vmem_shared>>)
        tpu.yield
      }) : () -> ()
      "tpu.region"() ({
        %run_scoped3A = tpu.sem_alloc : memref<!tpu.dma_semaphore, #tpu.memory_space<semaphore_mem>>
        %dma_start3A = arith.constant 0 : i32
        %dma_start3A_135 = tpu.memref_slice %arg20[%dma_start3A] : memref<10240xf32, #tpu.memory_space<vmem_shared>> -> memref<10240xf32, #tpu.memory_space<vmem_shared>>
        tpu.enqueue_indirect_dma source(%arg32 : memref<80xf32, #tpu.memory_space<vmem>>) target(%dma_start3A_135 : memref<10240xf32, #tpu.memory_space<vmem_shared>>) offsets(%arg22 : memref<80xi32, #tpu.memory_space<vmem>>) semaphore(%run_scoped3A : memref<!tpu.dma_semaphore, #tpu.memory_space<semaphore_mem>>) {add = true}
        %dma_wait3A = arith.constant 0 : i32
        %dma_wait3A_136 = tpu.memref_slice %arg20[%dma_wait3A] : memref<10240xf32, #tpu.memory_space<vmem_shared>> -> memref<10240xf32, #tpu.memory_space<vmem_shared>>
        tpu.wait_indirect_dma semaphore(%run_scoped3A : memref<!tpu.dma_semaphore, #tpu.memory_space<semaphore_mem>>) src(%arg32 : memref<80xf32, #tpu.memory_space<vmem>>) dst(%dma_wait3A_136 : memref<10240xf32, #tpu.memory_space<vmem_shared>>)
        tpu.yield
      }) : () -> ()
      %scan3A_134 = arith.constant 0 : i32
      scf.yield %scan3A_134 : i32
    }
    %scan3A_8 = arith.constant 125 : i32
    %barrier3A_9 = arith.constant 0 : index
    tpu.barrier barrier_id(%barrier3A_9)
    %mul3A_10 = arith.constant 640 : i32
    %mul3A_11 = arith.muli %arg1, %mul3A_10 : i32
    %mul3A_12 = arith.constant 10240 : i32
    %mul3A_13 = arith.muli %arg0, %mul3A_12 : i32
    %add3A_14 = arith.addi %mul3A_13, %mul3A_11 : i32
    "tpu.region"() ({
      %run_scoped3A = tpu.sem_alloc : memref<!tpu.dma_semaphore, #tpu.memory_space<semaphore_mem>>
      %dma_start3A = arith.constant 0 : i32
      %dma_start3A_15 = tpu.memref_slice %arg13[%add3A_14, %dma_start3A] : memref<20480x128xf32, #tpu.memory_space<hbm>> -> memref<640x128xf32, #tpu.memory_space<hbm>>
      %dma_start3A_16 = arith.constant 0 : i32
      %dma_start3A_17 = tpu.memref_slice %arg17[%mul3A_11, %dma_start3A_16] : memref<10240x128xf32, #tpu.memory_space<vmem_shared>> -> memref<640x128xf32, #tpu.memory_space<vmem_shared>>
      tpu.enqueue_dma source(%dma_start3A_17 : memref<640x128xf32, #tpu.memory_space<vmem_shared>>) target(%dma_start3A_15 : memref<640x128xf32, #tpu.memory_space<hbm>>) target_semaphore(%run_scoped3A : memref<!tpu.dma_semaphore, #tpu.memory_space<semaphore_mem>>)
      %dma_wait3A = arith.constant 0 : i32
      %dma_wait3A_18 = tpu.memref_slice %arg13[%add3A_14, %dma_wait3A] : memref<20480x128xf32, #tpu.memory_space<hbm>> -> memref<640x128xf32, #tpu.memory_space<hbm>>
      %dma_wait3A_19 = arith.constant 0 : i32
      %dma_wait3A_20 = tpu.memref_slice %arg17[%mul3A_11, %dma_wait3A_19] : memref<10240x128xf32, #tpu.memory_space<vmem_shared>> -> memref<640x128xf32, #tpu.memory_space<vmem_shared>>
      tpu.wait_dma2 semaphore(%run_scoped3A : memref<!tpu.dma_semaphore, #tpu.memory_space<semaphore_mem>>) src(%dma_wait3A_20 : memref<640x128xf32, #tpu.memory_space<vmem_shared>>) dst(%dma_wait3A_18 : memref<640x128xf32, #tpu.memory_space<hbm>>)
      tpu.yield
    }) : () -> ()
    "tpu.region"() ({
      %run_scoped3A = tpu.sem_alloc : memref<!tpu.dma_semaphore, #tpu.memory_space<semaphore_mem>>
      %dma_start3A = tpu.memref_slice %arg14[%add3A_14] : memref<20480xf32, #tpu.memory_space<hbm>> -> memref<640xf32, #tpu.memory_space<hbm>>
      %dma_start3A_15 = tpu.memref_slice %arg18[%mul3A_11] : memref<10240xf32, #tpu.memory_space<vmem_shared>> -> memref<640xf32, #tpu.memory_space<vmem_shared>>
      tpu.enqueue_dma source(%dma_start3A_15 : memref<640xf32, #tpu.memory_space<vmem_shared>>) target(%dma_start3A : memref<640xf32, #tpu.memory_space<hbm>>) target_semaphore(%run_scoped3A : memref<!tpu.dma_semaphore, #tpu.memory_space<semaphore_mem>>)
      %dma_wait3A = tpu.memref_slice %arg14[%add3A_14] : memref<20480xf32, #tpu.memory_space<hbm>> -> memref<640xf32, #tpu.memory_space<hbm>>
      %dma_wait3A_16 = tpu.memref_slice %arg18[%mul3A_11] : memref<10240xf32, #tpu.memory_space<vmem_shared>> -> memref<640xf32, #tpu.memory_space<vmem_shared>>
      tpu.wait_dma2 semaphore(%run_scoped3A : memref<!tpu.dma_semaphore, #tpu.memory_space<semaphore_mem>>) src(%dma_wait3A_16 : memref<640xf32, #tpu.memory_space<vmem_shared>>) dst(%dma_wait3A : memref<640xf32, #tpu.memory_space<hbm>>)
      tpu.yield
    }) : () -> ()
    "tpu.region"() ({
      %run_scoped3A = tpu.sem_alloc : memref<!tpu.dma_semaphore, #tpu.memory_space<semaphore_mem>>
      %dma_start3A = tpu.memref_slice %arg15[%add3A_14] : memref<20480xf32, #tpu.memory_space<hbm>> -> memref<640xf32, #tpu.memory_space<hbm>>
      %dma_start3A_15 = tpu.memref_slice %arg19[%mul3A_11] : memref<10240xf32, #tpu.memory_space<vmem_shared>> -> memref<640xf32, #tpu.memory_space<vmem_shared>>
      tpu.enqueue_dma source(%dma_start3A_15 : memref<640xf32, #tpu.memory_space<vmem_shared>>) target(%dma_start3A : memref<640xf32, #tpu.memory_space<hbm>>) target_semaphore(%run_scoped3A : memref<!tpu.dma_semaphore, #tpu.memory_space<semaphore_mem>>)
      %dma_wait3A = tpu.memref_slice %arg15[%add3A_14] : memref<20480xf32, #tpu.memory_space<hbm>> -> memref<640xf32, #tpu.memory_space<hbm>>
      %dma_wait3A_16 = tpu.memref_slice %arg19[%mul3A_11] : memref<10240xf32, #tpu.memory_space<vmem_shared>> -> memref<640xf32, #tpu.memory_space<vmem_shared>>
      tpu.wait_dma2 semaphore(%run_scoped3A : memref<!tpu.dma_semaphore, #tpu.memory_space<semaphore_mem>>) src(%dma_wait3A_16 : memref<640xf32, #tpu.memory_space<vmem_shared>>) dst(%dma_wait3A : memref<640xf32, #tpu.memory_space<hbm>>)
      tpu.yield
    }) : () -> ()
    "tpu.region"() ({
      %run_scoped3A = tpu.sem_alloc : memref<!tpu.dma_semaphore, #tpu.memory_space<semaphore_mem>>
      %dma_start3A = tpu.memref_slice %arg16[%add3A_14] : memref<20480xf32, #tpu.memory_space<hbm>> -> memref<640xf32, #tpu.memory_space<hbm>>
      %dma_start3A_15 = tpu.memref_slice %arg20[%mul3A_11] : memref<10240xf32, #tpu.memory_space<vmem_shared>> -> memref<640xf32, #tpu.memory_space<vmem_shared>>
      tpu.enqueue_dma source(%dma_start3A_15 : memref<640xf32, #tpu.memory_space<vmem_shared>>) target(%dma_start3A : memref<640xf32, #tpu.memory_space<hbm>>) target_semaphore(%run_scoped3A : memref<!tpu.dma_semaphore, #tpu.memory_space<semaphore_mem>>)
      %dma_wait3A = tpu.memref_slice %arg16[%add3A_14] : memref<20480xf32, #tpu.memory_space<hbm>> -> memref<640xf32, #tpu.memory_space<hbm>>
      %dma_wait3A_16 = tpu.memref_slice %arg20[%mul3A_11] : memref<10240xf32, #tpu.memory_space<vmem_shared>> -> memref<640xf32, #tpu.memory_space<vmem_shared>>
      tpu.wait_dma2 semaphore(%run_scoped3A : memref<!tpu.dma_semaphore, #tpu.memory_space<semaphore_mem>>) src(%dma_wait3A_16 : memref<640xf32, #tpu.memory_space<vmem_shared>>) dst(%dma_wait3A : memref<640xf32, #tpu.memory_space<hbm>>)
      tpu.yield
    }) : () -> ()
    return
  }
}

module attributes {stable_mosaic.version = 14 : i64} {
  func.func @_tc_te_lat(%arg0: memref<400x1xf32, #tpu.memory_space<vmem>>, %arg1: memref<400x16xf32, #tpu.memory_space<vmem>>, %arg2: memref<400x16xf32, #tpu.memory_space<vmem>>, %arg3: memref<128x512xf32, #tpu.memory_space<vmem>>, %arg4: memref<1x512xf32, #tpu.memory_space<vmem>>, %arg5: memref<512x128xf32, #tpu.memory_space<vmem>>, %arg6: memref<1x128xf32, #tpu.memory_space<vmem>>, %arg7: memref<400x128xf32, #tpu.memory_space<vmem>>, %arg8: memref<400x16xf32, #tpu.memory_space<vmem>>) attributes {dimension_semantics = [], scalar_prefetch = 0 : i64, scratch_operands = 0 : i64, tpu.core_type = #tpu.core_type<tc>} {
    %get3A = arith.constant 0 : index
    %get3A_0 = arith.constant 0 : index
    %get3A_1 = vector.load %arg0[%get3A, %get3A_0] : memref<400x1xf32, #tpu.memory_space<vmem>>, vector<400x1xf32>
    %iota3A = tpu.iota {dimensions = array<i32: 1>} : vector<400x64xi32>
    %convert_element_type3A = arith.sitofp %iota3A : vector<400x64xi32> to vector<400x64xf32>
    %mul3A = arith.constant -9.21034049 : f32
    %mul3A_2 = vector.broadcast %mul3A : f32 to vector<400x64xf32>
    %mul3A_3 = arith.mulf %mul3A_2, %convert_element_type3A : vector<400x64xf32>
    %div3A = arith.constant 6.300000e+01 : f32
    %div3A_4 = vector.broadcast %div3A : f32 to vector<400x64xf32>
    %div3A_5 = arith.divf %mul3A_3, %div3A_4 : vector<400x64xf32>
    %exp3A = math.exp %div3A_5 : vector<400x64xf32>
    %mul3A_6 = vector.broadcast %get3A_1 : vector<400x1xf32> to vector<400x64xf32>
    %mul3A_7 = arith.mulf %mul3A_6, %exp3A : vector<400x64xf32>
    %sin3A = math.sin %mul3A_7 : vector<400x64xf32>
    %cos3A = math.cos %mul3A_7 : vector<400x64xf32>
    %concatenate3A = tpu.concatenate %sin3A, %cos3A in 1 : vector<400x64xf32>, vector<400x64xf32> -> vector<400x128xf32>
    %get3A_8 = arith.constant 0 : index
    %get3A_9 = arith.constant 0 : index
    %get3A_10 = vector.load %arg3[%get3A_8, %get3A_9] : memref<128x512xf32, #tpu.memory_space<vmem>>, vector<128x512xf32>
    %dot_general3A = arith.constant dense<0.000000e+00> : vector<400x512xf32>
    %dot_general3A_11 = tpu.matmul %concatenate3A, %get3A_10, %dot_general3A {dimension_numbers = #tpu.dot_dimension_numbers<[1], [0], [0], [1], [0, 0, 1, 1], [], []>, transpose_lhs_hint = false} : vector<400x128xf32>, vector<128x512xf32>, vector<400x512xf32> -> vector<400x512xf32>
    %get3A_12 = arith.constant 0 : index
    %get3A_13 = arith.constant 0 : index
    %get3A_14 = vector.load %arg4[%get3A_12, %get3A_13] : memref<1x512xf32, #tpu.memory_space<vmem>>, vector<1x512xf32>
    %add3A = vector.broadcast %get3A_14 : vector<1x512xf32> to vector<400x512xf32>
    %add3A_15 = arith.addf %dot_general3A_11, %add3A : vector<400x512xf32>
    %max3A = arith.constant 0.000000e+00 : f32
    %max3A_16 = vector.broadcast %max3A : f32 to vector<400x512xf32>
    %max3A_17 = arith.maximumf %add3A_15, %max3A_16 : vector<400x512xf32>
    %get3A_18 = arith.constant 0 : index
    %get3A_19 = arith.constant 0 : index
    %get3A_20 = vector.load %arg5[%get3A_18, %get3A_19] : memref<512x128xf32, #tpu.memory_space<vmem>>, vector<512x128xf32>
    %dot_general3A_21 = arith.constant dense<0.000000e+00> : vector<400x128xf32>
    %dot_general3A_22 = tpu.matmul %max3A_17, %get3A_20, %dot_general3A_21 {dimension_numbers = #tpu.dot_dimension_numbers<[1], [0], [0], [1], [0, 0, 1, 1], [], []>, transpose_lhs_hint = false} : vector<400x512xf32>, vector<512x128xf32>, vector<400x128xf32> -> vector<400x128xf32>
    %get3A_23 = arith.constant 0 : index
    %get3A_24 = arith.constant 0 : index
    %get3A_25 = vector.load %arg6[%get3A_23, %get3A_24] : memref<1x128xf32, #tpu.memory_space<vmem>>, vector<1x128xf32>
    %add3A_26 = vector.broadcast %get3A_25 : vector<1x128xf32> to vector<400x128xf32>
    %add3A_27 = arith.addf %dot_general3A_22, %add3A_26 : vector<400x128xf32>
    %swap3A = arith.constant 0 : index
    %swap3A_28 = arith.constant 0 : index
    %swap3A_29 = vector.load %arg7[%swap3A, %swap3A_28] : memref<400x128xf32, #tpu.memory_space<vmem>>, vector<400x128xf32>
    tpu.vector_store %arg7[%swap3A, %swap3A_28], %add3A_27 {strides = array<i32>} : memref<400x128xf32, #tpu.memory_space<vmem>>, vector<400x128xf32>,
    %get3A_30 = arith.constant 0 : index
    %get3A_31 = arith.constant 0 : index
    %get3A_32 = vector.load %arg2[%get3A_30, %get3A_31] : memref<400x16xf32, #tpu.memory_space<vmem>>, vector<400x3xf32>
    %mul3A_33 = arith.constant 0.0174532924 : f32
    %mul3A_34 = vector.broadcast %mul3A_33 : f32 to vector<400x3xf32>
    %mul3A_35 = arith.mulf %get3A_32, %mul3A_34 : vector<400x3xf32>
    %cos3A_36 = math.cos %mul3A_35 : vector<400x3xf32>
    %get3A_37 = arith.constant 0 : index
    %get3A_38 = arith.constant 0 : index
    %get3A_39 = vector.load %arg1[%get3A_37, %get3A_38] : memref<400x16xf32, #tpu.memory_space<vmem>>, vector<400x1xf32>
    %get3A_40 = arith.constant 0 : index
    %get3A_41 = arith.constant 1 : index
    %get3A_42 = vector.load %arg1[%get3A_40, %get3A_41] : memref<400x16xf32, #tpu.memory_space<vmem>>, vector<400x1xf32>
    %get3A_43 = arith.constant 0 : index
    %get3A_44 = arith.constant 2 : index
    %get3A_45 = vector.load %arg1[%get3A_43, %get3A_44] : memref<400x16xf32, #tpu.memory_space<vmem>>, vector<400x1xf32>
    %slice3A = vector.extract_strided_slice %cos3A_36 {offsets = [0, 0], sizes = [400, 1], strides = [1, 1]} : vector<400x3xf32> to vector<400x1xf32>
    %slice3A_46 = vector.extract_strided_slice %cos3A_36 {offsets = [0, 1], sizes = [400, 1], strides = [1, 1]} : vector<400x3xf32> to vector<400x1xf32>
    %slice3A_47 = vector.extract_strided_slice %cos3A_36 {offsets = [0, 2], sizes = [400, 1], strides = [1, 1]} : vector<400x3xf32> to vector<400x1xf32>
    %slice3A_48 = vector.extract_strided_slice %mul3A_35 {offsets = [0, 2], sizes = [400, 1], strides = [1, 1]} : vector<400x3xf32> to vector<400x1xf32>
    %sin3A_49 = math.sin %slice3A_48 : vector<400x1xf32>
    %jit3A = arith.constant 9.99999997E-7 : f32
    %max3A_50 = vector.broadcast %jit3A : f32 to vector<400x1xf32>
    %max3A_51 = arith.maximumf %max3A_50, %sin3A_49 : vector<400x1xf32>
    %broadcast_in_dim3A = arith.constant 0.000000e+00 : f32
    %broadcast_in_dim3A_52 = vector.broadcast %broadcast_in_dim3A : f32 to vector<400x1xf32>
    %mul3A_53 = arith.mulf %get3A_45, %slice3A_46 : vector<400x1xf32>
    %mul3A_54 = arith.mulf %slice3A_46, %slice3A_47 : vector<400x1xf32>
    %sub3A = arith.subf %slice3A, %mul3A_54 : vector<400x1xf32>
    %mul3A_55 = arith.mulf %get3A_45, %sub3A : vector<400x1xf32>
    %div3A_56 = arith.divf %mul3A_55, %max3A_51 : vector<400x1xf32>
    %mul3A_57 = arith.mulf %get3A_45, %get3A_45 : vector<400x1xf32>
    %mul3A_58 = arith.mulf %mul3A_53, %mul3A_53 : vector<400x1xf32>
    %sub3A_59 = arith.subf %mul3A_57, %mul3A_58 : vector<400x1xf32>
    %mul3A_60 = arith.mulf %div3A_56, %div3A_56 : vector<400x1xf32>
    %sub3A_61 = arith.subf %sub3A_59, %mul3A_60 : vector<400x1xf32>
    %jit3A_62 = arith.constant 9.99999997E-7 : f32
    %max3A_63 = vector.broadcast %jit3A_62 : f32 to vector<400x1xf32>
    %max3A_64 = arith.maximumf %max3A_63, %sub3A_61 : vector<400x1xf32>
    %sqrt3A = math.sqrt %max3A_64 : vector<400x1xf32>
    %mul3A_65 = arith.mulf %get3A_42, %slice3A_47 : vector<400x1xf32>
    %mul3A_66 = arith.mulf %get3A_42, %max3A_51 : vector<400x1xf32>
    %broadcast_in_dim3A_67 = arith.constant 0.000000e+00 : f32
    %broadcast_in_dim3A_68 = vector.broadcast %broadcast_in_dim3A_67 : f32 to vector<400x7xf32>
    %concatenate3A_69 = tpu.concatenate %get3A_39, %broadcast_in_dim3A_52, %broadcast_in_dim3A_52, %mul3A_65, %mul3A_66, %broadcast_in_dim3A_52, %mul3A_53, %div3A_56, %sqrt3A, %broadcast_in_dim3A_68 in 1 : vector<400x1xf32>, vector<400x1xf32>, vector<400x1xf32>, vector<400x1xf32>, vector<400x1xf32>, vector<400x1xf32>, vector<400x1xf32>, vector<400x1xf32>, vector<400x1xf32>, vector<400x7xf32> -> vector<400x16xf32>
    %swap3A_70 = arith.constant 0 : index
    %swap3A_71 = arith.constant 0 : index
    %swap3A_72 = vector.load %arg8[%swap3A_70, %swap3A_71] : memref<400x16xf32, #tpu.memory_space<vmem>>, vector<400x16xf32>
    tpu.vector_store %arg8[%swap3A_70, %swap3A_71], %concatenate3A_69 {strides = array<i32>} : memref<400x16xf32, #tpu.memory_space<vmem>>, vector<400x16xf32>,
    return
  }
}

module attributes {stable_mosaic.version = 14 : i64} {
  func.func @_tc_cart(%arg0: memref<80x128xf32, #tpu.memory_space<vmem>>, %arg1: memref<80x128xf32, #tpu.memory_space<vmem>>, %arg2: memref<80x128xf32, #tpu.memory_space<vmem>>, %arg3: memref<80x128xf32, #tpu.memory_space<vmem>>, %arg4: memref<80x128xf32, #tpu.memory_space<vmem>>, %arg5: memref<80x128xf32, #tpu.memory_space<vmem>>, %arg6: memref<80x128xf32, #tpu.memory_space<vmem>>, %arg7: memref<80x128xf32, #tpu.memory_space<vmem>>, %arg8: memref<80x128xf32, #tpu.memory_space<vmem>>, %arg9: memref<80x128xf32, #tpu.memory_space<vmem>>, %arg10: memref<80x128xf32, #tpu.memory_space<vmem>>, %arg11: memref<80x128xf32, #tpu.memory_space<vmem>>, %arg12: memref<80x128xf32, #tpu.memory_space<vmem>>, %arg13: memref<80x128xf32, #tpu.memory_space<vmem>>, %arg14: memref<80x128xf32, #tpu.memory_space<vmem>>) attributes {dimension_semantics = [], scalar_prefetch = 0 : i64, scratch_operands = 0 : i64, tpu.core_type = #tpu.core_type<tc>} {
    %get3A = arith.constant 0 : index
    %get3A_0 = arith.constant 0 : index
    %get3A_1 = vector.load %arg0[%get3A, %get3A_0] : memref<80x128xf32, #tpu.memory_space<vmem>>, vector<80x128xf32>
    %get3A_2 = arith.constant 0 : index
    %get3A_3 = arith.constant 0 : index
    %get3A_4 = vector.load %arg1[%get3A_2, %get3A_3] : memref<80x128xf32, #tpu.memory_space<vmem>>, vector<80x128xf32>
    %get3A_5 = arith.constant 0 : index
    %get3A_6 = arith.constant 0 : index
    %get3A_7 = vector.load %arg2[%get3A_5, %get3A_6] : memref<80x128xf32, #tpu.memory_space<vmem>>, vector<80x128xf32>
    %get3A_8 = arith.constant 0 : index
    %get3A_9 = arith.constant 0 : index
    %get3A_10 = vector.load %arg3[%get3A_8, %get3A_9] : memref<80x128xf32, #tpu.memory_space<vmem>>, vector<80x128xf32>
    %mul3A = arith.mulf %get3A_1, %get3A_10 : vector<80x128xf32>
    %get3A_11 = arith.constant 0 : index
    %get3A_12 = arith.constant 0 : index
    %get3A_13 = vector.load %arg6[%get3A_11, %get3A_12] : memref<80x128xf32, #tpu.memory_space<vmem>>, vector<80x128xf32>
    %mul3A_14 = arith.mulf %get3A_4, %get3A_13 : vector<80x128xf32>
    %add3A = arith.addf %mul3A, %mul3A_14 : vector<80x128xf32>
    %get3A_15 = arith.constant 0 : index
    %get3A_16 = arith.constant 0 : index
    %get3A_17 = vector.load %arg9[%get3A_15, %get3A_16] : memref<80x128xf32, #tpu.memory_space<vmem>>, vector<80x128xf32>
    %mul3A_18 = arith.mulf %get3A_7, %get3A_17 : vector<80x128xf32>
    %add3A_19 = arith.addf %add3A, %mul3A_18 : vector<80x128xf32>
    %swap3A = arith.constant 0 : index
    %swap3A_20 = arith.constant 0 : index
    %swap3A_21 = vector.load %arg12[%swap3A, %swap3A_20] : memref<80x128xf32, #tpu.memory_space<vmem>>, vector<80x128xf32>
    tpu.vector_store %arg12[%swap3A, %swap3A_20], %add3A_19 {strides = array<i32>} : memref<80x128xf32, #tpu.memory_space<vmem>>, vector<80x128xf32>,
    %get3A_22 = arith.constant 0 : index
    %get3A_23 = arith.constant 0 : index
    %get3A_24 = vector.load %arg4[%get3A_22, %get3A_23] : memref<80x128xf32, #tpu.memory_space<vmem>>, vector<80x128xf32>
    %mul3A_25 = arith.mulf %get3A_1, %get3A_24 : vector<80x128xf32>
    %get3A_26 = arith.constant 0 : index
    %get3A_27 = arith.constant 0 : index
    %get3A_28 = vector.load %arg7[%get3A_26, %get3A_27] : memref<80x128xf32, #tpu.memory_space<vmem>>, vector<80x128xf32>
    %mul3A_29 = arith.mulf %get3A_4, %get3A_28 : vector<80x128xf32>
    %add3A_30 = arith.addf %mul3A_25, %mul3A_29 : vector<80x128xf32>
    %get3A_31 = arith.constant 0 : index
    %get3A_32 = arith.constant 0 : index
    %get3A_33 = vector.load %arg10[%get3A_31, %get3A_32] : memref<80x128xf32, #tpu.memory_space<vmem>>, vector<80x128xf32>
    %mul3A_34 = arith.mulf %get3A_7, %get3A_33 : vector<80x128xf32>
    %add3A_35 = arith.addf %add3A_30, %mul3A_34 : vector<80x128xf32>
    %swap3A_36 = arith.constant 0 : index
    %swap3A_37 = arith.constant 0 : index
    %swap3A_38 = vector.load %arg13[%swap3A_36, %swap3A_37] : memref<80x128xf32, #tpu.memory_space<vmem>>, vector<80x128xf32>
    tpu.vector_store %arg13[%swap3A_36, %swap3A_37], %add3A_35 {strides = array<i32>} : memref<80x128xf32, #tpu.memory_space<vmem>>, vector<80x128xf32>,
    %get3A_39 = arith.constant 0 : index
    %get3A_40 = arith.constant 0 : index
    %get3A_41 = vector.load %arg5[%get3A_39, %get3A_40] : memref<80x128xf32, #tpu.memory_space<vmem>>, vector<80x128xf32>
    %mul3A_42 = arith.mulf %get3A_1, %get3A_41 : vector<80x128xf32>
    %get3A_43 = arith.constant 0 : index
    %get3A_44 = arith.constant 0 : index
    %get3A_45 = vector.load %arg8[%get3A_43, %get3A_44] : memref<80x128xf32, #tpu.memory_space<vmem>>, vector<80x128xf32>
    %mul3A_46 = arith.mulf %get3A_4, %get3A_45 : vector<80x128xf32>
    %add3A_47 = arith.addf %mul3A_42, %mul3A_46 : vector<80x128xf32>
    %get3A_48 = arith.constant 0 : index
    %get3A_49 = arith.constant 0 : index
    %get3A_50 = vector.load %arg11[%get3A_48, %get3A_49] : memref<80x128xf32, #tpu.memory_space<vmem>>, vector<80x128xf32>
    %mul3A_51 = arith.mulf %get3A_7, %get3A_50 : vector<80x128xf32>
    %add3A_52 = arith.addf %add3A_47, %mul3A_51 : vector<80x128xf32>
    %swap3A_53 = arith.constant 0 : index
    %swap3A_54 = arith.constant 0 : index
    %swap3A_55 = vector.load %arg14[%swap3A_53, %swap3A_54] : memref<80x128xf32, #tpu.memory_space<vmem>>, vector<80x128xf32>
    tpu.vector_store %arg14[%swap3A_53, %swap3A_54], %add3A_52 {strides = array<i32>} : memref<80x128xf32, #tpu.memory_space<vmem>>, vector<80x128xf32>,
    return
  }
}

module attributes {stable_mosaic.version = 14 : i64} {
  func.func @_tc_hinit(%arg0: i32, %arg1: memref<512x1xi32, #tpu.memory_space<vmem>>, %arg2: memref<512x256xf32, #tpu.memory_space<vmem>>, %arg3: memref<512x128xf32, #tpu.memory_space<vmem>>, %arg4: memref<128x128xf32, #tpu.memory_space<vmem>>, %arg5: memref<128x128xf32, #tpu.memory_space<vmem>>, %arg6: memref<256x128xf32, #tpu.memory_space<vmem>>, %arg7: memref<128x128xf32, #tpu.memory_space<vmem>>, %arg8: memref<1x128xf32, #tpu.memory_space<vmem>>, %arg9: memref<128x128xf32, #tpu.memory_space<vmem>>, %arg10: memref<1x128xf32, #tpu.memory_space<vmem>>, %arg11: memref<128x128xf32, #tpu.memory_space<vmem>>, %arg12: memref<512x128xf32, #tpu.memory_space<vmem>>, %arg13: memref<512x128xf32, #tpu.memory_space<vmem>>, %arg14: memref<512x128xf32, #tpu.memory_space<vmem>>) attributes {dimension_semantics = [#tpu.dimension_semantics<arbitrary>], iteration_bounds = array<i64: 20>, scalar_prefetch = 0 : i64, scratch_operands = 0 : i64, tpu.core_type = #tpu.core_type<tc>, window_params = [{transform_indices = @transform_0, window_bounds = array<i64: 512, 1>}, {transform_indices = @transform_1, window_bounds = array<i64: 512, 256>}, {transform_indices = @transform_2, window_bounds = array<i64: 512, 128>}, {pipeline_mode = #tpu.pipeline_mode<synchronous>, transform_indices = @transform_3, window_bounds = array<i64: 128, 128>}, {pipeline_mode = #tpu.pipeline_mode<synchronous>, transform_indices = @transform_4, window_bounds = array<i64: 128, 128>}, {pipeline_mode = #tpu.pipeline_mode<synchronous>, transform_indices = @transform_5, window_bounds = array<i64: 256, 128>}, {pipeline_mode = #tpu.pipeline_mode<synchronous>, transform_indices = @transform_6, window_bounds = array<i64: 128, 128>}, {pipeline_mode = #tpu.pipeline_mode<synchronous>, transform_indices = @transform_7, window_bounds = array<i64: 1, 128>}, {pipeline_mode = #tpu.pipeline_mode<synchronous>, transform_indices = @transform_8, window_bounds = array<i64: 128, 128>}, {pipeline_mode = #tpu.pipeline_mode<synchronous>, transform_indices = @transform_9, window_bounds = array<i64: 1, 128>}, {pipeline_mode = #tpu.pipeline_mode<synchronous>, transform_indices = @transform_10, window_bounds = array<i64: 128, 128>}, {transform_indices = @transform_11, window_bounds = array<i64: 512, 128>}, {transform_indices = @transform_12, window_bounds = array<i64: 512, 128>}, {transform_indices = @transform_13, window_bounds = array<i64: 512, 128>}]} {
    %get3A = arith.constant 0 : index
    %get3A_0 = arith.constant 0 : index
    %get3A_1 = vector.load %arg1[%get3A, %get3A_0] : memref<512x1xi32, #tpu.memory_space<vmem>>, vector<512x1xi32>
    %sub3A = arith.constant 1 : i32
    %sub3A_2 = vector.broadcast %sub3A : i32 to vector<512x1xi32>
    %sub3A_3 = arith.subi %get3A_1, %sub3A_2 : vector<512x1xi32>
    %iota3A = tpu.iota {dimensions = array<i32: 1>} : vector<512x128xi32>
    %eq3A = vector.broadcast %sub3A_3 : vector<512x1xi32> to vector<512x128xi32>
    %eq3A_4 = arith.cmpi eq, %eq3A, %iota3A : vector<512x128xi32>
    %convert_element_type3A = arith.extui %eq3A_4 : vector<512x128xi1> to vector<512x128xi32>
    %convert_element_type3A_5 = arith.sitofp %convert_element_type3A : vector<512x128xi32> to vector<512x128xf32>
    %get3A_6 = arith.constant 0 : index
    %get3A_7 = arith.constant 0 : index
    %get3A_8 = vector.load %arg4[%get3A_6, %get3A_7] : memref<128x128xf32, #tpu.memory_space<vmem>>, vector<128x128xf32>
    %dot_general3A = arith.constant dense<0.000000e+00> : vector<512x128xf32>
    %dot_general3A_9 = tpu.matmul %convert_element_type3A_5, %get3A_8, %dot_general3A {dimension_numbers = #tpu.dot_dimension_numbers<[1], [0], [0], [1], [0, 0, 1, 1], [], []>, transpose_lhs_hint = false} : vector<512x128xf32>, vector<128x128xf32>, vector<512x128xf32> -> vector<512x128xf32>
    %get3A_10 = arith.constant 0 : index
    %get3A_11 = arith.constant 0 : index
    %get3A_12 = vector.load %arg5[%get3A_10, %get3A_11] : memref<128x128xf32, #tpu.memory_space<vmem>>, vector<128x128xf32>
    %dot_general3A_13 = arith.constant dense<0.000000e+00> : vector<512x128xf32>
    %dot_general3A_14 = tpu.matmul %dot_general3A_9, %get3A_12, %dot_general3A_13 {dimension_numbers = #tpu.dot_dimension_numbers<[1], [0], [0], [1], [0, 0, 1, 1], [], []>, transpose_lhs_hint = false} : vector<512x128xf32>, vector<128x128xf32>, vector<512x128xf32> -> vector<512x128xf32>
    %get3A_15 = arith.constant 0 : index
    %get3A_16 = arith.constant 0 : index
    %get3A_17 = vector.load %arg2[%get3A_15, %get3A_16] : memref<512x256xf32, #tpu.memory_space<vmem>>, vector<512x256xf32>
    %get3A_18 = arith.constant 0 : index
    %get3A_19 = arith.constant 0 : index
    %get3A_20 = vector.load %arg6[%get3A_18, %get3A_19] : memref<256x128xf32, #tpu.memory_space<vmem>>, vector<256x128xf32>
    %dot_general3A_21 = arith.constant dense<0.000000e+00> : vector<512x128xf32>
    %dot_general3A_22 = tpu.matmul %get3A_17, %get3A_20, %dot_general3A_21 {dimension_numbers = #tpu.dot_dimension_numbers<[1], [0], [0], [1], [0, 0, 1, 1], [], []>, transpose_lhs_hint = false} : vector<512x256xf32>, vector<256x128xf32>, vector<512x128xf32> -> vector<512x128xf32>
    %add3A = arith.addf %dot_general3A_14, %dot_general3A_22 : vector<512x128xf32>
    %get3A_23 = arith.constant 0 : index
    %get3A_24 = arith.constant 0 : index
    %get3A_25 = vector.load %arg3[%get3A_23, %get3A_24] : memref<512x128xf32, #tpu.memory_space<vmem>>, vector<512x128xf32>
    %get3A_26 = arith.constant 0 : index
    %get3A_27 = arith.constant 0 : index
    %get3A_28 = vector.load %arg7[%get3A_26, %get3A_27] : memref<128x128xf32, #tpu.memory_space<vmem>>, vector<128x128xf32>
    %dot_general3A_29 = arith.constant dense<0.000000e+00> : vector<512x128xf32>
    %dot_general3A_30 = tpu.matmul %get3A_25, %get3A_28, %dot_general3A_29 {dimension_numbers = #tpu.dot_dimension_numbers<[1], [0], [0], [1], [0, 0, 1, 1], [], []>, transpose_lhs_hint = false} : vector<512x128xf32>, vector<128x128xf32>, vector<512x128xf32> -> vector<512x128xf32>
    %add3A_31 = arith.addf %add3A, %dot_general3A_30 : vector<512x128xf32>
    %get3A_32 = arith.constant 0 : index
    %get3A_33 = arith.constant 0 : index
    %get3A_34 = vector.load %arg8[%get3A_32, %get3A_33] : memref<1x128xf32, #tpu.memory_space<vmem>>, vector<1x128xf32>
    %add3A_35 = vector.broadcast %get3A_34 : vector<1x128xf32> to vector<512x128xf32>
    %add3A_36 = arith.addf %add3A_31, %add3A_35 : vector<512x128xf32>
    %neg3A = arith.constant 0.000000e+00 : f32
    %neg3A_37 = vector.broadcast %neg3A : f32 to vector<512x128xf32>
    %neg3A_38 = arith.subf %neg3A_37, %add3A_36 : vector<512x128xf32>
    %exp3A = math.exp %neg3A_38 : vector<512x128xf32>
    %add3A_39 = arith.constant 1.000000e+00 : f32
    %add3A_40 = vector.broadcast %add3A_39 : f32 to vector<512x128xf32>
    %add3A_41 = arith.addf %add3A_40, %exp3A : vector<512x128xf32>
    %div3A = arith.divf %add3A_36, %add3A_41 : vector<512x128xf32>
    %swap3A = arith.constant 0 : index
    %swap3A_42 = arith.constant 0 : index
    %swap3A_43 = vector.load %arg12[%swap3A, %swap3A_42] : memref<512x128xf32, #tpu.memory_space<vmem>>, vector<512x128xf32>
    tpu.vector_store %arg12[%swap3A, %swap3A_42], %div3A {strides = array<i32>} : memref<512x128xf32, #tpu.memory_space<vmem>>, vector<512x128xf32>,
    %get3A_44 = arith.constant 0 : index
    %get3A_45 = arith.constant 0 : index
    %get3A_46 = vector.load %arg9[%get3A_44, %get3A_45] : memref<128x128xf32, #tpu.memory_space<vmem>>, vector<128x128xf32>
    %dot_general3A_47 = arith.constant dense<0.000000e+00> : vector<512x128xf32>
    %dot_general3A_48 = tpu.matmul %div3A, %get3A_46, %dot_general3A_47 {dimension_numbers = #tpu.dot_dimension_numbers<[1], [0], [0], [1], [0, 0, 1, 1], [], []>, transpose_lhs_hint = false} : vector<512x128xf32>, vector<128x128xf32>, vector<512x128xf32> -> vector<512x128xf32>
    %get3A_49 = arith.constant 0 : index
    %get3A_50 = arith.constant 0 : index
    %get3A_51 = vector.load %arg10[%get3A_49, %get3A_50] : memref<1x128xf32, #tpu.memory_space<vmem>>, vector<1x128xf32>
    %add3A_52 = vector.broadcast %get3A_51 : vector<1x128xf32> to vector<512x128xf32>
    %add3A_53 = arith.addf %dot_general3A_48, %add3A_52 : vector<512x128xf32>
    %swap3A_54 = arith.constant 0 : index
    %swap3A_55 = arith.constant 0 : index
    %swap3A_56 = vector.load %arg13[%swap3A_54, %swap3A_55] : memref<512x128xf32, #tpu.memory_space<vmem>>, vector<512x128xf32>
    tpu.vector_store %arg13[%swap3A_54, %swap3A_55], %add3A_53 {strides = array<i32>} : memref<512x128xf32, #tpu.memory_space<vmem>>, vector<512x128xf32>,
    %get3A_57 = arith.constant 0 : index
    %get3A_58 = arith.constant 0 : index
    %get3A_59 = vector.load %arg11[%get3A_57, %get3A_58] : memref<128x128xf32, #tpu.memory_space<vmem>>, vector<128x128xf32>
    %dot_general3A_60 = arith.constant dense<0.000000e+00> : vector<512x128xf32>
    %dot_general3A_61 = tpu.matmul %div3A, %get3A_59, %dot_general3A_60 {dimension_numbers = #tpu.dot_dimension_numbers<[1], [0], [0], [1], [0, 0, 1, 1], [], []>, transpose_lhs_hint = false} : vector<512x128xf32>, vector<128x128xf32>, vector<512x128xf32> -> vector<512x128xf32>
    %swap3A_62 = arith.constant 0 : index
    %swap3A_63 = arith.constant 0 : index
    %swap3A_64 = vector.load %arg14[%swap3A_62, %swap3A_63] : memref<512x128xf32, #tpu.memory_space<vmem>>, vector<512x128xf32>
    tpu.vector_store %arg14[%swap3A_62, %swap3A_63], %dot_general3A_61 {strides = array<i32>} : memref<512x128xf32, #tpu.memory_space<vmem>>, vector<512x128xf32>,
    return
  }
  func.func @transform_0(%arg0: i32) -> (i32, i32) {
    %c0_i32 = arith.constant 0 : i32
    %c0_i32_0 = arith.constant 0 : i32
    return %arg0, %c0_i32 : i32, i32
  }
  func.func @transform_1(%arg0: i32) -> (i32, i32) {
    %c0_i32 = arith.constant 0 : i32
    %c0_i32_0 = arith.constant 0 : i32
    return %arg0, %c0_i32 : i32, i32
  }
  func.func @transform_2(%arg0: i32) -> (i32, i32) {
    %c0_i32 = arith.constant 0 : i32
    %c0_i32_0 = arith.constant 0 : i32
    return %arg0, %c0_i32 : i32, i32
  }
  func.func @transform_3(%arg0: i32) -> (i32, i32) {
    %c0_i32 = arith.constant 0 : i32
    %c0_i32_0 = arith.constant 0 : i32
    %c0_i32_1 = arith.constant 0 : i32
    return %c0_i32, %c0_i32_0 : i32, i32
  }
  func.func @transform_4(%arg0: i32) -> (i32, i32) {
    %c0_i32 = arith.constant 0 : i32
    %c0_i32_0 = arith.constant 0 : i32
    %c0_i32_1 = arith.constant 0 : i32
    return %c0_i32, %c0_i32_0 : i32, i32
  }
  func.func @transform_5(%arg0: i32) -> (i32, i32) {
    %c0_i32 = arith.constant 0 : i32
    %c0_i32_0 = arith.constant 0 : i32
    %c0_i32_1 = arith.constant 0 : i32
    return %c0_i32, %c0_i32_0 : i32, i32
  }
  func.func @transform_6(%arg0: i32) -> (i32, i32) {
    %c0_i32 = arith.constant 0 : i32
    %c0_i32_0 = arith.constant 0 : i32
    %c0_i32_1 = arith.constant 0 : i32
    return %c0_i32, %c0_i32_0 : i32, i32
  }
  func.func @transform_7(%arg0: i32) -> (i32, i32) {
    %c0_i32 = arith.constant 0 : i32
    %c0_i32_0 = arith.constant 0 : i32
    %c0_i32_1 = arith.constant 0 : i32
    return %c0_i32, %c0_i32_0 : i32, i32
  }
  func.func @transform_8(%arg0: i32) -> (i32, i32) {
    %c0_i32 = arith.constant 0 : i32
    %c0_i32_0 = arith.constant 0 : i32
    %c0_i32_1 = arith.constant 0 : i32
    return %c0_i32, %c0_i32_0 : i32, i32
  }
  func.func @transform_9(%arg0: i32) -> (i32, i32) {
    %c0_i32 = arith.constant 0 : i32
    %c0_i32_0 = arith.constant 0 : i32
    %c0_i32_1 = arith.constant 0 : i32
    return %c0_i32, %c0_i32_0 : i32, i32
  }
  func.func @transform_10(%arg0: i32) -> (i32, i32) {
    %c0_i32 = arith.constant 0 : i32
    %c0_i32_0 = arith.constant 0 : i32
    %c0_i32_1 = arith.constant 0 : i32
    return %c0_i32, %c0_i32_0 : i32, i32
  }
  func.func @transform_11(%arg0: i32) -> (i32, i32) {
    %c0_i32 = arith.constant 0 : i32
    %c0_i32_0 = arith.constant 0 : i32
    return %arg0, %c0_i32 : i32, i32
  }
  func.func @transform_12(%arg0: i32) -> (i32, i32) {
    %c0_i32 = arith.constant 0 : i32
    %c0_i32_0 = arith.constant 0 : i32
    return %arg0, %c0_i32 : i32, i32
  }
  func.func @transform_13(%arg0: i32) -> (i32, i32) {
    %c0_i32 = arith.constant 0 : i32
    %c0_i32_0 = arith.constant 0 : i32
    return %arg0, %c0_i32 : i32, i32
  }
}

module attributes {stable_mosaic.version = 14 : i64} {
  func.func @_tc_geom_soa(%arg0: memref<2500x128xf32, #tpu.memory_space<vmem>>, %arg1: memref<2500x128xf32, #tpu.memory_space<vmem>>, %arg2: memref<2500x128xf32, #tpu.memory_space<vmem>>, %arg3: memref<2500x128xf32, #tpu.memory_space<vmem>>, %arg4: memref<2500x128xf32, #tpu.memory_space<vmem>>, %arg5: memref<2500x128xf32, #tpu.memory_space<vmem>>, %arg6: memref<2500x128xf32, #tpu.memory_space<vmem>>) attributes {dimension_semantics = [], scalar_prefetch = 0 : i64, scratch_operands = 0 : i64, tpu.core_type = #tpu.core_type<tc>} {
    %get3A = arith.constant 0 : index
    %get3A_0 = arith.constant 0 : index
    %get3A_1 = vector.load %arg0[%get3A, %get3A_0] : memref<2500x128xf32, #tpu.memory_space<vmem>>, vector<2500x128xf32>
    %get3A_2 = arith.constant 0 : index
    %get3A_3 = arith.constant 0 : index
    %get3A_4 = vector.load %arg1[%get3A_2, %get3A_3] : memref<2500x128xf32, #tpu.memory_space<vmem>>, vector<2500x128xf32>
    %get3A_5 = arith.constant 0 : index
    %get3A_6 = arith.constant 0 : index
    %get3A_7 = vector.load %arg2[%get3A_5, %get3A_6] : memref<2500x128xf32, #tpu.memory_space<vmem>>, vector<2500x128xf32>
    %mul3A = arith.mulf %get3A_1, %get3A_1 : vector<2500x128xf32>
    %mul3A_8 = arith.mulf %get3A_4, %get3A_4 : vector<2500x128xf32>
    %add3A = arith.addf %mul3A, %mul3A_8 : vector<2500x128xf32>
    %mul3A_9 = arith.mulf %get3A_7, %get3A_7 : vector<2500x128xf32>
    %add3A_10 = arith.addf %add3A, %mul3A_9 : vector<2500x128xf32>
    %add3A_11 = arith.constant 9.99999993E-9 : f32
    %add3A_12 = vector.broadcast %add3A_11 : f32 to vector<2500x128xf32>
    %add3A_13 = arith.addf %add3A_10, %add3A_12 : vector<2500x128xf32>
    %sqrt3A = math.sqrt %add3A_13 : vector<2500x128xf32>
    %swap3A = arith.constant 0 : index
    %swap3A_14 = arith.constant 0 : index
    %swap3A_15 = vector.load %arg6[%swap3A, %swap3A_14] : memref<2500x128xf32, #tpu.memory_space<vmem>>, vector<2500x128xf32>
    tpu.vector_store %arg6[%swap3A, %swap3A_14], %sqrt3A {strides = array<i32>} : memref<2500x128xf32, #tpu.memory_space<vmem>>, vector<2500x128xf32>,
    %div3A = arith.divf %get3A_1, %sqrt3A : vector<2500x128xf32>
    %swap3A_16 = arith.constant 0 : index
    %swap3A_17 = arith.constant 0 : index
    %swap3A_18 = vector.load %arg3[%swap3A_16, %swap3A_17] : memref<2500x128xf32, #tpu.memory_space<vmem>>, vector<2500x128xf32>
    tpu.vector_store %arg3[%swap3A_16, %swap3A_17], %div3A {strides = array<i32>} : memref<2500x128xf32, #tpu.memory_space<vmem>>, vector<2500x128xf32>,
    %div3A_19 = arith.divf %get3A_4, %sqrt3A : vector<2500x128xf32>
    %swap3A_20 = arith.constant 0 : index
    %swap3A_21 = arith.constant 0 : index
    %swap3A_22 = vector.load %arg4[%swap3A_20, %swap3A_21] : memref<2500x128xf32, #tpu.memory_space<vmem>>, vector<2500x128xf32>
    tpu.vector_store %arg4[%swap3A_20, %swap3A_21], %div3A_19 {strides = array<i32>} : memref<2500x128xf32, #tpu.memory_space<vmem>>, vector<2500x128xf32>,
    %div3A_23 = arith.divf %get3A_7, %sqrt3A : vector<2500x128xf32>
    %swap3A_24 = arith.constant 0 : index
    %swap3A_25 = arith.constant 0 : index
    %swap3A_26 = vector.load %arg5[%swap3A_24, %swap3A_25] : memref<2500x128xf32, #tpu.memory_space<vmem>>, vector<2500x128xf32>
    tpu.vector_store %arg5[%swap3A_24, %swap3A_25], %div3A_23 {strides = array<i32>} : memref<2500x128xf32, #tpu.memory_space<vmem>>, vector<2500x128xf32>,
    return
  }
}

module attributes {stable_mosaic.version = 14 : i64} {
  func.func @_tc_rterm(%arg0: i32, %arg1: memref<1x1x512xf32, #tpu.memory_space<vmem>>, %arg2: memref<16x128xf32, #tpu.memory_space<vmem>>, %arg3: memref<16x128xf32, #tpu.memory_space<vmem>>, %arg4: memref<512x128xf32, #tpu.memory_space<vmem>>, %arg5: memref<512x128xf32, #tpu.memory_space<vmem>>) attributes {dimension_semantics = [#tpu.dimension_semantics<arbitrary>], iteration_bounds = array<i64: 625>, scalar_prefetch = 0 : i64, scratch_operands = 0 : i64, tpu.core_type = #tpu.core_type<tc>, window_params = [{transform_indices = @transform_0, window_bounds = array<i64: 1, 1, 512>}, {pipeline_mode = #tpu.pipeline_mode<synchronous>, transform_indices = @transform_1, window_bounds = array<i64: 16, 128>}, {pipeline_mode = #tpu.pipeline_mode<synchronous>, transform_indices = @transform_2, window_bounds = array<i64: 16, 128>}, {transform_indices = @transform_3, window_bounds = array<i64: 512, 128>}, {transform_indices = @transform_4, window_bounds = array<i64: 512, 128>}]} {
    %get3A = arith.constant 0 : index
    %get3A_0 = arith.constant 0 : index
    %get3A_1 = arith.constant 0 : index
    %get3A_2 = vector.load %arg1[%get3A, %get3A_0, %get3A_1] : memref<1x1x512xf32, #tpu.memory_space<vmem>>, vector<1x1x512xf32>
    %get3A_3 = vector.shape_cast %get3A_2 : vector<1x1x512xf32> to vector<1x512xf32>
    %iota3A = tpu.iota {dimensions = array<i32: 0>} : vector<512x512xi32>
    %iota3A_4 = tpu.iota {dimensions = array<i32: 1>} : vector<512x512xi32>
    %eq3A = arith.cmpi eq, %iota3A, %iota3A_4 : vector<512x512xi32>
    %convert_element_type3A = arith.extui %eq3A : vector<512x512xi1> to vector<512x512xi32>
    %convert_element_type3A_5 = arith.sitofp %convert_element_type3A : vector<512x512xi32> to vector<512x512xf32>
    %dot_general3A = arith.constant dense<0.000000e+00> : vector<512x1xf32>
    %dot_general3A_6 = tpu.matmul %convert_element_type3A_5, %get3A_3, %dot_general3A {dimension_numbers = #tpu.dot_dimension_numbers<[1], [1], [0], [0], [0, 0, 1, 0], [], []>, transpose_lhs_hint = false} : vector<512x512xf32>, vector<1x512xf32>, vector<512x1xf32> -> vector<512x1xf32>
    %iota3A_7 = tpu.iota {dimensions = array<i32: 1>} : vector<512x16xi32>
    %convert_element_type3A_8 = arith.sitofp %iota3A_7 : vector<512x16xi32> to vector<512x16xf32>
    %mul3A = arith.constant 4.000000e-01 : f32
    %mul3A_9 = vector.broadcast %mul3A : f32 to vector<512x16xf32>
    %mul3A_10 = arith.mulf %convert_element_type3A_8, %mul3A_9 : vector<512x16xf32>
    %sub3A = vector.broadcast %dot_general3A_6 : vector<512x1xf32> to vector<512x16xf32>
    %sub3A_11 = arith.subf %sub3A, %mul3A_10 : vector<512x16xf32>
    %integer_pow3A = arith.mulf %sub3A_11, %sub3A_11 : vector<512x16xf32>
    %neg3A = arith.constant 0.000000e+00 : f32
    %neg3A_12 = vector.broadcast %neg3A : f32 to vector<512x16xf32>
    %neg3A_13 = arith.subf %neg3A_12, %integer_pow3A : vector<512x16xf32>
    %mul3A_14 = arith.constant 2.000000e+00 : f32
    %mul3A_15 = vector.broadcast %mul3A_14 : f32 to vector<512x16xf32>
    %mul3A_16 = arith.mulf %neg3A_13, %mul3A_15 : vector<512x16xf32>
    %exp3A = math.exp %mul3A_16 : vector<512x16xf32>
    %get3A_17 = arith.constant 0 : index
    %get3A_18 = arith.constant 0 : index
    %get3A_19 = vector.load %arg2[%get3A_17, %get3A_18] : memref<16x128xf32, #tpu.memory_space<vmem>>, vector<16x128xf32>
    %dot_general3A_20 = arith.constant dense<0.000000e+00> : vector<512x128xf32>
    %dot_general3A_21 = tpu.matmul %exp3A, %get3A_19, %dot_general3A_20 {dimension_numbers = #tpu.dot_dimension_numbers<[1], [0], [0], [1], [0, 0, 1, 1], [], []>, transpose_lhs_hint = false} : vector<512x16xf32>, vector<16x128xf32>, vector<512x128xf32> -> vector<512x128xf32>
    %swap3A = arith.constant 0 : index
    %swap3A_22 = arith.constant 0 : index
    %swap3A_23 = vector.load %arg4[%swap3A, %swap3A_22] : memref<512x128xf32, #tpu.memory_space<vmem>>, vector<512x128xf32>
    tpu.vector_store %arg4[%swap3A, %swap3A_22], %dot_general3A_21 {strides = array<i32>} : memref<512x128xf32, #tpu.memory_space<vmem>>, vector<512x128xf32>,
    %get3A_24 = arith.constant 0 : index
    %get3A_25 = arith.constant 0 : index
    %get3A_26 = vector.load %arg3[%get3A_24, %get3A_25] : memref<16x128xf32, #tpu.memory_space<vmem>>, vector<16x128xf32>
    %dot_general3A_27 = arith.constant dense<0.000000e+00> : vector<512x128xf32>
    %dot_general3A_28 = tpu.matmul %exp3A, %get3A_26, %dot_general3A_27 {dimension_numbers = #tpu.dot_dimension_numbers<[1], [0], [0], [1], [0, 0, 1, 1], [], []>, transpose_lhs_hint = false} : vector<512x16xf32>, vector<16x128xf32>, vector<512x128xf32> -> vector<512x128xf32>
    %swap3A_29 = arith.constant 0 : index
    %swap3A_30 = arith.constant 0 : index
    %swap3A_31 = vector.load %arg5[%swap3A_29, %swap3A_30] : memref<512x128xf32, #tpu.memory_space<vmem>>, vector<512x128xf32>
    tpu.vector_store %arg5[%swap3A_29, %swap3A_30], %dot_general3A_28 {strides = array<i32>} : memref<512x128xf32, #tpu.memory_space<vmem>>, vector<512x128xf32>,
    return
  }
  func.func @transform_0(%arg0: i32) -> (i32, i32, i32) {
    %c0_i32 = arith.constant 0 : i32
    %c0_i32_0 = arith.constant 0 : i32
    %c0_i32_1 = arith.constant 0 : i32
    return %arg0, %c0_i32, %c0_i32_0 : i32, i32, i32
  }
  func.func @transform_1(%arg0: i32) -> (i32, i32) {
    %c0_i32 = arith.constant 0 : i32
    %c0_i32_0 = arith.constant 0 : i32
    %c0_i32_1 = arith.constant 0 : i32
    return %c0_i32, %c0_i32_0 : i32, i32
  }
  func.func @transform_2(%arg0: i32) -> (i32, i32) {
    %c0_i32 = arith.constant 0 : i32
    %c0_i32_0 = arith.constant 0 : i32
    %c0_i32_1 = arith.constant 0 : i32
    return %c0_i32, %c0_i32_0 : i32, i32
  }
  func.func @transform_3(%arg0: i32) -> (i32, i32) {
    %c0_i32 = arith.constant 0 : i32
    %c0_i32_0 = arith.constant 0 : i32
    return %arg0, %c0_i32 : i32, i32
  }
  func.func @transform_4(%arg0: i32) -> (i32, i32) {
    %c0_i32 = arith.constant 0 : i32
    %c0_i32_0 = arith.constant 0 : i32
    return %arg0, %c0_i32 : i32, i32
  }
}

module attributes {stable_mosaic.version = 14 : i64} {
  func.func @_tc_update(%arg0: i32, %arg1: memref<512x128xf32, #tpu.memory_space<vmem>>, %arg2: memref<512x128xf32, #tpu.memory_space<vmem>>, %arg3: memref<512x128xf32, #tpu.memory_space<vmem>>, %arg4: memref<128x128xf32, #tpu.memory_space<vmem>>, %arg5: memref<1x128xf32, #tpu.memory_space<vmem>>, %arg6: memref<128x128xf32, #tpu.memory_space<vmem>>, %arg7: memref<1x128xf32, #tpu.memory_space<vmem>>, %arg8: memref<128x128xf32, #tpu.memory_space<vmem>>, %arg9: memref<512x128xf32, #tpu.memory_space<vmem>>, %arg10: memref<512x128xf32, #tpu.memory_space<vmem>>, %arg11: memref<512x128xf32, #tpu.memory_space<vmem>>) attributes {dimension_semantics = [#tpu.dimension_semantics<arbitrary>], iteration_bounds = array<i64: 20>, scalar_prefetch = 0 : i64, scratch_operands = 0 : i64, tpu.core_type = #tpu.core_type<tc>, window_params = [{transform_indices = @transform_0, window_bounds = array<i64: 512, 128>}, {transform_indices = @transform_1, window_bounds = array<i64: 512, 128>}, {transform_indices = @transform_2, window_bounds = array<i64: 512, 128>}, {pipeline_mode = #tpu.pipeline_mode<synchronous>, transform_indices = @transform_3, window_bounds = array<i64: 128, 128>}, {pipeline_mode = #tpu.pipeline_mode<synchronous>, transform_indices = @transform_4, window_bounds = array<i64: 1, 128>}, {pipeline_mode = #tpu.pipeline_mode<synchronous>, transform_indices = @transform_5, window_bounds = array<i64: 128, 128>}, {pipeline_mode = #tpu.pipeline_mode<synchronous>, transform_indices = @transform_6, window_bounds = array<i64: 1, 128>}, {pipeline_mode = #tpu.pipeline_mode<synchronous>, transform_indices = @transform_7, window_bounds = array<i64: 128, 128>}, {transform_indices = @transform_8, window_bounds = array<i64: 512, 128>}, {transform_indices = @transform_9, window_bounds = array<i64: 512, 128>}, {transform_indices = @transform_10, window_bounds = array<i64: 512, 128>}]} {
    %get3A = arith.constant 0 : index
    %get3A_0 = arith.constant 0 : index
    %get3A_1 = vector.load %arg1[%get3A, %get3A_0] : memref<512x128xf32, #tpu.memory_space<vmem>>, vector<512x128xf32>
    %get3A_2 = arith.constant 0 : index
    %get3A_3 = arith.constant 0 : index
    %get3A_4 = vector.load %arg2[%get3A_2, %get3A_3] : memref<512x128xf32, #tpu.memory_space<vmem>>, vector<512x128xf32>
    %add3A = arith.addf %get3A_1, %get3A_4 : vector<512x128xf32>
    %get3A_5 = arith.constant 0 : index
    %get3A_6 = arith.constant 0 : index
    %get3A_7 = vector.load %arg4[%get3A_5, %get3A_6] : memref<128x128xf32, #tpu.memory_space<vmem>>, vector<128x128xf32>
    %dot_general3A = arith.constant dense<0.000000e+00> : vector<512x128xf32>
    %dot_general3A_8 = tpu.matmul %add3A, %get3A_7, %dot_general3A {dimension_numbers = #tpu.dot_dimension_numbers<[1], [0], [0], [1], [0, 0, 1, 1], [], []>, transpose_lhs_hint = false} : vector<512x128xf32>, vector<128x128xf32>, vector<512x128xf32> -> vector<512x128xf32>
    %get3A_9 = arith.constant 0 : index
    %get3A_10 = arith.constant 0 : index
    %get3A_11 = vector.load %arg5[%get3A_9, %get3A_10] : memref<1x128xf32, #tpu.memory_space<vmem>>, vector<1x128xf32>
    %add3A_12 = vector.broadcast %get3A_11 : vector<1x128xf32> to vector<512x128xf32>
    %add3A_13 = arith.addf %dot_general3A_8, %add3A_12 : vector<512x128xf32>
    %neg3A = arith.constant 0.000000e+00 : f32
    %neg3A_14 = vector.broadcast %neg3A : f32 to vector<512x128xf32>
    %neg3A_15 = arith.subf %neg3A_14, %add3A_13 : vector<512x128xf32>
    %exp3A = math.exp %neg3A_15 : vector<512x128xf32>
    %add3A_16 = arith.constant 1.000000e+00 : f32
    %add3A_17 = vector.broadcast %add3A_16 : f32 to vector<512x128xf32>
    %add3A_18 = arith.addf %add3A_17, %exp3A : vector<512x128xf32>
    %div3A = arith.divf %add3A_13, %add3A_18 : vector<512x128xf32>
    %get3A_19 = arith.constant 0 : index
    %get3A_20 = arith.constant 0 : index
    %get3A_21 = vector.load %arg3[%get3A_19, %get3A_20] : memref<512x128xf32, #tpu.memory_space<vmem>>, vector<512x128xf32>
    %add3A_22 = arith.addf %get3A_21, %div3A : vector<512x128xf32>
    %swap3A = arith.constant 0 : index
    %swap3A_23 = arith.constant 0 : index
    %swap3A_24 = vector.load %arg9[%swap3A, %swap3A_23] : memref<512x128xf32, #tpu.memory_space<vmem>>, vector<512x128xf32>
    tpu.vector_store %arg9[%swap3A, %swap3A_23], %add3A_22 {strides = array<i32>} : memref<512x128xf32, #tpu.memory_space<vmem>>, vector<512x128xf32>,
    %get3A_25 = arith.constant 0 : index
    %get3A_26 = arith.constant 0 : index
    %get3A_27 = vector.load %arg6[%get3A_25, %get3A_26] : memref<128x128xf32, #tpu.memory_space<vmem>>, vector<128x128xf32>
    %dot_general3A_28 = arith.constant dense<0.000000e+00> : vector<512x128xf32>
    %dot_general3A_29 = tpu.matmul %add3A_22, %get3A_27, %dot_general3A_28 {dimension_numbers = #tpu.dot_dimension_numbers<[1], [0], [0], [1], [0, 0, 1, 1], [], []>, transpose_lhs_hint = false} : vector<512x128xf32>, vector<128x128xf32>, vector<512x128xf32> -> vector<512x128xf32>
    %get3A_30 = arith.constant 0 : index
    %get3A_31 = arith.constant 0 : index
    %get3A_32 = vector.load %arg7[%get3A_30, %get3A_31] : memref<1x128xf32, #tpu.memory_space<vmem>>, vector<1x128xf32>
    %add3A_33 = vector.broadcast %get3A_32 : vector<1x128xf32> to vector<512x128xf32>
    %add3A_34 = arith.addf %dot_general3A_29, %add3A_33 : vector<512x128xf32>
    %swap3A_35 = arith.constant 0 : index
    %swap3A_36 = arith.constant 0 : index
    %swap3A_37 = vector.load %arg10[%swap3A_35, %swap3A_36] : memref<512x128xf32, #tpu.memory_space<vmem>>, vector<512x128xf32>
    tpu.vector_store %arg10[%swap3A_35, %swap3A_36], %add3A_34 {strides = array<i32>} : memref<512x128xf32, #tpu.memory_space<vmem>>, vector<512x128xf32>,
    %get3A_38 = arith.constant 0 : index
    %get3A_39 = arith.constant 0 : index
    %get3A_40 = vector.load %arg8[%get3A_38, %get3A_39] : memref<128x128xf32, #tpu.memory_space<vmem>>, vector<128x128xf32>
    %dot_general3A_41 = arith.constant dense<0.000000e+00> : vector<512x128xf32>
    %dot_general3A_42 = tpu.matmul %add3A_22, %get3A_40, %dot_general3A_41 {dimension_numbers = #tpu.dot_dimension_numbers<[1], [0], [0], [1], [0, 0, 1, 1], [], []>, transpose_lhs_hint = false} : vector<512x128xf32>, vector<128x128xf32>, vector<512x128xf32> -> vector<512x128xf32>
    %swap3A_43 = arith.constant 0 : index
    %swap3A_44 = arith.constant 0 : index
    %swap3A_45 = vector.load %arg11[%swap3A_43, %swap3A_44] : memref<512x128xf32, #tpu.memory_space<vmem>>, vector<512x128xf32>
    tpu.vector_store %arg11[%swap3A_43, %swap3A_44], %dot_general3A_42 {strides = array<i32>} : memref<512x128xf32, #tpu.memory_space<vmem>>, vector<512x128xf32>,
    return
  }
  func.func @transform_0(%arg0: i32) -> (i32, i32) {
    %c0_i32 = arith.constant 0 : i32
    %c0_i32_0 = arith.constant 0 : i32
    return %arg0, %c0_i32 : i32, i32
  }
  func.func @transform_1(%arg0: i32) -> (i32, i32) {
    %c0_i32 = arith.constant 0 : i32
    %c0_i32_0 = arith.constant 0 : i32
    return %arg0, %c0_i32 : i32, i32
  }
  func.func @transform_2(%arg0: i32) -> (i32, i32) {
    %c0_i32 = arith.constant 0 : i32
    %c0_i32_0 = arith.constant 0 : i32
    return %arg0, %c0_i32 : i32, i32
  }
  func.func @transform_3(%arg0: i32) -> (i32, i32) {
    %c0_i32 = arith.constant 0 : i32
    %c0_i32_0 = arith.constant 0 : i32
    %c0_i32_1 = arith.constant 0 : i32
    return %c0_i32, %c0_i32_0 : i32, i32
  }
  func.func @transform_4(%arg0: i32) -> (i32, i32) {
    %c0_i32 = arith.constant 0 : i32
    %c0_i32_0 = arith.constant 0 : i32
    %c0_i32_1 = arith.constant 0 : i32
    return %c0_i32, %c0_i32_0 : i32, i32
  }
  func.func @transform_5(%arg0: i32) -> (i32, i32) {
    %c0_i32 = arith.constant 0 : i32
    %c0_i32_0 = arith.constant 0 : i32
    %c0_i32_1 = arith.constant 0 : i32
    return %c0_i32, %c0_i32_0 : i32, i32
  }
  func.func @transform_6(%arg0: i32) -> (i32, i32) {
    %c0_i32 = arith.constant 0 : i32
    %c0_i32_0 = arith.constant 0 : i32
    %c0_i32_1 = arith.constant 0 : i32
    return %c0_i32, %c0_i32_0 : i32, i32
  }
  func.func @transform_7(%arg0: i32) -> (i32, i32) {
    %c0_i32 = arith.constant 0 : i32
    %c0_i32_0 = arith.constant 0 : i32
    %c0_i32_1 = arith.constant 0 : i32
    return %c0_i32, %c0_i32_0 : i32, i32
  }
  func.func @transform_8(%arg0: i32) -> (i32, i32) {
    %c0_i32 = arith.constant 0 : i32
    %c0_i32_0 = arith.constant 0 : i32
    return %arg0, %c0_i32 : i32, i32
  }
  func.func @transform_9(%arg0: i32) -> (i32, i32) {
    %c0_i32 = arith.constant 0 : i32
    %c0_i32_0 = arith.constant 0 : i32
    return %arg0, %c0_i32 : i32, i32
  }
  func.func @transform_10(%arg0: i32) -> (i32, i32) {
    %c0_i32 = arith.constant 0 : i32
    %c0_i32_0 = arith.constant 0 : i32
    return %arg0, %c0_i32 : i32, i32
  }
}

module attributes {stable_mosaic.version = 14 : i64} {
  func.func @_tc_fsum(%arg0: memref<80x128xf32, #tpu.memory_space<vmem>>, %arg1: memref<80x128xf32, #tpu.memory_space<vmem>>, %arg2: memref<80x128xf32, #tpu.memory_space<vmem>>, %arg3: memref<80x128xf32, #tpu.memory_space<vmem>>, %arg4: memref<80x128xf32, #tpu.memory_space<vmem>>) attributes {dimension_semantics = [], scalar_prefetch = 0 : i64, scratch_operands = 0 : i64, tpu.core_type = #tpu.core_type<tc>} {
    %get3A = arith.constant 0 : index
    %get3A_0 = arith.constant 0 : index
    %get3A_1 = vector.load %arg0[%get3A, %get3A_0] : memref<80x128xf32, #tpu.memory_space<vmem>>, vector<80x128xf32>
    %get3A_2 = arith.constant 0 : index
    %get3A_3 = arith.constant 0 : index
    %get3A_4 = vector.load %arg1[%get3A_2, %get3A_3] : memref<80x128xf32, #tpu.memory_space<vmem>>, vector<80x128xf32>
    %add3A = arith.addf %get3A_1, %get3A_4 : vector<80x128xf32>
    %get3A_5 = arith.constant 0 : index
    %get3A_6 = arith.constant 0 : index
    %get3A_7 = vector.load %arg2[%get3A_5, %get3A_6] : memref<80x128xf32, #tpu.memory_space<vmem>>, vector<80x128xf32>
    %add3A_8 = arith.addf %add3A, %get3A_7 : vector<80x128xf32>
    %get3A_9 = arith.constant 0 : index
    %get3A_10 = arith.constant 0 : index
    %get3A_11 = vector.load %arg3[%get3A_9, %get3A_10] : memref<80x128xf32, #tpu.memory_space<vmem>>, vector<80x128xf32>
    %add3A_12 = arith.addf %add3A_8, %get3A_11 : vector<80x128xf32>
    %swap3A = arith.constant 0 : index
    %swap3A_13 = arith.constant 0 : index
    %swap3A_14 = vector.load %arg4[%swap3A, %swap3A_13] : memref<80x128xf32, #tpu.memory_space<vmem>>, vector<80x128xf32>
    tpu.vector_store %arg4[%swap3A, %swap3A_13], %add3A_12 {strides = array<i32>} : memref<80x128xf32, #tpu.memory_space<vmem>>, vector<80x128xf32>,
    return
  }
}

module attributes {stable_mosaic.version = 14 : i64} {
  func.func @_tc_final(%arg0: i32, %arg1: memref<512x128xf32, #tpu.memory_space<vmem>>, %arg2: memref<512x128xf32, #tpu.memory_space<vmem>>, %arg3: memref<512x128xf32, #tpu.memory_space<vmem>>, %arg4: memref<128x128xf32, #tpu.memory_space<vmem>>, %arg5: memref<1x128xf32, #tpu.memory_space<vmem>>, %arg6: memref<128x128xf32, #tpu.memory_space<vmem>>, %arg7: memref<1x128xf32, #tpu.memory_space<vmem>>, %arg8: memref<512x128xf32, #tpu.memory_space<vmem>>) attributes {dimension_semantics = [#tpu.dimension_semantics<arbitrary>], iteration_bounds = array<i64: 20>, scalar_prefetch = 0 : i64, scratch_operands = 0 : i64, tpu.core_type = #tpu.core_type<tc>, window_params = [{transform_indices = @transform_0, window_bounds = array<i64: 512, 128>}, {transform_indices = @transform_1, window_bounds = array<i64: 512, 128>}, {transform_indices = @transform_2, window_bounds = array<i64: 512, 128>}, {pipeline_mode = #tpu.pipeline_mode<synchronous>, transform_indices = @transform_3, window_bounds = array<i64: 128, 128>}, {pipeline_mode = #tpu.pipeline_mode<synchronous>, transform_indices = @transform_4, window_bounds = array<i64: 1, 128>}, {pipeline_mode = #tpu.pipeline_mode<synchronous>, transform_indices = @transform_5, window_bounds = array<i64: 128, 128>}, {pipeline_mode = #tpu.pipeline_mode<synchronous>, transform_indices = @transform_6, window_bounds = array<i64: 1, 128>}, {transform_indices = @transform_7, window_bounds = array<i64: 512, 128>}]} {
    %get3A = arith.constant 0 : index
    %get3A_0 = arith.constant 0 : index
    %get3A_1 = vector.load %arg1[%get3A, %get3A_0] : memref<512x128xf32, #tpu.memory_space<vmem>>, vector<512x128xf32>
    %get3A_2 = arith.constant 0 : index
    %get3A_3 = arith.constant 0 : index
    %get3A_4 = vector.load %arg2[%get3A_2, %get3A_3] : memref<512x128xf32, #tpu.memory_space<vmem>>, vector<512x128xf32>
    %add3A = arith.addf %get3A_1, %get3A_4 : vector<512x128xf32>
    %get3A_5 = arith.constant 0 : index
    %get3A_6 = arith.constant 0 : index
    %get3A_7 = vector.load %arg4[%get3A_5, %get3A_6] : memref<128x128xf32, #tpu.memory_space<vmem>>, vector<128x128xf32>
    %dot_general3A = arith.constant dense<0.000000e+00> : vector<512x128xf32>
    %dot_general3A_8 = tpu.matmul %add3A, %get3A_7, %dot_general3A {dimension_numbers = #tpu.dot_dimension_numbers<[1], [0], [0], [1], [0, 0, 1, 1], [], []>, transpose_lhs_hint = false} : vector<512x128xf32>, vector<128x128xf32>, vector<512x128xf32> -> vector<512x128xf32>
    %get3A_9 = arith.constant 0 : index
    %get3A_10 = arith.constant 0 : index
    %get3A_11 = vector.load %arg5[%get3A_9, %get3A_10] : memref<1x128xf32, #tpu.memory_space<vmem>>, vector<1x128xf32>
    %add3A_12 = vector.broadcast %get3A_11 : vector<1x128xf32> to vector<512x128xf32>
    %add3A_13 = arith.addf %dot_general3A_8, %add3A_12 : vector<512x128xf32>
    %neg3A = arith.constant 0.000000e+00 : f32
    %neg3A_14 = vector.broadcast %neg3A : f32 to vector<512x128xf32>
    %neg3A_15 = arith.subf %neg3A_14, %add3A_13 : vector<512x128xf32>
    %exp3A = math.exp %neg3A_15 : vector<512x128xf32>
    %add3A_16 = arith.constant 1.000000e+00 : f32
    %add3A_17 = vector.broadcast %add3A_16 : f32 to vector<512x128xf32>
    %add3A_18 = arith.addf %add3A_17, %exp3A : vector<512x128xf32>
    %div3A = arith.divf %add3A_13, %add3A_18 : vector<512x128xf32>
    %get3A_19 = arith.constant 0 : index
    %get3A_20 = arith.constant 0 : index
    %get3A_21 = vector.load %arg3[%get3A_19, %get3A_20] : memref<512x128xf32, #tpu.memory_space<vmem>>, vector<512x128xf32>
    %add3A_22 = arith.addf %get3A_21, %div3A : vector<512x128xf32>
    %get3A_23 = arith.constant 0 : index
    %get3A_24 = arith.constant 0 : index
    %get3A_25 = vector.load %arg6[%get3A_23, %get3A_24] : memref<128x128xf32, #tpu.memory_space<vmem>>, vector<128x128xf32>
    %dot_general3A_26 = arith.constant dense<0.000000e+00> : vector<512x128xf32>
    %dot_general3A_27 = tpu.matmul %add3A_22, %get3A_25, %dot_general3A_26 {dimension_numbers = #tpu.dot_dimension_numbers<[1], [0], [0], [1], [0, 0, 1, 1], [], []>, transpose_lhs_hint = false} : vector<512x128xf32>, vector<128x128xf32>, vector<512x128xf32> -> vector<512x128xf32>
    %get3A_28 = arith.constant 0 : index
    %get3A_29 = arith.constant 0 : index
    %get3A_30 = vector.load %arg7[%get3A_28, %get3A_29] : memref<1x128xf32, #tpu.memory_space<vmem>>, vector<1x128xf32>
    %add3A_31 = vector.broadcast %get3A_30 : vector<1x128xf32> to vector<512x128xf32>
    %add3A_32 = arith.addf %dot_general3A_27, %add3A_31 : vector<512x128xf32>
    %swap3A = arith.constant 0 : index
    %swap3A_33 = arith.constant 0 : index
    %swap3A_34 = vector.load %arg8[%swap3A, %swap3A_33] : memref<512x128xf32, #tpu.memory_space<vmem>>, vector<512x128xf32>
    tpu.vector_store %arg8[%swap3A, %swap3A_33], %add3A_32 {strides = array<i32>} : memref<512x128xf32, #tpu.memory_space<vmem>>, vector<512x128xf32>,
    return
  }
  func.func @transform_0(%arg0: i32) -> (i32, i32) {
    %c0_i32 = arith.constant 0 : i32
    %c0_i32_0 = arith.constant 0 : i32
    return %arg0, %c0_i32 : i32, i32
  }
  func.func @transform_1(%arg0: i32) -> (i32, i32) {
    %c0_i32 = arith.constant 0 : i32
    %c0_i32_0 = arith.constant 0 : i32
    return %arg0, %c0_i32 : i32, i32
  }
  func.func @transform_2(%arg0: i32) -> (i32, i32) {
    %c0_i32 = arith.constant 0 : i32
    %c0_i32_0 = arith.constant 0 : i32
    return %arg0, %c0_i32 : i32, i32
  }
  func.func @transform_3(%arg0: i32) -> (i32, i32) {
    %c0_i32 = arith.constant 0 : i32
    %c0_i32_0 = arith.constant 0 : i32
    %c0_i32_1 = arith.constant 0 : i32
    return %c0_i32, %c0_i32_0 : i32, i32
  }
  func.func @transform_4(%arg0: i32) -> (i32, i32) {
    %c0_i32 = arith.constant 0 : i32
    %c0_i32_0 = arith.constant 0 : i32
    %c0_i32_1 = arith.constant 0 : i32
    return %c0_i32, %c0_i32_0 : i32, i32
  }
  func.func @transform_5(%arg0: i32) -> (i32, i32) {
    %c0_i32 = arith.constant 0 : i32
    %c0_i32_0 = arith.constant 0 : i32
    %c0_i32_1 = arith.constant 0 : i32
    return %c0_i32, %c0_i32_0 : i32, i32
  }
  func.func @transform_6(%arg0: i32) -> (i32, i32) {
    %c0_i32 = arith.constant 0 : i32
    %c0_i32_0 = arith.constant 0 : i32
    %c0_i32_1 = arith.constant 0 : i32
    return %c0_i32, %c0_i32_0 : i32, i32
  }
  func.func @transform_7(%arg0: i32) -> (i32, i32) {
    %c0_i32 = arith.constant 0 : i32
    %c0_i32_0 = arith.constant 0 : i32
    return %arg0, %c0_i32 : i32, i32
  }
}

</mosaic_0001>

<sc_bundles>
// kernel: kernel.15.cloned.1.call-start
scs
__scs_entry_jumppad:
0x0: {  	(pc) =	sbr.rel $0x88, $3  }
0x1: {  	(tag) =	ssettag $0x0;
	lr =	simm.s32 $0x1  }
0x2: {  	[smem:$0x3F8C] =	sst lr;
	_ =	strace $0xD0000000  }
0x3: {  	_ = 	snop  }
0x4: {  	_ = 	snop  }
0x5: {  	_ = 	snop  }
0x6: {  	_ = 	snop  }
0x7: {  	_ = 	snop  }
__scs_overlays_trampoline_lowered:
0x8: {  	[smem:$0x3F9B] =	sst s0  }
0x9: {  	[smem:$0x3F9C] =	sst s1  }
0xa: {  	[smem:$0x3F9D] =	sst s2  }
0xb: {  	[smem:$0x3F9E] =	sst s3  }
0xc: {  	[smem:$0x3F9F] =	sst s4  }
0xd: {  	[smem:$0x3FA0] =	sst s5  }
0xe: {  	[smem:$0x3FA1] =	sst s6  }
0xf: {  	[smem:$0x3FA2] =	sst s7  }
0x10: {  	[smem:$0x3FA3] =	sst s8  }
0x11: {  	[smem:$0x3FA4] =	sst s9;
	s0 =	simm.s32 @!p0 $0x0  }
0x12: {  	s1 =	sld [smem:$0x3F8A];
	s0 =	simm.s32 @p0 $0x1  }
0x13: {  	[smem:$0x3FA5] =	sst s0;
	s0 =	simm.s32 @!p1 $0x0  }
0x14: {  	s2 =	sld [smem:$0x3F89];
	s0 =	simm.s32 @p1 $0x1  }
0x15: {  	[smem:$0x3FA6] =	sst s0;
	s0 =	simm.s32 @!p2 $0x0  }
0x16: {  	s3 =	sld [smem:$0x3FDB];
	s0 =	simm.s32 @p2 $0x1  }
0x17: {  	s4 =	simm.s32 $0x1BF5;
	[smem:$0x3FA8] =	sst s0  }
0x18: {  	s0 =	sld [smem:$0x3F8B];
	_ =	swait.ge [sflag:s4], $0x0  }
0x19: {  	s7 =	sld [smem:$0x3F8C]  }
0x1a: {  	s8 =	sadd.s32 $0xFFFFE003, lr  }
0x1b: {  	s9 =	sadd.s32 $0xFFFFFEF7, lr;
	s5 =	simm.s32 $0xFFFFFFFF;
	p2 =	slt.u32 s8, $0xFFFFF086  }
0x1c: {  	p1 =	slt.u32 s9, $0xF7A;
	s5 =	simm.s32 @!p2 $0x0  }
0x1d: {  	s5 =	simm.s32 @p1 $0x1;
	p0 =	seq.s32 s7, s2  }
0x1e: {  	s7 =	smul.u32 @!p0 $0xF7A, s2;
	p2 =	seq.s32 @!p0 s5, $0x0  }
0x1f: {  	s9 =	smul.u32 $0xF7A, s1;
	s8 =	simm.s32 @!p0 $0x1BF5;
	p2 =	por !p2, p0  }
0x20: {  	[sflag:s8] =	ssyncset.s32 @!p0 $0xFFFFF086;
	s6 =	sadd.s32 @!p0 s3, s7;
	s7 =	simm.s32 @!p0 $0x108  }
0x21: {  	s3 =	sadd.s32 s3, s9;
	s6 =	sadd.s32 @!p0 $0x88, s6;
	s7 =	simm.s32 @p2 $0x1082  }
0x22: {  	[simem:s7], [sflag:s8] =	dma.local @!p0 [hbm:s6], $0xF7A  }
0x23: {  	s9 =	sor.u32 $0xD0000000, s2;
	s6 =	simm.s32 $0x108;
	_ =	swait.ge @!p0 [sflag:s8], $0x0  }
0x24: {  	s3 =	sadd.s32 $0x88, s3;
	s6 =	simm.s32 @!p1 $0x1082;
	[sflag:s4] =	ssyncset.s32 $0xFFFFF086  }
0x25: {  	[simem:s6], [sflag:s4] =	dma.local [hbm:s3], $0xF7A  }
0x26: {  	[smem:$0x3F8C] =	sst s1;
	(tag) =	ssettag s2;
	_ =	strace s9  }
0x27: {  	s1 =	sld [smem:$0x3F9C]  }
0x28: {  	s2 =	sld [smem:$0x3F9D]  }
0x29: {  	s4 =	sld [smem:$0x3F9F]  }
0x2a: {  	p0 =	seq.s32 s5, $0x0;
	s5 =	sld [smem:$0x3FA0]  }
0x2b: {  	s6 =	sld [smem:$0x3FA1]  }
0x2c: {  	s7 =	sld [smem:$0x3FA2]  }
0x2d: {  	s3 =	simm.s32 $0x108;
	s8 =	sld [smem:$0x3FA3]  }
0x2e: {  	s3 =	simm.s32 @!p0 $0x1082;
	s9 =	sld [smem:$0x3FA4]  }
0x2f: {  	lr =	sadd.s32 s0, s3;
	s0 =	sld [smem:$0x3F9B]  }
0x30: {  	s3 =	sld [smem:$0x3F9E]  }
0x31: {  	[smem:$0x3FA7] =	sst s10  }
0x32: {  	s10 =	sld [smem:$0x3FA5];
	_ =	sdelay $0x3  }
0x33: {  	p0 =	seq.s32 s10, $0x1;
	s10 =	sld [smem:$0x3FA7];
	_ =	sdelay $0x3  }
0x34: {  	[smem:$0x3FA7] =	sst s10  }
0x35: {  	s10 =	sld [smem:$0x3FA6];
	_ =	sdelay $0x3  }
0x36: {  	p1 =	seq.s32 s10, $0x1;
	s10 =	sld [smem:$0x3FA7];
	_ =	sdelay $0x3  }
0x37: {  	[smem:$0x3FA7] =	sst s10  }
0x38: {  	s10 =	sld [smem:$0x3FA8]  }
0x39: {  	_ = 	snop;
	(pc) =	sbr.ind lr, $3  }
0x3a: {  	_ = 	snop  }
0x3b: {  	_ = 	snop  }
0x3c: {  	p2 =	seq.s32 s10, $0x1;
	s10 =	sld [smem:$0x3FA7]  }
0x3d: {  	_ =	shalt  }
0x3e: {  	_ =	shalt  }
0x3f: {  	_ =	shalt  }
0x40: {  	_ =	shalt  }
0x41: {  	_ =	shalt  }
0x42: {  	_ =	shalt  }
0x43: {  	_ =	shalt  }
0x44: {  	_ =	shalt  }
0x45: {  	_ =	shalt  }
0x46: {  	_ =	shalt  }
0x47: {  	_ =	shalt  }
0x48: {  	_ =	shalt  }
0x49: {  	_ =	shalt  }
0x4a: {  	_ =	shalt  }
0x4b: {  	_ =	shalt  }
0x4c: {  	_ =	shalt  }
0x4d: {  	_ =	shalt  }
0x4e: {  	_ =	shalt  }
0x4f: {  	_ =	shalt  }
0x50: {  	_ =	shalt  }
0x51: {  	_ =	shalt  }
0x52: {  	_ =	shalt  }
0x53: {  	_ =	shalt  }
0x54: {  	_ =	shalt  }
0x55: {  	_ =	shalt  }
0x56: {  	_ =	shalt  }
0x57: {  	_ =	shalt  }
0x58: {  	_ =	shalt  }
0x59: {  	_ =	shalt  }
0x5a: {  	_ =	shalt  }
0x5b: {  	_ =	shalt  }
0x5c: {  	_ =	shalt  }
0x5d: {  	_ =	shalt  }
0x5e: {  	_ =	shalt  }
0x5f: {  	_ =	shalt  }
0x60: {  	_ =	shalt  }
0x61: {  	_ =	shalt  }
0x62: {  	_ =	shalt  }
0x63: {  	_ =	shalt  }
0x64: {  	_ =	shalt  }
0x65: {  	_ =	shalt  }
0x66: {  	_ =	shalt  }
0x67: {  	_ =	shalt  }
0x68: {  	_ =	shalt  }
0x69: {  	_ =	shalt  }
0x6a: {  	_ =	shalt  }
0x6b: {  	_ =	shalt  }
0x6c: {  	_ =	shalt  }
0x6d: {  	_ =	shalt  }
0x6e: {  	_ =	shalt  }
0x6f: {  	_ =	shalt  }
0x70: {  	_ =	shalt  }
0x71: {  	_ =	shalt  }
0x72: {  	_ =	shalt  }
0x73: {  	_ =	shalt  }
0x74: {  	_ =	shalt  }
0x75: {  	_ =	shalt  }
0x76: {  	_ =	shalt  }
0x77: {  	_ =	shalt  }
0x78: {  	_ =	shalt  }
0x79: {  	_ =	shalt  }
0x7a: {  	_ =	shalt  }
0x7b: {  	_ =	shalt  }
0x7c: {  	_ =	shalt  }
0x7d: {  	_ =	shalt  }
0x7e: {  	_ =	shalt  }
0x7f: {  	_ =	shalt  }
0x80: {  	_ =	shalt  }
0x81: {  	_ =	shalt  }
0x82: {  	_ =	shalt  }
0x83: {  	_ =	shalt  }
0x84: {  	_ =	shalt  }
0x85: {  	_ =	shalt  }
0x86: {  	_ =	shalt  }
0x87: {  	_ =	shalt  }
.Lfunc_end0:
.L_simem_size_0:
called_computation_lowered:
.L_overlay_start_0:
0x88: {  	s2 =	sld [smem:$0x3FD9]  }
0x89: {  	s3 =	sld [smem:$0x3FFE];
	_ =	sdelay $0x1  }
0x8a: {  	s1 =	srdreg.scid  }
0x8b: {  	s0 =	sand.u32 $0x1, s1  }
0x8c: {  	s14 =	sshll.u32 s0, $0xA;
	s2 =	sadd.s32 s3, s2  }
0x8d: {  	s2 =	sadd.s32 s2, s14  }
0x8e: {  	[smem:$0x3FB3] =	sst s2  }
0x8f: {  	_ = 	snop  }
0x90: {  	s2 =	sld [smem:$0x3FD0];
	_ =	sdelay $0x2  }
0x91: {  	s15 =	simm.s32 $0xA;
	s4 =	simm.s32 $0x10  }
0x92: {  	[smem:s4], [sflag:s15] =	dma.local [hbm:s2], $0x1  }
0x93: {  	_ =	swait.eq [sflag:s15], $0x1  }
0x94: {  	[sflag:s15] =	ssyncset.done $0x0  }
0x95: {  	[sflag:s15] =	ssyncadd.s32 $0xFFFFFFFF  }
0x96: {  	s16 =	sld [smem:$0x11];
	(tm) =	ssettm $0x1  }
0x97: {  	s17 =	sld [smem:$0x3FFB];
	_ =	sdelay $0x3  }
0x98: {  	_ =	strace s17  }
0x99: {  	s3 =	sld [smem:$0x3FFC];
	_ =	sdelay $0x3  }
0x9a: {  	_ =	strace s3  }
0x9b: {  	s3 =	sld [smem:$0x3FFD];
	_ =	sdelay $0x3  }
0x9c: {  	_ =	strace s3  }
0x9d: {  	_ =	strace $0x8FFFFFFF  }
0x9e: {  	s18 =	sld [smem:$0x3FDB];
	_ =	sdelay $0x1  }
0x9f: {  	s19 =	simm.s32 $_scs_section_size  }
0xa0: {  	s5 =	simm.s32 $_size__tile_overlayer_lowered;
	s6 =	simm.s32 $_tile_overlayer_lowered  }
0xa1: {  	s22 =	simm.s32 $0x1BFF;
	s21 =	sshll.u32 s6, $0x1;
	s3 =	sadd.s32 s19, s18  }
0xa2: {  	s7 =	simm.s32 $0x0;
	s20 =	sshll.u32 s5, $0x1;
	s5 =	sadd.s32 s21, s3  }
0xa3: {  	[timem:s7], [sflag:s22] =	dma.local [hbm:s5], s20  }
0xa4: {  	_ =	swait.ge [sflag:s22], s20  }
0xa5: {  	s4 =	ssub.s32 $0x0, s20;
	[sflag:s22] =	ssyncset.done $0x0  }
0xa6: {  	[sflag:s22] =	ssyncadd.s32 s4;
	_ =	sdelay $0x1  }
0xa7: {  	s23 =	simm.s32 $0x1B8B  }
0xa8: {  	_ =	swait.ge [sflag:s23], $0x1  }
0xa9: {  	[sflag:s23] =	ssyncset.done $0x0  }
0xaa: {  	s25 =	simm.s32 $0x1B8E;
	s24 =	sld [smem:$0x3FFE];
	[sflag:s23] =	ssyncadd.s32 $0xFFFFFFFF  }
0xab: {  	s26 =	simm.s32 $execute0_lowered;
	[smem:$0x3FD2] =	sst s25  }
0xac: {  	s5 =	sshll.u32 s26, $0x1;
	_ =	strace $0x80000046;
	[dreg:$0x1] =	wrdreg $0xFFFFFFFF  }
0xad: {  	s28 =	simm.s32 $_size_execute0_lowered;
	s3 =	sadd.s32 s3, s5;
	[dreg:$0x0] =	wrdreg $0x0  }
0xae: {  	s5 =	sshll.u32 s28, $0x1;
	[dreg:$0x2] =	wrdreg s3  }
0xaf: {  	[dreg:$0x3] =	wrdreg s5  }
0xb0: {  	[dreg:$0x4] =	wrdreg $0xC0  }
0xb1: {  	_ =	task [dreg:s7], $0x5FFFF  }
0xb2: {  	[dreg:$0x1] =	wrdreg $0xFFFFFFFF  }
0xb3: {  	[dreg:$0x0] =	wrdreg $0x60  }
0xb4: {  	[dreg:$0x2] =	wrdreg s24  }
0xb5: {  	[dreg:$0x3] =	wrdreg s16  }
0xb6: {  	[dreg:$0x4] =	wrdreg $0x9  }
0xb7: {  	_ =	task.clear_ibuf [dreg:s7], $0x5FFFF;
	_ =	strace $0x90000046  }
0xb8: {  	s29 =	simm.s32 $0x9;
	_ =	strace $0x80000048  }
0xb9: {  	_ =	swait.ge [sflag:s29], $0x1  }
0xba: {  	[sflag:s29] =	ssyncadd.s32 $0xFFFFFFFF  }
0xbb: {  	_ =	strace $0x90000048  }
0xbc: {  	_ =	sfence  }
0xbd: {  	s30 =	sld [smem:$0x0];
	_ =	sdelay $0x2  }
0xbe: {  	s31 =	sshll.u32 s1, $0xD;
	s1 =	sshrl.u32 s1, $0x2  }
0xbf: {  	s3 =	sand.u32 $0x4000, s31;
	s1 =	sadd.s32 s1, s30  }
0xc0: {  	s0 =	sor.u32 s3, s0;
	s1 =	sshll.u32 s1, $0x11  }
0xc1: {  	s0 =	sor.u32 s1, s0  }
0xc2: {  	s0 =	sadd.s32 $0x8F2B, s0  }
0xc3: {  	[sflag:s0] =	ssyncadd.remote.s32 $0x1  }
0xc4: {  	_ =	sfence.sel $0xFFFF  }
0xc5: {  	[dreg:$0x0] =	wrdreg $0xFFFFFFFF;
	(pc) =	sbr.abs _section_cstart, $3  }
0xc6: {  	[dreg:$0x1] =	wrdreg $0xFFFFFFFF  }
0xc7: {  	_ =	task.clear_ibuf [dreg:s7], $0x2FFFF;
	_ =	strace $0x9FFFFFFF  }
0xc8: {  	(tm) =	ssettm $0x7FFFFFFF  }
0xc9: {  	_ =	shalt  }
tec
execute0_lowered:
.L_overlay_start_1:
0x0: {  	(tag) =	ssettag $0x1  }
0x1: {  	s6 =	rddreg [dreg:$0x0]  }
0x2: {  	s10 =	rddreg [dreg:$0x1]  }
0x3: {  	s0 =	rddreg [dreg:$0x2]  }
0x4: {  	s3 =	srdreg.scid;
	s1 =	stileid.u32  }
0x5: {  	s2 =	simm.s32 $0x0;
	s13 =	simm.s32 $0x2800;
	s14 =	simm.s32 $0x5000  }
0x6: {  	s15 =	simm.s32 $0x7800;
	s16 =	simm.s32 $0x7880;
	s17 =	simm.s32 $0x7900  }
0x7: {  	s18 =	simm.s32 $0x7980;
	s4 =	sand.u32 $0x1, s3;
	s5 =	smul.u32 $0x4E20, s1  }
0x8: {  	s19 =	simm.s32 $0x7A00;
	s20 =	simm.s32 $0x0;
	s7 =	smul.u32 $0x2710, s4  }
0x9: {  	[smem:$0x7FF] =	sst s2;
	s3 =	sadd.s32 $0x11400, s6;
	s30 =	ssub.s32 $0x2, s4  }
0xa: {  	_ =	strace $0x80000047;
	s8 =	sshrl.u32 s30, $0x1;
	s5 =	sadd.s32 s7, s5  }
0xb: {  	s4 =	sadd.s32 $0x11A00, s6;
	s31 =	ssub.s32 s30, s8;
	s11 =	sshrl.u32 s5, $0x3  }
0xc: {  	s5 =	sadd.s32 $0x12000, s6;
	s12 =	sadd.s32 s11, s6;
	s6 =	smax.u32 s31, $0x1  }
0xd: {  	s10 =	sadd.s32 s11, s10;
	s7 =	sadd.s32 $0x26200, s12;
	s8 =	sadd.s32 $0x1C400, s12  }
0xe: {  	s9 =	sadd.s32 $0x12600, s12;
	s11 =	sadd.s32 $0x7600, s12;
	s12 =	simm.s32 $0x1  }
.LBB2_1:
0xf: {  	[tilespmem:s2], [sflag:$0x1] =	stream.linear.gather [hbm4b:s3+s2], $0x2800, $0x38;
	[tilespmem:$0x7A80] =	vst v63  }
0x10: {  	_ =	swait.ge [sflag:s12], $0x2800  }
0x11: {  	[sflag:s12] =	ssyncset.done $0x0  }
0x12: {  	[sflag:s12] =	ssyncadd.s32 $0xFFFFD800  }
0x13: {  	[tilespmem:s13], [sflag:$0x1] =	stream.linear.gather [hbm4b:s4+s2], $0x2800, $0x38;
	[tilespmem:$0x7A80] =	vst v63  }
0x14: {  	_ =	swait.ge [sflag:s12], $0x2800  }
0x15: {  	[sflag:s12] =	ssyncset.done $0x0  }
0x16: {  	[sflag:s12] =	ssyncadd.s32 $0xFFFFD800  }
0x17: {  	[tilespmem:s14], [sflag:$0x1] =	stream.linear.gather [hbm4b:s5+s2], $0x2800, $0x38;
	[tilespmem:$0x7A80] =	vst v63  }
0x18: {  	_ =	swait.ge [sflag:s12], $0x2800  }
0x19: {  	[sflag:s12] =	ssyncset.done $0x0  }
0x1a: {  	s21 =	sadd.s32 $0x0, s11;
	[sflag:s12] =	ssyncadd.s32 $0xFFFFD800  }
0x1b: {  	[tilespmem:s15], [sflag:$0x1] =	stream.linear.gather [hbm4b:s21+s2], $0x50, $0x38;
	[tilespmem:$0x7A80] =	vst v63  }
0x1c: {  	_ =	swait.ge [sflag:s12], $0x50  }
0x1d: {  	[sflag:s12] =	ssyncset.done $0x0  }
0x1e: {  	s31 =	sadd.s32 $0x0, s10;
	[sflag:s12] =	ssyncadd.s32 $0xFFFFFFB0  }
0x1f: {  	[tilespmem:s16], [sflag:$0x1] =	stream.linear.gather [hbm4b:s31+s2], $0x50, $0x38;
	[tilespmem:$0x7A80] =	vst v63  }
0x20: {  	_ =	swait.ge [sflag:s12], $0x50  }
0x21: {  	[sflag:s12] =	ssyncset.done $0x0  }
0x22: {  	[sflag:s12] =	ssyncadd.s32 $0xFFFFFFB0  }
0x23: {  	v0 =	vld [tilespmem:$0x7800]  }
0x24: {  	v1 =	vld [tilespmem:$0x7880];
	_ =	sdelay $0x6  }
0x25: {  	v2 =	vld.idx.msk [tilespmem:v0+s2+$0x0], $0xffff  }
0x26: {  	v3 =	vld.idx.msk [tilespmem:v1+s2+$0x0], $0xffff;
	_ =	sdelay $0x4  }
0x27: {  	v2 =	vsub.f32 v2, v3;
	_ =	sdelay $0x1  }
0x28: {  	[tilespmem:$0x7900] =	vst v2  }
0x29: {  	v2 =	vld.idx.msk [tilespmem:v0+s13+$0x0], $0xffff  }
0x2a: {  	v3 =	vld.idx.msk [tilespmem:v1+s13+$0x0], $0xffff;
	_ =	sdelay $0x4  }
0x2b: {  	v2 =	vsub.f32 v2, v3;
	_ =	sdelay $0x1  }
0x2c: {  	[tilespmem:$0x7980] =	vst v2;
	v2 =	vld [tilespmem:$0x7810]  }
0x2d: {  	v0 =	vld.idx.msk [tilespmem:v0+s14+$0x0], $0xffff  }
0x2e: {  	v1 =	vld.idx.msk [tilespmem:v1+s14+$0x0], $0xffff  }
0x2f: {  	v3 =	vld [tilespmem:$0x7890];
	_ =	sdelay $0x3  }
0x30: {  	v0 =	vsub.f32 v0, v1;
	_ =	sdelay $0x1  }
0x31: {  	[tilespmem:$0x7A00] =	vst v0  }
0x32: {  	v0 =	vld.idx.msk [tilespmem:v2+s2+$0x0], $0xffff  }
0x33: {  	v1 =	vld.idx.msk [tilespmem:v3+s2+$0x0], $0xffff;
	_ =	sdelay $0x4  }
0x34: {  	v0 =	vsub.f32 v0, v1;
	_ =	sdelay $0x1  }
0x35: {  	[tilespmem:$0x7910] =	vst v0  }
0x36: {  	v0 =	vld.idx.msk [tilespmem:v2+s13+$0x0], $0xffff  }
0x37: {  	v1 =	vld.idx.msk [tilespmem:v3+s13+$0x0], $0xffff;
	_ =	sdelay $0x4  }
0x38: {  	v0 =	vsub.f32 v0, v1;
	_ =	sdelay $0x1  }
0x39: {  	[tilespmem:$0x7990] =	vst v0  }
0x3a: {  	v0 =	vld.idx.msk [tilespmem:v2+s14+$0x0], $0xffff  }
0x3b: {  	v1 =	vld.idx.msk [tilespmem:v3+s14+$0x0], $0xffff  }
0x3c: {  	v2 =	vld [tilespmem:$0x7820]  }
0x3d: {  	v3 =	vld [tilespmem:$0x78A0];
	_ =	sdelay $0x3  }
0x3e: {  	v0 =	vsub.f32 v0, v1;
	_ =	sdelay $0x1  }
0x3f: {  	[tilespmem:$0x7A10] =	vst v0  }
0x40: {  	v0 =	vld.idx.msk [tilespmem:v2+s2+$0x0], $0xffff  }
0x41: {  	v1 =	vld.idx.msk [tilespmem:v3+s2+$0x0], $0xffff;
	_ =	sdelay $0x4  }
0x42: {  	v0 =	vsub.f32 v0, v1;
	_ =	sdelay $0x1  }
0x43: {  	[tilespmem:$0x7920] =	vst v0  }
0x44: {  	v0 =	vld.idx.msk [tilespmem:v2+s13+$0x0], $0xffff  }
0x45: {  	v1 =	vld.idx.msk [tilespmem:v3+s13+$0x0], $0xffff;
	_ =	sdelay $0x4  }
0x46: {  	v0 =	vsub.f32 v0, v1;
	_ =	sdelay $0x1  }
0x47: {  	[tilespmem:$0x79A0] =	vst v0  }
0x48: {  	v0 =	vld.idx.msk [tilespmem:v2+s14+$0x0], $0xffff  }
0x49: {  	v1 =	vld.idx.msk [tilespmem:v3+s14+$0x0], $0xffff  }
0x4a: {  	v2 =	vld [tilespmem:$0x7830]  }
0x4b: {  	v3 =	vld [tilespmem:$0x78B0];
	_ =	sdelay $0x3  }
0x4c: {  	v0 =	vsub.f32 v0, v1;
	_ =	sdelay $0x1  }
0x4d: {  	[tilespmem:$0x7A20] =	vst v0  }
0x4e: {  	v0 =	vld.idx.msk [tilespmem:v2+s2+$0x0], $0xffff  }
0x4f: {  	v1 =	vld.idx.msk [tilespmem:v3+s2+$0x0], $0xffff;
	_ =	sdelay $0x4  }
0x50: {  	v0 =	vsub.f32 v0, v1;
	_ =	sdelay $0x1  }
0x51: {  	[tilespmem:$0x7930] =	vst v0  }
0x52: {  	v0 =	vld.idx.msk [tilespmem:v2+s13+$0x0], $0xffff  }
0x53: {  	v1 =	vld.idx.msk [tilespmem:v3+s13+$0x0], $0xffff;
	_ =	sdelay $0x4  }
0x54: {  	v0 =	vsub.f32 v0, v1;
	_ =	sdelay $0x1  }
0x55: {  	[tilespmem:$0x79B0] =	vst v0  }
0x56: {  	v0 =	vld.idx.msk [tilespmem:v2+s14+$0x0], $0xffff  }
0x57: {  	v1 =	vld.idx.msk [tilespmem:v3+s14+$0x0], $0xffff  }
0x58: {  	v2 =	vld [tilespmem:$0x7840]  }
0x59: {  	v3 =	vld [tilespmem:$0x78C0];
	_ =	sdelay $0x3  }
0x5a: {  	v0 =	vsub.f32 v0, v1;
	_ =	sdelay $0x1  }
0x5b: {  	[tilespmem:$0x7A30] =	vst v0  }
0x5c: {  	v0 =	vld.idx.msk [tilespmem:v2+s2+$0x0], $0xffff  }
0x5d: {  	v1 =	vld.idx.msk [tilespmem:v3+s2+$0x0], $0xffff;
	_ =	sdelay $0x4  }
0x5e: {  	v0 =	vsub.f32 v0, v1;
	_ =	sdelay $0x1  }
0x5f: {  	[tilespmem:$0x7940] =	vst v0  }
0x60: {  	v0 =	vld.idx.msk [tilespmem:v2+s13+$0x0], $0xffff  }
0x61: {  	v1 =	vld.idx.msk [tilespmem:v3+s13+$0x0], $0xffff;
	_ =	sdelay $0x4  }
0x62: {  	v0 =	vsub.f32 v0, v1;
	_ =	sdelay $0x1  }
0x63: {  	[tilespmem:$0x79C0] =	vst v0  }
0x64: {  	v0 =	vld.idx.msk [tilespmem:v2+s14+$0x0], $0xffff  }
0x65: {  	s25 =	sadd.s32 $0x0, s9;
	v1 =	vld.idx.msk [tilespmem:v3+s14+$0x0], $0xffff  }
0x66: {  	s24 =	sadd.s32 $0x0, s8;
	s23 =	sadd.s32 $0x0, s7;
	s21 =	simm.s32 $0xA  }
.LBB2_2:
0x67: {  	_ =	sdelay $0x1  }
0x68: {  	p0 =	sne.s32 s21, $0x4D8;
	s22 =	smov.u32 s21;
	s21 =	sadd.s32 $0xA, s21  }
0x69: {  	v0 =	vsub.f32 v0, v1;
	_ =	sdelay $0x1  }
0x6a: {  	[tilespmem:$0x7A40] =	vst v0  }
0x6b: {  	[hbm4b:s25+s2] =	stream.linear.scatter [tilespmem:s17], [sflag:$0x1], $0x50, $0x38;
	[tilespmem:$0x7A80] =	vst v63  }
0x6c: {  	_ =	swait.ge [sflag:s12], $0x50  }
0x6d: {  	[sflag:s12] =	ssyncset.done $0x0  }
0x6e: {  	[sflag:s12] =	ssyncadd.s32 $0xFFFFFFB0  }
0x6f: {  	[hbm4b:s24+s2] =	stream.linear.scatter [tilespmem:s18], [sflag:$0x1], $0x50, $0x38;
	[tilespmem:$0x7A80] =	vst v63  }
0x70: {  	_ =	swait.ge [sflag:s12], $0x50  }
0x71: {  	[sflag:s12] =	ssyncset.done $0x0  }
0x72: {  	[sflag:s12] =	ssyncadd.s32 $0xFFFFFFB0  }
0x73: {  	[hbm4b:s23+s2] =	stream.linear.scatter [tilespmem:s19], [sflag:$0x1], $0x50, $0x38;
	[tilespmem:$0x7A80] =	vst v63  }
0x74: {  	_ =	swait.ge [sflag:s12], $0x50  }
0x75: {  	[sflag:s12] =	ssyncset.done $0x0  }
0x76: {  	s23 =	sadd.s32 s22, s11;
	[sflag:s12] =	ssyncadd.s32 $0xFFFFFFB0  }
0x77: {  	[tilespmem:s15], [sflag:$0x1] =	stream.linear.gather [hbm4b:s23+s2], $0x50, $0x38;
	[tilespmem:$0x7A80] =	vst v63  }
0x78: {  	_ =	swait.ge [sflag:s12], $0x50  }
0x79: {  	[sflag:s12] =	ssyncset.done $0x0  }
0x7a: {  	s23 =	sadd.s32 s22, s10;
	[sflag:s12] =	ssyncadd.s32 $0xFFFFFFB0  }
0x7b: {  	[tilespmem:s16], [sflag:$0x1] =	stream.linear.gather [hbm4b:s23+s2], $0x50, $0x38;
	[tilespmem:$0x7A80] =	vst v63  }
0x7c: {  	_ =	swait.ge [sflag:s12], $0x50  }
0x7d: {  	[sflag:s12] =	ssyncset.done $0x0  }
0x7e: {  	[sflag:s12] =	ssyncadd.s32 $0xFFFFFFB0  }
0x7f: {  	v0 =	vld [tilespmem:$0x7800]  }
0x80: {  	v1 =	vld [tilespmem:$0x7880];
	_ =	sdelay $0x6  }
0x81: {  	v2 =	vld.idx.msk [tilespmem:v0+s2+$0x0], $0xffff  }
0x82: {  	v3 =	vld.idx.msk [tilespmem:v1+s2+$0x0], $0xffff;
	_ =	sdelay $0x5  }
0x83: {  	v2 =	vsub.f32 v2, v3;
	_ =	sdelay $0x1  }
0x84: {  	[tilespmem:$0x7900] =	vst v2  }
0x85: {  	v2 =	vld.idx.msk [tilespmem:v0+s13+$0x0], $0xffff  }
0x86: {  	v3 =	vld.idx.msk [tilespmem:v1+s13+$0x0], $0xffff;
	_ =	sdelay $0x5  }
0x87: {  	v2 =	vsub.f32 v2, v3;
	_ =	sdelay $0x1  }
0x88: {  	[tilespmem:$0x7980] =	vst v2  }
0x89: {  	v0 =	vld.idx.msk [tilespmem:v0+s14+$0x0], $0xffff  }
0x8a: {  	v1 =	vld.idx.msk [tilespmem:v1+s14+$0x0], $0xffff  }
0x8b: {  	v2 =	vld [tilespmem:$0x7810]  }
0x8c: {  	v3 =	vld [tilespmem:$0x7890];
	_ =	sdelay $0x3  }
0x8d: {  	v0 =	vsub.f32 v0, v1;
	_ =	sdelay $0x1  }
0x8e: {  	[tilespmem:$0x7A00] =	vst v0  }
0x8f: {  	v0 =	vld.idx.msk [tilespmem:v2+s2+$0x0], $0xffff  }
0x90: {  	v1 =	vld.idx.msk [tilespmem:v3+s2+$0x0], $0xffff;
	_ =	sdelay $0x5  }
0x91: {  	v0 =	vsub.f32 v0, v1;
	_ =	sdelay $0x1  }
0x92: {  	[tilespmem:$0x7910] =	vst v0  }
0x93: {  	v0 =	vld.idx.msk [tilespmem:v2+s13+$0x0], $0xffff  }
0x94: {  	v1 =	vld.idx.msk [tilespmem:v3+s13+$0x0], $0xffff;
	_ =	sdelay $0x5  }
0x95: {  	v0 =	vsub.f32 v0, v1;
	_ =	sdelay $0x1  }
0x96: {  	[tilespmem:$0x7990] =	vst v0  }
0x97: {  	v0 =	vld.idx.msk [tilespmem:v2+s14+$0x0], $0xffff  }
0x98: {  	v1 =	vld.idx.msk [tilespmem:v3+s14+$0x0], $0xffff  }
0x99: {  	v2 =	vld [tilespmem:$0x7820]  }
0x9a: {  	v3 =	vld [tilespmem:$0x78A0];
	_ =	sdelay $0x3  }
0x9b: {  	v0 =	vsub.f32 v0, v1;
	_ =	sdelay $0x1  }
0x9c: {  	[tilespmem:$0x7A10] =	vst v0  }
0x9d: {  	v0 =	vld.idx.msk [tilespmem:v2+s2+$0x0], $0xffff  }
0x9e: {  	v1 =	vld.idx.msk [tilespmem:v3+s2+$0x0], $0xffff;
	_ =	sdelay $0x5  }
0x9f: {  	v0 =	vsub.f32 v0, v1;
	_ =	sdelay $0x1  }
0xa0: {  	[tilespmem:$0x7920] =	vst v0  }
0xa1: {  	v0 =	vld.idx.msk [tilespmem:v2+s13+$0x0], $0xffff  }
0xa2: {  	v1 =	vld.idx.msk [tilespmem:v3+s13+$0x0], $0xffff;
	_ =	sdelay $0x5  }
0xa3: {  	v0 =	vsub.f32 v0, v1;
	_ =	sdelay $0x1  }
0xa4: {  	[tilespmem:$0x79A0] =	vst v0  }
0xa5: {  	v0 =	vld.idx.msk [tilespmem:v2+s14+$0x0], $0xffff  }
0xa6: {  	v1 =	vld.idx.msk [tilespmem:v3+s14+$0x0], $0xffff  }
0xa7: {  	v2 =	vld [tilespmem:$0x7830]  }
0xa8: {  	v3 =	vld [tilespmem:$0x78B0];
	_ =	sdelay $0x3  }
0xa9: {  	v0 =	vsub.f32 v0, v1;
	_ =	sdelay $0x1  }
0xaa: {  	[tilespmem:$0x7A20] =	vst v0  }
0xab: {  	v0 =	vld.idx.msk [tilespmem:v2+s2+$0x0], $0xffff  }
0xac: {  	v1 =	vld.idx.msk [tilespmem:v3+s2+$0x0], $0xffff;
	_ =	sdelay $0x5  }
0xad: {  	v0 =	vsub.f32 v0, v1;
	_ =	sdelay $0x1  }
0xae: {  	[tilespmem:$0x7930] =	vst v0  }
0xaf: {  	v0 =	vld.idx.msk [tilespmem:v2+s13+$0x0], $0xffff  }
0xb0: {  	v1 =	vld.idx.msk [tilespmem:v3+s13+$0x0], $0xffff;
	_ =	sdelay $0x5  }
0xb1: {  	v0 =	vsub.f32 v0, v1;
	_ =	sdelay $0x1  }
0xb2: {  	[tilespmem:$0x79B0] =	vst v0  }
0xb3: {  	v0 =	vld.idx.msk [tilespmem:v2+s14+$0x0], $0xffff  }
0xb4: {  	v1 =	vld.idx.msk [tilespmem:v3+s14+$0x0], $0xffff  }
0xb5: {  	v2 =	vld [tilespmem:$0x7840]  }
0xb6: {  	v3 =	vld [tilespmem:$0x78C0];
	_ =	sdelay $0x3  }
0xb7: {  	v0 =	vsub.f32 v0, v1;
	_ =	sdelay $0x1  }
0xb8: {  	[tilespmem:$0x7A30] =	vst v0  }
0xb9: {  	v0 =	vld.idx.msk [tilespmem:v2+s2+$0x0], $0xffff  }
0xba: {  	v1 =	vld.idx.msk [tilespmem:v3+s2+$0x0], $0xffff;
	_ =	sdelay $0x5  }
0xbb: {  	v0 =	vsub.f32 v0, v1;
	_ =	sdelay $0x1  }
0xbc: {  	[tilespmem:$0x7940] =	vst v0  }
0xbd: {  	v0 =	vld.idx.msk [tilespmem:v2+s13+$0x0], $0xffff  }
0xbe: {  	v1 =	vld.idx.msk [tilespmem:v3+s13+$0x0], $0xffff;
	_ =	sdelay $0x2  }
0xbf: {  	s25 =	sadd.s32 s22, s9;
	_ =	sdelay $0x2  }
0xc0: {  	v0 =	vsub.f32 v0, v1  }
.Ltmp0:
0xc1: {  	s24 =	sadd.s32 s22, s8;
	(pc) =	sbr.rel @p0 .LBB2_2-.Ltmp0, $4  }
0xc2: {  	[tilespmem:$0x79C0] =	vst v0  }
0xc3: {  	v0 =	vld.idx.msk [tilespmem:v2+s14+$0x0], $0xffff  }
0xc4: {  	v1 =	vld.idx.msk [tilespmem:v3+s14+$0x0], $0xffff  }
0xc5: {  	s23 =	sadd.s32 s22, s7  }
0xc6: {  	_ =	sdelay $0x2  }
0xc7: {  	v0 =	vsub.f32 v0, v1;
	_ =	sdelay $0x1  }
0xc8: {  	[tilespmem:$0x7A40] =	vst v0  }
0xc9: {  	[hbm4b:s25+s2] =	stream.linear.scatter [tilespmem:s17], [sflag:$0x1], $0x50, $0x38;
	[tilespmem:$0x7A80] =	vst v63  }
0xca: {  	_ =	swait.ge [sflag:s12], $0x50  }
0xcb: {  	[sflag:s12] =	ssyncset.done $0x0  }
0xcc: {  	[sflag:s12] =	ssyncadd.s32 $0xFFFFFFB0  }
0xcd: {  	[hbm4b:s24+s2] =	stream.linear.scatter [tilespmem:s18], [sflag:$0x1], $0x50, $0x38;
	[tilespmem:$0x7A80] =	vst v63  }
0xce: {  	s20 =	sadd.s32 $0x1, s20;
	_ =	swait.ge [sflag:s12], $0x50  }
0xcf: {  	p0 =	sne.s32 s20, s6;
	[sflag:s12] =	ssyncset.done $0x0  }
.Ltmp1:
0xd0: {  	[sflag:s12] =	ssyncadd.s32 $0xFFFFFFB0;
	(pc) =	sbr.rel @p0 .LBB2_1-.Ltmp1, $4  }
0xd1: {  	[hbm4b:s23+s2] =	stream.linear.scatter [tilespmem:s19], [sflag:$0x1], $0x50, $0x38;
	[tilespmem:$0x7A80] =	vst v63  }
0xd2: {  	_ =	swait.ge [sflag:s12], $0x50  }
0xd3: {  	[sflag:s12] =	ssyncset.done $0x0  }
0xd4: {  	[sflag:s12] =	ssyncadd.s32 $0xFFFFFFB0  }
0xd5: {  	_ =	sfence.sel $0x180000  }
0xd6: {  	[bflag:$0x0] =	sbarrier.arrive $0xFFFF  }
0xd7: {  	p0 =	sne.s32 s1, $0x0;
	_ =	strace $0x90000047  }
0xd8: {  	s0 =	sadd.s32 @!p0 $0x100000, s0;
	[bflag:$0x2] =	sbarrier.arrive $0xFFFF  }
0xd9: {  	[sflag:s0] =	ssyncadd.tile.s32 @!p0 $0x1;
	_ =	shalt  }
.Lfunc_end2:
_tile_overlayer_lowered:
.L_overlay_start_2:
0xda: {  	(tag) =	ssettag $0x2  }
0xdb: {  	s0 =	rddreg [dreg:$0x0];
	s2 =	stileid.u32  }
0xdc: {  	s1 =	rddreg [dreg:$0x1];
	p0 =	sne.s32 s2, $0x0  }
0xdd: {  	s3 =	rddreg [dreg:$0x2];
	[bflag:$0x3] =	sbarrier.arrive $0xFFFF;
	s2 =	simm.s32 @!p0 $0x1C01  }
0xde: {  	[timem:s3], [sflag:s2] =	dma.local @!p0 [hbm:s0], s1  }
0xdf: {  	s0 =	simm.s32 @!p0 $0x1  }
0xe0: {  	_ =	swait.ge @!p0 [sflag:s0], s1  }
0xe1: {  	s1 =	ssub.s32 @!p0 $0x0, s1;
	[sflag:s0] =	ssyncset.done @!p0 $0x0  }
0xe2: {  	[sflag:s0] =	ssyncadd.s32 @!p0 s1  }
0xe3: {  	[bflag:$0x3] =	sbarrier.arrive $0xFFFF  }
0xe4: {  	_ =	shalt  }

// kernel: kernel.18.cloned.1.call-start
scs
__scs_entry_jumppad:
0x0: {  	(pc) =	sbr.rel $0x88, $3  }
0x1: {  	(tag) =	ssettag $0x0;
	lr =	simm.s32 $0x1  }
0x2: {  	[smem:$0x3F8C] =	sst lr;
	_ =	strace $0xD0000000  }
0x3: {  	_ = 	snop  }
0x4: {  	_ = 	snop  }
0x5: {  	_ = 	snop  }
0x6: {  	_ = 	snop  }
0x7: {  	_ = 	snop  }
__scs_overlays_trampoline_lowered:
0x8: {  	[smem:$0x3F9B] =	sst s0  }
0x9: {  	[smem:$0x3F9C] =	sst s1  }
0xa: {  	[smem:$0x3F9D] =	sst s2  }
0xb: {  	[smem:$0x3F9E] =	sst s3  }
0xc: {  	[smem:$0x3F9F] =	sst s4  }
0xd: {  	[smem:$0x3FA0] =	sst s5  }
0xe: {  	[smem:$0x3FA1] =	sst s6  }
0xf: {  	[smem:$0x3FA2] =	sst s7  }
0x10: {  	[smem:$0x3FA3] =	sst s8  }
0x11: {  	[smem:$0x3FA4] =	sst s9;
	s0 =	simm.s32 @!p0 $0x0  }
0x12: {  	s1 =	sld [smem:$0x3F8A];
	s0 =	simm.s32 @p0 $0x1  }
0x13: {  	[smem:$0x3FA5] =	sst s0;
	s0 =	simm.s32 @!p1 $0x0  }
0x14: {  	s2 =	sld [smem:$0x3F89];
	s0 =	simm.s32 @p1 $0x1  }
0x15: {  	[smem:$0x3FA6] =	sst s0;
	s0 =	simm.s32 @!p2 $0x0  }
0x16: {  	s3 =	sld [smem:$0x3FDB];
	s0 =	simm.s32 @p2 $0x1  }
0x17: {  	s4 =	simm.s32 $0x1BF5;
	[smem:$0x3FA8] =	sst s0  }
0x18: {  	s0 =	sld [smem:$0x3F8B];
	_ =	swait.ge [sflag:s4], $0x0  }
0x19: {  	s7 =	sld [smem:$0x3F8C]  }
0x1a: {  	s8 =	sadd.s32 $0xFFFFE003, lr  }
0x1b: {  	s9 =	sadd.s32 $0xFFFFFEF7, lr;
	s5 =	simm.s32 $0xFFFFFFFF;
	p2 =	slt.u32 s8, $0xFFFFF086  }
0x1c: {  	p1 =	slt.u32 s9, $0xF7A;
	s5 =	simm.s32 @!p2 $0x0  }
0x1d: {  	s5 =	simm.s32 @p1 $0x1;
	p0 =	seq.s32 s7, s2  }
0x1e: {  	s7 =	smul.u32 @!p0 $0xF7A, s2;
	p2 =	seq.s32 @!p0 s5, $0x0  }
0x1f: {  	s9 =	smul.u32 $0xF7A, s1;
	s8 =	simm.s32 @!p0 $0x1BF5;
	p2 =	por !p2, p0  }
0x20: {  	[sflag:s8] =	ssyncset.s32 @!p0 $0xFFFFF086;
	s6 =	sadd.s32 @!p0 s3, s7;
	s7 =	simm.s32 @!p0 $0x108  }
0x21: {  	s3 =	sadd.s32 s3, s9;
	s6 =	sadd.s32 @!p0 $0x88, s6;
	s7 =	simm.s32 @p2 $0x1082  }
0x22: {  	[simem:s7], [sflag:s8] =	dma.local @!p0 [hbm:s6], $0xF7A  }
0x23: {  	s9 =	sor.u32 $0xD0000000, s2;
	s6 =	simm.s32 $0x108;
	_ =	swait.ge @!p0 [sflag:s8], $0x0  }
0x24: {  	s3 =	sadd.s32 $0x88, s3;
	s6 =	simm.s32 @!p1 $0x1082;
	[sflag:s4] =	ssyncset.s32 $0xFFFFF086  }
0x25: {  	[simem:s6], [sflag:s4] =	dma.local [hbm:s3], $0xF7A  }
0x26: {  	[smem:$0x3F8C] =	sst s1;
	(tag) =	ssettag s2;
	_ =	strace s9  }
0x27: {  	s1 =	sld [smem:$0x3F9C]  }
0x28: {  	s2 =	sld [smem:$0x3F9D]  }
0x29: {  	s4 =	sld [smem:$0x3F9F]  }
0x2a: {  	p0 =	seq.s32 s5, $0x0;
	s5 =	sld [smem:$0x3FA0]  }
0x2b: {  	s6 =	sld [smem:$0x3FA1]  }
0x2c: {  	s7 =	sld [smem:$0x3FA2]  }
0x2d: {  	s3 =	simm.s32 $0x108;
	s8 =	sld [smem:$0x3FA3]  }
0x2e: {  	s3 =	simm.s32 @!p0 $0x1082;
	s9 =	sld [smem:$0x3FA4]  }
0x2f: {  	lr =	sadd.s32 s0, s3;
	s0 =	sld [smem:$0x3F9B]  }
0x30: {  	s3 =	sld [smem:$0x3F9E]  }
0x31: {  	[smem:$0x3FA7] =	sst s10  }
0x32: {  	s10 =	sld [smem:$0x3FA5];
	_ =	sdelay $0x3  }
0x33: {  	p0 =	seq.s32 s10, $0x1;
	s10 =	sld [smem:$0x3FA7];
	_ =	sdelay $0x3  }
0x34: {  	[smem:$0x3FA7] =	sst s10  }
0x35: {  	s10 =	sld [smem:$0x3FA6];
	_ =	sdelay $0x3  }
0x36: {  	p1 =	seq.s32 s10, $0x1;
	s10 =	sld [smem:$0x3FA7];
	_ =	sdelay $0x3  }
0x37: {  	[smem:$0x3FA7] =	sst s10  }
0x38: {  	s10 =	sld [smem:$0x3FA8]  }
0x39: {  	_ = 	snop;
	(pc) =	sbr.ind lr, $3  }
0x3a: {  	_ = 	snop  }
0x3b: {  	_ = 	snop  }
0x3c: {  	p2 =	seq.s32 s10, $0x1;
	s10 =	sld [smem:$0x3FA7]  }
0x3d: {  	_ =	shalt  }
0x3e: {  	_ =	shalt  }
0x3f: {  	_ =	shalt  }
0x40: {  	_ =	shalt  }
0x41: {  	_ =	shalt  }
0x42: {  	_ =	shalt  }
0x43: {  	_ =	shalt  }
0x44: {  	_ =	shalt  }
0x45: {  	_ =	shalt  }
0x46: {  	_ =	shalt  }
0x47: {  	_ =	shalt  }
0x48: {  	_ =	shalt  }
0x49: {  	_ =	shalt  }
0x4a: {  	_ =	shalt  }
0x4b: {  	_ =	shalt  }
0x4c: {  	_ =	shalt  }
0x4d: {  	_ =	shalt  }
0x4e: {  	_ =	shalt  }
0x4f: {  	_ =	shalt  }
0x50: {  	_ =	shalt  }
0x51: {  	_ =	shalt  }
0x52: {  	_ =	shalt  }
0x53: {  	_ =	shalt  }
0x54: {  	_ =	shalt  }
0x55: {  	_ =	shalt  }
0x56: {  	_ =	shalt  }
0x57: {  	_ =	shalt  }
0x58: {  	_ =	shalt  }
0x59: {  	_ =	shalt  }
0x5a: {  	_ =	shalt  }
0x5b: {  	_ =	shalt  }
0x5c: {  	_ =	shalt  }
0x5d: {  	_ =	shalt  }
0x5e: {  	_ =	shalt  }
0x5f: {  	_ =	shalt  }
0x60: {  	_ =	shalt  }
0x61: {  	_ =	shalt  }
0x62: {  	_ =	shalt  }
0x63: {  	_ =	shalt  }
0x64: {  	_ =	shalt  }
0x65: {  	_ =	shalt  }
0x66: {  	_ =	shalt  }
0x67: {  	_ =	shalt  }
0x68: {  	_ =	shalt  }
0x69: {  	_ =	shalt  }
0x6a: {  	_ =	shalt  }
0x6b: {  	_ =	shalt  }
0x6c: {  	_ =	shalt  }
0x6d: {  	_ =	shalt  }
0x6e: {  	_ =	shalt  }
0x6f: {  	_ =	shalt  }
0x70: {  	_ =	shalt  }
0x71: {  	_ =	shalt  }
0x72: {  	_ =	shalt  }
0x73: {  	_ =	shalt  }
0x74: {  	_ =	shalt  }
0x75: {  	_ =	shalt  }
0x76: {  	_ =	shalt  }
0x77: {  	_ =	shalt  }
0x78: {  	_ =	shalt  }
0x79: {  	_ =	shalt  }
0x7a: {  	_ =	shalt  }
0x7b: {  	_ =	shalt  }
0x7c: {  	_ =	shalt  }
0x7d: {  	_ =	shalt  }
0x7e: {  	_ =	shalt  }
0x7f: {  	_ =	shalt  }
0x80: {  	_ =	shalt  }
0x81: {  	_ =	shalt  }
0x82: {  	_ =	shalt  }
0x83: {  	_ =	shalt  }
0x84: {  	_ =	shalt  }
0x85: {  	_ =	shalt  }
0x86: {  	_ =	shalt  }
0x87: {  	_ =	shalt  }
.Lfunc_end0:
.L_simem_size_0:
called_computation.1_lowered:
.L_overlay_start_0:
0x88: {  	s2 =	sld [smem:$0x3FD9]  }
0x89: {  	s3 =	sld [smem:$0x3FFE];
	_ =	sdelay $0x1  }
0x8a: {  	s1 =	srdreg.scid  }
0x8b: {  	s0 =	sand.u32 $0x1, s1  }
0x8c: {  	s14 =	sshll.u32 s0, $0xA;
	s2 =	sadd.s32 s3, s2  }
0x8d: {  	s2 =	sadd.s32 s2, s14  }
0x8e: {  	[smem:$0x3FB3] =	sst s2  }
0x8f: {  	_ = 	snop  }
0x90: {  	s2 =	sld [smem:$0x3FD0];
	_ =	sdelay $0x2  }
0x91: {  	s4 =	simm.s32 $0xA;
	s5 =	simm.s32 $0x10;
	s15 =	sld [smem:$0x3FB7]  }
0x92: {  	[smem:s5], [sflag:s4] =	dma.local [hbm:s2], $0x1  }
0x93: {  	_ =	swait.eq [sflag:s4], $0x1  }
0x94: {  	[sflag:s4] =	ssyncset.done $0x0  }
0x95: {  	[sflag:s4] =	ssyncadd.s32 $0xFFFFFFFF  }
0x96: {  	s16 =	sld [smem:$0x11];
	(tm) =	ssettm $0x1  }
0x97: {  	s17 =	sld [smem:$0x3FFB];
	_ =	sdelay $0x3  }
0x98: {  	_ =	strace s17  }
0x99: {  	s4 =	sld [smem:$0x3FFC];
	_ =	sdelay $0x3  }
0x9a: {  	_ =	strace s4  }
0x9b: {  	s4 =	sld [smem:$0x3FFD];
	_ =	sdelay $0x3  }
0x9c: {  	_ =	strace s4  }
0x9d: {  	_ =	strace $0x8FFFFFFF  }
0x9e: {  	s18 =	sld [smem:$0x3FDB];
	_ =	sdelay $0x1  }
0x9f: {  	s19 =	simm.s32 $_scs_section_size  }
0xa0: {  	s6 =	simm.s32 $_size__tile_overlayer_lowered;
	s7 =	simm.s32 $_tile_overlayer_lowered  }
0xa1: {  	s22 =	simm.s32 $0x1BFF;
	s21 =	sshll.u32 s7, $0x1;
	s4 =	sadd.s32 s19, s18  }
0xa2: {  	s8 =	simm.s32 $0x0;
	s20 =	sshll.u32 s6, $0x1;
	s6 =	sadd.s32 s21, s4  }
0xa3: {  	[timem:s8], [sflag:s22] =	dma.local [hbm:s6], s20  }
0xa4: {  	_ =	swait.ge [sflag:s22], s20  }
0xa5: {  	s5 =	ssub.s32 $0x0, s20;
	[sflag:s22] =	ssyncset.done $0x0  }
0xa6: {  	[sflag:s22] =	ssyncadd.s32 s5;
	_ =	sdelay $0x1  }
0xa7: {  	s23 =	simm.s32 $0x1B8B  }
0xa8: {  	_ =	swait.ge [sflag:s23], $0x1  }
0xa9: {  	[sflag:s23] =	ssyncset.done $0x0  }
0xaa: {  	s25 =	simm.s32 $0x1B8E;
	s24 =	sld [smem:$0x3FFE];
	[sflag:s23] =	ssyncadd.s32 $0xFFFFFFFF  }
0xab: {  	s26 =	simm.s32 $execute0_lowered;
	[smem:$0x3FD2] =	sst s25  }
0xac: {  	s6 =	sshll.u32 s26, $0x1;
	_ =	strace $0x80000049;
	[dreg:$0x1] =	wrdreg $0xFFFFFFFF  }
0xad: {  	s28 =	simm.s32 $_size_execute0_lowered;
	s4 =	sadd.s32 s4, s6;
	[dreg:$0x0] =	wrdreg $0x0  }
0xae: {  	s6 =	sshll.u32 s28, $0x1;
	[dreg:$0x2] =	wrdreg s4  }
0xaf: {  	[dreg:$0x3] =	wrdreg s6  }
0xb0: {  	[dreg:$0x4] =	wrdreg $0xC0  }
0xb1: {  	_ =	task [dreg:s8], $0x5FFFF  }
0xb2: {  	[dreg:$0x1] =	wrdreg $0xFFFFFFFF  }
0xb3: {  	[dreg:$0x0] =	wrdreg $0x60  }
0xb4: {  	[dreg:$0x2] =	wrdreg s24  }
0xb5: {  	[dreg:$0x3] =	wrdreg s16  }
0xb6: {  	[dreg:$0x4] =	wrdreg s15  }
0xb7: {  	[dreg:$0x5] =	wrdreg $0x0  }
0xb8: {  	[dreg:$0x6] =	wrdreg $0x140000  }
0xb9: {  	[dreg:$0x7] =	wrdreg $0x142800  }
0xba: {  	[dreg:$0x8] =	wrdreg $0x145000  }
0xbb: {  	[dreg:$0x9] =	wrdreg $0x9  }
0xbc: {  	_ =	task.clear_ibuf [dreg:s8], $0xAFFFF;
	_ =	strace $0x90000049  }
0xbd: {  	s29 =	simm.s32 $0x9;
	_ =	strace $0x8000004B  }
0xbe: {  	_ =	swait.ge [sflag:s29], $0x1  }
0xbf: {  	[sflag:s29] =	ssyncadd.s32 $0xFFFFFFFF  }
0xc0: {  	_ =	strace $0x9000004B  }
0xc1: {  	_ =	sfence  }
0xc2: {  	s30 =	sld [smem:$0x0];
	_ =	sdelay $0x2  }
0xc3: {  	s31 =	sshll.u32 s1, $0xD;
	s1 =	sshrl.u32 s1, $0x2  }
0xc4: {  	s3 =	sand.u32 $0x4000, s31;
	s1 =	sadd.s32 s1, s30  }
0xc5: {  	s0 =	sor.u32 s3, s0;
	s1 =	sshll.u32 s1, $0x11  }
0xc6: {  	s0 =	sor.u32 s1, s0  }
0xc7: {  	s0 =	sadd.s32 $0x8F2B, s0  }
0xc8: {  	[sflag:s0] =	ssyncadd.remote.s32 $0x1  }
0xc9: {  	_ =	sfence.sel $0xFFFF  }
0xca: {  	[dreg:$0x0] =	wrdreg $0xFFFFFFFF;
	(pc) =	sbr.abs _section_cstart, $3  }
0xcb: {  	[dreg:$0x1] =	wrdreg $0xFFFFFFFF  }
0xcc: {  	_ =	task.clear_ibuf [dreg:s8], $0x2FFFF;
	_ =	strace $0x9FFFFFFF  }
0xcd: {  	(tm) =	ssettm $0x7FFFFFFF  }
tec
execute0_lowered:
.L_overlay_start_1:
0x0: {  	(tag) =	ssettag $0x1  }
0x1: {  	s0 =	rddreg [dreg:$0x0]  }
0x2: {  	s19 =	rddreg [dreg:$0x3]  }
0x3: {  	s20 =	rddreg [dreg:$0x4]  }
0x4: {  	s21 =	rddreg [dreg:$0x5]  }
0x5: {  	s22 =	rddreg [dreg:$0x6];
	s2 =	simm.s32 $0x0  }
0x6: {  	s1 =	srdreg.scid;
	s23 =	stileid.u32;
	s30 =	simm.s32 $0x1  }
0x7: {  	s31 =	simm.s32 $0x14780;
	s29 =	simm.s32 $0x17080;
	[smem:$0x7FF] =	sst s2  }
0x8: {  	s1 =	sand.u32 $0x1, s1;
	s28 =	smul.u32 $0x280, s23;
	s9 =	sadd.s32 $0x30000, s0  }
0x9: {  	s10 =	sadd.s32 $0x59E00, s0;
	s11 =	sadd.s32 $0xA9E00, s0;
	s12 =	sadd.s32 $0x11400, s0  }
0xa: {  	s13 =	sadd.s32 $0x1B200, s0;
	s14 =	sadd.s32 $0x25000, s0;
	s15 =	sadd.s32 $0x7600, s0  }
0xb: {  	s4 =	sadd.s32 $0xA6DE00, s0;
	s5 =	sadd.s32 $0x2EE00, s0;
	s16 =	sshll.u32 s23, $0x1  }
0xc: {  	s17 =	smul.u32 $0x50000, s23;
	p0 =	sne.s32 s23, $0x0;
	s23 =	simm.s32 $0x1EA80  }
0xd: {  	_ =	strace $0x8000004A;
	s3 =	smul.u32 $0x2800, s1;
	[dreg:$0x8] =	wrdreg s4  }
0xe: {  	[dreg:$0x9] =	wrdreg s5;
	s8 =	ssub.s32 $0x2, s1;
	s1 =	sor.u32 s1, s16  }
0xf: {  	s4 =	smov.u32 s19;
	s6 =	sshrl.u32 s8, $0x1;
	s18 =	smul.u32 $0x2710, s1  }
0x10: {  	s16 =	sshrl.u32 s17, $0x2;
	s24 =	sadd.s32 s28, s20;
	s25 =	sadd.s32 s28, s21  }
0x11: {  	s2 =	sadd.s32 s28, s22;
	s3 =	sadd.s32 s28, s3;
	s1 =	sadd.s32 s16, s19  }
0x12: {  	s26 =	sshrl.u32 s25, $0x3;
	s28 =	sshrl.u32 s2, $0x3;
	s2 =	simm.s32 $0x50  }
0x13: {  	s16 =	simm.s32 $0x1C080;
	s7 =	sshll.u32 s3, $0x4;
	[dreg:$0x11] =	wrdreg s26  }
0x14: {  	s3 =	sshrl.u32 s3, $0x3;
	s1 =	sshrl.u32 s1, $0x3;
	[dreg:$0x12] =	wrdreg s28  }
0x15: {  	s7 =	sadd.s32 s7, s0;
	s0 =	sadd.s32 s3, s0;
	s3 =	ssub.s32 s8, s6  }
0x16: {  	s6 =	smov.u32 s21;
	[dreg:$0xf] =	wrdreg s1;
	s5 =	sadd.s32 $0xA95E00, s7  }
0x17: {  	s1 =	simm.s32 $0x14800;
	s17 =	sadd.s32 $0xAE6800, s0;
	[dreg:$0xa] =	wrdreg s5  }
0x18: {  	s8 =	simm.s32 $0x19880;
	s19 =	sadd.s32 $0xAE5E00, s0;
	[dreg:$0xb] =	wrdreg s17  }
0x19: {  	s21 =	simm.s32 $0x1C200;
	s0 =	sadd.s32 $0x2F400, s0;
	[dreg:$0xc] =	wrdreg s19  }
0x1a: {  	s7 =	smov.u32 s22;
	s3 =	smax.u32 s3, $0x1;
	[dreg:$0xd] =	wrdreg s0  }
0x1b: {  	s22 =	simm.s32 $0x1EA00;
	s5 =	smov.u32 s20;
	[dreg:$0xe] =	wrdreg s3  }
0x1c: {  	s0 =	sshrl.u32 s24, $0x3;
	s19 =	simm.s32 $0x1C100;
	s20 =	simm.s32 $0x1C180  }
0x1d: {  	v0 =	vlaneseq.u32;
	s24 =	simm.s32 $0x1EB00;
	s3 =	simm.s32 $0x0;
	[dreg:$0x10] =	wrdreg s0  }
.LBB2_1:
0x1e: {  	[dreg:$0x13] =	wrdreg s3  }
0x1f: {  	s0 =	sshrl.u32 @!p0 s4, $0x3;
	s3 =	simm.s32 @!p0 $0x1C01;
	s17 =	rddreg [dreg:$0x8]  }
0x20: {  	[spmem:s0], [sflag:s3] =	dma.local @!p0 [hbm:s17], $0x28000  }
0x21: {  	s0 =	simm.s32 @!p0 $0x1  }
0x22: {  	_ =	swait.ge @!p0 [sflag:s0], $0x28000  }
0x23: {  	[sflag:s0] =	ssyncset.done @!p0 $0x0  }
0x24: {  	s17 =	sshrl.u32 @!p0 s5, $0x3;
	s25 =	rddreg [dreg:$0x9];
	[sflag:s0] =	ssyncadd.s32 @!p0 $0xFFFD8000  }
0x25: {  	[spmem:s17], [sflag:s3] =	dma.local @!p0 [hbm:s25], $0x500  }
0x26: {  	_ =	swait.ge @!p0 [sflag:s0], $0x500  }
0x27: {  	[sflag:s0] =	ssyncset.done @!p0 $0x0  }
0x28: {  	s17 =	sshrl.u32 @!p0 s6, $0x3;
	[sflag:s0] =	ssyncadd.s32 @!p0 $0xFFFFFB00  }
0x29: {  	[spmem:s17], [sflag:s3] =	dma.local @!p0 [hbm:s25], $0x500  }
0x2a: {  	_ =	swait.ge @!p0 [sflag:s0], $0x500  }
0x2b: {  	[sflag:s0] =	ssyncset.done @!p0 $0x0  }
0x2c: {  	s17 =	sshrl.u32 @!p0 s7, $0x3;
	[sflag:s0] =	ssyncadd.s32 @!p0 $0xFFFFFB00  }
0x2d: {  	[spmem:s17], [sflag:s3] =	dma.local @!p0 [hbm:s25], $0x500  }
0x2e: {  	_ =	swait.ge @!p0 [sflag:s0], $0x500  }
0x2f: {  	[sflag:s0] =	ssyncset.done @!p0 $0x0  }
0x30: {  	[sflag:s0] =	ssyncadd.s32 @!p0 $0xFFFFFB00  }
0x31: {  	s26 =	simm.s32 $0x0;
	s28 =	simm.s32 $0x1EB80;
	s0 =	rddreg [dreg:$0x2]  }
0x32: {  	[tilespmem:s28], [sflag:$0x1] =	stream.linear.gather [hbm4b:s0+s26], $0x80, $0x38;
	[tilespmem:$0x1EC00] =	vst v63  }
0x33: {  	_ =	swait.ge [sflag:s30], $0x80  }
0x34: {  	[sflag:s30] =	ssyncset.done $0x0  }
0x35: {  	[sflag:s30] =	ssyncadd.s32 $0xFFFFFF80  }
0x36: {  	s26 =	simm.s32 $0x0;
	[bflag:$0x0] =	sbarrier.arrive $0xFFFF  }
.LBB2_2:
0x37: {  	s0 =	smul.u32 $0x50, s26;
	_ =	sdelay $0x1  }
0x38: {  	s0 =	sadd.s32 s18, s0  }
0x39: {  	s3 =	sshrl.u32 s0, $0x3  }
0x3a: {  	s28 =	simm.s32 $0x0;
	s17 =	sadd.s32 s15, s3  }
0x3b: {  	[tilespmem:s31], [sflag:$0x1] =	stream.linear.gather [hbm4b:s17+s28], $0x50, $0x38;
	[tilespmem:$0x1EC00] =	vst v63  }
0x3c: {  	_ =	swait.ge [sflag:s30], $0x50  }
0x3d: {  	[sflag:s30] =	ssyncset.done $0x0  }
0x3e: {  	[sflag:s30] =	ssyncadd.s32 $0xFFFFFFB0  }
0x3f: {  	s25 =	rddreg [dreg:$0x1]  }
0x40: {  	s17 =	sadd.s32 s25, s3  }
0x41: {  	[tilespmem:s1], [sflag:$0x1] =	stream.linear.gather [hbm4b:s17+s28], $0x50, $0x38;
	[tilespmem:$0x1EC00] =	vst v63  }
0x42: {  	_ =	swait.ge [sflag:s30], $0x50  }
0x43: {  	[sflag:s30] =	ssyncset.done $0x0  }
0x44: {  	s25 =	simm.s32 $0x14880;
	[sflag:s30] =	ssyncadd.s32 $0xFFFFFFB0  }
0x45: {  	[tilespmem:s25], [sflag:$0x1] =	stream.indirect.gather [hbm4b:s9+s2], $0x80, s31, s2, $0xb8;
	[tilespmem:$0x1EC00] =	vst v63  }
0x46: {  	_ =	swait.ge [sflag:s30], $0x2800  }
0x47: {  	[sflag:s30] =	ssyncset.done $0x0  }
0x48: {  	[sflag:s30] =	ssyncadd.s32 $0xFFFFD800  }
0x49: {  	[tilespmem:s29], [sflag:$0x1] =	stream.indirect.gather [hbm4b:s10+s2], $0x80, s1, s2, $0xb8;
	[tilespmem:$0x1EC00] =	vst v63  }
0x4a: {  	_ =	swait.ge [sflag:s30], $0x2800  }
0x4b: {  	s0 =	sshll.u32 s0, $0x4;
	[sflag:s30] =	ssyncset.done $0x0  }
0x4c: {  	s0 =	sadd.s32 s11, s0;
	[sflag:s30] =	ssyncadd.s32 $0xFFFFD800  }
0x4d: {  	[tilespmem:s8], [sflag:$0x1] =	stream.linear.gather [hbm4b:s0+s28], $0x2800, $0x38;
	[tilespmem:$0x1EC00] =	vst v63  }
0x4e: {  	_ =	swait.ge [sflag:s30], $0x2800  }
0x4f: {  	[sflag:s30] =	ssyncset.done $0x0  }
0x50: {  	s25 =	sadd.s32 s12, s3;
	[sflag:s30] =	ssyncadd.s32 $0xFFFFD800  }
0x51: {  	[tilespmem:s16], [sflag:$0x1] =	stream.linear.gather [hbm4b:s25+s28], $0x50, $0x38;
	[tilespmem:$0x1EC00] =	vst v63  }
0x52: {  	_ =	swait.ge [sflag:s30], $0x50  }
0x53: {  	[sflag:s30] =	ssyncset.done $0x0  }
0x54: {  	s17 =	sadd.s32 s13, s3;
	[sflag:s30] =	ssyncadd.s32 $0xFFFFFFB0  }
0x55: {  	[tilespmem:s19], [sflag:$0x1] =	stream.linear.gather [hbm4b:s17+s28], $0x50, $0x38;
	[tilespmem:$0x1EC00] =	vst v63  }
0x56: {  	_ =	swait.ge [sflag:s30], $0x50  }
0x57: {  	[sflag:s30] =	ssyncset.done $0x0  }
0x58: {  	s25 =	sadd.s32 s14, s3;
	[sflag:s30] =	ssyncadd.s32 $0xFFFFFFB0  }
0x59: {  	[tilespmem:s20], [sflag:$0x1] =	stream.linear.gather [hbm4b:s25+s28], $0x50, $0x38;
	[tilespmem:$0x1EC00] =	vst v63  }
0x5a: {  	_ =	swait.ge [sflag:s30], $0x50  }
0x5b: {  	s0 =	simm.s32 $0x198C0;
	s3 =	simm.s32 $0x1C240;
	[sflag:s30] =	ssyncset.done $0x0  }
0x5c: {  	v1 =	vimm.f32 $0.0e+00;
	s17 =	simm.s32 $0x148C0;
	s25 =	simm.s32 $0x170C0;
	[sflag:s30] =	ssyncadd.s32 $0xFFFFFFB0  }
.LBB2_3:
0x5d: {  	v2 =	vld [tilespmem:s17+$0xFFFFFFC0]  }
0x5e: {  	v3 =	vld [tilespmem:s25+$0xFFFFFFC0];
	_ =	sdelay $0x1  }
0x5f: {  	v4 =	vld [tilespmem:s0+$0xFFFFFFC0];
	_ =	sdelay $0x2  }
0x60: {  	v2 =	vadd.f32 v3, v2;
	_ =	sdelay $0x1  }
0x61: {  	v2 =	vadd.f32 v4, v2;
	_ =	sdelay $0x1  }
0x62: {  	v3 =	vsub.f32 $0.0e+00, v2;
	_ =	sdelay $0x1  }
0x63: {  	v3 =	vmul.f32 $1.442695020e+00, v3;
	_ =	sdelay $0x1  }
0x64: {  	(erf) = vpow2.f32 v3;
	_ =	sdelay $0x8  }
0x65: {  	v3 =	vpop (erf)  }
0x66: {  	v3 =	vadd.f32 $1.000000000e+00, v3;
	_ =	sdelay $0x1  }
0x67: {  	(erf) = vrcp.f32 v3;
	_ =	sdelay $0x8  }
0x68: {  	v3 =	vpop (erf)  }
0x69: {  	v2 =	vmul.f32 v3, v2;
	_ =	sdelay $0x1  }
0x6a: {  	[tilespmem:s3+$0xFFFFFFC0] =	vst v2  }
0x6b: {  	v3 =	vld [tilespmem:s17+$0xFFFFFFD0]  }
0x6c: {  	v41 =	vld [tilespmem:s25+$0xFFFFFFD0];
	_ =	sdelay $0x1  }
0x6d: {  	v5 =	vld [tilespmem:s0+$0xFFFFFFD0];
	_ =	sdelay $0x2  }
0x6e: {  	v3 =	vadd.f32 v41, v3;
	_ =	sdelay $0x1  }
0x6f: {  	v3 =	vadd.f32 v5, v3;
	_ =	sdelay $0x1  }
0x70: {  	v42 =	vsub.f32 $0.0e+00, v3;
	_ =	sdelay $0x1  }
0x71: {  	v4 =	vmul.f32 $1.442695020e+00, v42;
	_ =	sdelay $0x1  }
0x72: {  	(erf) = vpow2.f32 v4;
	_ =	sdelay $0x8  }
0x73: {  	v4 =	vpop (erf)  }
0x74: {  	v4 =	vadd.f32 $1.000000000e+00, v4;
	_ =	sdelay $0x1  }
0x75: {  	(erf) = vrcp.f32 v4;
	_ =	sdelay $0x8  }
0x76: {  	v4 =	vpop (erf)  }
0x77: {  	v3 =	vmul.f32 v4, v3;
	_ =	sdelay $0x1  }
0x78: {  	v43 =	vld [tilespmem:$0x1EB80];
	[tilespmem:s3+$0xFFFFFFD0] =	vst v3  }
0x79: {  	v44 =	vld [tilespmem:s17+$0xFFFFFFE0]  }
0x7a: {  	v6 =	vld [tilespmem:s25+$0xFFFFFFE0];
	_ =	sdelay $0x1  }
0x7b: {  	v7 =	vld [tilespmem:s0+$0xFFFFFFE0];
	_ =	sdelay $0x2  }
0x7c: {  	v5 =	vadd.f32 v6, v44;
	_ =	sdelay $0x1  }
0x7d: {  	v5 =	vadd.f32 v7, v5;
	_ =	sdelay $0x1  }
0x7e: {  	v45 =	vsub.f32 $0.0e+00, v5;
	_ =	sdelay $0x1  }
0x7f: {  	v6 =	vmul.f32 $1.442695020e+00, v45;
	_ =	sdelay $0x1  }
0x80: {  	(erf) = vpow2.f32 v6;
	_ =	sdelay $0x8  }
0x81: {  	v6 =	vpop (erf)  }
0x82: {  	v6 =	vadd.f32 $1.000000000e+00, v6;
	_ =	sdelay $0x1  }
0x83: {  	(erf) = vrcp.f32 v6;
	_ =	sdelay $0x8  }
0x84: {  	v6 =	vpop (erf)  }
0x85: {  	v5 =	vmul.f32 v6, v5;
	_ =	sdelay $0x1  }
0x86: {  	v46 =	vld [tilespmem:$0x1EB90];
	[tilespmem:s3+$0xFFFFFFE0] =	vst v5  }
0x87: {  	v47 =	vld [tilespmem:s17+$0xFFFFFFF0]  }
0x88: {  	v8 =	vld [tilespmem:s25+$0xFFFFFFF0];
	_ =	sdelay $0x1  }
0x89: {  	v9 =	vld [tilespmem:s0+$0xFFFFFFF0];
	_ =	sdelay $0x2  }
0x8a: {  	v7 =	vadd.f32 v8, v47;
	_ =	sdelay $0x1  }
0x8b: {  	v7 =	vadd.f32 v9, v7;
	_ =	sdelay $0x1  }
0x8c: {  	v48 =	vsub.f32 $0.0e+00, v7;
	_ =	sdelay $0x1  }
0x8d: {  	v8 =	vmul.f32 $1.442695020e+00, v48;
	_ =	sdelay $0x1  }
0x8e: {  	(erf) = vpow2.f32 v8;
	_ =	sdelay $0x8  }
0x8f: {  	v8 =	vpop (erf)  }
0x90: {  	v8 =	vadd.f32 $1.000000000e+00, v8;
	_ =	sdelay $0x1  }
0x91: {  	(erf) = vrcp.f32 v8;
	_ =	sdelay $0x8  }
0x92: {  	v8 =	vpop (erf)  }
0x93: {  	v7 =	vmul.f32 v8, v7;
	_ =	sdelay $0x1  }
0x94: {  	v49 =	vld [tilespmem:$0x1EBA0];
	[tilespmem:s3+$0xFFFFFFF0] =	vst v7  }
0x95: {  	v50 =	vld [tilespmem:s17+$0x0]  }
0x96: {  	v10 =	vld [tilespmem:s25+$0x0];
	_ =	sdelay $0x1  }
0x97: {  	v11 =	vld [tilespmem:s0+$0x0];
	_ =	sdelay $0x2  }
0x98: {  	v9 =	vadd.f32 v10, v50;
	_ =	sdelay $0x1  }
0x99: {  	v9 =	vadd.f32 v11, v9;
	_ =	sdelay $0x1  }
0x9a: {  	v51 =	vsub.f32 $0.0e+00, v9;
	_ =	sdelay $0x1  }
0x9b: {  	v10 =	vmul.f32 $1.442695020e+00, v51;
	_ =	sdelay $0x1  }
0x9c: {  	(erf) = vpow2.f32 v10;
	_ =	sdelay $0x8  }
0x9d: {  	v10 =	vpop (erf)  }
0x9e: {  	v10 =	vadd.f32 $1.000000000e+00, v10;
	_ =	sdelay $0x1  }
0x9f: {  	(erf) = vrcp.f32 v10;
	_ =	sdelay $0x8  }
0xa0: {  	v10 =	vpop (erf)  }
0xa1: {  	v9 =	vmul.f32 v10, v9;
	_ =	sdelay $0x1  }
0xa2: {  	v52 =	vld [tilespmem:$0x1EBB0];
	[tilespmem:s3+$0x0] =	vst v9  }
0xa3: {  	v53 =	vld [tilespmem:s17+$0x10]  }
0xa4: {  	v12 =	vld [tilespmem:s25+$0x10];
	_ =	sdelay $0x1  }
0xa5: {  	v13 =	vld [tilespmem:s0+$0x10];
	_ =	sdelay $0x2  }
0xa6: {  	v11 =	vadd.f32 v12, v53;
	_ =	sdelay $0x1  }
0xa7: {  	v11 =	vadd.f32 v13, v11;
	_ =	sdelay $0x1  }
0xa8: {  	v54 =	vsub.f32 $0.0e+00, v11;
	_ =	sdelay $0x1  }
0xa9: {  	v12 =	vmul.f32 $1.442695020e+00, v54;
	_ =	sdelay $0x1  }
0xaa: {  	(erf) = vpow2.f32 v12;
	_ =	sdelay $0x8  }
0xab: {  	v12 =	vpop (erf)  }
0xac: {  	v12 =	vadd.f32 $1.000000000e+00, v12;
	_ =	sdelay $0x1  }
0xad: {  	(erf) = vrcp.f32 v12;
	_ =	sdelay $0x8  }
0xae: {  	v12 =	vpop (erf)  }
0xaf: {  	v11 =	vmul.f32 v12, v11;
	_ =	sdelay $0x1  }
0xb0: {  	v55 =	vld [tilespmem:$0x1EBC0];
	[tilespmem:s3+$0x10] =	vst v11  }
0xb1: {  	v56 =	vld [tilespmem:s17+$0x20]  }
0xb2: {  	v14 =	vld [tilespmem:s25+$0x20];
	_ =	sdelay $0x1  }
0xb3: {  	v15 =	vld [tilespmem:s0+$0x20];
	_ =	sdelay $0x2  }
0xb4: {  	v13 =	vadd.f32 v14, v56;
	_ =	sdelay $0x1  }
0xb5: {  	v13 =	vadd.f32 v15, v13;
	_ =	sdelay $0x1  }
0xb6: {  	v57 =	vsub.f32 $0.0e+00, v13;
	_ =	sdelay $0x1  }
0xb7: {  	v14 =	vmul.f32 $1.442695020e+00, v57;
	_ =	sdelay $0x1  }
0xb8: {  	(erf) = vpow2.f32 v14;
	_ =	sdelay $0x8  }
0xb9: {  	v14 =	vpop (erf)  }
0xba: {  	v14 =	vadd.f32 $1.000000000e+00, v14;
	_ =	sdelay $0x1  }
0xbb: {  	(erf) = vrcp.f32 v14;
	_ =	sdelay $0x8  }
0xbc: {  	v14 =	vpop (erf)  }
0xbd: {  	v13 =	vmul.f32 v14, v13;
	_ =	sdelay $0x1  }
0xbe: {  	v58 =	vld [tilespmem:$0x1EBD0];
	[tilespmem:s3+$0x20] =	vst v13  }
0xbf: {  	v59 =	vld [tilespmem:s17+$0x30]  }
0xc0: {  	v16 =	vld [tilespmem:s25+$0x30];
	_ =	sdelay $0x1  }
0xc1: {  	v17 =	vld [tilespmem:s0+$0x30];
	_ =	sdelay $0x2  }
0xc2: {  	v15 =	vadd.f32 v16, v59;
	_ =	sdelay $0x1  }
0xc3: {  	v15 =	vadd.f32 v17, v15;
	_ =	sdelay $0x1  }
0xc4: {  	v60 =	vsub.f32 $0.0e+00, v15;
	_ =	sdelay $0x1  }
0xc5: {  	v16 =	vmul.f32 $1.442695020e+00, v60;
	_ =	sdelay $0x1  }
0xc6: {  	(erf) = vpow2.f32 v16;
	_ =	sdelay $0x8  }
0xc7: {  	v16 =	vpop (erf)  }
0xc8: {  	v16 =	vadd.f32 $1.000000000e+00, v16;
	_ =	sdelay $0x1  }
0xc9: {  	(erf) = vrcp.f32 v16;
	_ =	sdelay $0x3  }
0xca: {  	v2 =	vmul.f32 v2, v43;
	_ =	sdelay $0x1  }
0xcb: {  	v2 =	vadd.f32 $0.0e+00, v2;
	v3 =	vmul.f32 v3, v46;
	_ =	sdelay $0x1  }
0xcc: {  	v2 =	vadd.f32 v3, v2;
	v3 =	vmul.f32 v5, v49  }
0xcd: {  	v61 =	vpop (erf)  }
0xce: {  	v2 =	vadd.f32 v3, v2;
	v3 =	vmul.f32 v7, v52;
	v4 =	vmul.f32 v61, v15  }
0xcf: {  	v62 =	vld [tilespmem:$0x1EBE0]  }
0xd0: {  	v2 =	vadd.f32 v3, v2;
	v3 =	vmul.f32 v9, v55;
	[tilespmem:s3+$0x30] =	vst v4  }
0xd1: {  	v63 =	vld [tilespmem:$0x1EBF0]  }
0xd2: {  	v2 =	vadd.f32 v3, v2;
	v3 =	vmul.f32 v11, v58;
	_ =	sdelay $0x1  }
0xd3: {  	v2 =	vadd.f32 v3, v2;
	v3 =	vmul.f32 v13, v62;
	_ =	sdelay $0x1  }
0xd4: {  	v2 =	vadd.f32 v3, v2;
	v3 =	vmul.f32 v4, v63;
	_ =	sdelay $0x1  }
0xd5: {  	v2 =	vadd.f32 v3, v2;
	_ =	sdelay $0x1  }
0xd6: {  	(xrf2) =	vadd.scan.msk.f32 $0xffff, v2;
	_ =	sdelay $0x7  }
0xd7: {  	p1 =	sne.s32 s28, $0xF  }
.Ltmp0:
0xd8: {  	_ = 	snop;
	(pc) =	sbr.rel @p1 .LBB2_3-.Ltmp0, $4  }
0xd9: {  	v2, _, _ =	vpop (xrf2)  }
0xda: {  	v3 =	vmov s28;
	v2 =	vbroadcast v2, $0xF  }
0xdb: {  	s17 =	sadd.s32 $0x80, s17;
	s25 =	sadd.s32 $0x80, s25;
	vm0 =	veq.s32 v3, v0  }
0xdc: {  	s0 =	sadd.s32 $0x80, s0;
	s3 =	sadd.s32 $0x80, s3;
	s28 =	sadd.s32 $0x1, s28;
	v1 =	vsel vm0, v2, v1  }
0xdd: {  	v2 =	vld [tilespmem:$0x1C080]  }
0xde: {  	v3 =	vld [tilespmem:$0x1C100]  }
0xdf: {  	v4 =	vld [tilespmem:$0x1C180];
	_ =	sdelay $0x2  }
0xe0: {  	v2 =	vmul.f32 v2, v1  }
0xe1: {  	v3 =	vmul.f32 v3, v1  }
0xe2: {  	v1 =	vmul.f32 v4, v1;
	[tilespmem:$0x1EA00] =	vst v2  }
0xe3: {  	s28 =	simm.s32 $0x0;
	s17 =	simm.s32 $0x150F0;
	[tilespmem:$0x1EA80] =	vst v3  }
0xe4: {  	s25 =	simm.s32 $0x178F0;
	s0 =	simm.s32 $0x1A0F0;
	s3 =	simm.s32 $0x1CA70;
	[tilespmem:$0x1EB00] =	vst v1;
	v1 =	vimm.f32 $0.0e+00  }
.LBB2_5:
0xe5: {  	v2 =	vld [tilespmem:s17+$0xFFFFFF90]  }
0xe6: {  	v3 =	vld [tilespmem:s25+$0xFFFFFF90];
	_ =	sdelay $0x1  }
0xe7: {  	v4 =	vld [tilespmem:s0+$0xFFFFFF90];
	_ =	sdelay $0x2  }
0xe8: {  	v2 =	vadd.f32 v3, v2;
	_ =	sdelay $0x1  }
0xe9: {  	v2 =	vadd.f32 v4, v2;
	_ =	sdelay $0x1  }
0xea: {  	v3 =	vsub.f32 $0.0e+00, v2;
	_ =	sdelay $0x1  }
0xeb: {  	v3 =	vmul.f32 $1.442695020e+00, v3;
	_ =	sdelay $0x1  }
0xec: {  	(erf) = vpow2.f32 v3;
	_ =	sdelay $0x8  }
0xed: {  	v3 =	vpop (erf)  }
0xee: {  	v3 =	vadd.f32 $1.000000000e+00, v3;
	_ =	sdelay $0x1  }
0xef: {  	(erf) = vrcp.f32 v3;
	_ =	sdelay $0x8  }
0xf0: {  	v3 =	vpop (erf)  }
0xf1: {  	v2 =	vmul.f32 v3, v2;
	_ =	sdelay $0x1  }
0xf2: {  	[tilespmem:s3+$0xFFFFFF90] =	vst v2  }
0xf3: {  	v3 =	vld [tilespmem:s17+$0xFFFFFFA0]  }
0xf4: {  	v41 =	vld [tilespmem:s25+$0xFFFFFFA0];
	_ =	sdelay $0x1  }
0xf5: {  	v5 =	vld [tilespmem:s0+$0xFFFFFFA0];
	_ =	sdelay $0x2  }
0xf6: {  	v3 =	vadd.f32 v41, v3;
	_ =	sdelay $0x1  }
0xf7: {  	v3 =	vadd.f32 v5, v3;
	_ =	sdelay $0x1  }
0xf8: {  	v42 =	vsub.f32 $0.0e+00, v3;
	_ =	sdelay $0x1  }
0xf9: {  	v4 =	vmul.f32 $1.442695020e+00, v42;
	_ =	sdelay $0x1  }
0xfa: {  	(erf) = vpow2.f32 v4;
	_ =	sdelay $0x8  }
0xfb: {  	v4 =	vpop (erf)  }
0xfc: {  	v4 =	vadd.f32 $1.000000000e+00, v4;
	_ =	sdelay $0x1  }
0xfd: {  	(erf) = vrcp.f32 v4;
	_ =	sdelay $0x8  }
0xfe: {  	v4 =	vpop (erf)  }
0xff: {  	v3 =	vmul.f32 v4, v3;
	_ =	sdelay $0x1  }
0x100: {  	v43 =	vld [tilespmem:$0x1EB80];
	[tilespmem:s3+$0xFFFFFFA0] =	vst v3  }
0x101: {  	v44 =	vld [tilespmem:s17+$0xFFFFFFB0]  }
0x102: {  	v6 =	vld [tilespmem:s25+$0xFFFFFFB0];
	_ =	sdelay $0x1  }
0x103: {  	v7 =	vld [tilespmem:s0+$0xFFFFFFB0];
	_ =	sdelay $0x2  }
0x104: {  	v5 =	vadd.f32 v6, v44;
	_ =	sdelay $0x1  }
0x105: {  	v5 =	vadd.f32 v7, v5;
	_ =	sdelay $0x1  }
0x106: {  	v45 =	vsub.f32 $0.0e+00, v5;
	_ =	sdelay $0x1  }
0x107: {  	v6 =	vmul.f32 $1.442695020e+00, v45;
	_ =	sdelay $0x1  }
0x108: {  	(erf) = vpow2.f32 v6;
	_ =	sdelay $0x8  }
0x109: {  	v6 =	vpop (erf)  }
0x10a: {  	v6 =	vadd.f32 $1.000000000e+00, v6;
	_ =	sdelay $0x1  }
0x10b: {  	(erf) = vrcp.f32 v6;
	_ =	sdelay $0x8  }
0x10c: {  	v6 =	vpop (erf)  }
0x10d: {  	v5 =	vmul.f32 v6, v5;
	_ =	sdelay $0x1  }
0x10e: {  	v46 =	vld [tilespmem:$0x1EB90];
	[tilespmem:s3+$0xFFFFFFB0] =	vst v5  }
0x10f: {  	v47 =	vld [tilespmem:s17+$0xFFFFFFC0]  }
0x110: {  	v8 =	vld [tilespmem:s25+$0xFFFFFFC0];
	_ =	sdelay $0x1  }
0x111: {  	v9 =	vld [tilespmem:s0+$0xFFFFFFC0];
	_ =	sdelay $0x2  }
0x112: {  	v7 =	vadd.f32 v8, v47;
	_ =	sdelay $0x1  }
0x113: {  	v7 =	vadd.f32 v9, v7;
	_ =	sdelay $0x1  }
0x114: {  	v48 =	vsub.f32 $0.0e+00, v7;
	_ =	sdelay $0x1  }
0x115: {  	v8 =	vmul.f32 $1.442695020e+00, v48;
	_ =	sdelay $0x1  }
0x116: {  	(erf) = vpow2.f32 v8;
	_ =	sdelay $0x8  }
0x117: {  	v8 =	vpop (erf)  }
0x118: {  	v8 =	vadd.f32 $1.000000000e+00, v8;
	_ =	sdelay $0x1  }
0x119: {  	(erf) = vrcp.f32 v8;
	_ =	sdelay $0x8  }
0x11a: {  	v8 =	vpop (erf)  }
0x11b: {  	v7 =	vmul.f32 v8, v7;
	_ =	sdelay $0x1  }
0x11c: {  	v49 =	vld [tilespmem:$0x1EBA0];
	[tilespmem:s3+$0xFFFFFFC0] =	vst v7  }
0x11d: {  	v50 =	vld [tilespmem:s17+$0xFFFFFFD0]  }
0x11e: {  	v10 =	vld [tilespmem:s25+$0xFFFFFFD0];
	_ =	sdelay $0x1  }
0x11f: {  	v11 =	vld [tilespmem:s0+$0xFFFFFFD0];
	_ =	sdelay $0x2  }
0x120: {  	v9 =	vadd.f32 v10, v50;
	_ =	sdelay $0x1  }
0x121: {  	v9 =	vadd.f32 v11, v9;
	_ =	sdelay $0x1  }
0x122: {  	v51 =	vsub.f32 $0.0e+00, v9;
	_ =	sdelay $0x1  }
0x123: {  	v10 =	vmul.f32 $1.442695020e+00, v51;
	_ =	sdelay $0x1  }
0x124: {  	(erf) = vpow2.f32 v10;
	_ =	sdelay $0x8  }
0x125: {  	v10 =	vpop (erf)  }
0x126: {  	v10 =	vadd.f32 $1.000000000e+00, v10;
	_ =	sdelay $0x1  }
0x127: {  	(erf) = vrcp.f32 v10;
	_ =	sdelay $0x8  }
0x128: {  	v10 =	vpop (erf)  }
0x129: {  	v9 =	vmul.f32 v10, v9;
	_ =	sdelay $0x1  }
0x12a: {  	v52 =	vld [tilespmem:$0x1EBB0];
	[tilespmem:s3+$0xFFFFFFD0] =	vst v9  }
0x12b: {  	v53 =	vld [tilespmem:s17+$0xFFFFFFE0]  }
0x12c: {  	v12 =	vld [tilespmem:s25+$0xFFFFFFE0];
	_ =	sdelay $0x1  }
0x12d: {  	v13 =	vld [tilespmem:s0+$0xFFFFFFE0];
	_ =	sdelay $0x2  }
0x12e: {  	v11 =	vadd.f32 v12, v53;
	_ =	sdelay $0x1  }
0x12f: {  	v11 =	vadd.f32 v13, v11;
	_ =	sdelay $0x1  }
0x130: {  	v54 =	vsub.f32 $0.0e+00, v11;
	_ =	sdelay $0x1  }
0x131: {  	v12 =	vmul.f32 $1.442695020e+00, v54;
	_ =	sdelay $0x1  }
0x132: {  	(erf) = vpow2.f32 v12;
	_ =	sdelay $0x8  }
0x133: {  	v12 =	vpop (erf)  }
0x134: {  	v12 =	vadd.f32 $1.000000000e+00, v12;
	_ =	sdelay $0x1  }
0x135: {  	(erf) = vrcp.f32 v12;
	_ =	sdelay $0x8  }
0x136: {  	v12 =	vpop (erf)  }
0x137: {  	v11 =	vmul.f32 v12, v11;
	_ =	sdelay $0x1  }
0x138: {  	v55 =	vld [tilespmem:$0x1EBC0];
	[tilespmem:s3+$0xFFFFFFE0] =	vst v11  }
0x139: {  	v56 =	vld [tilespmem:s17+$0xFFFFFFF0]  }
0x13a: {  	v14 =	vld [tilespmem:s25+$0xFFFFFFF0];
	_ =	sdelay $0x1  }
0x13b: {  	v15 =	vld [tilespmem:s0+$0xFFFFFFF0];
	_ =	sdelay $0x2  }
0x13c: {  	v13 =	vadd.f32 v14, v56;
	_ =	sdelay $0x1  }
0x13d: {  	v13 =	vadd.f32 v15, v13;
	_ =	sdelay $0x1  }
0x13e: {  	v57 =	vsub.f32 $0.0e+00, v13;
	_ =	sdelay $0x1  }
0x13f: {  	v14 =	vmul.f32 $1.442695020e+00, v57;
	_ =	sdelay $0x1  }
0x140: {  	(erf) = vpow2.f32 v14;
	_ =	sdelay $0x8  }
0x141: {  	v14 =	vpop (erf)  }
0x142: {  	v14 =	vadd.f32 $1.000000000e+00, v14;
	_ =	sdelay $0x1  }
0x143: {  	(erf) = vrcp.f32 v14;
	_ =	sdelay $0x8  }
0x144: {  	v14 =	vpop (erf)  }
0x145: {  	v13 =	vmul.f32 v14, v13;
	_ =	sdelay $0x1  }
0x146: {  	v58 =	vld [tilespmem:$0x1EBD0];
	[tilespmem:s3+$0xFFFFFFF0] =	vst v13  }
0x147: {  	v59 =	vld [tilespmem:s17+$0x0]  }
0x148: {  	v16 =	vld [tilespmem:s25+$0x0];
	_ =	sdelay $0x1  }
0x149: {  	v17 =	vld [tilespmem:s0+$0x0];
	_ =	sdelay $0x2  }
0x14a: {  	v15 =	vadd.f32 v16, v59;
	_ =	sdelay $0x1  }
0x14b: {  	v15 =	vadd.f32 v17, v15;
	_ =	sdelay $0x1  }
0x14c: {  	v60 =	vsub.f32 $0.0e+00, v15;
	_ =	sdelay $0x1  }
0x14d: {  	v16 =	vmul.f32 $1.442695020e+00, v60;
	_ =	sdelay $0x1  }
0x14e: {  	(erf) = vpow2.f32 v16;
	_ =	sdelay $0x8  }
0x14f: {  	v16 =	vpop (erf)  }
0x150: {  	v16 =	vadd.f32 $1.000000000e+00, v16;
	_ =	sdelay $0x1  }
0x151: {  	(erf) = vrcp.f32 v16;
	_ =	sdelay $0x3  }
0x152: {  	v2 =	vmul.f32 v2, v43;
	_ =	sdelay $0x1  }
0x153: {  	v2 =	vadd.f32 $0.0e+00, v2;
	v3 =	vmul.f32 v3, v46;
	_ =	sdelay $0x1  }
0x154: {  	v2 =	vadd.f32 v3, v2;
	v3 =	vmul.f32 v5, v49  }
0x155: {  	v61 =	vpop (erf)  }
0x156: {  	v2 =	vadd.f32 v3, v2;
	v3 =	vmul.f32 v7, v52;
	v4 =	vmul.f32 v61, v15  }
0x157: {  	v62 =	vld [tilespmem:$0x1EBE0]  }
0x158: {  	v2 =	vadd.f32 v3, v2;
	v3 =	vmul.f32 v9, v55;
	[tilespmem:s3+$0x0] =	vst v4  }
0x159: {  	v63 =	vld [tilespmem:$0x1EBF0]  }
0x15a: {  	v2 =	vadd.f32 v3, v2;
	v3 =	vmul.f32 v11, v58;
	_ =	sdelay $0x1  }
0x15b: {  	v2 =	vadd.f32 v3, v2;
	v3 =	vmul.f32 v13, v62;
	_ =	sdelay $0x1  }
0x15c: {  	v2 =	vadd.f32 v3, v2;
	v3 =	vmul.f32 v4, v63;
	_ =	sdelay $0x1  }
0x15d: {  	v2 =	vadd.f32 v3, v2;
	_ =	sdelay $0x1  }
0x15e: {  	(xrf2) =	vadd.scan.msk.f32 $0xffff, v2;
	_ =	sdelay $0x7  }
0x15f: {  	p1 =	sne.s32 s28, $0xF  }
.Ltmp1:
0x160: {  	_ = 	snop;
	(pc) =	sbr.rel @p1 .LBB2_5-.Ltmp1, $4  }
0x161: {  	v2, _, _ =	vpop (xrf2)  }
0x162: {  	v3 =	vmov s28;
	v2 =	vbroadcast v2, $0xF  }
0x163: {  	s17 =	sadd.s32 $0x80, s17;
	s25 =	sadd.s32 $0x80, s25;
	vm0 =	veq.s32 v3, v0  }
0x164: {  	s0 =	sadd.s32 $0x80, s0;
	s3 =	sadd.s32 $0x80, s3;
	s28 =	sadd.s32 $0x1, s28;
	v1 =	vsel vm0, v2, v1  }
0x165: {  	v2 =	vld [tilespmem:$0x1C090]  }
0x166: {  	v3 =	vld [tilespmem:$0x1C110]  }
0x167: {  	v4 =	vld [tilespmem:$0x1C190];
	_ =	sdelay $0x2  }
0x168: {  	v2 =	vmul.f32 v2, v1  }
0x169: {  	v3 =	vmul.f32 v3, v1  }
0x16a: {  	v1 =	vmul.f32 v4, v1;
	[tilespmem:$0x1EA10] =	vst v2  }
0x16b: {  	s28 =	simm.s32 $0x0;
	s17 =	simm.s32 $0x158F0;
	[tilespmem:$0x1EA90] =	vst v3  }
0x16c: {  	s25 =	simm.s32 $0x180F0;
	s0 =	simm.s32 $0x1A8F0;
	s3 =	simm.s32 $0x1D270;
	[tilespmem:$0x1EB10] =	vst v1;
	v1 =	vimm.f32 $0.0e+00  }
.LBB2_7:
0x16d: {  	v2 =	vld [tilespmem:s17+$0xFFFFFF90]  }
0x16e: {  	v3 =	vld [tilespmem:s25+$0xFFFFFF90];
	_ =	sdelay $0x1  }
0x16f: {  	v4 =	vld [tilespmem:s0+$0xFFFFFF90];
	_ =	sdelay $0x2  }
0x170: {  	v2 =	vadd.f32 v3, v2;
	_ =	sdelay $0x1  }
0x171: {  	v2 =	vadd.f32 v4, v2;
	_ =	sdelay $0x1  }
0x172: {  	v3 =	vsub.f32 $0.0e+00, v2;
	_ =	sdelay $0x1  }
0x173: {  	v3 =	vmul.f32 $1.442695020e+00, v3;
	_ =	sdelay $0x1  }
0x174: {  	(erf) = vpow2.f32 v3;
	_ =	sdelay $0x8  }
0x175: {  	v3 =	vpop (erf)  }
0x176: {  	v3 =	vadd.f32 $1.000000000e+00, v3;
	_ =	sdelay $0x1  }
0x177: {  	(erf) = vrcp.f32 v3;
	_ =	sdelay $0x8  }
0x178: {  	v3 =	vpop (erf)  }
0x179: {  	v2 =	vmul.f32 v3, v2;
	_ =	sdelay $0x1  }
0x17a: {  	[tilespmem:s3+$0xFFFFFF90] =	vst v2  }
0x17b: {  	v3 =	vld [tilespmem:s17+$0xFFFFFFA0]  }
0x17c: {  	v41 =	vld [tilespmem:s25+$0xFFFFFFA0];
	_ =	sdelay $0x1  }
0x17d: {  	v5 =	vld [tilespmem:s0+$0xFFFFFFA0];
	_ =	sdelay $0x2  }
0x17e: {  	v3 =	vadd.f32 v41, v3;
	_ =	sdelay $0x1  }
0x17f: {  	v3 =	vadd.f32 v5, v3;
	_ =	sdelay $0x1  }
0x180: {  	v42 =	vsub.f32 $0.0e+00, v3;
	_ =	sdelay $0x1  }
0x181: {  	v4 =	vmul.f32 $1.442695020e+00, v42;
	_ =	sdelay $0x1  }
0x182: {  	(erf) = vpow2.f32 v4;
	_ =	sdelay $0x8  }
0x183: {  	v4 =	vpop (erf)  }
0x184: {  	v4 =	vadd.f32 $1.000000000e+00, v4;
	_ =	sdelay $0x1  }
0x185: {  	(erf) = vrcp.f32 v4;
	_ =	sdelay $0x8  }
0x186: {  	v4 =	vpop (erf)  }
0x187: {  	v3 =	vmul.f32 v4, v3;
	_ =	sdelay $0x1  }
0x188: {  	v43 =	vld [tilespmem:$0x1EB80];
	[tilespmem:s3+$0xFFFFFFA0] =	vst v3  }
0x189: {  	v44 =	vld [tilespmem:s17+$0xFFFFFFB0]  }
0x18a: {  	v6 =	vld [tilespmem:s25+$0xFFFFFFB0];
	_ =	sdelay $0x1  }
0x18b: {  	v7 =	vld [tilespmem:s0+$0xFFFFFFB0];
	_ =	sdelay $0x2  }
0x18c: {  	v5 =	vadd.f32 v6, v44;
	_ =	sdelay $0x1  }
0x18d: {  	v5 =	vadd.f32 v7, v5;
	_ =	sdelay $0x1  }
0x18e: {  	v45 =	vsub.f32 $0.0e+00, v5;
	_ =	sdelay $0x1  }
0x18f: {  	v6 =	vmul.f32 $1.442695020e+00, v45;
	_ =	sdelay $0x1  }
0x190: {  	(erf) = vpow2.f32 v6;
	_ =	sdelay $0x8  }
0x191: {  	v6 =	vpop (erf)  }
0x192: {  	v6 =	vadd.f32 $1.000000000e+00, v6;
	_ =	sdelay $0x1  }
0x193: {  	(erf) = vrcp.f32 v6;
	_ =	sdelay $0x8  }
0x194: {  	v6 =	vpop (erf)  }
0x195: {  	v5 =	vmul.f32 v6, v5;
	_ =	sdelay $0x1  }
0x196: {  	v46 =	vld [tilespmem:$0x1EB90];
	[tilespmem:s3+$0xFFFFFFB0] =	vst v5  }
0x197: {  	v47 =	vld [tilespmem:s17+$0xFFFFFFC0]  }
0x198: {  	v8 =	vld [tilespmem:s25+$0xFFFFFFC0];
	_ =	sdelay $0x1  }
0x199: {  	v9 =	vld [tilespmem:s0+$0xFFFFFFC0];
	_ =	sdelay $0x2  }
0x19a: {  	v7 =	vadd.f32 v8, v47;
	_ =	sdelay $0x1  }
0x19b: {  	v7 =	vadd.f32 v9, v7;
	_ =	sdelay $0x1  }
0x19c: {  	v48 =	vsub.f32 $0.0e+00, v7;
	_ =	sdelay $0x1  }
0x19d: {  	v8 =	vmul.f32 $1.442695020e+00, v48;
	_ =	sdelay $0x1  }
0x19e: {  	(erf) = vpow2.f32 v8;
	_ =	sdelay $0x8  }
0x19f: {  	v8 =	vpop (erf)  }
0x1a0: {  	v8 =	vadd.f32 $1.000000000e+00, v8;
	_ =	sdelay $0x1  }
0x1a1: {  	(erf) = vrcp.f32 v8;
	_ =	sdelay $0x8  }
0x1a2: {  	v8 =	vpop (erf)  }
0x1a3: {  	v7 =	vmul.f32 v8, v7;
	_ =	sdelay $0x1  }
0x1a4: {  	v49 =	vld [tilespmem:$0x1EBA0];
	[tilespmem:s3+$0xFFFFFFC0] =	vst v7  }
0x1a5: {  	v50 =	vld [tilespmem:s17+$0xFFFFFFD0]  }
0x1a6: {  	v10 =	vld [tilespmem:s25+$0xFFFFFFD0];
	_ =	sdelay $0x1  }
0x1a7: {  	v11 =	vld [tilespmem:s0+$0xFFFFFFD0];
	_ =	sdelay $0x2  }
0x1a8: {  	v9 =	vadd.f32 v10, v50;
	_ =	sdelay $0x1  }
0x1a9: {  	v9 =	vadd.f32 v11, v9;
	_ =	sdelay $0x1  }
0x1aa: {  	v51 =	vsub.f32 $0.0e+00, v9;
	_ =	sdelay $0x1  }
0x1ab: {  	v10 =	vmul.f32 $1.442695020e+00, v51;
	_ =	sdelay $0x1  }
0x1ac: {  	(erf) = vpow2.f32 v10;
	_ =	sdelay $0x8  }
0x1ad: {  	v10 =	vpop (erf)  }
0x1ae: {  	v10 =	vadd.f32 $1.000000000e+00, v10;
	_ =	sdelay $0x1  }
0x1af: {  	(erf) = vrcp.f32 v10;
	_ =	sdelay $0x8  }
0x1b0: {  	v10 =	vpop (erf)  }
0x1b1: {  	v9 =	vmul.f32 v10, v9;
	_ =	sdelay $0x1  }
0x1b2: {  	v52 =	vld [tilespmem:$0x1EBB0];
	[tilespmem:s3+$0xFFFFFFD0] =	vst v9  }
0x1b3: {  	v53 =	vld [tilespmem:s17+$0xFFFFFFE0]  }
0x1b4: {  	v12 =	vld [tilespmem:s25+$0xFFFFFFE0];
	_ =	sdelay $0x1  }
0x1b5: {  	v13 =	vld [tilespmem:s0+$0xFFFFFFE0];
	_ =	sdelay $0x2  }
0x1b6: {  	v11 =	vadd.f32 v12, v53;
	_ =	sdelay $0x1  }
0x1b7: {  	v11 =	vadd.f32 v13, v11;
	_ =	sdelay $0x1  }
0x1b8: {  	v54 =	vsub.f32 $0.0e+00, v11;
	_ =	sdelay $0x1  }
0x1b9: {  	v12 =	vmul.f32 $1.442695020e+00, v54;
	_ =	sdelay $0x1  }
0x1ba: {  	(erf) = vpow2.f32 v12;
	_ =	sdelay $0x8  }
0x1bb: {  	v12 =	vpop (erf)  }
0x1bc: {  	v12 =	vadd.f32 $1.000000000e+00, v12;
	_ =	sdelay $0x1  }
0x1bd: {  	(erf) = vrcp.f32 v12;
	_ =	sdelay $0x8  }
0x1be: {  	v12 =	vpop (erf)  }
0x1bf: {  	v11 =	vmul.f32 v12, v11;
	_ =	sdelay $0x1  }
0x1c0: {  	v55 =	vld [tilespmem:$0x1EBC0];
	[tilespmem:s3+$0xFFFFFFE0] =	vst v11  }
0x1c1: {  	v56 =	vld [tilespmem:s17+$0xFFFFFFF0]  }
0x1c2: {  	v14 =	vld [tilespmem:s25+$0xFFFFFFF0];
	_ =	sdelay $0x1  }
0x1c3: {  	v15 =	vld [tilespmem:s0+$0xFFFFFFF0];
	_ =	sdelay $0x2  }
0x1c4: {  	v13 =	vadd.f32 v14, v56;
	_ =	sdelay $0x1  }
0x1c5: {  	v13 =	vadd.f32 v15, v13;
	_ =	sdelay $0x1  }
0x1c6: {  	v57 =	vsub.f32 $0.0e+00, v13;
	_ =	sdelay $0x1  }
0x1c7: {  	v14 =	vmul.f32 $1.442695020e+00, v57;
	_ =	sdelay $0x1  }
0x1c8: {  	(erf) = vpow2.f32 v14;
	_ =	sdelay $0x8  }
0x1c9: {  	v14 =	vpop (erf)  }
0x1ca: {  	v14 =	vadd.f32 $1.000000000e+00, v14;
	_ =	sdelay $0x1  }
0x1cb: {  	(erf) = vrcp.f32 v14;
	_ =	sdelay $0x8  }
0x1cc: {  	v14 =	vpop (erf)  }
0x1cd: {  	v13 =	vmul.f32 v14, v13;
	_ =	sdelay $0x1  }
0x1ce: {  	v58 =	vld [tilespmem:$0x1EBD0];
	[tilespmem:s3+$0xFFFFFFF0] =	vst v13  }
0x1cf: {  	v59 =	vld [tilespmem:s17+$0x0]  }
0x1d0: {  	v16 =	vld [tilespmem:s25+$0x0];
	_ =	sdelay $0x1  }
0x1d1: {  	v17 =	vld [tilespmem:s0+$0x0];
	_ =	sdelay $0x2  }
0x1d2: {  	v15 =	vadd.f32 v16, v59;
	_ =	sdelay $0x1  }
0x1d3: {  	v15 =	vadd.f32 v17, v15;
	_ =	sdelay $0x1  }
0x1d4: {  	v60 =	vsub.f32 $0.0e+00, v15;
	_ =	sdelay $0x1  }
0x1d5: {  	v16 =	vmul.f32 $1.442695020e+00, v60;
	_ =	sdelay $0x1  }
0x1d6: {  	(erf) = vpow2.f32 v16;
	_ =	sdelay $0x8  }
0x1d7: {  	v16 =	vpop (erf)  }
0x1d8: {  	v16 =	vadd.f32 $1.000000000e+00, v16;
	_ =	sdelay $0x1  }
0x1d9: {  	(erf) = vrcp.f32 v16;
	_ =	sdelay $0x3  }
0x1da: {  	v2 =	vmul.f32 v2, v43;
	_ =	sdelay $0x1  }
0x1db: {  	v2 =	vadd.f32 $0.0e+00, v2;
	v3 =	vmul.f32 v3, v46;
	_ =	sdelay $0x1  }
0x1dc: {  	v2 =	vadd.f32 v3, v2;
	v3 =	vmul.f32 v5, v49  }
0x1dd: {  	v61 =	vpop (erf)  }
0x1de: {  	v2 =	vadd.f32 v3, v2;
	v3 =	vmul.f32 v7, v52;
	v4 =	vmul.f32 v61, v15  }
0x1df: {  	v62 =	vld [tilespmem:$0x1EBE0]  }
0x1e0: {  	v2 =	vadd.f32 v3, v2;
	v3 =	vmul.f32 v9, v55;
	[tilespmem:s3+$0x0] =	vst v4  }
0x1e1: {  	v63 =	vld [tilespmem:$0x1EBF0]  }
0x1e2: {  	v2 =	vadd.f32 v3, v2;
	v3 =	vmul.f32 v11, v58;
	_ =	sdelay $0x1  }
0x1e3: {  	v2 =	vadd.f32 v3, v2;
	v3 =	vmul.f32 v13, v62;
	_ =	sdelay $0x1  }
0x1e4: {  	v2 =	vadd.f32 v3, v2;
	v3 =	vmul.f32 v4, v63;
	_ =	sdelay $0x1  }
0x1e5: {  	v2 =	vadd.f32 v3, v2;
	_ =	sdelay $0x1  }
0x1e6: {  	(xrf2) =	vadd.scan.msk.f32 $0xffff, v2;
	_ =	sdelay $0x7  }
0x1e7: {  	p1 =	sne.s32 s28, $0xF  }
.Ltmp2:
0x1e8: {  	_ = 	snop;
	(pc) =	sbr.rel @p1 .LBB2_7-.Ltmp2, $4  }
0x1e9: {  	v2, _, _ =	vpop (xrf2)  }
0x1ea: {  	v3 =	vmov s28;
	v2 =	vbroadcast v2, $0xF  }
0x1eb: {  	s17 =	sadd.s32 $0x80, s17;
	s25 =	sadd.s32 $0x80, s25;
	vm0 =	veq.s32 v3, v0  }
0x1ec: {  	s0 =	sadd.s32 $0x80, s0;
	s3 =	sadd.s32 $0x80, s3;
	s28 =	sadd.s32 $0x1, s28;
	v1 =	vsel vm0, v2, v1  }
0x1ed: {  	v2 =	vld [tilespmem:$0x1C0A0]  }
0x1ee: {  	v3 =	vld [tilespmem:$0x1C120]  }
0x1ef: {  	v4 =	vld [tilespmem:$0x1C1A0];
	_ =	sdelay $0x2  }
0x1f0: {  	v2 =	vmul.f32 v2, v1  }
0x1f1: {  	v3 =	vmul.f32 v3, v1  }
0x1f2: {  	v1 =	vmul.f32 v4, v1;
	[tilespmem:$0x1EA20] =	vst v2  }
0x1f3: {  	s28 =	simm.s32 $0x0;
	s17 =	simm.s32 $0x160F0;
	[tilespmem:$0x1EAA0] =	vst v3  }
0x1f4: {  	s25 =	simm.s32 $0x188F0;
	s0 =	simm.s32 $0x1B0F0;
	s3 =	simm.s32 $0x1DA70;
	[tilespmem:$0x1EB20] =	vst v1;
	v1 =	vimm.f32 $0.0e+00  }
.LBB2_9:
0x1f5: {  	v2 =	vld [tilespmem:s17+$0xFFFFFF90]  }
0x1f6: {  	v3 =	vld [tilespmem:s25+$0xFFFFFF90];
	_ =	sdelay $0x1  }
0x1f7: {  	v4 =	vld [tilespmem:s0+$0xFFFFFF90];
	_ =	sdelay $0x2  }
0x1f8: {  	v2 =	vadd.f32 v3, v2;
	_ =	sdelay $0x1  }
0x1f9: {  	v2 =	vadd.f32 v4, v2;
	_ =	sdelay $0x1  }
0x1fa: {  	v3 =	vsub.f32 $0.0e+00, v2;
	_ =	sdelay $0x1  }
0x1fb: {  	v3 =	vmul.f32 $1.442695020e+00, v3;
	_ =	sdelay $0x1  }
0x1fc: {  	(erf) = vpow2.f32 v3;
	_ =	sdelay $0x8  }
0x1fd: {  	v3 =	vpop (erf)  }
0x1fe: {  	v3 =	vadd.f32 $1.000000000e+00, v3;
	_ =	sdelay $0x1  }
0x1ff: {  	(erf) = vrcp.f32 v3;
	_ =	sdelay $0x8  }
0x200: {  	v3 =	vpop (erf)  }
0x201: {  	v2 =	vmul.f32 v3, v2;
	_ =	sdelay $0x1  }
0x202: {  	[tilespmem:s3+$0xFFFFFF90] =	vst v2  }
0x203: {  	v3 =	vld [tilespmem:s17+$0xFFFFFFA0]  }
0x204: {  	v41 =	vld [tilespmem:s25+$0xFFFFFFA0];
	_ =	sdelay $0x1  }
0x205: {  	v5 =	vld [tilespmem:s0+$0xFFFFFFA0];
	_ =	sdelay $0x2  }
0x206: {  	v3 =	vadd.f32 v41, v3;
	_ =	sdelay $0x1  }
0x207: {  	v3 =	vadd.f32 v5, v3;
	_ =	sdelay $0x1  }
0x208: {  	v42 =	vsub.f32 $0.0e+00, v3;
	_ =	sdelay $0x1  }
0x209: {  	v4 =	vmul.f32 $1.442695020e+00, v42;
	_ =	sdelay $0x1  }
0x20a: {  	(erf) = vpow2.f32 v4;
	_ =	sdelay $0x8  }
0x20b: {  	v4 =	vpop (erf)  }
0x20c: {  	v4 =	vadd.f32 $1.000000000e+00, v4;
	_ =	sdelay $0x1  }
0x20d: {  	(erf) = vrcp.f32 v4;
	_ =	sdelay $0x8  }
0x20e: {  	v4 =	vpop (erf)  }
0x20f: {  	v3 =	vmul.f32 v4, v3;
	_ =	sdelay $0x1  }
0x210: {  	v43 =	vld [tilespmem:$0x1EB80];
	[tilespmem:s3+$0xFFFFFFA0] =	vst v3  }
0x211: {  	v44 =	vld [tilespmem:s17+$0xFFFFFFB0]  }
0x212: {  	v6 =	vld [tilespmem:s25+$0xFFFFFFB0];
	_ =	sdelay $0x1  }
0x213: {  	v7 =	vld [tilespmem:s0+$0xFFFFFFB0];
	_ =	sdelay $0x2  }
0x214: {  	v5 =	vadd.f32 v6, v44;
	_ =	sdelay $0x1  }
0x215: {  	v5 =	vadd.f32 v7, v5;
	_ =	sdelay $0x1  }
0x216: {  	v45 =	vsub.f32 $0.0e+00, v5;
	_ =	sdelay $0x1  }
0x217: {  	v6 =	vmul.f32 $1.442695020e+00, v45;
	_ =	sdelay $0x1  }
0x218: {  	(erf) = vpow2.f32 v6;
	_ =	sdelay $0x8  }
0x219: {  	v6 =	vpop (erf)  }
0x21a: {  	v6 =	vadd.f32 $1.000000000e+00, v6;
	_ =	sdelay $0x1  }
0x21b: {  	(erf) = vrcp.f32 v6;
	_ =	sdelay $0x8  }
0x21c: {  	v6 =	vpop (erf)  }
0x21d: {  	v5 =	vmul.f32 v6, v5;
	_ =	sdelay $0x1  }
0x21e: {  	v46 =	vld [tilespmem:$0x1EB90];
	[tilespmem:s3+$0xFFFFFFB0] =	vst v5  }
0x21f: {  	v47 =	vld [tilespmem:s17+$0xFFFFFFC0]  }
0x220: {  	v8 =	vld [tilespmem:s25+$0xFFFFFFC0];
	_ =	sdelay $0x1  }
0x221: {  	v9 =	vld [tilespmem:s0+$0xFFFFFFC0];
	_ =	sdelay $0x2  }
0x222: {  	v7 =	vadd.f32 v8, v47;
	_ =	sdelay $0x1  }
0x223: {  	v7 =	vadd.f32 v9, v7;
	_ =	sdelay $0x1  }
0x224: {  	v48 =	vsub.f32 $0.0e+00, v7;
	_ =	sdelay $0x1  }
0x225: {  	v8 =	vmul.f32 $1.442695020e+00, v48;
	_ =	sdelay $0x1  }
0x226: {  	(erf) = vpow2.f32 v8;
	_ =	sdelay $0x8  }
0x227: {  	v8 =	vpop (erf)  }
0x228: {  	v8 =	vadd.f32 $1.000000000e+00, v8;
	_ =	sdelay $0x1  }
0x229: {  	(erf) = vrcp.f32 v8;
	_ =	sdelay $0x8  }
0x22a: {  	v8 =	vpop (erf)  }
0x22b: {  	v7 =	vmul.f32 v8, v7;
	_ =	sdelay $0x1  }
0x22c: {  	v49 =	vld [tilespmem:$0x1EBA0];
	[tilespmem:s3+$0xFFFFFFC0] =	vst v7  }
0x22d: {  	v50 =	vld [tilespmem:s17+$0xFFFFFFD0]  }
0x22e: {  	v10 =	vld [tilespmem:s25+$0xFFFFFFD0];
	_ =	sdelay $0x1  }
0x22f: {  	v11 =	vld [tilespmem:s0+$0xFFFFFFD0];
	_ =	sdelay $0x2  }
0x230: {  	v9 =	vadd.f32 v10, v50;
	_ =	sdelay $0x1  }
0x231: {  	v9 =	vadd.f32 v11, v9;
	_ =	sdelay $0x1  }
0x232: {  	v51 =	vsub.f32 $0.0e+00, v9;
	_ =	sdelay $0x1  }
0x233: {  	v10 =	vmul.f32 $1.442695020e+00, v51;
	_ =	sdelay $0x1  }
0x234: {  	(erf) = vpow2.f32 v10;
	_ =	sdelay $0x8  }
0x235: {  	v10 =	vpop (erf)  }
0x236: {  	v10 =	vadd.f32 $1.000000000e+00, v10;
	_ =	sdelay $0x1  }
0x237: {  	(erf) = vrcp.f32 v10;
	_ =	sdelay $0x8  }
0x238: {  	v10 =	vpop (erf)  }
0x239: {  	v9 =	vmul.f32 v10, v9;
	_ =	sdelay $0x1  }
0x23a: {  	v52 =	vld [tilespmem:$0x1EBB0];
	[tilespmem:s3+$0xFFFFFFD0] =	vst v9  }
0x23b: {  	v53 =	vld [tilespmem:s17+$0xFFFFFFE0]  }
0x23c: {  	v12 =	vld [tilespmem:s25+$0xFFFFFFE0];
	_ =	sdelay $0x1  }
0x23d: {  	v13 =	vld [tilespmem:s0+$0xFFFFFFE0];
	_ =	sdelay $0x2  }
0x23e: {  	v11 =	vadd.f32 v12, v53;
	_ =	sdelay $0x1  }
0x23f: {  	v11 =	vadd.f32 v13, v11;
	_ =	sdelay $0x1  }
0x240: {  	v54 =	vsub.f32 $0.0e+00, v11;
	_ =	sdelay $0x1  }
0x241: {  	v12 =	vmul.f32 $1.442695020e+00, v54;
	_ =	sdelay $0x1  }
0x242: {  	(erf) = vpow2.f32 v12;
	_ =	sdelay $0x8  }
0x243: {  	v12 =	vpop (erf)  }
0x244: {  	v12 =	vadd.f32 $1.000000000e+00, v12;
	_ =	sdelay $0x1  }
0x245: {  	(erf) = vrcp.f32 v12;
	_ =	sdelay $0x8  }
0x246: {  	v12 =	vpop (erf)  }
0x247: {  	v11 =	vmul.f32 v12, v11;
	_ =	sdelay $0x1  }
0x248: {  	v55 =	vld [tilespmem:$0x1EBC0];
	[tilespmem:s3+$0xFFFFFFE0] =	vst v11  }
0x249: {  	v56 =	vld [tilespmem:s17+$0xFFFFFFF0]  }
0x24a: {  	v14 =	vld [tilespmem:s25+$0xFFFFFFF0];
	_ =	sdelay $0x1  }
0x24b: {  	v15 =	vld [tilespmem:s0+$0xFFFFFFF0];
	_ =	sdelay $0x2  }
0x24c: {  	v13 =	vadd.f32 v14, v56;
	_ =	sdelay $0x1  }
0x24d: {  	v13 =	vadd.f32 v15, v13;
	_ =	sdelay $0x1  }
0x24e: {  	v57 =	vsub.f32 $0.0e+00, v13;
	_ =	sdelay $0x1  }
0x24f: {  	v14 =	vmul.f32 $1.442695020e+00, v57;
	_ =	sdelay $0x1  }
0x250: {  	(erf) = vpow2.f32 v14;
	_ =	sdelay $0x8  }
0x251: {  	v14 =	vpop (erf)  }
0x252: {  	v14 =	vadd.f32 $1.000000000e+00, v14;
	_ =	sdelay $0x1  }
0x253: {  	(erf) = vrcp.f32 v14;
	_ =	sdelay $0x8  }
0x254: {  	v14 =	vpop (erf)  }
0x255: {  	v13 =	vmul.f32 v14, v13;
	_ =	sdelay $0x1  }
0x256: {  	v58 =	vld [tilespmem:$0x1EBD0];
	[tilespmem:s3+$0xFFFFFFF0] =	vst v13  }
0x257: {  	v59 =	vld [tilespmem:s17+$0x0]  }
0x258: {  	v16 =	vld [tilespmem:s25+$0x0];
	_ =	sdelay $0x1  }
0x259: {  	v17 =	vld [tilespmem:s0+$0x0];
	_ =	sdelay $0x2  }
0x25a: {  	v15 =	vadd.f32 v16, v59;
	_ =	sdelay $0x1  }
0x25b: {  	v15 =	vadd.f32 v17, v15;
	_ =	sdelay $0x1  }
0x25c: {  	v60 =	vsub.f32 $0.0e+00, v15;
	_ =	sdelay $0x1  }
0x25d: {  	v16 =	vmul.f32 $1.442695020e+00, v60;
	_ =	sdelay $0x1  }
0x25e: {  	(erf) = vpow2.f32 v16;
	_ =	sdelay $0x8  }
0x25f: {  	v16 =	vpop (erf)  }
0x260: {  	v16 =	vadd.f32 $1.000000000e+00, v16;
	_ =	sdelay $0x1  }
0x261: {  	(erf) = vrcp.f32 v16;
	_ =	sdelay $0x3  }
0x262: {  	v2 =	vmul.f32 v2, v43;
	_ =	sdelay $0x1  }
0x263: {  	v2 =	vadd.f32 $0.0e+00, v2;
	v3 =	vmul.f32 v3, v46;
	_ =	sdelay $0x1  }
0x264: {  	v2 =	vadd.f32 v3, v2;
	v3 =	vmul.f32 v5, v49  }
0x265: {  	v61 =	vpop (erf)  }
0x266: {  	v2 =	vadd.f32 v3, v2;
	v3 =	vmul.f32 v7, v52;
	v4 =	vmul.f32 v61, v15  }
0x267: {  	v62 =	vld [tilespmem:$0x1EBE0]  }
0x268: {  	v2 =	vadd.f32 v3, v2;
	v3 =	vmul.f32 v9, v55;
	[tilespmem:s3+$0x0] =	vst v4  }
0x269: {  	v63 =	vld [tilespmem:$0x1EBF0]  }
0x26a: {  	v2 =	vadd.f32 v3, v2;
	v3 =	vmul.f32 v11, v58;
	_ =	sdelay $0x1  }
0x26b: {  	v2 =	vadd.f32 v3, v2;
	v3 =	vmul.f32 v13, v62;
	_ =	sdelay $0x1  }
0x26c: {  	v2 =	vadd.f32 v3, v2;
	v3 =	vmul.f32 v4, v63;
	_ =	sdelay $0x1  }
0x26d: {  	v2 =	vadd.f32 v3, v2;
	_ =	sdelay $0x1  }
0x26e: {  	(xrf2) =	vadd.scan.msk.f32 $0xffff, v2;
	_ =	sdelay $0x7  }
0x26f: {  	p1 =	sne.s32 s28, $0xF  }
.Ltmp3:
0x270: {  	_ = 	snop;
	(pc) =	sbr.rel @p1 .LBB2_9-.Ltmp3, $4  }
0x271: {  	v2, _, _ =	vpop (xrf2)  }
0x272: {  	v3 =	vmov s28;
	v2 =	vbroadcast v2, $0xF  }
0x273: {  	s17 =	sadd.s32 $0x80, s17;
	s25 =	sadd.s32 $0x80, s25;
	vm0 =	veq.s32 v3, v0  }
0x274: {  	s0 =	sadd.s32 $0x80, s0;
	s3 =	sadd.s32 $0x80, s3;
	s28 =	sadd.s32 $0x1, s28;
	v1 =	vsel vm0, v2, v1  }
0x275: {  	v2 =	vld [tilespmem:$0x1C0B0]  }
0x276: {  	v3 =	vld [tilespmem:$0x1C130]  }
0x277: {  	v4 =	vld [tilespmem:$0x1C1B0];
	_ =	sdelay $0x2  }
0x278: {  	v2 =	vmul.f32 v2, v1  }
0x279: {  	v3 =	vmul.f32 v3, v1  }
0x27a: {  	v1 =	vmul.f32 v4, v1;
	[tilespmem:$0x1EA30] =	vst v2  }
0x27b: {  	s28 =	simm.s32 $0x0;
	s17 =	simm.s32 $0x168F0;
	[tilespmem:$0x1EAB0] =	vst v3  }
0x27c: {  	s25 =	simm.s32 $0x190F0;
	s0 =	simm.s32 $0x1B8F0;
	s3 =	simm.s32 $0x1E270;
	[tilespmem:$0x1EB30] =	vst v1;
	v1 =	vimm.f32 $0.0e+00  }
.LBB2_11:
0x27d: {  	v2 =	vld [tilespmem:s17+$0xFFFFFF90]  }
0x27e: {  	v3 =	vld [tilespmem:s25+$0xFFFFFF90];
	_ =	sdelay $0x1  }
0x27f: {  	v4 =	vld [tilespmem:s0+$0xFFFFFF90];
	_ =	sdelay $0x2  }
0x280: {  	v2 =	vadd.f32 v3, v2;
	_ =	sdelay $0x1  }
0x281: {  	v2 =	vadd.f32 v4, v2;
	_ =	sdelay $0x1  }
0x282: {  	v3 =	vsub.f32 $0.0e+00, v2;
	_ =	sdelay $0x1  }
0x283: {  	v3 =	vmul.f32 $1.442695020e+00, v3;
	_ =	sdelay $0x1  }
0x284: {  	(erf) = vpow2.f32 v3;
	_ =	sdelay $0x8  }
0x285: {  	v3 =	vpop (erf)  }
0x286: {  	v3 =	vadd.f32 $1.000000000e+00, v3;
	_ =	sdelay $0x1  }
0x287: {  	(erf) = vrcp.f32 v3;
	_ =	sdelay $0x8  }
0x288: {  	v3 =	vpop (erf)  }
0x289: {  	v2 =	vmul.f32 v3, v2;
	_ =	sdelay $0x1  }
0x28a: {  	[tilespmem:s3+$0xFFFFFF90] =	vst v2  }
0x28b: {  	v3 =	vld [tilespmem:s17+$0xFFFFFFA0]  }
0x28c: {  	v41 =	vld [tilespmem:s25+$0xFFFFFFA0];
	_ =	sdelay $0x1  }
0x28d: {  	v5 =	vld [tilespmem:s0+$0xFFFFFFA0];
	_ =	sdelay $0x2  }
0x28e: {  	v3 =	vadd.f32 v41, v3;
	_ =	sdelay $0x1  }
0x28f: {  	v3 =	vadd.f32 v5, v3;
	_ =	sdelay $0x1  }
0x290: {  	v42 =	vsub.f32 $0.0e+00, v3;
	_ =	sdelay $0x1  }
0x291: {  	v4 =	vmul.f32 $1.442695020e+00, v42;
	_ =	sdelay $0x1  }
0x292: {  	(erf) = vpow2.f32 v4;
	_ =	sdelay $0x8  }
0x293: {  	v4 =	vpop (erf)  }
0x294: {  	v4 =	vadd.f32 $1.000000000e+00, v4;
	_ =	sdelay $0x1  }
0x295: {  	(erf) = vrcp.f32 v4;
	_ =	sdelay $0x8  }
0x296: {  	v4 =	vpop (erf)  }
0x297: {  	v3 =	vmul.f32 v4, v3;
	_ =	sdelay $0x1  }
0x298: {  	v43 =	vld [tilespmem:$0x1EB80];
	[tilespmem:s3+$0xFFFFFFA0] =	vst v3  }
0x299: {  	v44 =	vld [tilespmem:s17+$0xFFFFFFB0]  }
0x29a: {  	v6 =	vld [tilespmem:s25+$0xFFFFFFB0];
	_ =	sdelay $0x1  }
0x29b: {  	v7 =	vld [tilespmem:s0+$0xFFFFFFB0];
	_ =	sdelay $0x2  }
0x29c: {  	v5 =	vadd.f32 v6, v44;
	_ =	sdelay $0x1  }
0x29d: {  	v5 =	vadd.f32 v7, v5;
	_ =	sdelay $0x1  }
0x29e: {  	v45 =	vsub.f32 $0.0e+00, v5;
	_ =	sdelay $0x1  }
0x29f: {  	v6 =	vmul.f32 $1.442695020e+00, v45;
	_ =	sdelay $0x1  }
0x2a0: {  	(erf) = vpow2.f32 v6;
	_ =	sdelay $0x8  }
0x2a1: {  	v6 =	vpop (erf)  }
0x2a2: {  	v6 =	vadd.f32 $1.000000000e+00, v6;
	_ =	sdelay $0x1  }
0x2a3: {  	(erf) = vrcp.f32 v6;
	_ =	sdelay $0x8  }
0x2a4: {  	v6 =	vpop (erf)  }
0x2a5: {  	v5 =	vmul.f32 v6, v5;
	_ =	sdelay $0x1  }
0x2a6: {  	v46 =	vld [tilespmem:$0x1EB90];
	[tilespmem:s3+$0xFFFFFFB0] =	vst v5  }
0x2a7: {  	v47 =	vld [tilespmem:s17+$0xFFFFFFC0]  }
0x2a8: {  	v8 =	vld [tilespmem:s25+$0xFFFFFFC0];
	_ =	sdelay $0x1  }
0x2a9: {  	v9 =	vld [tilespmem:s0+$0xFFFFFFC0];
	_ =	sdelay $0x2  }
0x2aa: {  	v7 =	vadd.f32 v8, v47;
	_ =	sdelay $0x1  }
0x2ab: {  	v7 =	vadd.f32 v9, v7;
	_ =	sdelay $0x1  }
0x2ac: {  	v48 =	vsub.f32 $0.0e+00, v7;
	_ =	sdelay $0x1  }
0x2ad: {  	v8 =	vmul.f32 $1.442695020e+00, v48;
	_ =	sdelay $0x1  }
0x2ae: {  	(erf) = vpow2.f32 v8;
	_ =	sdelay $0x8  }
0x2af: {  	v8 =	vpop (erf)  }
0x2b0: {  	v8 =	vadd.f32 $1.000000000e+00, v8;
	_ =	sdelay $0x1  }
0x2b1: {  	(erf) = vrcp.f32 v8;
	_ =	sdelay $0x8  }
0x2b2: {  	v8 =	vpop (erf)  }
0x2b3: {  	v7 =	vmul.f32 v8, v7;
	_ =	sdelay $0x1  }
0x2b4: {  	v49 =	vld [tilespmem:$0x1EBA0];
	[tilespmem:s3+$0xFFFFFFC0] =	vst v7  }
0x2b5: {  	v50 =	vld [tilespmem:s17+$0xFFFFFFD0]  }
0x2b6: {  	v10 =	vld [tilespmem:s25+$0xFFFFFFD0];
	_ =	sdelay $0x1  }
0x2b7: {  	v11 =	vld [tilespmem:s0+$0xFFFFFFD0];
	_ =	sdelay $0x2  }
0x2b8: {  	v9 =	vadd.f32 v10, v50;
	_ =	sdelay $0x1  }
0x2b9: {  	v9 =	vadd.f32 v11, v9;
	_ =	sdelay $0x1  }
0x2ba: {  	v51 =	vsub.f32 $0.0e+00, v9;
	_ =	sdelay $0x1  }
0x2bb: {  	v10 =	vmul.f32 $1.442695020e+00, v51;
	_ =	sdelay $0x1  }
0x2bc: {  	(erf) = vpow2.f32 v10;
	_ =	sdelay $0x8  }
0x2bd: {  	v10 =	vpop (erf)  }
0x2be: {  	v10 =	vadd.f32 $1.000000000e+00, v10;
	_ =	sdelay $0x1  }
0x2bf: {  	(erf) = vrcp.f32 v10;
	_ =	sdelay $0x8  }
0x2c0: {  	v10 =	vpop (erf)  }
0x2c1: {  	v9 =	vmul.f32 v10, v9;
	_ =	sdelay $0x1  }
0x2c2: {  	v52 =	vld [tilespmem:$0x1EBB0];
	[tilespmem:s3+$0xFFFFFFD0] =	vst v9  }
0x2c3: {  	v53 =	vld [tilespmem:s17+$0xFFFFFFE0]  }
0x2c4: {  	v12 =	vld [tilespmem:s25+$0xFFFFFFE0];
	_ =	sdelay $0x1  }
0x2c5: {  	v13 =	vld [tilespmem:s0+$0xFFFFFFE0];
	_ =	sdelay $0x2  }
0x2c6: {  	v11 =	vadd.f32 v12, v53;
	_ =	sdelay $0x1  }
0x2c7: {  	v11 =	vadd.f32 v13, v11;
	_ =	sdelay $0x1  }
0x2c8: {  	v54 =	vsub.f32 $0.0e+00, v11;
	_ =	sdelay $0x1  }
0x2c9: {  	v12 =	vmul.f32 $1.442695020e+00, v54;
	_ =	sdelay $0x1  }
0x2ca: {  	(erf) = vpow2.f32 v12;
	_ =	sdelay $0x8  }
0x2cb: {  	v12 =	vpop (erf)  }
0x2cc: {  	v12 =	vadd.f32 $1.000000000e+00, v12;
	_ =	sdelay $0x1  }
0x2cd: {  	(erf) = vrcp.f32 v12;
	_ =	sdelay $0x8  }
0x2ce: {  	v12 =	vpop (erf)  }
0x2cf: {  	v11 =	vmul.f32 v12, v11;
	_ =	sdelay $0x1  }
0x2d0: {  	v55 =	vld [tilespmem:$0x1EBC0];
	[tilespmem:s3+$0xFFFFFFE0] =	vst v11  }
0x2d1: {  	v56 =	vld [tilespmem:s17+$0xFFFFFFF0]  }
0x2d2: {  	v14 =	vld [tilespmem:s25+$0xFFFFFFF0];
	_ =	sdelay $0x1  }
0x2d3: {  	v15 =	vld [tilespmem:s0+$0xFFFFFFF0];
	_ =	sdelay $0x2  }
0x2d4: {  	v13 =	vadd.f32 v14, v56;
	_ =	sdelay $0x1  }
0x2d5: {  	v13 =	vadd.f32 v15, v13;
	_ =	sdelay $0x1  }
0x2d6: {  	v57 =	vsub.f32 $0.0e+00, v13;
	_ =	sdelay $0x1  }
0x2d7: {  	v14 =	vmul.f32 $1.442695020e+00, v57;
	_ =	sdelay $0x1  }
0x2d8: {  	(erf) = vpow2.f32 v14;
	_ =	sdelay $0x8  }
0x2d9: {  	v14 =	vpop (erf)  }
0x2da: {  	v14 =	vadd.f32 $1.000000000e+00, v14;
	_ =	sdelay $0x1  }
0x2db: {  	(erf) = vrcp.f32 v14;
	_ =	sdelay $0x8  }
0x2dc: {  	v14 =	vpop (erf)  }
0x2dd: {  	v13 =	vmul.f32 v14, v13;
	_ =	sdelay $0x1  }
0x2de: {  	v58 =	vld [tilespmem:$0x1EBD0];
	[tilespmem:s3+$0xFFFFFFF0] =	vst v13  }
0x2df: {  	v59 =	vld [tilespmem:s17+$0x0]  }
0x2e0: {  	v16 =	vld [tilespmem:s25+$0x0];
	_ =	sdelay $0x1  }
0x2e1: {  	v17 =	vld [tilespmem:s0+$0x0];
	_ =	sdelay $0x2  }
0x2e2: {  	v15 =	vadd.f32 v16, v59;
	_ =	sdelay $0x1  }
0x2e3: {  	v15 =	vadd.f32 v17, v15;
	_ =	sdelay $0x1  }
0x2e4: {  	v60 =	vsub.f32 $0.0e+00, v15;
	_ =	sdelay $0x1  }
0x2e5: {  	v16 =	vmul.f32 $1.442695020e+00, v60;
	_ =	sdelay $0x1  }
0x2e6: {  	(erf) = vpow2.f32 v16;
	_ =	sdelay $0x8  }
0x2e7: {  	v16 =	vpop (erf)  }
0x2e8: {  	v16 =	vadd.f32 $1.000000000e+00, v16;
	_ =	sdelay $0x1  }
0x2e9: {  	(erf) = vrcp.f32 v16;
	_ =	sdelay $0x3  }
0x2ea: {  	v2 =	vmul.f32 v2, v43;
	_ =	sdelay $0x1  }
0x2eb: {  	v2 =	vadd.f32 $0.0e+00, v2;
	v3 =	vmul.f32 v3, v46;
	_ =	sdelay $0x1  }
0x2ec: {  	v2 =	vadd.f32 v3, v2;
	v3 =	vmul.f32 v5, v49  }
0x2ed: {  	v61 =	vpop (erf)  }
0x2ee: {  	v2 =	vadd.f32 v3, v2;
	v3 =	vmul.f32 v7, v52;
	v4 =	vmul.f32 v61, v15  }
0x2ef: {  	v62 =	vld [tilespmem:$0x1EBE0]  }
0x2f0: {  	v2 =	vadd.f32 v3, v2;
	v3 =	vmul.f32 v9, v55;
	[tilespmem:s3+$0x0] =	vst v4  }
0x2f1: {  	v63 =	vld [tilespmem:$0x1EBF0]  }
0x2f2: {  	v2 =	vadd.f32 v3, v2;
	v3 =	vmul.f32 v11, v58;
	_ =	sdelay $0x1  }
0x2f3: {  	v2 =	vadd.f32 v3, v2;
	v3 =	vmul.f32 v13, v62;
	_ =	sdelay $0x1  }
0x2f4: {  	v2 =	vadd.f32 v3, v2;
	v3 =	vmul.f32 v4, v63;
	_ =	sdelay $0x1  }
0x2f5: {  	v2 =	vadd.f32 v3, v2;
	_ =	sdelay $0x1  }
0x2f6: {  	(xrf2) =	vadd.scan.msk.f32 $0xffff, v2;
	_ =	sdelay $0x7  }
0x2f7: {  	p1 =	sne.s32 s28, $0xF  }
.Ltmp4:
0x2f8: {  	_ = 	snop;
	(pc) =	sbr.rel @p1 .LBB2_11-.Ltmp4, $4  }
0x2f9: {  	v2, _, _ =	vpop (xrf2)  }
0x2fa: {  	v3 =	vmov s28;
	v2 =	vbroadcast v2, $0xF  }
0x2fb: {  	s17 =	sadd.s32 $0x80, s17;
	s25 =	sadd.s32 $0x80, s25;
	vm0 =	veq.s32 v3, v0  }
0x2fc: {  	s0 =	sadd.s32 $0x80, s0;
	s3 =	sadd.s32 $0x80, s3;
	s28 =	sadd.s32 $0x1, s28;
	v1 =	vsel vm0, v2, v1  }
0x2fd: {  	v2 =	vld [tilespmem:$0x1C0C0]  }
0x2fe: {  	v3 =	vld [tilespmem:$0x1C140]  }
0x2ff: {  	v4 =	vld [tilespmem:$0x1C1C0];
	_ =	sdelay $0x2  }
0x300: {  	v2 =	vmul.f32 v2, v1  }
0x301: {  	v3 =	vmul.f32 v3, v1  }
0x302: {  	v1 =	vmul.f32 v4, v1;
	[tilespmem:$0x1EA40] =	vst v2  }
0x303: {  	[tilespmem:$0x1EAC0] =	vst v3  }
0x304: {  	[tilespmem:$0x1EB40] =	vst v1  }
0x305: {  	[spmem:s4] =	stream.indirect.scatter.add.f32 [tilespmem:s21], [sflag:$0x1], $0x80, s1, s2, $0xb8;
	[tilespmem:$0x1EC00] =	vst v63  }
0x306: {  	_ =	swait.ge [sflag:s30], $0x2800  }
0x307: {  	[sflag:s30] =	ssyncset.done $0x0  }
0x308: {  	[sflag:s30] =	ssyncadd.s32 $0xFFFFD800  }
0x309: {  	[spmem:s5] =	stream.indirect.scatter.add.f32 [tilespmem:s22], [sflag:$0x1], $0x1, s1, s2, $0xb8;
	[tilespmem:$0x1EC00] =	vst v63  }
0x30a: {  	_ =	swait.ge [sflag:s30], $0x50  }
0x30b: {  	[sflag:s30] =	ssyncset.done $0x0  }
0x30c: {  	[sflag:s30] =	ssyncadd.s32 $0xFFFFFFB0  }
0x30d: {  	[spmem:s6] =	stream.indirect.scatter.add.f32 [tilespmem:s23], [sflag:$0x1], $0x1, s1, s2, $0xb8;
	[tilespmem:$0x1EC00] =	vst v63  }
0x30e: {  	s26 =	sadd.s32 $0x1, s26;
	_ =	swait.ge [sflag:s30], $0x50  }
0x30f: {  	p1 =	sne.s32 s26, $0x7D;
	[sflag:s30] =	ssyncset.done $0x0  }
.Ltmp5:
0x310: {  	[sflag:s30] =	ssyncadd.s32 $0xFFFFFFB0;
	(pc) =	sbr.rel @p1 .LBB2_2-.Ltmp5, $4  }
0x311: {  	[spmem:s7] =	stream.indirect.scatter.add.f32 [tilespmem:s24], [sflag:$0x1], $0x1, s1, s2, $0xb8;
	[tilespmem:$0x1EC00] =	vst v63  }
0x312: {  	_ =	swait.ge [sflag:s30], $0x50  }
0x313: {  	[sflag:s30] =	ssyncset.done $0x0  }
0x314: {  	[sflag:s30] =	ssyncadd.s32 $0xFFFFFFB0  }
0x315: {  	s0 =	stileid.u32;
	[bflag:$0x0] =	sbarrier.arrive $0xFFFF  }
0x316: {  	s0 =	sshll.u32 s0, $0x6;
	s3 =	rddreg [dreg:$0xa]  }
0x317: {  	s17 =	rddreg [dreg:$0xf];
	s0 =	sor.u32 $0x1C01, s0  }
0x318: {  	[hbm:s3], [sflag:s0] =	dma.local [spmem:s17], $0x2800  }
0x319: {  	_ =	swait.ge [sflag:s30], $0x2800  }
0x31a: {  	[sflag:s30] =	ssyncset.done $0x0;
	s17 =	rddreg [dreg:$0xb]  }
0x31b: {  	s25 =	rddreg [dreg:$0x10];
	[sflag:s30] =	ssyncadd.s32 $0xFFFFD800  }
0x31c: {  	[hbm:s17], [sflag:s0] =	dma.local [spmem:s25], $0x50  }
0x31d: {  	_ =	swait.ge [sflag:s30], $0x50  }
0x31e: {  	[sflag:s30] =	ssyncset.done $0x0;
	s26 =	rddreg [dreg:$0xc]  }
0x31f: {  	s28 =	rddreg [dreg:$0x11];
	[sflag:s30] =	ssyncadd.s32 $0xFFFFFFB0  }
0x320: {  	[hbm:s26], [sflag:s0] =	dma.local [spmem:s28], $0x50  }
0x321: {  	_ =	swait.ge [sflag:s30], $0x50  }
0x322: {  	[sflag:s30] =	ssyncset.done $0x0;
	s17 =	rddreg [dreg:$0xd]  }
0x323: {  	s25 =	rddreg [dreg:$0x12];
	[sflag:s30] =	ssyncadd.s32 $0xFFFFFFB0  }
0x324: {  	[hbm:s17], [sflag:s0] =	dma.local [spmem:s25], $0x50  }
0x325: {  	_ =	swait.ge [sflag:s30], $0x50  }
0x326: {  	s26 =	rddreg [dreg:$0x13]  }
0x327: {  	s28 =	rddreg [dreg:$0xe];
	s3 =	sadd.s32 $0x1, s26  }
0x328: {  	p1 =	sne.s32 s3, s28  }
.Ltmp6:
0x329: {  	_ = 	snop;
	(pc) =	sbr.rel @p1 .LBB2_1-.Ltmp6, $3  }
0x32a: {  	_ =	sdelay $0x1  }
0x32b: {  	[sflag:s30] =	ssyncset.done $0x0  }
0x32c: {  	[sflag:s30] =	ssyncadd.s32 $0xFFFFFFB0  }
0x32d: {  	_ =	sfence.sel $0x180000  }
0x32e: {  	[bflag:$0x0] =	sbarrier.arrive $0xFFFF  }
0x32f: {  	_ =	strace $0x9000004A  }
0x330: {  	[bflag:$0x2] =	sbarrier.arrive $0xFFFF  }
0x331: {  	s0 =	rddreg [dreg:$0x7]  }
0x332: {  	s0 =	sadd.s32 @!p0 $0x100000, s0  }
0x333: {  	[sflag:s0] =	ssyncadd.tile.s32 @!p0 $0x1;
	_ =	shalt  }
.Lfunc_end2:
_tile_overlayer_lowered:
.L_overlay_start_2:
0x334: {  	(tag) =	ssettag $0x2  }
0x335: {  	s0 =	rddreg [dreg:$0x0];
	s2 =	stileid.u32  }
0x336: {  	s1 =	rddreg [dreg:$0x1];
	p0 =	sne.s32 s2, $0x0  }
0x337: {  	s3 =	rddreg [dreg:$0x2];
	[bflag:$0x3] =	sbarrier.arrive $0xFFFF;
	s2 =	simm.s32 @!p0 $0x1C01  }
0x338: {  	[timem:s3], [sflag:s2] =	dma.local @!p0 [hbm:s0], s1  }
0x339: {  	s0 =	simm.s32 @!p0 $0x1  }
0x33a: {  	_ =	swait.ge @!p0 [sflag:s0], s1  }
0x33b: {  	s1 =	ssub.s32 @!p0 $0x0, s1;
	[sflag:s0] =	ssyncset.done @!p0 $0x0  }
0x33c: {  	[sflag:s0] =	ssyncadd.s32 @!p0 s1  }
0x33d: {  	[bflag:$0x3] =	sbarrier.arrive $0xFFFF  }
0x33e: {  	_ =	shalt  }

// kernel: kernel.21.cloned.1.call-start
scs
__scs_entry_jumppad:
0x0: {  	(pc) =	sbr.rel $0x88, $3  }
0x1: {  	(tag) =	ssettag $0x0;
	lr =	simm.s32 $0x1  }
0x2: {  	[smem:$0x3F8C] =	sst lr;
	_ =	strace $0xD0000000  }
0x3: {  	_ = 	snop  }
0x4: {  	_ = 	snop  }
0x5: {  	_ = 	snop  }
0x6: {  	_ = 	snop  }
0x7: {  	_ = 	snop  }
__scs_overlays_trampoline_lowered:
0x8: {  	[smem:$0x3F9B] =	sst s0  }
0x9: {  	[smem:$0x3F9C] =	sst s1  }
0xa: {  	[smem:$0x3F9D] =	sst s2  }
0xb: {  	[smem:$0x3F9E] =	sst s3  }
0xc: {  	[smem:$0x3F9F] =	sst s4  }
0xd: {  	[smem:$0x3FA0] =	sst s5  }
0xe: {  	[smem:$0x3FA1] =	sst s6  }
0xf: {  	[smem:$0x3FA2] =	sst s7  }
0x10: {  	[smem:$0x3FA3] =	sst s8  }
0x11: {  	[smem:$0x3FA4] =	sst s9;
	s0 =	simm.s32 @!p0 $0x0  }
0x12: {  	s1 =	sld [smem:$0x3F8A];
	s0 =	simm.s32 @p0 $0x1  }
0x13: {  	[smem:$0x3FA5] =	sst s0;
	s0 =	simm.s32 @!p1 $0x0  }
0x14: {  	s2 =	sld [smem:$0x3F89];
	s0 =	simm.s32 @p1 $0x1  }
0x15: {  	[smem:$0x3FA6] =	sst s0;
	s0 =	simm.s32 @!p2 $0x0  }
0x16: {  	s3 =	sld [smem:$0x3FDB];
	s0 =	simm.s32 @p2 $0x1  }
0x17: {  	s4 =	simm.s32 $0x1BF5;
	[smem:$0x3FA8] =	sst s0  }
0x18: {  	s0 =	sld [smem:$0x3F8B];
	_ =	swait.ge [sflag:s4], $0x0  }
0x19: {  	s7 =	sld [smem:$0x3F8C]  }
0x1a: {  	s8 =	sadd.s32 $0xFFFFE003, lr  }
0x1b: {  	s9 =	sadd.s32 $0xFFFFFEF7, lr;
	s5 =	simm.s32 $0xFFFFFFFF;
	p2 =	slt.u32 s8, $0xFFFFF086  }
0x1c: {  	p1 =	slt.u32 s9, $0xF7A;
	s5 =	simm.s32 @!p2 $0x0  }
0x1d: {  	s5 =	simm.s32 @p1 $0x1;
	p0 =	seq.s32 s7, s2  }
0x1e: {  	s7 =	smul.u32 @!p0 $0xF7A, s2;
	p2 =	seq.s32 @!p0 s5, $0x0  }
0x1f: {  	s9 =	smul.u32 $0xF7A, s1;
	s8 =	simm.s32 @!p0 $0x1BF5;
	p2 =	por !p2, p0  }
0x20: {  	[sflag:s8] =	ssyncset.s32 @!p0 $0xFFFFF086;
	s6 =	sadd.s32 @!p0 s3, s7;
	s7 =	simm.s32 @!p0 $0x108  }
0x21: {  	s3 =	sadd.s32 s3, s9;
	s6 =	sadd.s32 @!p0 $0x88, s6;
	s7 =	simm.s32 @p2 $0x1082  }
0x22: {  	[simem:s7], [sflag:s8] =	dma.local @!p0 [hbm:s6], $0xF7A  }
0x23: {  	s9 =	sor.u32 $0xD0000000, s2;
	s6 =	simm.s32 $0x108;
	_ =	swait.ge @!p0 [sflag:s8], $0x0  }
0x24: {  	s3 =	sadd.s32 $0x88, s3;
	s6 =	simm.s32 @!p1 $0x1082;
	[sflag:s4] =	ssyncset.s32 $0xFFFFF086  }
0x25: {  	[simem:s6], [sflag:s4] =	dma.local [hbm:s3], $0xF7A  }
0x26: {  	[smem:$0x3F8C] =	sst s1;
	(tag) =	ssettag s2;
	_ =	strace s9  }
0x27: {  	s1 =	sld [smem:$0x3F9C]  }
0x28: {  	s2 =	sld [smem:$0x3F9D]  }
0x29: {  	s4 =	sld [smem:$0x3F9F]  }
0x2a: {  	p0 =	seq.s32 s5, $0x0;
	s5 =	sld [smem:$0x3FA0]  }
0x2b: {  	s6 =	sld [smem:$0x3FA1]  }
0x2c: {  	s7 =	sld [smem:$0x3FA2]  }
0x2d: {  	s3 =	simm.s32 $0x108;
	s8 =	sld [smem:$0x3FA3]  }
0x2e: {  	s3 =	simm.s32 @!p0 $0x1082;
	s9 =	sld [smem:$0x3FA4]  }
0x2f: {  	lr =	sadd.s32 s0, s3;
	s0 =	sld [smem:$0x3F9B]  }
0x30: {  	s3 =	sld [smem:$0x3F9E]  }
0x31: {  	[smem:$0x3FA7] =	sst s10  }
0x32: {  	s10 =	sld [smem:$0x3FA5];
	_ =	sdelay $0x3  }
0x33: {  	p0 =	seq.s32 s10, $0x1;
	s10 =	sld [smem:$0x3FA7];
	_ =	sdelay $0x3  }
0x34: {  	[smem:$0x3FA7] =	sst s10  }
0x35: {  	s10 =	sld [smem:$0x3FA6];
	_ =	sdelay $0x3  }
0x36: {  	p1 =	seq.s32 s10, $0x1;
	s10 =	sld [smem:$0x3FA7];
	_ =	sdelay $0x3  }
0x37: {  	[smem:$0x3FA7] =	sst s10  }
0x38: {  	s10 =	sld [smem:$0x3FA8]  }
0x39: {  	_ = 	snop;
	(pc) =	sbr.ind lr, $3  }
0x3a: {  	_ = 	snop  }
0x3b: {  	_ = 	snop  }
0x3c: {  	p2 =	seq.s32 s10, $0x1;
	s10 =	sld [smem:$0x3FA7]  }
0x3d: {  	_ =	shalt  }
0x3e: {  	_ =	shalt  }
0x3f: {  	_ =	shalt  }
0x40: {  	_ =	shalt  }
0x41: {  	_ =	shalt  }
0x42: {  	_ =	shalt  }
0x43: {  	_ =	shalt  }
0x44: {  	_ =	shalt  }
0x45: {  	_ =	shalt  }
0x46: {  	_ =	shalt  }
0x47: {  	_ =	shalt  }
0x48: {  	_ =	shalt  }
0x49: {  	_ =	shalt  }
0x4a: {  	_ =	shalt  }
0x4b: {  	_ =	shalt  }
0x4c: {  	_ =	shalt  }
0x4d: {  	_ =	shalt  }
0x4e: {  	_ =	shalt  }
0x4f: {  	_ =	shalt  }
0x50: {  	_ =	shalt  }
0x51: {  	_ =	shalt  }
0x52: {  	_ =	shalt  }
0x53: {  	_ =	shalt  }
0x54: {  	_ =	shalt  }
0x55: {  	_ =	shalt  }
0x56: {  	_ =	shalt  }
0x57: {  	_ =	shalt  }
0x58: {  	_ =	shalt  }
0x59: {  	_ =	shalt  }
0x5a: {  	_ =	shalt  }
0x5b: {  	_ =	shalt  }
0x5c: {  	_ =	shalt  }
0x5d: {  	_ =	shalt  }
0x5e: {  	_ =	shalt  }
0x5f: {  	_ =	shalt  }
0x60: {  	_ =	shalt  }
0x61: {  	_ =	shalt  }
0x62: {  	_ =	shalt  }
0x63: {  	_ =	shalt  }
0x64: {  	_ =	shalt  }
0x65: {  	_ =	shalt  }
0x66: {  	_ =	shalt  }
0x67: {  	_ =	shalt  }
0x68: {  	_ =	shalt  }
0x69: {  	_ =	shalt  }
0x6a: {  	_ =	shalt  }
0x6b: {  	_ =	shalt  }
0x6c: {  	_ =	shalt  }
0x6d: {  	_ =	shalt  }
0x6e: {  	_ =	shalt  }
0x6f: {  	_ =	shalt  }
0x70: {  	_ =	shalt  }
0x71: {  	_ =	shalt  }
0x72: {  	_ =	shalt  }
0x73: {  	_ =	shalt  }
0x74: {  	_ =	shalt  }
0x75: {  	_ =	shalt  }
0x76: {  	_ =	shalt  }
0x77: {  	_ =	shalt  }
0x78: {  	_ =	shalt  }
0x79: {  	_ =	shalt  }
0x7a: {  	_ =	shalt  }
0x7b: {  	_ =	shalt  }
0x7c: {  	_ =	shalt  }
0x7d: {  	_ =	shalt  }
0x7e: {  	_ =	shalt  }
0x7f: {  	_ =	shalt  }
0x80: {  	_ =	shalt  }
0x81: {  	_ =	shalt  }
0x82: {  	_ =	shalt  }
0x83: {  	_ =	shalt  }
0x84: {  	_ =	shalt  }
0x85: {  	_ =	shalt  }
0x86: {  	_ =	shalt  }
0x87: {  	_ =	shalt  }
.Lfunc_end0:
.L_simem_size_0:
called_computation.2_lowered:
.L_overlay_start_0:
0x88: {  	s2 =	sld [smem:$0x3FD9]  }
0x89: {  	s3 =	sld [smem:$0x3FFE];
	_ =	sdelay $0x1  }
0x8a: {  	s1 =	srdreg.scid  }
0x8b: {  	s0 =	sand.u32 $0x1, s1  }
0x8c: {  	s14 =	sshll.u32 s0, $0xA;
	s2 =	sadd.s32 s3, s2  }
0x8d: {  	s2 =	sadd.s32 s2, s14  }
0x8e: {  	[smem:$0x3FB3] =	sst s2  }
0x8f: {  	_ = 	snop  }
0x90: {  	s2 =	sld [smem:$0x3FD0];
	_ =	sdelay $0x2  }
0x91: {  	s4 =	simm.s32 $0xA;
	s5 =	simm.s32 $0x10;
	s15 =	sld [smem:$0x3FB7]  }
0x92: {  	[smem:s5], [sflag:s4] =	dma.local [hbm:s2], $0x1  }
0x93: {  	_ =	swait.eq [sflag:s4], $0x1  }
0x94: {  	[sflag:s4] =	ssyncset.done $0x0  }
0x95: {  	s16 =	sld [smem:$0x10];
	[sflag:s4] =	ssyncadd.s32 $0xFFFFFFFF  }
0x96: {  	s17 =	sld [smem:$0x11];
	(tm) =	ssettm $0x1  }
0x97: {  	s18 =	sld [smem:$0x3FFB];
	_ =	sdelay $0x3  }
0x98: {  	_ =	strace s18  }
0x99: {  	s5 =	sld [smem:$0x3FFC];
	_ =	sdelay $0x3  }
0x9a: {  	_ =	strace s5  }
0x9b: {  	s5 =	sld [smem:$0x3FFD];
	_ =	sdelay $0x3  }
0x9c: {  	_ =	strace s5  }
0x9d: {  	_ =	strace $0x8FFFFFFF  }
0x9e: {  	s19 =	sld [smem:$0x3FDB];
	_ =	sdelay $0x1  }
0x9f: {  	s6 =	simm.s32 $_scs_section_size  }
0xa0: {  	s7 =	simm.s32 $_size__tile_overlayer_lowered;
	s8 =	simm.s32 $_tile_overlayer_lowered  }
0xa1: {  	s22 =	simm.s32 $0x1BFF;
	s21 =	sshll.u32 s8, $0x1;
	s5 =	sadd.s32 s6, s19  }
0xa2: {  	s9 =	simm.s32 $0x0;
	s20 =	sshll.u32 s7, $0x1;
	s7 =	sadd.s32 s21, s5  }
0xa3: {  	[timem:s9], [sflag:s22] =	dma.local [hbm:s7], s20  }
0xa4: {  	_ =	swait.ge [sflag:s22], s20  }
0xa5: {  	s6 =	ssub.s32 $0x0, s20;
	[sflag:s22] =	ssyncset.done $0x0  }
0xa6: {  	[sflag:s22] =	ssyncadd.s32 s6;
	_ =	sdelay $0x1  }
0xa7: {  	s23 =	simm.s32 $0x1B8B  }
0xa8: {  	_ =	swait.ge [sflag:s23], $0x1  }
0xa9: {  	[sflag:s23] =	ssyncset.done $0x0  }
0xaa: {  	s25 =	simm.s32 $0x1B8E;
	s24 =	sld [smem:$0x3FFE];
	[sflag:s23] =	ssyncadd.s32 $0xFFFFFFFF  }
0xab: {  	s26 =	simm.s32 $execute0_lowered;
	[smem:$0x3FD2] =	sst s25  }
0xac: {  	s7 =	sshll.u32 s26, $0x1;
	_ =	strace $0x8000004C;
	[dreg:$0x1] =	wrdreg $0xFFFFFFFF  }
0xad: {  	s28 =	simm.s32 $_size_execute0_lowered;
	s5 =	sadd.s32 s5, s7;
	[dreg:$0x0] =	wrdreg $0x0  }
0xae: {  	s7 =	sshll.u32 s28, $0x1;
	[dreg:$0x2] =	wrdreg s5  }
0xaf: {  	[dreg:$0x3] =	wrdreg s7  }
0xb0: {  	[dreg:$0x4] =	wrdreg $0xC0  }
0xb1: {  	_ =	task [dreg:s9], $0x5FFFF  }
0xb2: {  	[dreg:$0x1] =	wrdreg $0xFFFFFFFF  }
0xb3: {  	[dreg:$0x0] =	wrdreg $0x60  }
0xb4: {  	[dreg:$0x2] =	wrdreg s24  }
0xb5: {  	[dreg:$0x3] =	wrdreg s17  }
0xb6: {  	[dreg:$0x4] =	wrdreg s15  }
0xb7: {  	[dreg:$0x5] =	wrdreg s16  }
0xb8: {  	[dreg:$0x6] =	wrdreg $0x0  }
0xb9: {  	[dreg:$0x7] =	wrdreg $0x140000  }
0xba: {  	[dreg:$0x8] =	wrdreg $0x142800  }
0xbb: {  	[dreg:$0x9] =	wrdreg $0x145000  }
0xbc: {  	[dreg:$0xa] =	wrdreg $0x9  }
0xbd: {  	_ =	task.clear_ibuf [dreg:s9], $0xBFFFF;
	_ =	strace $0x9000004C  }
0xbe: {  	s29 =	simm.s32 $0x9;
	_ =	strace $0x8000004E  }
0xbf: {  	_ =	swait.ge [sflag:s29], $0x1  }
0xc0: {  	[sflag:s29] =	ssyncadd.s32 $0xFFFFFFFF  }
0xc1: {  	_ =	strace $0x9000004E  }
0xc2: {  	_ =	sfence  }
0xc3: {  	s30 =	sld [smem:$0x0];
	_ =	sdelay $0x2  }
0xc4: {  	s31 =	sshll.u32 s1, $0xD;
	s1 =	sshrl.u32 s1, $0x2  }
0xc5: {  	s3 =	sand.u32 $0x4000, s31;
	s1 =	sadd.s32 s1, s30  }
0xc6: {  	s0 =	sor.u32 s3, s0;
	s1 =	sshll.u32 s1, $0x11  }
0xc7: {  	s0 =	sor.u32 s1, s0  }
0xc8: {  	s0 =	sadd.s32 $0x8F2B, s0  }
0xc9: {  	[sflag:s0] =	ssyncadd.remote.s32 $0x1  }
0xca: {  	_ =	sfence.sel $0xFFFF  }
0xcb: {  	[dreg:$0x0] =	wrdreg $0xFFFFFFFF;
	(pc) =	sbr.abs _section_cstart, $3  }
0xcc: {  	[dreg:$0x1] =	wrdreg $0xFFFFFFFF  }
0xcd: {  	_ =	task.clear_ibuf [dreg:s9], $0x2FFFF;
	_ =	strace $0x9FFFFFFF  }
0xce: {  	(tm) =	ssettm $0x7FFFFFFF  }
0xcf: {  	_ =	shalt  }
tec
execute0_lowered:
.L_overlay_start_1:
0x0: {  	(tag) =	ssettag $0x1  }
0x1: {  	s0 =	rddreg [dreg:$0x0]  }
0x2: {  	s1 =	rddreg [dreg:$0x3]  }
0x3: {  	s19 =	rddreg [dreg:$0x4]  }
0x4: {  	s20 =	rddreg [dreg:$0x5]  }
0x5: {  	s21 =	rddreg [dreg:$0x6]  }
0x6: {  	s22 =	rddreg [dreg:$0x7];
	s2 =	simm.s32 $0x0  }
0x7: {  	s4 =	srdreg.scid;
	s23 =	stileid.u32;
	s30 =	simm.s32 $0x1  }
0x8: {  	s31 =	simm.s32 $0x14780;
	s29 =	simm.s32 $0x17080;
	[smem:$0x7FF] =	sst s2  }
0x9: {  	s8 =	sadd.s32 $0x2FE00, s0;
	s10 =	sadd.s32 $0xA95E00, s0;
	s2 =	sand.u32 $0x1, s4  }
0xa: {  	s3 =	smul.u32 $0x280, s23;
	s11 =	sadd.s32 $0x58BE00, s0;
	s12 =	sadd.s32 $0x11400, s0  }
0xb: {  	s13 =	sadd.s32 $0x1B200, s0;
	s14 =	sadd.s32 $0x25000, s0;
	s15 =	sadd.s32 $0x7600, s0  }
0xc: {  	s4 =	sadd.s32 $0xA6DE00, s0;
	s18 =	sshll.u32 s23, $0x1;
	s5 =	smul.u32 $0x50000, s23  }
0xd: {  	s6 =	sadd.s32 $0x2EE00, s0;
	p0 =	sne.s32 s23, $0x0;
	s23 =	simm.s32 $0x1EA80  }
0xe: {  	_ =	strace $0x8000004D;
	s7 =	smul.u32 $0x2800, s2;
	[dreg:$0x9] =	wrdreg s4  }
0xf: {  	s9 =	ssub.s32 $0x2, s2;
	s2 =	sor.u32 s2, s18;
	[dreg:$0xa] =	wrdreg s6  }
0x10: {  	s4 =	smov.u32 s19;
	s6 =	smov.u32 s21;
	s17 =	sshrl.u32 s9, $0x1  }
0x11: {  	s18 =	smul.u32 $0x2710, s2;
	s24 =	sadd.s32 s3, s20;
	s25 =	sadd.s32 s3, s21  }
0x12: {  	s21 =	simm.s32 $0x1C200;
	s7 =	sadd.s32 s3, s7;
	s9 =	ssub.s32 s9, s17  }
0x13: {  	s17 =	sshrl.u32 s5, $0x2;
	s3 =	sadd.s32 s3, s22;
	s26 =	sshrl.u32 s25, $0x3  }
0x14: {  	s16 =	sshll.u32 s7, $0x4;
	s7 =	sshrl.u32 s7, $0x3;
	s2 =	sadd.s32 s17, s19  }
0x15: {  	s9 =	smax.u32 s9, $0x1;
	[dreg:$0x12] =	wrdreg s26;
	s28 =	sshrl.u32 s3, $0x3  }
0x16: {  	s3 =	simm.s32 $0x0;
	s16 =	sadd.s32 s16, s0;
	[dreg:$0xf] =	wrdreg s9  }
0x17: {  	s0 =	sadd.s32 s7, s0;
	s1 =	sadd.s32 s1, s7;
	[dreg:$0x13] =	wrdreg s28  }
0x18: {  	s7 =	smov.u32 s22;
	s2 =	sshrl.u32 s2, $0x3;
	[dreg:$0xc] =	wrdreg s1  }
0x19: {  	s9 =	simm.s32 $0x19880;
	s5 =	sadd.s32 $0x5A800, s16;
	[dreg:$0x10] =	wrdreg s2  }
0x1a: {  	s22 =	simm.s32 $0x1EA00;
	s19 =	sadd.s32 $0x59E00, s0;
	[dreg:$0xb] =	wrdreg s5  }
0x1b: {  	s0 =	sadd.s32 $0x58600, s0;
	s2 =	simm.s32 $0x14800;
	[dreg:$0xd] =	wrdreg s19  }
0x1c: {  	s1 =	simm.s32 $0x50;
	s16 =	simm.s32 $0x1C080;
	[dreg:$0xe] =	wrdreg s0  }
0x1d: {  	s5 =	smov.u32 s20;
	s0 =	sshrl.u32 s24, $0x3;
	s19 =	simm.s32 $0x1C100  }
0x1e: {  	v0 =	vlaneseq.u32;
	s20 =	simm.s32 $0x1C180;
	s24 =	simm.s32 $0x1EB00;
	[dreg:$0x11] =	wrdreg s0  }
.LBB2_1:
0x1f: {  	[dreg:$0x14] =	wrdreg s3  }
0x20: {  	s0 =	sshrl.u32 @!p0 s4, $0x3;
	s3 =	simm.s32 @!p0 $0x1C01;
	s17 =	rddreg [dreg:$0x9]  }
0x21: {  	[spmem:s0], [sflag:s3] =	dma.local @!p0 [hbm:s17], $0x28000  }
0x22: {  	s0 =	simm.s32 @!p0 $0x1  }
0x23: {  	_ =	swait.ge @!p0 [sflag:s0], $0x28000  }
0x24: {  	[sflag:s0] =	ssyncset.done @!p0 $0x0  }
0x25: {  	s17 =	sshrl.u32 @!p0 s5, $0x3;
	s25 =	rddreg [dreg:$0xa];
	[sflag:s0] =	ssyncadd.s32 @!p0 $0xFFFD8000  }
0x26: {  	[spmem:s17], [sflag:s3] =	dma.local @!p0 [hbm:s25], $0x500  }
0x27: {  	_ =	swait.ge @!p0 [sflag:s0], $0x500  }
0x28: {  	[sflag:s0] =	ssyncset.done @!p0 $0x0  }
0x29: {  	s17 =	sshrl.u32 @!p0 s6, $0x3;
	[sflag:s0] =	ssyncadd.s32 @!p0 $0xFFFFFB00  }
0x2a: {  	[spmem:s17], [sflag:s3] =	dma.local @!p0 [hbm:s25], $0x500  }
0x2b: {  	_ =	swait.ge @!p0 [sflag:s0], $0x500  }
0x2c: {  	[sflag:s0] =	ssyncset.done @!p0 $0x0  }
0x2d: {  	s17 =	sshrl.u32 @!p0 s7, $0x3;
	[sflag:s0] =	ssyncadd.s32 @!p0 $0xFFFFFB00  }
0x2e: {  	[spmem:s17], [sflag:s3] =	dma.local @!p0 [hbm:s25], $0x500  }
0x2f: {  	_ =	swait.ge @!p0 [sflag:s0], $0x500  }
0x30: {  	[sflag:s0] =	ssyncset.done @!p0 $0x0  }
0x31: {  	[sflag:s0] =	ssyncadd.s32 @!p0 $0xFFFFFB00  }
0x32: {  	s26 =	simm.s32 $0x0;
	s28 =	simm.s32 $0x1EB80;
	s0 =	rddreg [dreg:$0x2]  }
0x33: {  	[tilespmem:s28], [sflag:$0x1] =	stream.linear.gather [hbm4b:s0+s26], $0x80, $0x38;
	[tilespmem:$0x1EC00] =	vst v63  }
0x34: {  	_ =	swait.ge [sflag:s30], $0x80  }
0x35: {  	[sflag:s30] =	ssyncset.done $0x0  }
0x36: {  	[sflag:s30] =	ssyncadd.s32 $0xFFFFFF80  }
0x37: {  	s26 =	simm.s32 $0x0;
	[bflag:$0x0] =	sbarrier.arrive $0xFFFF  }
.LBB2_2:
0x38: {  	s0 =	smul.u32 $0x50, s26;
	_ =	sdelay $0x1  }
0x39: {  	s0 =	sadd.s32 s18, s0  }
0x3a: {  	s3 =	sshrl.u32 s0, $0x3  }
0x3b: {  	s28 =	simm.s32 $0x0;
	s17 =	sadd.s32 s15, s3  }
0x3c: {  	[tilespmem:s31], [sflag:$0x1] =	stream.linear.gather [hbm4b:s17+s28], $0x50, $0x38;
	[tilespmem:$0x1EC00] =	vst v63  }
0x3d: {  	_ =	swait.ge [sflag:s30], $0x50  }
0x3e: {  	[sflag:s30] =	ssyncset.done $0x0  }
0x3f: {  	[sflag:s30] =	ssyncadd.s32 $0xFFFFFFB0  }
0x40: {  	s25 =	rddreg [dreg:$0x1]  }
0x41: {  	s17 =	sadd.s32 s25, s3  }
0x42: {  	[tilespmem:s2], [sflag:$0x1] =	stream.linear.gather [hbm4b:s17+s28], $0x50, $0x38;
	[tilespmem:$0x1EC00] =	vst v63  }
0x43: {  	_ =	swait.ge [sflag:s30], $0x50  }
0x44: {  	[sflag:s30] =	ssyncset.done $0x0  }
0x45: {  	s25 =	simm.s32 $0x14880;
	[sflag:s30] =	ssyncadd.s32 $0xFFFFFFB0  }
0x46: {  	[tilespmem:s25], [sflag:$0x1] =	stream.indirect.gather [hbm4b:s8+s1], $0x80, s31, s1, $0xb8;
	[tilespmem:$0x1EC00] =	vst v63  }
0x47: {  	_ =	swait.ge [sflag:s30], $0x2800  }
0x48: {  	[sflag:s30] =	ssyncset.done $0x0  }
0x49: {  	[sflag:s30] =	ssyncadd.s32 $0xFFFFD800  }
0x4a: {  	[tilespmem:s29], [sflag:$0x1] =	stream.indirect.gather [hbm4b:s10+s1], $0x80, s2, s1, $0xb8;
	[tilespmem:$0x1EC00] =	vst v63  }
0x4b: {  	_ =	swait.ge [sflag:s30], $0x2800  }
0x4c: {  	s0 =	sshll.u32 s0, $0x4;
	[sflag:s30] =	ssyncset.done $0x0  }
0x4d: {  	s0 =	sadd.s32 s11, s0;
	[sflag:s30] =	ssyncadd.s32 $0xFFFFD800  }
0x4e: {  	[tilespmem:s9], [sflag:$0x1] =	stream.linear.gather [hbm4b:s0+s28], $0x2800, $0x38;
	[tilespmem:$0x1EC00] =	vst v63  }
0x4f: {  	_ =	swait.ge [sflag:s30], $0x2800  }
0x50: {  	[sflag:s30] =	ssyncset.done $0x0  }
0x51: {  	s25 =	sadd.s32 s12, s3;
	[sflag:s30] =	ssyncadd.s32 $0xFFFFD800  }
0x52: {  	[tilespmem:s16], [sflag:$0x1] =	stream.linear.gather [hbm4b:s25+s28], $0x50, $0x38;
	[tilespmem:$0x1EC00] =	vst v63  }
0x53: {  	_ =	swait.ge [sflag:s30], $0x50  }
0x54: {  	[sflag:s30] =	ssyncset.done $0x0  }
0x55: {  	s17 =	sadd.s32 s13, s3;
	[sflag:s30] =	ssyncadd.s32 $0xFFFFFFB0  }
0x56: {  	[tilespmem:s19], [sflag:$0x1] =	stream.linear.gather [hbm4b:s17+s28], $0x50, $0x38;
	[tilespmem:$0x1EC00] =	vst v63  }
0x57: {  	_ =	swait.ge [sflag:s30], $0x50  }
0x58: {  	[sflag:s30] =	ssyncset.done $0x0  }
0x59: {  	s25 =	sadd.s32 s14, s3;
	[sflag:s30] =	ssyncadd.s32 $0xFFFFFFB0  }
0x5a: {  	[tilespmem:s20], [sflag:$0x1] =	stream.linear.gather [hbm4b:s25+s28], $0x50, $0x38;
	[tilespmem:$0x1EC00] =	vst v63  }
0x5b: {  	_ =	swait.ge [sflag:s30], $0x50  }
0x5c: {  	s0 =	simm.s32 $0x198C0;
	s3 =	simm.s32 $0x1C240;
	[sflag:s30] =	ssyncset.done $0x0  }
0x5d: {  	v1 =	vimm.f32 $0.0e+00;
	s17 =	simm.s32 $0x148C0;
	s25 =	simm.s32 $0x170C0;
	[sflag:s30] =	ssyncadd.s32 $0xFFFFFFB0  }
.LBB2_3:
0x5e: {  	v2 =	vld [tilespmem:s17+$0xFFFFFFC0]  }
0x5f: {  	v3 =	vld [tilespmem:s25+$0xFFFFFFC0];
	_ =	sdelay $0x1  }
0x60: {  	v4 =	vld [tilespmem:s0+$0xFFFFFFC0];
	_ =	sdelay $0x2  }
0x61: {  	v2 =	vadd.f32 v3, v2;
	_ =	sdelay $0x1  }
0x62: {  	v2 =	vadd.f32 v4, v2;
	_ =	sdelay $0x1  }
0x63: {  	v3 =	vsub.f32 $0.0e+00, v2;
	_ =	sdelay $0x1  }
0x64: {  	v3 =	vmul.f32 $1.442695020e+00, v3;
	_ =	sdelay $0x1  }
0x65: {  	(erf) = vpow2.f32 v3;
	_ =	sdelay $0x8  }
0x66: {  	v3 =	vpop (erf)  }
0x67: {  	v3 =	vadd.f32 $1.000000000e+00, v3;
	_ =	sdelay $0x1  }
0x68: {  	(erf) = vrcp.f32 v3;
	_ =	sdelay $0x8  }
0x69: {  	v3 =	vpop (erf)  }
0x6a: {  	v2 =	vmul.f32 v3, v2;
	_ =	sdelay $0x1  }
0x6b: {  	[tilespmem:s3+$0xFFFFFFC0] =	vst v2  }
0x6c: {  	v3 =	vld [tilespmem:s17+$0xFFFFFFD0]  }
0x6d: {  	v41 =	vld [tilespmem:s25+$0xFFFFFFD0];
	_ =	sdelay $0x1  }
0x6e: {  	v5 =	vld [tilespmem:s0+$0xFFFFFFD0];
	_ =	sdelay $0x2  }
0x6f: {  	v3 =	vadd.f32 v41, v3;
	_ =	sdelay $0x1  }
0x70: {  	v3 =	vadd.f32 v5, v3;
	_ =	sdelay $0x1  }
0x71: {  	v42 =	vsub.f32 $0.0e+00, v3;
	_ =	sdelay $0x1  }
0x72: {  	v4 =	vmul.f32 $1.442695020e+00, v42;
	_ =	sdelay $0x1  }
0x73: {  	(erf) = vpow2.f32 v4;
	_ =	sdelay $0x8  }
0x74: {  	v4 =	vpop (erf)  }
0x75: {  	v4 =	vadd.f32 $1.000000000e+00, v4;
	_ =	sdelay $0x1  }
0x76: {  	(erf) = vrcp.f32 v4;
	_ =	sdelay $0x8  }
0x77: {  	v4 =	vpop (erf)  }
0x78: {  	v3 =	vmul.f32 v4, v3;
	_ =	sdelay $0x1  }
0x79: {  	v43 =	vld [tilespmem:$0x1EB80];
	[tilespmem:s3+$0xFFFFFFD0] =	vst v3  }
0x7a: {  	v44 =	vld [tilespmem:s17+$0xFFFFFFE0]  }
0x7b: {  	v6 =	vld [tilespmem:s25+$0xFFFFFFE0];
	_ =	sdelay $0x1  }
0x7c: {  	v7 =	vld [tilespmem:s0+$0xFFFFFFE0];
	_ =	sdelay $0x2  }
0x7d: {  	v5 =	vadd.f32 v6, v44;
	_ =	sdelay $0x1  }
0x7e: {  	v5 =	vadd.f32 v7, v5;
	_ =	sdelay $0x1  }
0x7f: {  	v45 =	vsub.f32 $0.0e+00, v5;
	_ =	sdelay $0x1  }
0x80: {  	v6 =	vmul.f32 $1.442695020e+00, v45;
	_ =	sdelay $0x1  }
0x81: {  	(erf) = vpow2.f32 v6;
	_ =	sdelay $0x8  }
0x82: {  	v6 =	vpop (erf)  }
0x83: {  	v6 =	vadd.f32 $1.000000000e+00, v6;
	_ =	sdelay $0x1  }
0x84: {  	(erf) = vrcp.f32 v6;
	_ =	sdelay $0x8  }
0x85: {  	v6 =	vpop (erf)  }
0x86: {  	v5 =	vmul.f32 v6, v5;
	_ =	sdelay $0x1  }
0x87: {  	v46 =	vld [tilespmem:$0x1EB90];
	[tilespmem:s3+$0xFFFFFFE0] =	vst v5  }
0x88: {  	v47 =	vld [tilespmem:s17+$0xFFFFFFF0]  }
0x89: {  	v8 =	vld [tilespmem:s25+$0xFFFFFFF0];
	_ =	sdelay $0x1  }
0x8a: {  	v9 =	vld [tilespmem:s0+$0xFFFFFFF0];
	_ =	sdelay $0x2  }
0x8b: {  	v7 =	vadd.f32 v8, v47;
	_ =	sdelay $0x1  }
0x8c: {  	v7 =	vadd.f32 v9, v7;
	_ =	sdelay $0x1  }
0x8d: {  	v48 =	vsub.f32 $0.0e+00, v7;
	_ =	sdelay $0x1  }
0x8e: {  	v8 =	vmul.f32 $1.442695020e+00, v48;
	_ =	sdelay $0x1  }
0x8f: {  	(erf) = vpow2.f32 v8;
	_ =	sdelay $0x8  }
0x90: {  	v8 =	vpop (erf)  }
0x91: {  	v8 =	vadd.f32 $1.000000000e+00, v8;
	_ =	sdelay $0x1  }
0x92: {  	(erf) = vrcp.f32 v8;
	_ =	sdelay $0x8  }
0x93: {  	v8 =	vpop (erf)  }
0x94: {  	v7 =	vmul.f32 v8, v7;
	_ =	sdelay $0x1  }
0x95: {  	v49 =	vld [tilespmem:$0x1EBA0];
	[tilespmem:s3+$0xFFFFFFF0] =	vst v7  }
0x96: {  	v50 =	vld [tilespmem:s17+$0x0]  }
0x97: {  	v10 =	vld [tilespmem:s25+$0x0];
	_ =	sdelay $0x1  }
0x98: {  	v11 =	vld [tilespmem:s0+$0x0];
	_ =	sdelay $0x2  }
0x99: {  	v9 =	vadd.f32 v10, v50;
	_ =	sdelay $0x1  }
0x9a: {  	v9 =	vadd.f32 v11, v9;
	_ =	sdelay $0x1  }
0x9b: {  	v51 =	vsub.f32 $0.0e+00, v9;
	_ =	sdelay $0x1  }
0x9c: {  	v10 =	vmul.f32 $1.442695020e+00, v51;
	_ =	sdelay $0x1  }
0x9d: {  	(erf) = vpow2.f32 v10;
	_ =	sdelay $0x8  }
0x9e: {  	v10 =	vpop (erf)  }
0x9f: {  	v10 =	vadd.f32 $1.000000000e+00, v10;
	_ =	sdelay $0x1  }
0xa0: {  	(erf) = vrcp.f32 v10;
	_ =	sdelay $0x8  }
0xa1: {  	v10 =	vpop (erf)  }
0xa2: {  	v9 =	vmul.f32 v10, v9;
	_ =	sdelay $0x1  }
0xa3: {  	v52 =	vld [tilespmem:$0x1EBB0];
	[tilespmem:s3+$0x0] =	vst v9  }
0xa4: {  	v53 =	vld [tilespmem:s17+$0x10]  }
0xa5: {  	v12 =	vld [tilespmem:s25+$0x10];
	_ =	sdelay $0x1  }
0xa6: {  	v13 =	vld [tilespmem:s0+$0x10];
	_ =	sdelay $0x2  }
0xa7: {  	v11 =	vadd.f32 v12, v53;
	_ =	sdelay $0x1  }
0xa8: {  	v11 =	vadd.f32 v13, v11;
	_ =	sdelay $0x1  }
0xa9: {  	v54 =	vsub.f32 $0.0e+00, v11;
	_ =	sdelay $0x1  }
0xaa: {  	v12 =	vmul.f32 $1.442695020e+00, v54;
	_ =	sdelay $0x1  }
0xab: {  	(erf) = vpow2.f32 v12;
	_ =	sdelay $0x8  }
0xac: {  	v12 =	vpop (erf)  }
0xad: {  	v12 =	vadd.f32 $1.000000000e+00, v12;
	_ =	sdelay $0x1  }
0xae: {  	(erf) = vrcp.f32 v12;
	_ =	sdelay $0x8  }
0xaf: {  	v12 =	vpop (erf)  }
0xb0: {  	v11 =	vmul.f32 v12, v11;
	_ =	sdelay $0x1  }
0xb1: {  	v55 =	vld [tilespmem:$0x1EBC0];
	[tilespmem:s3+$0x10] =	vst v11  }
0xb2: {  	v56 =	vld [tilespmem:s17+$0x20]  }
0xb3: {  	v14 =	vld [tilespmem:s25+$0x20];
	_ =	sdelay $0x1  }
0xb4: {  	v15 =	vld [tilespmem:s0+$0x20];
	_ =	sdelay $0x2  }
0xb5: {  	v13 =	vadd.f32 v14, v56;
	_ =	sdelay $0x1  }
0xb6: {  	v13 =	vadd.f32 v15, v13;
	_ =	sdelay $0x1  }
0xb7: {  	v57 =	vsub.f32 $0.0e+00, v13;
	_ =	sdelay $0x1  }
0xb8: {  	v14 =	vmul.f32 $1.442695020e+00, v57;
	_ =	sdelay $0x1  }
0xb9: {  	(erf) = vpow2.f32 v14;
	_ =	sdelay $0x8  }
0xba: {  	v14 =	vpop (erf)  }
0xbb: {  	v14 =	vadd.f32 $1.000000000e+00, v14;
	_ =	sdelay $0x1  }
0xbc: {  	(erf) = vrcp.f32 v14;
	_ =	sdelay $0x8  }
0xbd: {  	v14 =	vpop (erf)  }
0xbe: {  	v13 =	vmul.f32 v14, v13;
	_ =	sdelay $0x1  }
0xbf: {  	v58 =	vld [tilespmem:$0x1EBD0];
	[tilespmem:s3+$0x20] =	vst v13  }
0xc0: {  	v59 =	vld [tilespmem:s17+$0x30]  }
0xc1: {  	v16 =	vld [tilespmem:s25+$0x30];
	_ =	sdelay $0x1  }
0xc2: {  	v17 =	vld [tilespmem:s0+$0x30];
	_ =	sdelay $0x2  }
0xc3: {  	v15 =	vadd.f32 v16, v59;
	_ =	sdelay $0x1  }
0xc4: {  	v15 =	vadd.f32 v17, v15;
	_ =	sdelay $0x1  }
0xc5: {  	v60 =	vsub.f32 $0.0e+00, v15;
	_ =	sdelay $0x1  }
0xc6: {  	v16 =	vmul.f32 $1.442695020e+00, v60;
	_ =	sdelay $0x1  }
0xc7: {  	(erf) = vpow2.f32 v16;
	_ =	sdelay $0x8  }
0xc8: {  	v16 =	vpop (erf)  }
0xc9: {  	v16 =	vadd.f32 $1.000000000e+00, v16;
	_ =	sdelay $0x1  }
0xca: {  	(erf) = vrcp.f32 v16;
	_ =	sdelay $0x3  }
0xcb: {  	v2 =	vmul.f32 v2, v43;
	_ =	sdelay $0x1  }
0xcc: {  	v2 =	vadd.f32 $0.0e+00, v2;
	v3 =	vmul.f32 v3, v46;
	_ =	sdelay $0x1  }
0xcd: {  	v2 =	vadd.f32 v3, v2;
	v3 =	vmul.f32 v5, v49  }
0xce: {  	v61 =	vpop (erf)  }
0xcf: {  	v2 =	vadd.f32 v3, v2;
	v3 =	vmul.f32 v7, v52;
	v4 =	vmul.f32 v61, v15  }
0xd0: {  	v62 =	vld [tilespmem:$0x1EBE0]  }
0xd1: {  	v2 =	vadd.f32 v3, v2;
	v3 =	vmul.f32 v9, v55;
	[tilespmem:s3+$0x30] =	vst v4  }
0xd2: {  	v63 =	vld [tilespmem:$0x1EBF0]  }
0xd3: {  	v2 =	vadd.f32 v3, v2;
	v3 =	vmul.f32 v11, v58;
	_ =	sdelay $0x1  }
0xd4: {  	v2 =	vadd.f32 v3, v2;
	v3 =	vmul.f32 v13, v62;
	_ =	sdelay $0x1  }
0xd5: {  	v2 =	vadd.f32 v3, v2;
	v3 =	vmul.f32 v4, v63;
	_ =	sdelay $0x1  }
0xd6: {  	v2 =	vadd.f32 v3, v2;
	_ =	sdelay $0x1  }
0xd7: {  	(xrf2) =	vadd.scan.msk.f32 $0xffff, v2;
	_ =	sdelay $0x7  }
0xd8: {  	p1 =	sne.s32 s28, $0xF  }
.Ltmp0:
0xd9: {  	_ = 	snop;
	(pc) =	sbr.rel @p1 .LBB2_3-.Ltmp0, $4  }
0xda: {  	v2, _, _ =	vpop (xrf2)  }
0xdb: {  	v3 =	vmov s28;
	v2 =	vbroadcast v2, $0xF  }
0xdc: {  	s17 =	sadd.s32 $0x80, s17;
	s25 =	sadd.s32 $0x80, s25;
	vm0 =	veq.s32 v3, v0  }
0xdd: {  	s0 =	sadd.s32 $0x80, s0;
	s3 =	sadd.s32 $0x80, s3;
	s28 =	sadd.s32 $0x1, s28;
	v1 =	vsel vm0, v2, v1  }
0xde: {  	v2 =	vld [tilespmem:$0x1C080]  }
0xdf: {  	v3 =	vld [tilespmem:$0x1C100]  }
0xe0: {  	v4 =	vld [tilespmem:$0x1C180];
	_ =	sdelay $0x2  }
0xe1: {  	v2 =	vmul.f32 v2, v1  }
0xe2: {  	v3 =	vmul.f32 v3, v1  }
0xe3: {  	v1 =	vmul.f32 v4, v1;
	[tilespmem:$0x1EA00] =	vst v2  }
0xe4: {  	s28 =	simm.s32 $0x0;
	s17 =	simm.s32 $0x150F0;
	[tilespmem:$0x1EA80] =	vst v3  }
0xe5: {  	s25 =	simm.s32 $0x178F0;
	s0 =	simm.s32 $0x1A0F0;
	s3 =	simm.s32 $0x1CA70;
	[tilespmem:$0x1EB00] =	vst v1;
	v1 =	vimm.f32 $0.0e+00  }
.LBB2_5:
0xe6: {  	v2 =	vld [tilespmem:s17+$0xFFFFFF90]  }
0xe7: {  	v3 =	vld [tilespmem:s25+$0xFFFFFF90];
	_ =	sdelay $0x1  }
0xe8: {  	v4 =	vld [tilespmem:s0+$0xFFFFFF90];
	_ =	sdelay $0x2  }
0xe9: {  	v2 =	vadd.f32 v3, v2;
	_ =	sdelay $0x1  }
0xea: {  	v2 =	vadd.f32 v4, v2;
	_ =	sdelay $0x1  }
0xeb: {  	v3 =	vsub.f32 $0.0e+00, v2;
	_ =	sdelay $0x1  }
0xec: {  	v3 =	vmul.f32 $1.442695020e+00, v3;
	_ =	sdelay $0x1  }
0xed: {  	(erf) = vpow2.f32 v3;
	_ =	sdelay $0x8  }
0xee: {  	v3 =	vpop (erf)  }
0xef: {  	v3 =	vadd.f32 $1.000000000e+00, v3;
	_ =	sdelay $0x1  }
0xf0: {  	(erf) = vrcp.f32 v3;
	_ =	sdelay $0x8  }
0xf1: {  	v3 =	vpop (erf)  }
0xf2: {  	v2 =	vmul.f32 v3, v2;
	_ =	sdelay $0x1  }
0xf3: {  	[tilespmem:s3+$0xFFFFFF90] =	vst v2  }
0xf4: {  	v3 =	vld [tilespmem:s17+$0xFFFFFFA0]  }
0xf5: {  	v41 =	vld [tilespmem:s25+$0xFFFFFFA0];
	_ =	sdelay $0x1  }
0xf6: {  	v5 =	vld [tilespmem:s0+$0xFFFFFFA0];
	_ =	sdelay $0x2  }
0xf7: {  	v3 =	vadd.f32 v41, v3;
	_ =	sdelay $0x1  }
0xf8: {  	v3 =	vadd.f32 v5, v3;
	_ =	sdelay $0x1  }
0xf9: {  	v42 =	vsub.f32 $0.0e+00, v3;
	_ =	sdelay $0x1  }
0xfa: {  	v4 =	vmul.f32 $1.442695020e+00, v42;
	_ =	sdelay $0x1  }
0xfb: {  	(erf) = vpow2.f32 v4;
	_ =	sdelay $0x8  }
0xfc: {  	v4 =	vpop (erf)  }
0xfd: {  	v4 =	vadd.f32 $1.000000000e+00, v4;
	_ =	sdelay $0x1  }
0xfe: {  	(erf) = vrcp.f32 v4;
	_ =	sdelay $0x8  }
0xff: {  	v4 =	vpop (erf)  }
0x100: {  	v3 =	vmul.f32 v4, v3;
	_ =	sdelay $0x1  }
0x101: {  	v43 =	vld [tilespmem:$0x1EB80];
	[tilespmem:s3+$0xFFFFFFA0] =	vst v3  }
0x102: {  	v44 =	vld [tilespmem:s17+$0xFFFFFFB0]  }
0x103: {  	v6 =	vld [tilespmem:s25+$0xFFFFFFB0];
	_ =	sdelay $0x1  }
0x104: {  	v7 =	vld [tilespmem:s0+$0xFFFFFFB0];
	_ =	sdelay $0x2  }
0x105: {  	v5 =	vadd.f32 v6, v44;
	_ =	sdelay $0x1  }
0x106: {  	v5 =	vadd.f32 v7, v5;
	_ =	sdelay $0x1  }
0x107: {  	v45 =	vsub.f32 $0.0e+00, v5;
	_ =	sdelay $0x1  }
0x108: {  	v6 =	vmul.f32 $1.442695020e+00, v45;
	_ =	sdelay $0x1  }
0x109: {  	(erf) = vpow2.f32 v6;
	_ =	sdelay $0x8  }
0x10a: {  	v6 =	vpop (erf)  }
0x10b: {  	v6 =	vadd.f32 $1.000000000e+00, v6;
	_ =	sdelay $0x1  }
0x10c: {  	(erf) = vrcp.f32 v6;
	_ =	sdelay $0x8  }
0x10d: {  	v6 =	vpop (erf)  }
0x10e: {  	v5 =	vmul.f32 v6, v5;
	_ =	sdelay $0x1  }
0x10f: {  	v46 =	vld [tilespmem:$0x1EB90];
	[tilespmem:s3+$0xFFFFFFB0] =	vst v5  }
0x110: {  	v47 =	vld [tilespmem:s17+$0xFFFFFFC0]  }
0x111: {  	v8 =	vld [tilespmem:s25+$0xFFFFFFC0];
	_ =	sdelay $0x1  }
0x112: {  	v9 =	vld [tilespmem:s0+$0xFFFFFFC0];
	_ =	sdelay $0x2  }
0x113: {  	v7 =	vadd.f32 v8, v47;
	_ =	sdelay $0x1  }
0x114: {  	v7 =	vadd.f32 v9, v7;
	_ =	sdelay $0x1  }
0x115: {  	v48 =	vsub.f32 $0.0e+00, v7;
	_ =	sdelay $0x1  }
0x116: {  	v8 =	vmul.f32 $1.442695020e+00, v48;
	_ =	sdelay $0x1  }
0x117: {  	(erf) = vpow2.f32 v8;
	_ =	sdelay $0x8  }
0x118: {  	v8 =	vpop (erf)  }
0x119: {  	v8 =	vadd.f32 $1.000000000e+00, v8;
	_ =	sdelay $0x1  }
0x11a: {  	(erf) = vrcp.f32 v8;
	_ =	sdelay $0x8  }
0x11b: {  	v8 =	vpop (erf)  }
0x11c: {  	v7 =	vmul.f32 v8, v7;
	_ =	sdelay $0x1  }
0x11d: {  	v49 =	vld [tilespmem:$0x1EBA0];
	[tilespmem:s3+$0xFFFFFFC0] =	vst v7  }
0x11e: {  	v50 =	vld [tilespmem:s17+$0xFFFFFFD0]  }
0x11f: {  	v10 =	vld [tilespmem:s25+$0xFFFFFFD0];
	_ =	sdelay $0x1  }
0x120: {  	v11 =	vld [tilespmem:s0+$0xFFFFFFD0];
	_ =	sdelay $0x2  }
0x121: {  	v9 =	vadd.f32 v10, v50;
	_ =	sdelay $0x1  }
0x122: {  	v9 =	vadd.f32 v11, v9;
	_ =	sdelay $0x1  }
0x123: {  	v51 =	vsub.f32 $0.0e+00, v9;
	_ =	sdelay $0x1  }
0x124: {  	v10 =	vmul.f32 $1.442695020e+00, v51;
	_ =	sdelay $0x1  }
0x125: {  	(erf) = vpow2.f32 v10;
	_ =	sdelay $0x8  }
0x126: {  	v10 =	vpop (erf)  }
0x127: {  	v10 =	vadd.f32 $1.000000000e+00, v10;
	_ =	sdelay $0x1  }
0x128: {  	(erf) = vrcp.f32 v10;
	_ =	sdelay $0x8  }
0x129: {  	v10 =	vpop (erf)  }
0x12a: {  	v9 =	vmul.f32 v10, v9;
	_ =	sdelay $0x1  }
0x12b: {  	v52 =	vld [tilespmem:$0x1EBB0];
	[tilespmem:s3+$0xFFFFFFD0] =	vst v9  }
0x12c: {  	v53 =	vld [tilespmem:s17+$0xFFFFFFE0]  }
0x12d: {  	v12 =	vld [tilespmem:s25+$0xFFFFFFE0];
	_ =	sdelay $0x1  }
0x12e: {  	v13 =	vld [tilespmem:s0+$0xFFFFFFE0];
	_ =	sdelay $0x2  }
0x12f: {  	v11 =	vadd.f32 v12, v53;
	_ =	sdelay $0x1  }
0x130: {  	v11 =	vadd.f32 v13, v11;
	_ =	sdelay $0x1  }
0x131: {  	v54 =	vsub.f32 $0.0e+00, v11;
	_ =	sdelay $0x1  }
0x132: {  	v12 =	vmul.f32 $1.442695020e+00, v54;
	_ =	sdelay $0x1  }
0x133: {  	(erf) = vpow2.f32 v12;
	_ =	sdelay $0x8  }
0x134: {  	v12 =	vpop (erf)  }
0x135: {  	v12 =	vadd.f32 $1.000000000e+00, v12;
	_ =	sdelay $0x1  }
0x136: {  	(erf) = vrcp.f32 v12;
	_ =	sdelay $0x8  }
0x137: {  	v12 =	vpop (erf)  }
0x138: {  	v11 =	vmul.f32 v12, v11;
	_ =	sdelay $0x1  }
0x139: {  	v55 =	vld [tilespmem:$0x1EBC0];
	[tilespmem:s3+$0xFFFFFFE0] =	vst v11  }
0x13a: {  	v56 =	vld [tilespmem:s17+$0xFFFFFFF0]  }
0x13b: {  	v14 =	vld [tilespmem:s25+$0xFFFFFFF0];
	_ =	sdelay $0x1  }
0x13c: {  	v15 =	vld [tilespmem:s0+$0xFFFFFFF0];
	_ =	sdelay $0x2  }
0x13d: {  	v13 =	vadd.f32 v14, v56;
	_ =	sdelay $0x1  }
0x13e: {  	v13 =	vadd.f32 v15, v13;
	_ =	sdelay $0x1  }
0x13f: {  	v57 =	vsub.f32 $0.0e+00, v13;
	_ =	sdelay $0x1  }
0x140: {  	v14 =	vmul.f32 $1.442695020e+00, v57;
	_ =	sdelay $0x1  }
0x141: {  	(erf) = vpow2.f32 v14;
	_ =	sdelay $0x8  }
0x142: {  	v14 =	vpop (erf)  }
0x143: {  	v14 =	vadd.f32 $1.000000000e+00, v14;
	_ =	sdelay $0x1  }
0x144: {  	(erf) = vrcp.f32 v14;
	_ =	sdelay $0x8  }
0x145: {  	v14 =	vpop (erf)  }
0x146: {  	v13 =	vmul.f32 v14, v13;
	_ =	sdelay $0x1  }
0x147: {  	v58 =	vld [tilespmem:$0x1EBD0];
	[tilespmem:s3+$0xFFFFFFF0] =	vst v13  }
0x148: {  	v59 =	vld [tilespmem:s17+$0x0]  }
0x149: {  	v16 =	vld [tilespmem:s25+$0x0];
	_ =	sdelay $0x1  }
0x14a: {  	v17 =	vld [tilespmem:s0+$0x0];
	_ =	sdelay $0x2  }
0x14b: {  	v15 =	vadd.f32 v16, v59;
	_ =	sdelay $0x1  }
0x14c: {  	v15 =	vadd.f32 v17, v15;
	_ =	sdelay $0x1  }
0x14d: {  	v60 =	vsub.f32 $0.0e+00, v15;
	_ =	sdelay $0x1  }
0x14e: {  	v16 =	vmul.f32 $1.442695020e+00, v60;
	_ =	sdelay $0x1  }
0x14f: {  	(erf) = vpow2.f32 v16;
	_ =	sdelay $0x8  }
0x150: {  	v16 =	vpop (erf)  }
0x151: {  	v16 =	vadd.f32 $1.000000000e+00, v16;
	_ =	sdelay $0x1  }
0x152: {  	(erf) = vrcp.f32 v16;
	_ =	sdelay $0x3  }
0x153: {  	v2 =	vmul.f32 v2, v43;
	_ =	sdelay $0x1  }
0x154: {  	v2 =	vadd.f32 $0.0e+00, v2;
	v3 =	vmul.f32 v3, v46;
	_ =	sdelay $0x1  }
0x155: {  	v2 =	vadd.f32 v3, v2;
	v3 =	vmul.f32 v5, v49  }
0x156: {  	v61 =	vpop (erf)  }
0x157: {  	v2 =	vadd.f32 v3, v2;
	v3 =	vmul.f32 v7, v52;
	v4 =	vmul.f32 v61, v15  }
0x158: {  	v62 =	vld [tilespmem:$0x1EBE0]  }
0x159: {  	v2 =	vadd.f32 v3, v2;
	v3 =	vmul.f32 v9, v55;
	[tilespmem:s3+$0x0] =	vst v4  }
0x15a: {  	v63 =	vld [tilespmem:$0x1EBF0]  }
0x15b: {  	v2 =	vadd.f32 v3, v2;
	v3 =	vmul.f32 v11, v58;
	_ =	sdelay $0x1  }
0x15c: {  	v2 =	vadd.f32 v3, v2;
	v3 =	vmul.f32 v13, v62;
	_ =	sdelay $0x1  }
0x15d: {  	v2 =	vadd.f32 v3, v2;
	v3 =	vmul.f32 v4, v63;
	_ =	sdelay $0x1  }
0x15e: {  	v2 =	vadd.f32 v3, v2;
	_ =	sdelay $0x1  }
0x15f: {  	(xrf2) =	vadd.scan.msk.f32 $0xffff, v2;
	_ =	sdelay $0x7  }
0x160: {  	p1 =	sne.s32 s28, $0xF  }
.Ltmp1:
0x161: {  	_ = 	snop;
	(pc) =	sbr.rel @p1 .LBB2_5-.Ltmp1, $4  }
0x162: {  	v2, _, _ =	vpop (xrf2)  }
0x163: {  	v3 =	vmov s28;
	v2 =	vbroadcast v2, $0xF  }
0x164: {  	s17 =	sadd.s32 $0x80, s17;
	s25 =	sadd.s32 $0x80, s25;
	vm0 =	veq.s32 v3, v0  }
0x165: {  	s0 =	sadd.s32 $0x80, s0;
	s3 =	sadd.s32 $0x80, s3;
	s28 =	sadd.s32 $0x1, s28;
	v1 =	vsel vm0, v2, v1  }
0x166: {  	v2 =	vld [tilespmem:$0x1C090]  }
0x167: {  	v3 =	vld [tilespmem:$0x1C110]  }
0x168: {  	v4 =	vld [tilespmem:$0x1C190];
	_ =	sdelay $0x2  }
0x169: {  	v2 =	vmul.f32 v2, v1  }
0x16a: {  	v3 =	vmul.f32 v3, v1  }
0x16b: {  	v1 =	vmul.f32 v4, v1;
	[tilespmem:$0x1EA10] =	vst v2  }
0x16c: {  	s28 =	simm.s32 $0x0;
	s17 =	simm.s32 $0x158F0;
	[tilespmem:$0x1EA90] =	vst v3  }
0x16d: {  	s25 =	simm.s32 $0x180F0;
	s0 =	simm.s32 $0x1A8F0;
	s3 =	simm.s32 $0x1D270;
	[tilespmem:$0x1EB10] =	vst v1;
	v1 =	vimm.f32 $0.0e+00  }
.LBB2_7:
0x16e: {  	v2 =	vld [tilespmem:s17+$0xFFFFFF90]  }
0x16f: {  	v3 =	vld [tilespmem:s25+$0xFFFFFF90];
	_ =	sdelay $0x1  }
0x170: {  	v4 =	vld [tilespmem:s0+$0xFFFFFF90];
	_ =	sdelay $0x2  }
0x171: {  	v2 =	vadd.f32 v3, v2;
	_ =	sdelay $0x1  }
0x172: {  	v2 =	vadd.f32 v4, v2;
	_ =	sdelay $0x1  }
0x173: {  	v3 =	vsub.f32 $0.0e+00, v2;
	_ =	sdelay $0x1  }
0x174: {  	v3 =	vmul.f32 $1.442695020e+00, v3;
	_ =	sdelay $0x1  }
0x175: {  	(erf) = vpow2.f32 v3;
	_ =	sdelay $0x8  }
0x176: {  	v3 =	vpop (erf)  }
0x177: {  	v3 =	vadd.f32 $1.000000000e+00, v3;
	_ =	sdelay $0x1  }
0x178: {  	(erf) = vrcp.f32 v3;
	_ =	sdelay $0x8  }
0x179: {  	v3 =	vpop (erf)  }
0x17a: {  	v2 =	vmul.f32 v3, v2;
	_ =	sdelay $0x1  }
0x17b: {  	[tilespmem:s3+$0xFFFFFF90] =	vst v2  }
0x17c: {  	v3 =	vld [tilespmem:s17+$0xFFFFFFA0]  }
0x17d: {  	v41 =	vld [tilespmem:s25+$0xFFFFFFA0];
	_ =	sdelay $0x1  }
0x17e: {  	v5 =	vld [tilespmem:s0+$0xFFFFFFA0];
	_ =	sdelay $0x2  }
0x17f: {  	v3 =	vadd.f32 v41, v3;
	_ =	sdelay $0x1  }
0x180: {  	v3 =	vadd.f32 v5, v3;
	_ =	sdelay $0x1  }
0x181: {  	v42 =	vsub.f32 $0.0e+00, v3;
	_ =	sdelay $0x1  }
0x182: {  	v4 =	vmul.f32 $1.442695020e+00, v42;
	_ =	sdelay $0x1  }
0x183: {  	(erf) = vpow2.f32 v4;
	_ =	sdelay $0x8  }
0x184: {  	v4 =	vpop (erf)  }
0x185: {  	v4 =	vadd.f32 $1.000000000e+00, v4;
	_ =	sdelay $0x1  }
0x186: {  	(erf) = vrcp.f32 v4;
	_ =	sdelay $0x8  }
0x187: {  	v4 =	vpop (erf)  }
0x188: {  	v3 =	vmul.f32 v4, v3;
	_ =	sdelay $0x1  }
0x189: {  	v43 =	vld [tilespmem:$0x1EB80];
	[tilespmem:s3+$0xFFFFFFA0] =	vst v3  }
0x18a: {  	v44 =	vld [tilespmem:s17+$0xFFFFFFB0]  }
0x18b: {  	v6 =	vld [tilespmem:s25+$0xFFFFFFB0];
	_ =	sdelay $0x1  }
0x18c: {  	v7 =	vld [tilespmem:s0+$0xFFFFFFB0];
	_ =	sdelay $0x2  }
0x18d: {  	v5 =	vadd.f32 v6, v44;
	_ =	sdelay $0x1  }
0x18e: {  	v5 =	vadd.f32 v7, v5;
	_ =	sdelay $0x1  }
0x18f: {  	v45 =	vsub.f32 $0.0e+00, v5;
	_ =	sdelay $0x1  }
0x190: {  	v6 =	vmul.f32 $1.442695020e+00, v45;
	_ =	sdelay $0x1  }
0x191: {  	(erf) = vpow2.f32 v6;
	_ =	sdelay $0x8  }
0x192: {  	v6 =	vpop (erf)  }
0x193: {  	v6 =	vadd.f32 $1.000000000e+00, v6;
	_ =	sdelay $0x1  }
0x194: {  	(erf) = vrcp.f32 v6;
	_ =	sdelay $0x8  }
0x195: {  	v6 =	vpop (erf)  }
0x196: {  	v5 =	vmul.f32 v6, v5;
	_ =	sdelay $0x1  }
0x197: {  	v46 =	vld [tilespmem:$0x1EB90];
	[tilespmem:s3+$0xFFFFFFB0] =	vst v5  }
0x198: {  	v47 =	vld [tilespmem:s17+$0xFFFFFFC0]  }
0x199: {  	v8 =	vld [tilespmem:s25+$0xFFFFFFC0];
	_ =	sdelay $0x1  }
0x19a: {  	v9 =	vld [tilespmem:s0+$0xFFFFFFC0];
	_ =	sdelay $0x2  }
0x19b: {  	v7 =	vadd.f32 v8, v47;
	_ =	sdelay $0x1  }
0x19c: {  	v7 =	vadd.f32 v9, v7;
	_ =	sdelay $0x1  }
0x19d: {  	v48 =	vsub.f32 $0.0e+00, v7;
	_ =	sdelay $0x1  }
0x19e: {  	v8 =	vmul.f32 $1.442695020e+00, v48;
	_ =	sdelay $0x1  }
0x19f: {  	(erf) = vpow2.f32 v8;
	_ =	sdelay $0x8  }
0x1a0: {  	v8 =	vpop (erf)  }
0x1a1: {  	v8 =	vadd.f32 $1.000000000e+00, v8;
	_ =	sdelay $0x1  }
0x1a2: {  	(erf) = vrcp.f32 v8;
	_ =	sdelay $0x8  }
0x1a3: {  	v8 =	vpop (erf)  }
0x1a4: {  	v7 =	vmul.f32 v8, v7;
	_ =	sdelay $0x1  }
0x1a5: {  	v49 =	vld [tilespmem:$0x1EBA0];
	[tilespmem:s3+$0xFFFFFFC0] =	vst v7  }
0x1a6: {  	v50 =	vld [tilespmem:s17+$0xFFFFFFD0]  }
0x1a7: {  	v10 =	vld [tilespmem:s25+$0xFFFFFFD0];
	_ =	sdelay $0x1  }
0x1a8: {  	v11 =	vld [tilespmem:s0+$0xFFFFFFD0];
	_ =	sdelay $0x2  }
0x1a9: {  	v9 =	vadd.f32 v10, v50;
	_ =	sdelay $0x1  }
0x1aa: {  	v9 =	vadd.f32 v11, v9;
	_ =	sdelay $0x1  }
0x1ab: {  	v51 =	vsub.f32 $0.0e+00, v9;
	_ =	sdelay $0x1  }
0x1ac: {  	v10 =	vmul.f32 $1.442695020e+00, v51;
	_ =	sdelay $0x1  }
0x1ad: {  	(erf) = vpow2.f32 v10;
	_ =	sdelay $0x8  }
0x1ae: {  	v10 =	vpop (erf)  }
0x1af: {  	v10 =	vadd.f32 $1.000000000e+00, v10;
	_ =	sdelay $0x1  }
0x1b0: {  	(erf) = vrcp.f32 v10;
	_ =	sdelay $0x8  }
0x1b1: {  	v10 =	vpop (erf)  }
0x1b2: {  	v9 =	vmul.f32 v10, v9;
	_ =	sdelay $0x1  }
0x1b3: {  	v52 =	vld [tilespmem:$0x1EBB0];
	[tilespmem:s3+$0xFFFFFFD0] =	vst v9  }
0x1b4: {  	v53 =	vld [tilespmem:s17+$0xFFFFFFE0]  }
0x1b5: {  	v12 =	vld [tilespmem:s25+$0xFFFFFFE0];
	_ =	sdelay $0x1  }
0x1b6: {  	v13 =	vld [tilespmem:s0+$0xFFFFFFE0];
	_ =	sdelay $0x2  }
0x1b7: {  	v11 =	vadd.f32 v12, v53;
	_ =	sdelay $0x1  }
0x1b8: {  	v11 =	vadd.f32 v13, v11;
	_ =	sdelay $0x1  }
0x1b9: {  	v54 =	vsub.f32 $0.0e+00, v11;
	_ =	sdelay $0x1  }
0x1ba: {  	v12 =	vmul.f32 $1.442695020e+00, v54;
	_ =	sdelay $0x1  }
0x1bb: {  	(erf) = vpow2.f32 v12;
	_ =	sdelay $0x8  }
0x1bc: {  	v12 =	vpop (erf)  }
0x1bd: {  	v12 =	vadd.f32 $1.000000000e+00, v12;
	_ =	sdelay $0x1  }
0x1be: {  	(erf) = vrcp.f32 v12;
	_ =	sdelay $0x8  }
0x1bf: {  	v12 =	vpop (erf)  }
0x1c0: {  	v11 =	vmul.f32 v12, v11;
	_ =	sdelay $0x1  }
0x1c1: {  	v55 =	vld [tilespmem:$0x1EBC0];
	[tilespmem:s3+$0xFFFFFFE0] =	vst v11  }
0x1c2: {  	v56 =	vld [tilespmem:s17+$0xFFFFFFF0]  }
0x1c3: {  	v14 =	vld [tilespmem:s25+$0xFFFFFFF0];
	_ =	sdelay $0x1  }
0x1c4: {  	v15 =	vld [tilespmem:s0+$0xFFFFFFF0];
	_ =	sdelay $0x2  }
0x1c5: {  	v13 =	vadd.f32 v14, v56;
	_ =	sdelay $0x1  }
0x1c6: {  	v13 =	vadd.f32 v15, v13;
	_ =	sdelay $0x1  }
0x1c7: {  	v57 =	vsub.f32 $0.0e+00, v13;
	_ =	sdelay $0x1  }
0x1c8: {  	v14 =	vmul.f32 $1.442695020e+00, v57;
	_ =	sdelay $0x1  }
0x1c9: {  	(erf) = vpow2.f32 v14;
	_ =	sdelay $0x8  }
0x1ca: {  	v14 =	vpop (erf)  }
0x1cb: {  	v14 =	vadd.f32 $1.000000000e+00, v14;
	_ =	sdelay $0x1  }
0x1cc: {  	(erf) = vrcp.f32 v14;
	_ =	sdelay $0x8  }
0x1cd: {  	v14 =	vpop (erf)  }
0x1ce: {  	v13 =	vmul.f32 v14, v13;
	_ =	sdelay $0x1  }
0x1cf: {  	v58 =	vld [tilespmem:$0x1EBD0];
	[tilespmem:s3+$0xFFFFFFF0] =	vst v13  }
0x1d0: {  	v59 =	vld [tilespmem:s17+$0x0]  }
0x1d1: {  	v16 =	vld [tilespmem:s25+$0x0];
	_ =	sdelay $0x1  }
0x1d2: {  	v17 =	vld [tilespmem:s0+$0x0];
	_ =	sdelay $0x2  }
0x1d3: {  	v15 =	vadd.f32 v16, v59;
	_ =	sdelay $0x1  }
0x1d4: {  	v15 =	vadd.f32 v17, v15;
	_ =	sdelay $0x1  }
0x1d5: {  	v60 =	vsub.f32 $0.0e+00, v15;
	_ =	sdelay $0x1  }
0x1d6: {  	v16 =	vmul.f32 $1.442695020e+00, v60;
	_ =	sdelay $0x1  }
0x1d7: {  	(erf) = vpow2.f32 v16;
	_ =	sdelay $0x8  }
0x1d8: {  	v16 =	vpop (erf)  }
0x1d9: {  	v16 =	vadd.f32 $1.000000000e+00, v16;
	_ =	sdelay $0x1  }
0x1da: {  	(erf) = vrcp.f32 v16;
	_ =	sdelay $0x3  }
0x1db: {  	v2 =	vmul.f32 v2, v43;
	_ =	sdelay $0x1  }
0x1dc: {  	v2 =	vadd.f32 $0.0e+00, v2;
	v3 =	vmul.f32 v3, v46;
	_ =	sdelay $0x1  }
0x1dd: {  	v2 =	vadd.f32 v3, v2;
	v3 =	vmul.f32 v5, v49  }
0x1de: {  	v61 =	vpop (erf)  }
0x1df: {  	v2 =	vadd.f32 v3, v2;
	v3 =	vmul.f32 v7, v52;
	v4 =	vmul.f32 v61, v15  }
0x1e0: {  	v62 =	vld [tilespmem:$0x1EBE0]  }
0x1e1: {  	v2 =	vadd.f32 v3, v2;
	v3 =	vmul.f32 v9, v55;
	[tilespmem:s3+$0x0] =	vst v4  }
0x1e2: {  	v63 =	vld [tilespmem:$0x1EBF0]  }
0x1e3: {  	v2 =	vadd.f32 v3, v2;
	v3 =	vmul.f32 v11, v58;
	_ =	sdelay $0x1  }
0x1e4: {  	v2 =	vadd.f32 v3, v2;
	v3 =	vmul.f32 v13, v62;
	_ =	sdelay $0x1  }
0x1e5: {  	v2 =	vadd.f32 v3, v2;
	v3 =	vmul.f32 v4, v63;
	_ =	sdelay $0x1  }
0x1e6: {  	v2 =	vadd.f32 v3, v2;
	_ =	sdelay $0x1  }
0x1e7: {  	(xrf2) =	vadd.scan.msk.f32 $0xffff, v2;
	_ =	sdelay $0x7  }
0x1e8: {  	p1 =	sne.s32 s28, $0xF  }
.Ltmp2:
0x1e9: {  	_ = 	snop;
	(pc) =	sbr.rel @p1 .LBB2_7-.Ltmp2, $4  }
0x1ea: {  	v2, _, _ =	vpop (xrf2)  }
0x1eb: {  	v3 =	vmov s28;
	v2 =	vbroadcast v2, $0xF  }
0x1ec: {  	s17 =	sadd.s32 $0x80, s17;
	s25 =	sadd.s32 $0x80, s25;
	vm0 =	veq.s32 v3, v0  }
0x1ed: {  	s0 =	sadd.s32 $0x80, s0;
	s3 =	sadd.s32 $0x80, s3;
	s28 =	sadd.s32 $0x1, s28;
	v1 =	vsel vm0, v2, v1  }
0x1ee: {  	v2 =	vld [tilespmem:$0x1C0A0]  }
0x1ef: {  	v3 =	vld [tilespmem:$0x1C120]  }
0x1f0: {  	v4 =	vld [tilespmem:$0x1C1A0];
	_ =	sdelay $0x2  }
0x1f1: {  	v2 =	vmul.f32 v2, v1  }
0x1f2: {  	v3 =	vmul.f32 v3, v1  }
0x1f3: {  	v1 =	vmul.f32 v4, v1;
	[tilespmem:$0x1EA20] =	vst v2  }
0x1f4: {  	s28 =	simm.s32 $0x0;
	s17 =	simm.s32 $0x160F0;
	[tilespmem:$0x1EAA0] =	vst v3  }
0x1f5: {  	s25 =	simm.s32 $0x188F0;
	s0 =	simm.s32 $0x1B0F0;
	s3 =	simm.s32 $0x1DA70;
	[tilespmem:$0x1EB20] =	vst v1;
	v1 =	vimm.f32 $0.0e+00  }
.LBB2_9:
0x1f6: {  	v2 =	vld [tilespmem:s17+$0xFFFFFF90]  }
0x1f7: {  	v3 =	vld [tilespmem:s25+$0xFFFFFF90];
	_ =	sdelay $0x1  }
0x1f8: {  	v4 =	vld [tilespmem:s0+$0xFFFFFF90];
	_ =	sdelay $0x2  }
0x1f9: {  	v2 =	vadd.f32 v3, v2;
	_ =	sdelay $0x1  }
0x1fa: {  	v2 =	vadd.f32 v4, v2;
	_ =	sdelay $0x1  }
0x1fb: {  	v3 =	vsub.f32 $0.0e+00, v2;
	_ =	sdelay $0x1  }
0x1fc: {  	v3 =	vmul.f32 $1.442695020e+00, v3;
	_ =	sdelay $0x1  }
0x1fd: {  	(erf) = vpow2.f32 v3;
	_ =	sdelay $0x8  }
0x1fe: {  	v3 =	vpop (erf)  }
0x1ff: {  	v3 =	vadd.f32 $1.000000000e+00, v3;
	_ =	sdelay $0x1  }
0x200: {  	(erf) = vrcp.f32 v3;
	_ =	sdelay $0x8  }
0x201: {  	v3 =	vpop (erf)  }
0x202: {  	v2 =	vmul.f32 v3, v2;
	_ =	sdelay $0x1  }
0x203: {  	[tilespmem:s3+$0xFFFFFF90] =	vst v2  }
0x204: {  	v3 =	vld [tilespmem:s17+$0xFFFFFFA0]  }
0x205: {  	v41 =	vld [tilespmem:s25+$0xFFFFFFA0];
	_ =	sdelay $0x1  }
0x206: {  	v5 =	vld [tilespmem:s0+$0xFFFFFFA0];
	_ =	sdelay $0x2  }
0x207: {  	v3 =	vadd.f32 v41, v3;
	_ =	sdelay $0x1  }
0x208: {  	v3 =	vadd.f32 v5, v3;
	_ =	sdelay $0x1  }
0x209: {  	v42 =	vsub.f32 $0.0e+00, v3;
	_ =	sdelay $0x1  }
0x20a: {  	v4 =	vmul.f32 $1.442695020e+00, v42;
	_ =	sdelay $0x1  }
0x20b: {  	(erf) = vpow2.f32 v4;
	_ =	sdelay $0x8  }
0x20c: {  	v4 =	vpop (erf)  }
0x20d: {  	v4 =	vadd.f32 $1.000000000e+00, v4;
	_ =	sdelay $0x1  }
0x20e: {  	(erf) = vrcp.f32 v4;
	_ =	sdelay $0x8  }
0x20f: {  	v4 =	vpop (erf)  }
0x210: {  	v3 =	vmul.f32 v4, v3;
	_ =	sdelay $0x1  }
0x211: {  	v43 =	vld [tilespmem:$0x1EB80];
	[tilespmem:s3+$0xFFFFFFA0] =	vst v3  }
0x212: {  	v44 =	vld [tilespmem:s17+$0xFFFFFFB0]  }
0x213: {  	v6 =	vld [tilespmem:s25+$0xFFFFFFB0];
	_ =	sdelay $0x1  }
0x214: {  	v7 =	vld [tilespmem:s0+$0xFFFFFFB0];
	_ =	sdelay $0x2  }
0x215: {  	v5 =	vadd.f32 v6, v44;
	_ =	sdelay $0x1  }
0x216: {  	v5 =	vadd.f32 v7, v5;
	_ =	sdelay $0x1  }
0x217: {  	v45 =	vsub.f32 $0.0e+00, v5;
	_ =	sdelay $0x1  }
0x218: {  	v6 =	vmul.f32 $1.442695020e+00, v45;
	_ =	sdelay $0x1  }
0x219: {  	(erf) = vpow2.f32 v6;
	_ =	sdelay $0x8  }
0x21a: {  	v6 =	vpop (erf)  }
0x21b: {  	v6 =	vadd.f32 $1.000000000e+00, v6;
	_ =	sdelay $0x1  }
0x21c: {  	(erf) = vrcp.f32 v6;
	_ =	sdelay $0x8  }
0x21d: {  	v6 =	vpop (erf)  }
0x21e: {  	v5 =	vmul.f32 v6, v5;
	_ =	sdelay $0x1  }
0x21f: {  	v46 =	vld [tilespmem:$0x1EB90];
	[tilespmem:s3+$0xFFFFFFB0] =	vst v5  }
0x220: {  	v47 =	vld [tilespmem:s17+$0xFFFFFFC0]  }
0x221: {  	v8 =	vld [tilespmem:s25+$0xFFFFFFC0];
	_ =	sdelay $0x1  }
0x222: {  	v9 =	vld [tilespmem:s0+$0xFFFFFFC0];
	_ =	sdelay $0x2  }
0x223: {  	v7 =	vadd.f32 v8, v47;
	_ =	sdelay $0x1  }
0x224: {  	v7 =	vadd.f32 v9, v7;
	_ =	sdelay $0x1  }
0x225: {  	v48 =	vsub.f32 $0.0e+00, v7;
	_ =	sdelay $0x1  }
0x226: {  	v8 =	vmul.f32 $1.442695020e+00, v48;
	_ =	sdelay $0x1  }
0x227: {  	(erf) = vpow2.f32 v8;
	_ =	sdelay $0x8  }
0x228: {  	v8 =	vpop (erf)  }
0x229: {  	v8 =	vadd.f32 $1.000000000e+00, v8;
	_ =	sdelay $0x1  }
0x22a: {  	(erf) = vrcp.f32 v8;
	_ =	sdelay $0x8  }
0x22b: {  	v8 =	vpop (erf)  }
0x22c: {  	v7 =	vmul.f32 v8, v7;
	_ =	sdelay $0x1  }
0x22d: {  	v49 =	vld [tilespmem:$0x1EBA0];
	[tilespmem:s3+$0xFFFFFFC0] =	vst v7  }
0x22e: {  	v50 =	vld [tilespmem:s17+$0xFFFFFFD0]  }
0x22f: {  	v10 =	vld [tilespmem:s25+$0xFFFFFFD0];
	_ =	sdelay $0x1  }
0x230: {  	v11 =	vld [tilespmem:s0+$0xFFFFFFD0];
	_ =	sdelay $0x2  }
0x231: {  	v9 =	vadd.f32 v10, v50;
	_ =	sdelay $0x1  }
0x232: {  	v9 =	vadd.f32 v11, v9;
	_ =	sdelay $0x1  }
0x233: {  	v51 =	vsub.f32 $0.0e+00, v9;
	_ =	sdelay $0x1  }
0x234: {  	v10 =	vmul.f32 $1.442695020e+00, v51;
	_ =	sdelay $0x1  }
0x235: {  	(erf) = vpow2.f32 v10;
	_ =	sdelay $0x8  }
0x236: {  	v10 =	vpop (erf)  }
0x237: {  	v10 =	vadd.f32 $1.000000000e+00, v10;
	_ =	sdelay $0x1  }
0x238: {  	(erf) = vrcp.f32 v10;
	_ =	sdelay $0x8  }
0x239: {  	v10 =	vpop (erf)  }
0x23a: {  	v9 =	vmul.f32 v10, v9;
	_ =	sdelay $0x1  }
0x23b: {  	v52 =	vld [tilespmem:$0x1EBB0];
	[tilespmem:s3+$0xFFFFFFD0] =	vst v9  }
0x23c: {  	v53 =	vld [tilespmem:s17+$0xFFFFFFE0]  }
0x23d: {  	v12 =	vld [tilespmem:s25+$0xFFFFFFE0];
	_ =	sdelay $0x1  }
0x23e: {  	v13 =	vld [tilespmem:s0+$0xFFFFFFE0];
	_ =	sdelay $0x2  }
0x23f: {  	v11 =	vadd.f32 v12, v53;
	_ =	sdelay $0x1  }
0x240: {  	v11 =	vadd.f32 v13, v11;
	_ =	sdelay $0x1  }
0x241: {  	v54 =	vsub.f32 $0.0e+00, v11;
	_ =	sdelay $0x1  }
0x242: {  	v12 =	vmul.f32 $1.442695020e+00, v54;
	_ =	sdelay $0x1  }
0x243: {  	(erf) = vpow2.f32 v12;
	_ =	sdelay $0x8  }
0x244: {  	v12 =	vpop (erf)  }
0x245: {  	v12 =	vadd.f32 $1.000000000e+00, v12;
	_ =	sdelay $0x1  }
0x246: {  	(erf) = vrcp.f32 v12;
	_ =	sdelay $0x8  }
0x247: {  	v12 =	vpop (erf)  }
0x248: {  	v11 =	vmul.f32 v12, v11;
	_ =	sdelay $0x1  }
0x249: {  	v55 =	vld [tilespmem:$0x1EBC0];
	[tilespmem:s3+$0xFFFFFFE0] =	vst v11  }
0x24a: {  	v56 =	vld [tilespmem:s17+$0xFFFFFFF0]  }
0x24b: {  	v14 =	vld [tilespmem:s25+$0xFFFFFFF0];
	_ =	sdelay $0x1  }
0x24c: {  	v15 =	vld [tilespmem:s0+$0xFFFFFFF0];
	_ =	sdelay $0x2  }
0x24d: {  	v13 =	vadd.f32 v14, v56;
	_ =	sdelay $0x1  }
0x24e: {  	v13 =	vadd.f32 v15, v13;
	_ =	sdelay $0x1  }
0x24f: {  	v57 =	vsub.f32 $0.0e+00, v13;
	_ =	sdelay $0x1  }
0x250: {  	v14 =	vmul.f32 $1.442695020e+00, v57;
	_ =	sdelay $0x1  }
0x251: {  	(erf) = vpow2.f32 v14;
	_ =	sdelay $0x8  }
0x252: {  	v14 =	vpop (erf)  }
0x253: {  	v14 =	vadd.f32 $1.000000000e+00, v14;
	_ =	sdelay $0x1  }
0x254: {  	(erf) = vrcp.f32 v14;
	_ =	sdelay $0x8  }
0x255: {  	v14 =	vpop (erf)  }
0x256: {  	v13 =	vmul.f32 v14, v13;
	_ =	sdelay $0x1  }
0x257: {  	v58 =	vld [tilespmem:$0x1EBD0];
	[tilespmem:s3+$0xFFFFFFF0] =	vst v13  }
0x258: {  	v59 =	vld [tilespmem:s17+$0x0]  }
0x259: {  	v16 =	vld [tilespmem:s25+$0x0];
	_ =	sdelay $0x1  }
0x25a: {  	v17 =	vld [tilespmem:s0+$0x0];
	_ =	sdelay $0x2  }
0x25b: {  	v15 =	vadd.f32 v16, v59;
	_ =	sdelay $0x1  }
0x25c: {  	v15 =	vadd.f32 v17, v15;
	_ =	sdelay $0x1  }
0x25d: {  	v60 =	vsub.f32 $0.0e+00, v15;
	_ =	sdelay $0x1  }
0x25e: {  	v16 =	vmul.f32 $1.442695020e+00, v60;
	_ =	sdelay $0x1  }
0x25f: {  	(erf) = vpow2.f32 v16;
	_ =	sdelay $0x8  }
0x260: {  	v16 =	vpop (erf)  }
0x261: {  	v16 =	vadd.f32 $1.000000000e+00, v16;
	_ =	sdelay $0x1  }
0x262: {  	(erf) = vrcp.f32 v16;
	_ =	sdelay $0x3  }
0x263: {  	v2 =	vmul.f32 v2, v43;
	_ =	sdelay $0x1  }
0x264: {  	v2 =	vadd.f32 $0.0e+00, v2;
	v3 =	vmul.f32 v3, v46;
	_ =	sdelay $0x1  }
0x265: {  	v2 =	vadd.f32 v3, v2;
	v3 =	vmul.f32 v5, v49  }
0x266: {  	v61 =	vpop (erf)  }
0x267: {  	v2 =	vadd.f32 v3, v2;
	v3 =	vmul.f32 v7, v52;
	v4 =	vmul.f32 v61, v15  }
0x268: {  	v62 =	vld [tilespmem:$0x1EBE0]  }
0x269: {  	v2 =	vadd.f32 v3, v2;
	v3 =	vmul.f32 v9, v55;
	[tilespmem:s3+$0x0] =	vst v4  }
0x26a: {  	v63 =	vld [tilespmem:$0x1EBF0]  }
0x26b: {  	v2 =	vadd.f32 v3, v2;
	v3 =	vmul.f32 v11, v58;
	_ =	sdelay $0x1  }
0x26c: {  	v2 =	vadd.f32 v3, v2;
	v3 =	vmul.f32 v13, v62;
	_ =	sdelay $0x1  }
0x26d: {  	v2 =	vadd.f32 v3, v2;
	v3 =	vmul.f32 v4, v63;
	_ =	sdelay $0x1  }
0x26e: {  	v2 =	vadd.f32 v3, v2;
	_ =	sdelay $0x1  }
0x26f: {  	(xrf2) =	vadd.scan.msk.f32 $0xffff, v2;
	_ =	sdelay $0x7  }
0x270: {  	p1 =	sne.s32 s28, $0xF  }
.Ltmp3:
0x271: {  	_ = 	snop;
	(pc) =	sbr.rel @p1 .LBB2_9-.Ltmp3, $4  }
0x272: {  	v2, _, _ =	vpop (xrf2)  }
0x273: {  	v3 =	vmov s28;
	v2 =	vbroadcast v2, $0xF  }
0x274: {  	s17 =	sadd.s32 $0x80, s17;
	s25 =	sadd.s32 $0x80, s25;
	vm0 =	veq.s32 v3, v0  }
0x275: {  	s0 =	sadd.s32 $0x80, s0;
	s3 =	sadd.s32 $0x80, s3;
	s28 =	sadd.s32 $0x1, s28;
	v1 =	vsel vm0, v2, v1  }
0x276: {  	v2 =	vld [tilespmem:$0x1C0B0]  }
0x277: {  	v3 =	vld [tilespmem:$0x1C130]  }
0x278: {  	v4 =	vld [tilespmem:$0x1C1B0];
	_ =	sdelay $0x2  }
0x279: {  	v2 =	vmul.f32 v2, v1  }
0x27a: {  	v3 =	vmul.f32 v3, v1  }
0x27b: {  	v1 =	vmul.f32 v4, v1;
	[tilespmem:$0x1EA30] =	vst v2  }
0x27c: {  	s28 =	simm.s32 $0x0;
	s17 =	simm.s32 $0x168F0;
	[tilespmem:$0x1EAB0] =	vst v3  }
0x27d: {  	s25 =	simm.s32 $0x190F0;
	s0 =	simm.s32 $0x1B8F0;
	s3 =	simm.s32 $0x1E270;
	[tilespmem:$0x1EB30] =	vst v1;
	v1 =	vimm.f32 $0.0e+00  }
.LBB2_11:
0x27e: {  	v2 =	vld [tilespmem:s17+$0xFFFFFF90]  }
0x27f: {  	v3 =	vld [tilespmem:s25+$0xFFFFFF90];
	_ =	sdelay $0x1  }
0x280: {  	v4 =	vld [tilespmem:s0+$0xFFFFFF90];
	_ =	sdelay $0x2  }
0x281: {  	v2 =	vadd.f32 v3, v2;
	_ =	sdelay $0x1  }
0x282: {  	v2 =	vadd.f32 v4, v2;
	_ =	sdelay $0x1  }
0x283: {  	v3 =	vsub.f32 $0.0e+00, v2;
	_ =	sdelay $0x1  }
0x284: {  	v3 =	vmul.f32 $1.442695020e+00, v3;
	_ =	sdelay $0x1  }
0x285: {  	(erf) = vpow2.f32 v3;
	_ =	sdelay $0x8  }
0x286: {  	v3 =	vpop (erf)  }
0x287: {  	v3 =	vadd.f32 $1.000000000e+00, v3;
	_ =	sdelay $0x1  }
0x288: {  	(erf) = vrcp.f32 v3;
	_ =	sdelay $0x8  }
0x289: {  	v3 =	vpop (erf)  }
0x28a: {  	v2 =	vmul.f32 v3, v2;
	_ =	sdelay $0x1  }
0x28b: {  	[tilespmem:s3+$0xFFFFFF90] =	vst v2  }
0x28c: {  	v3 =	vld [tilespmem:s17+$0xFFFFFFA0]  }
0x28d: {  	v41 =	vld [tilespmem:s25+$0xFFFFFFA0];
	_ =	sdelay $0x1  }
0x28e: {  	v5 =	vld [tilespmem:s0+$0xFFFFFFA0];
	_ =	sdelay $0x2  }
0x28f: {  	v3 =	vadd.f32 v41, v3;
	_ =	sdelay $0x1  }
0x290: {  	v3 =	vadd.f32 v5, v3;
	_ =	sdelay $0x1  }
0x291: {  	v42 =	vsub.f32 $0.0e+00, v3;
	_ =	sdelay $0x1  }
0x292: {  	v4 =	vmul.f32 $1.442695020e+00, v42;
	_ =	sdelay $0x1  }
0x293: {  	(erf) = vpow2.f32 v4;
	_ =	sdelay $0x8  }
0x294: {  	v4 =	vpop (erf)  }
0x295: {  	v4 =	vadd.f32 $1.000000000e+00, v4;
	_ =	sdelay $0x1  }
0x296: {  	(erf) = vrcp.f32 v4;
	_ =	sdelay $0x8  }
0x297: {  	v4 =	vpop (erf)  }
0x298: {  	v3 =	vmul.f32 v4, v3;
	_ =	sdelay $0x1  }
0x299: {  	v43 =	vld [tilespmem:$0x1EB80];
	[tilespmem:s3+$0xFFFFFFA0] =	vst v3  }
0x29a: {  	v44 =	vld [tilespmem:s17+$0xFFFFFFB0]  }
0x29b: {  	v6 =	vld [tilespmem:s25+$0xFFFFFFB0];
	_ =	sdelay $0x1  }
0x29c: {  	v7 =	vld [tilespmem:s0+$0xFFFFFFB0];
	_ =	sdelay $0x2  }
0x29d: {  	v5 =	vadd.f32 v6, v44;
	_ =	sdelay $0x1  }
0x29e: {  	v5 =	vadd.f32 v7, v5;
	_ =	sdelay $0x1  }
0x29f: {  	v45 =	vsub.f32 $0.0e+00, v5;
	_ =	sdelay $0x1  }
0x2a0: {  	v6 =	vmul.f32 $1.442695020e+00, v45;
	_ =	sdelay $0x1  }
0x2a1: {  	(erf) = vpow2.f32 v6;
	_ =	sdelay $0x8  }
0x2a2: {  	v6 =	vpop (erf)  }
0x2a3: {  	v6 =	vadd.f32 $1.000000000e+00, v6;
	_ =	sdelay $0x1  }
0x2a4: {  	(erf) = vrcp.f32 v6;
	_ =	sdelay $0x8  }
0x2a5: {  	v6 =	vpop (erf)  }
0x2a6: {  	v5 =	vmul.f32 v6, v5;
	_ =	sdelay $0x1  }
0x2a7: {  	v46 =	vld [tilespmem:$0x1EB90];
	[tilespmem:s3+$0xFFFFFFB0] =	vst v5  }
0x2a8: {  	v47 =	vld [tilespmem:s17+$0xFFFFFFC0]  }
0x2a9: {  	v8 =	vld [tilespmem:s25+$0xFFFFFFC0];
	_ =	sdelay $0x1  }
0x2aa: {  	v9 =	vld [tilespmem:s0+$0xFFFFFFC0];
	_ =	sdelay $0x2  }
0x2ab: {  	v7 =	vadd.f32 v8, v47;
	_ =	sdelay $0x1  }
0x2ac: {  	v7 =	vadd.f32 v9, v7;
	_ =	sdelay $0x1  }
0x2ad: {  	v48 =	vsub.f32 $0.0e+00, v7;
	_ =	sdelay $0x1  }
0x2ae: {  	v8 =	vmul.f32 $1.442695020e+00, v48;
	_ =	sdelay $0x1  }
0x2af: {  	(erf) = vpow2.f32 v8;
	_ =	sdelay $0x8  }
0x2b0: {  	v8 =	vpop (erf)  }
0x2b1: {  	v8 =	vadd.f32 $1.000000000e+00, v8;
	_ =	sdelay $0x1  }
0x2b2: {  	(erf) = vrcp.f32 v8;
	_ =	sdelay $0x8  }
0x2b3: {  	v8 =	vpop (erf)  }
0x2b4: {  	v7 =	vmul.f32 v8, v7;
	_ =	sdelay $0x1  }
0x2b5: {  	v49 =	vld [tilespmem:$0x1EBA0];
	[tilespmem:s3+$0xFFFFFFC0] =	vst v7  }
0x2b6: {  	v50 =	vld [tilespmem:s17+$0xFFFFFFD0]  }
0x2b7: {  	v10 =	vld [tilespmem:s25+$0xFFFFFFD0];
	_ =	sdelay $0x1  }
0x2b8: {  	v11 =	vld [tilespmem:s0+$0xFFFFFFD0];
	_ =	sdelay $0x2  }
0x2b9: {  	v9 =	vadd.f32 v10, v50;
	_ =	sdelay $0x1  }
0x2ba: {  	v9 =	vadd.f32 v11, v9;
	_ =	sdelay $0x1  }
0x2bb: {  	v51 =	vsub.f32 $0.0e+00, v9;
	_ =	sdelay $0x1  }
0x2bc: {  	v10 =	vmul.f32 $1.442695020e+00, v51;
	_ =	sdelay $0x1  }
0x2bd: {  	(erf) = vpow2.f32 v10;
	_ =	sdelay $0x8  }
0x2be: {  	v10 =	vpop (erf)  }
0x2bf: {  	v10 =	vadd.f32 $1.000000000e+00, v10;
	_ =	sdelay $0x1  }
0x2c0: {  	(erf) = vrcp.f32 v10;
	_ =	sdelay $0x8  }
0x2c1: {  	v10 =	vpop (erf)  }
0x2c2: {  	v9 =	vmul.f32 v10, v9;
	_ =	sdelay $0x1  }
0x2c3: {  	v52 =	vld [tilespmem:$0x1EBB0];
	[tilespmem:s3+$0xFFFFFFD0] =	vst v9  }
0x2c4: {  	v53 =	vld [tilespmem:s17+$0xFFFFFFE0]  }
0x2c5: {  	v12 =	vld [tilespmem:s25+$0xFFFFFFE0];
	_ =	sdelay $0x1  }
0x2c6: {  	v13 =	vld [tilespmem:s0+$0xFFFFFFE0];
	_ =	sdelay $0x2  }
0x2c7: {  	v11 =	vadd.f32 v12, v53;
	_ =	sdelay $0x1  }
0x2c8: {  	v11 =	vadd.f32 v13, v11;
	_ =	sdelay $0x1  }
0x2c9: {  	v54 =	vsub.f32 $0.0e+00, v11;
	_ =	sdelay $0x1  }
0x2ca: {  	v12 =	vmul.f32 $1.442695020e+00, v54;
	_ =	sdelay $0x1  }
0x2cb: {  	(erf) = vpow2.f32 v12;
	_ =	sdelay $0x8  }
0x2cc: {  	v12 =	vpop (erf)  }
0x2cd: {  	v12 =	vadd.f32 $1.000000000e+00, v12;
	_ =	sdelay $0x1  }
0x2ce: {  	(erf) = vrcp.f32 v12;
	_ =	sdelay $0x8  }
0x2cf: {  	v12 =	vpop (erf)  }
0x2d0: {  	v11 =	vmul.f32 v12, v11;
	_ =	sdelay $0x1  }
0x2d1: {  	v55 =	vld [tilespmem:$0x1EBC0];
	[tilespmem:s3+$0xFFFFFFE0] =	vst v11  }
0x2d2: {  	v56 =	vld [tilespmem:s17+$0xFFFFFFF0]  }
0x2d3: {  	v14 =	vld [tilespmem:s25+$0xFFFFFFF0];
	_ =	sdelay $0x1  }
0x2d4: {  	v15 =	vld [tilespmem:s0+$0xFFFFFFF0];
	_ =	sdelay $0x2  }
0x2d5: {  	v13 =	vadd.f32 v14, v56;
	_ =	sdelay $0x1  }
0x2d6: {  	v13 =	vadd.f32 v15, v13;
	_ =	sdelay $0x1  }
0x2d7: {  	v57 =	vsub.f32 $0.0e+00, v13;
	_ =	sdelay $0x1  }
0x2d8: {  	v14 =	vmul.f32 $1.442695020e+00, v57;
	_ =	sdelay $0x1  }
0x2d9: {  	(erf) = vpow2.f32 v14;
	_ =	sdelay $0x8  }
0x2da: {  	v14 =	vpop (erf)  }
0x2db: {  	v14 =	vadd.f32 $1.000000000e+00, v14;
	_ =	sdelay $0x1  }
0x2dc: {  	(erf) = vrcp.f32 v14;
	_ =	sdelay $0x8  }
0x2dd: {  	v14 =	vpop (erf)  }
0x2de: {  	v13 =	vmul.f32 v14, v13;
	_ =	sdelay $0x1  }
0x2df: {  	v58 =	vld [tilespmem:$0x1EBD0];
	[tilespmem:s3+$0xFFFFFFF0] =	vst v13  }
0x2e0: {  	v59 =	vld [tilespmem:s17+$0x0]  }
0x2e1: {  	v16 =	vld [tilespmem:s25+$0x0];
	_ =	sdelay $0x1  }
0x2e2: {  	v17 =	vld [tilespmem:s0+$0x0];
	_ =	sdelay $0x2  }
0x2e3: {  	v15 =	vadd.f32 v16, v59;
	_ =	sdelay $0x1  }
0x2e4: {  	v15 =	vadd.f32 v17, v15;
	_ =	sdelay $0x1  }
0x2e5: {  	v60 =	vsub.f32 $0.0e+00, v15;
	_ =	sdelay $0x1  }
0x2e6: {  	v16 =	vmul.f32 $1.442695020e+00, v60;
	_ =	sdelay $0x1  }
0x2e7: {  	(erf) = vpow2.f32 v16;
	_ =	sdelay $0x8  }
0x2e8: {  	v16 =	vpop (erf)  }
0x2e9: {  	v16 =	vadd.f32 $1.000000000e+00, v16;
	_ =	sdelay $0x1  }
0x2ea: {  	(erf) = vrcp.f32 v16;
	_ =	sdelay $0x3  }
0x2eb: {  	v2 =	vmul.f32 v2, v43;
	_ =	sdelay $0x1  }
0x2ec: {  	v2 =	vadd.f32 $0.0e+00, v2;
	v3 =	vmul.f32 v3, v46;
	_ =	sdelay $0x1  }
0x2ed: {  	v2 =	vadd.f32 v3, v2;
	v3 =	vmul.f32 v5, v49  }
0x2ee: {  	v61 =	vpop (erf)  }
0x2ef: {  	v2 =	vadd.f32 v3, v2;
	v3 =	vmul.f32 v7, v52;
	v4 =	vmul.f32 v61, v15  }
0x2f0: {  	v62 =	vld [tilespmem:$0x1EBE0]  }
0x2f1: {  	v2 =	vadd.f32 v3, v2;
	v3 =	vmul.f32 v9, v55;
	[tilespmem:s3+$0x0] =	vst v4  }
0x2f2: {  	v63 =	vld [tilespmem:$0x1EBF0]  }
0x2f3: {  	v2 =	vadd.f32 v3, v2;
	v3 =	vmul.f32 v11, v58;
	_ =	sdelay $0x1  }
0x2f4: {  	v2 =	vadd.f32 v3, v2;
	v3 =	vmul.f32 v13, v62;
	_ =	sdelay $0x1  }
0x2f5: {  	v2 =	vadd.f32 v3, v2;
	v3 =	vmul.f32 v4, v63;
	_ =	sdelay $0x1  }
0x2f6: {  	v2 =	vadd.f32 v3, v2;
	_ =	sdelay $0x1  }
0x2f7: {  	(xrf2) =	vadd.scan.msk.f32 $0xffff, v2;
	_ =	sdelay $0x7  }
0x2f8: {  	p1 =	sne.s32 s28, $0xF  }
.Ltmp4:
0x2f9: {  	_ = 	snop;
	(pc) =	sbr.rel @p1 .LBB2_11-.Ltmp4, $4  }
0x2fa: {  	v2, _, _ =	vpop (xrf2)  }
0x2fb: {  	v3 =	vmov s28;
	v2 =	vbroadcast v2, $0xF  }
0x2fc: {  	s17 =	sadd.s32 $0x80, s17;
	s25 =	sadd.s32 $0x80, s25;
	vm0 =	veq.s32 v3, v0  }
0x2fd: {  	s0 =	sadd.s32 $0x80, s0;
	s3 =	sadd.s32 $0x80, s3;
	s28 =	sadd.s32 $0x1, s28;
	v1 =	vsel vm0, v2, v1  }
0x2fe: {  	v2 =	vld [tilespmem:$0x1C0C0]  }
0x2ff: {  	v3 =	vld [tilespmem:$0x1C140]  }
0x300: {  	v4 =	vld [tilespmem:$0x1C1C0];
	_ =	sdelay $0x2  }
0x301: {  	v2 =	vmul.f32 v2, v1  }
0x302: {  	v3 =	vmul.f32 v3, v1  }
0x303: {  	v1 =	vmul.f32 v4, v1;
	[tilespmem:$0x1EA40] =	vst v2  }
0x304: {  	[tilespmem:$0x1EAC0] =	vst v3  }
0x305: {  	[tilespmem:$0x1EB40] =	vst v1  }
0x306: {  	[spmem:s4] =	stream.indirect.scatter.add.f32 [tilespmem:s21], [sflag:$0x1], $0x80, s2, s1, $0xb8;
	[tilespmem:$0x1EC00] =	vst v63  }
0x307: {  	_ =	swait.ge [sflag:s30], $0x2800  }
0x308: {  	[sflag:s30] =	ssyncset.done $0x0  }
0x309: {  	[sflag:s30] =	ssyncadd.s32 $0xFFFFD800  }
0x30a: {  	[spmem:s5] =	stream.indirect.scatter.add.f32 [tilespmem:s22], [sflag:$0x1], $0x1, s2, s1, $0xb8;
	[tilespmem:$0x1EC00] =	vst v63  }
0x30b: {  	_ =	swait.ge [sflag:s30], $0x50  }
0x30c: {  	[sflag:s30] =	ssyncset.done $0x0  }
0x30d: {  	[sflag:s30] =	ssyncadd.s32 $0xFFFFFFB0  }
0x30e: {  	[spmem:s6] =	stream.indirect.scatter.add.f32 [tilespmem:s23], [sflag:$0x1], $0x1, s2, s1, $0xb8;
	[tilespmem:$0x1EC00] =	vst v63  }
0x30f: {  	s26 =	sadd.s32 $0x1, s26;
	_ =	swait.ge [sflag:s30], $0x50  }
0x310: {  	p1 =	sne.s32 s26, $0x7D;
	[sflag:s30] =	ssyncset.done $0x0  }
.Ltmp5:
0x311: {  	[sflag:s30] =	ssyncadd.s32 $0xFFFFFFB0;
	(pc) =	sbr.rel @p1 .LBB2_2-.Ltmp5, $4  }
0x312: {  	[spmem:s7] =	stream.indirect.scatter.add.f32 [tilespmem:s24], [sflag:$0x1], $0x1, s2, s1, $0xb8;
	[tilespmem:$0x1EC00] =	vst v63  }
0x313: {  	_ =	swait.ge [sflag:s30], $0x50  }
0x314: {  	[sflag:s30] =	ssyncset.done $0x0  }
0x315: {  	[sflag:s30] =	ssyncadd.s32 $0xFFFFFFB0  }
0x316: {  	s0 =	stileid.u32;
	[bflag:$0x0] =	sbarrier.arrive $0xFFFF  }
0x317: {  	s0 =	sshll.u32 s0, $0x6;
	s3 =	rddreg [dreg:$0xb]  }
0x318: {  	s17 =	rddreg [dreg:$0x10];
	s0 =	sor.u32 $0x1C01, s0  }
0x319: {  	[hbm:s3], [sflag:s0] =	dma.local [spmem:s17], $0x2800  }
0x31a: {  	_ =	swait.ge [sflag:s30], $0x2800  }
0x31b: {  	[sflag:s30] =	ssyncset.done $0x0;
	s17 =	rddreg [dreg:$0xc]  }
0x31c: {  	s25 =	rddreg [dreg:$0x11];
	[sflag:s30] =	ssyncadd.s32 $0xFFFFD800  }
0x31d: {  	[hbm:s17], [sflag:s0] =	dma.local [spmem:s25], $0x50  }
0x31e: {  	_ =	swait.ge [sflag:s30], $0x50  }
0x31f: {  	[sflag:s30] =	ssyncset.done $0x0;
	s26 =	rddreg [dreg:$0xd]  }
0x320: {  	s28 =	rddreg [dreg:$0x12];
	[sflag:s30] =	ssyncadd.s32 $0xFFFFFFB0  }
0x321: {  	[hbm:s26], [sflag:s0] =	dma.local [spmem:s28], $0x50  }
0x322: {  	_ =	swait.ge [sflag:s30], $0x50  }
0x323: {  	[sflag:s30] =	ssyncset.done $0x0;
	s17 =	rddreg [dreg:$0xe]  }
0x324: {  	s25 =	rddreg [dreg:$0x13];
	[sflag:s30] =	ssyncadd.s32 $0xFFFFFFB0  }
0x325: {  	[hbm:s17], [sflag:s0] =	dma.local [spmem:s25], $0x50  }
0x326: {  	_ =	swait.ge [sflag:s30], $0x50  }
0x327: {  	s26 =	rddreg [dreg:$0x14]  }
0x328: {  	s28 =	rddreg [dreg:$0xf];
	s3 =	sadd.s32 $0x1, s26  }
0x329: {  	p1 =	sne.s32 s3, s28  }
.Ltmp6:
0x32a: {  	_ = 	snop;
	(pc) =	sbr.rel @p1 .LBB2_1-.Ltmp6, $3  }
0x32b: {  	_ =	sdelay $0x1  }
0x32c: {  	[sflag:s30] =	ssyncset.done $0x0  }
0x32d: {  	[sflag:s30] =	ssyncadd.s32 $0xFFFFFFB0  }
0x32e: {  	_ =	sfence.sel $0x180000  }
0x32f: {  	[bflag:$0x0] =	sbarrier.arrive $0xFFFF  }
0x330: {  	_ =	strace $0x9000004D  }
0x331: {  	[bflag:$0x2] =	sbarrier.arrive $0xFFFF  }
0x332: {  	s0 =	rddreg [dreg:$0x8]  }
0x333: {  	s0 =	sadd.s32 @!p0 $0x100000, s0  }
0x334: {  	[sflag:s0] =	ssyncadd.tile.s32 @!p0 $0x1;
	_ =	shalt  }
.Lfunc_end2:
_tile_overlayer_lowered:
.L_overlay_start_2:
0x335: {  	(tag) =	ssettag $0x2  }
0x336: {  	s0 =	rddreg [dreg:$0x0];
	s2 =	stileid.u32  }
0x337: {  	s1 =	rddreg [dreg:$0x1];
	p0 =	sne.s32 s2, $0x0  }
0x338: {  	s3 =	rddreg [dreg:$0x2];
	[bflag:$0x3] =	sbarrier.arrive $0xFFFF;
	s2 =	simm.s32 @!p0 $0x1C01  }
0x339: {  	[timem:s3], [sflag:s2] =	dma.local @!p0 [hbm:s0], s1  }
0x33a: {  	s0 =	simm.s32 @!p0 $0x1  }
0x33b: {  	_ =	swait.ge @!p0 [sflag:s0], s1  }
0x33c: {  	s1 =	ssub.s32 @!p0 $0x0, s1;
	[sflag:s0] =	ssyncset.done @!p0 $0x0  }
0x33d: {  	[sflag:s0] =	ssyncadd.s32 @!p0 s1  }
0x33e: {  	[bflag:$0x3] =	sbarrier.arrive $0xFFFF  }
0x33f: {  	_ =	shalt  }

</sc_bundles>
